<compile_context>
chip_gen: v7x
topology: tpu7x:2x2x1
jax: 0.10.2.dev20260603
libtpu: 0.0.44.dev20260713+nightly
codegen_flags: <defaults>
</compile_context>

<pallas_src>
import functools

import jax
import jax.numpy as jnp
from jax import lax
from jax.experimental import pallas as pl
from jax.experimental.pallas import tpu as pltpu
from jax.experimental.pallas import tpu_sc as plsc

N = 10000
NP = 10240
D_IN = 128
H = 64
E = 320000
CH = 128
NCH = 2560
EP = NCH * CH
CPT = NCH // 32
RPT = NP // 16

NL = 100000
NLCH = 832
NLP = NLCH * CH
LCPT = NLCH // 32

_f32 = jnp.float32

_MESH = dict(core_axis_name="c", subcore_axis_name="s", num_cores=2,
             num_subcores=16)

_SC_PARAMS = pltpu.CompilerParams(use_tc_tiling_on_sc=False)



def _segsum_body(with_deg, *args):
    if with_deg:
        (table, src2d, dst2d, zacc, zdeg, acc_out, deg_out, sall, dall,
         rows4, ones_v, acc_sh, deg_sh,
         sg0, sg1, sg2, sg3, ss0, ss1, ss2, ss3, semd) = args
    else:
        (table, src2d, dst2d, zacc, acc_out, sall, dall, rows4, acc_sh,
         sg0, sg1, sg2, sg3, ss0, ss1, ss2, ss3) = args
        zdeg = deg_out = ones_v = deg_sh = semd = None
    sgs = (sg0, sg1, sg2, sg3)
    sss = (ss0, ss1, ss2, ss3)
    c = lax.axis_index("c")
    s = lax.axis_index("s")
    r0 = s * RPT
    sl = pl.ds(r0, RPT)
    pltpu.sync_copy(zacc.at[sl], acc_sh.at[sl])
    base = (c * 16 + s) * CPT
    pltpu.sync_copy(src2d.at[pl.ds(base, CPT)], sall)
    pltpu.sync_copy(dst2d.at[pl.ds(base, CPT)], dall)
    if with_deg:
        pltpu.sync_copy(zdeg.at[sl], deg_sh.at[sl])
        for i in range(CH // 16):
            ones_v[pl.ds(i * 16, 16)] = jnp.full((16,), 1.0, _f32)
    plsc.subcore_barrier()

    def gath(j, b):
        pltpu.async_copy(table.at[sall.at[j]], rows4.at[b], sgs[b])

    def wait_g(b):
        pltpu.make_async_copy(
            table.at[pl.ds(0, CH)], rows4.at[b], sgs[b]).wait()

    def wait_s(b):
        pltpu.make_async_copy(
            rows4.at[b], acc_sh.at[pl.ds(0, CH)], sss[b]).wait()

    def scat(j, b):
        pltpu.async_copy(rows4.at[b], acc_sh.at[dall.at[j]], sss[b],
                         add=True)
        if with_deg:
            pltpu.async_copy(ones_v, deg_sh.at[dall.at[j]], semd, add=True)

    def wait_d1(_=None):
        if with_deg:
            pltpu.make_async_copy(
                ones_v, deg_sh.at[pl.ds(0, CH)], semd).wait()

    gath(0, 0)
    gath(1, 1)
    for j in range(4):
        wait_g(j)
        scat(j, j)
        if j >= 2:
            wait_s(j - 2)
        gath(j + 2, (j + 2) % 4)

    def step(jj, carry):
        for b in range(4):
            j = 4 * jj + b
            wait_g(b)
            scat(j, b)
            wait_s((b + 2) % 4)
            wait_d1()
            gath(jnp.minimum(j + 2, CPT - 1), (b + 2) % 4)
        return carry

    lax.fori_loop(1, CPT // 4, step, 0)
    wait_g(0)
    wait_g(1)
    wait_s(2)
    wait_s(3)
    if with_deg:
        for _ in range(4):
            wait_d1()
    plsc.subcore_barrier()
    pltpu.sync_copy(acc_sh.at[sl], acc_out.at[c, s])
    if with_deg:
        pltpu.sync_copy(deg_sh.at[sl], deg_out.at[c, s])


def _make_segsum(with_deg):
    mesh = plsc.VectorSubcoreMesh(**_MESH)
    acc_t = jax.ShapeDtypeStruct((2, 16, RPT, H), _f32)
    sems = [pltpu.SemaphoreType.DMA] * 8
    if with_deg:
        out_type = (acc_t, jax.ShapeDtypeStruct((2, 16, RPT), _f32))
        scratch = [
            pltpu.VMEM((CPT, CH), jnp.int32),
            pltpu.VMEM((CPT, CH), jnp.int32),
            pltpu.VMEM((4, CH, H), _f32),
            pltpu.VMEM((CH,), _f32),
            pltpu.VMEM_SHARED((NP, H), _f32),
            pltpu.VMEM_SHARED((NP,), _f32),
        ] + sems + [pltpu.SemaphoreType.DMA]
    else:
        out_type = acc_t
        scratch = [
            pltpu.VMEM((CPT, CH), jnp.int32),
            pltpu.VMEM((CPT, CH), jnp.int32),
            pltpu.VMEM((4, CH, H), _f32),
            pltpu.VMEM_SHARED((NP, H), _f32),
        ] + sems
    return pl.kernel(
        functools.partial(_segsum_body, with_deg),
        out_type=out_type,
        mesh=mesh,
        scratch_types=scratch,
        compiler_params=_SC_PARAMS,
    )


def _head_gather_body(za, zb, row2d, col2d, hid_out, rall, cal, ra2, rb2, ho2,
                      sa0, sa1, sb0, sb1, sw0, sw1):
    c = lax.axis_index("c")
    s = lax.axis_index("s")
    base = (c * 16 + s) * LCPT
    pltpu.sync_copy(row2d.at[pl.ds(base, LCPT)], rall)
    pltpu.sync_copy(col2d.at[pl.ds(base, LCPT)], cal)
    sas = (sa0, sa1)
    sbs = (sb0, sb1)
    sws = (sw0, sw1)

    def gath(j, b):
        pltpu.async_copy(za.at[rall.at[j]], ra2.at[b], sas[b])
        pltpu.async_copy(zb.at[cal.at[j]], rb2.at[b], sbs[b])

    def wait_g(b):
        pltpu.make_async_copy(za.at[pl.ds(0, CH)], ra2.at[b], sas[b]).wait()
        pltpu.make_async_copy(zb.at[pl.ds(0, CH)], rb2.at[b], sbs[b]).wait()

    def wait_w(b):
        pltpu.make_async_copy(
            ho2.at[b], hid_out.at[base], sws[b]).wait()

    def compute(b):
        def addrow(i, cc):
            for k in range(H // 16):
                a = pl.ds(k * 16, 16)
                bsl = pl.ds(H + k * 16, 16)
                ho2[b, i, a] = ra2[b, 2 * i, a] + rb2[b, 2 * i, a]
                ho2[b, i, bsl] = ra2[b, 2 * i + 1, pl.ds(k * 16, 16)] + \
                    rb2[b, 2 * i + 1, pl.ds(k * 16, 16)]
            return cc

        lax.fori_loop(0, CH // 2, addrow, 0)

    gath(0, 0)
    gath(1, 1)
    for b in range(2):
        wait_g(b)
        compute(b)
        gath(b + 2, b)
        pltpu.async_copy(ho2.at[b], hid_out.at[base + b], sws[b])

    def chunk(jj, carry):
        for b in range(2):
            j = 2 * jj + b
            wait_g(b)
            wait_w(b)
            compute(b)
            gath(jnp.minimum(j + 2, LCPT - 1), b)
            pltpu.async_copy(ho2.at[b], hid_out.at[base + j], sws[b])
        return carry

    lax.fori_loop(1, LCPT // 2, chunk, 0)
    for b in range(2):
        wait_g(b)
        wait_w(b)


def _make_head_gather():
    mesh = plsc.VectorSubcoreMesh(**_MESH)
    return pl.kernel(
        _head_gather_body,
        out_type=jax.ShapeDtypeStruct((NLCH, CH // 2, 2 * H), _f32),
        mesh=mesh,
        scratch_types=[
            pltpu.VMEM((LCPT, CH), jnp.int32),
            pltpu.VMEM((LCPT, CH), jnp.int32),
            pltpu.VMEM((2, CH, H), _f32),
            pltpu.VMEM((2, CH, H), _f32),
            pltpu.VMEM((2, CH // 2, 2 * H), _f32),
            pltpu.SemaphoreType.DMA,
            pltpu.SemaphoreType.DMA,
            pltpu.SemaphoreType.DMA,
            pltpu.SemaphoreType.DMA,
            pltpu.SemaphoreType.DMA,
            pltpu.SemaphoreType.DMA,
        ],
        compiler_params=_SC_PARAMS,
    )



def _proj_body(x_ref, wl_ref, wr_ref, p_ref, r_ref):
    xv = x_ref[...]
    p_ref[...] = jnp.dot(xv, wl_ref[...], preferred_element_type=_f32)
    r_ref[...] = jnp.dot(xv, wr_ref[...], preferred_element_type=_f32)


def _comb_body(relu, acc_ref, deg_ref, r_ref, b_ref, wl_ref, wr_ref, ob_ref,
               p_ref, rr_ref):
    accsum = acc_ref[0] + acc_ref[1]
    deg = jnp.maximum(deg_ref[0] + deg_ref[1], 1.0)
    hv = accsum / deg + r_ref[...] + b_ref[...]
    if relu:
        hv = jnp.maximum(hv, 0.0)
    ob = ob_ref[...]
    p_ref[...] = jnp.dot(hv, wl_ref[...], preferred_element_type=_f32) + ob
    rr_ref[...] = jnp.dot(hv, wr_ref[...], preferred_element_type=_f32) + ob


def _head_fin_body(hid_ref, w4_ref, b4_ref, o_ref):
    hv = jnp.maximum(hid_ref[...], 0.0)
    t = jnp.dot(hv, w4_ref[...], preferred_element_type=_f32) + b4_ref[...]
    o_ref[...] = 1.0 / (1.0 + jnp.exp(-t))


def _tc_proj(x, wl, wr):
    nrow = x.shape[0]
    return pl.pallas_call(
        _proj_body,
        out_shape=(jax.ShapeDtypeStruct((nrow, H), _f32),
                   jax.ShapeDtypeStruct((nrow, H), _f32)),
    )(x, wl, wr)


def _tc_comb(acc, deg, r, b, wl, wr, ob, relu):
    return pl.pallas_call(
        functools.partial(_comb_body, relu),
        out_shape=(jax.ShapeDtypeStruct((NP, H), _f32),
                   jax.ShapeDtypeStruct((NP, H), _f32)),
    )(acc, deg, r, b, wl, wr, ob)


def _tc_head_fin(hid2, w42, b4):
    nrow = NLP // 2
    blk = nrow // 8
    return pl.pallas_call(
        _head_fin_body,
        grid=(8,),
        in_specs=[
            pl.BlockSpec((blk, 2 * H), lambda i: (i, 0)),
            pl.BlockSpec((2 * H, 2), lambda i: (0, 0)),
            pl.BlockSpec((1, 2), lambda i: (0, 0)),
        ],
        out_specs=pl.BlockSpec((blk, 2), lambda i: (i, 0)),
        out_shape=jax.ShapeDtypeStruct((nrow, 2), _f32),
    )(hid2, w42, b4)



def kernel(x, edge_index, edge_label_index, Wl1, Wr1, b1, Wl2, Wr2, b2,
           W3, b3, W4, b4):
    i32 = jnp.int32
    xp = jnp.concatenate([x, jnp.zeros((NP - N, D_IN), _f32)], axis=0)
    epad = N + jnp.arange(EP - E, dtype=i32) % (NP - N)
    src = jnp.concatenate([edge_index[0], epad])
    dst = jnp.concatenate([edge_index[1], epad])
    src2d = src.reshape(NCH, CH)
    dst2d = dst.reshape(NCH, CH)
    lpad = jnp.arange(NLP - NL, dtype=i32) % N
    row2d = jnp.concatenate([edge_label_index[0], lpad]).reshape(NLCH, CH)
    col2d = jnp.concatenate([edge_label_index[1], lpad]).reshape(NLCH, CH)
    zacc = jnp.zeros((NP, H), _f32)
    zdeg = jnp.zeros((NP,), _f32)

    p1, r1 = _tc_proj(xp, Wl1, Wr1)
    acc1, deg = _make_segsum(True)(p1, src2d, dst2d, zacc, zdeg)
    acc1 = acc1.reshape(2, NP, H)
    deg = deg.reshape(2, NP, 1)

    zb64 = jnp.zeros((1, H), _f32)
    p2, r2 = _tc_comb(acc1, deg, r1, b1.reshape(1, H), Wl2, Wr2, zb64,
                      relu=True)
    acc2 = _make_segsum(False)(p2, src2d, dst2d, zacc)
    acc2 = acc2.reshape(2, NP, H)

    w3a = W3[:H]
    w3b = W3[H:]
    hb3 = 0.5 * b3.reshape(1, H)
    za, zb = _tc_comb(acc2, deg, r2, b2.reshape(1, H), w3a, w3b, hb3,
                      relu=False)

    hid2 = _make_head_gather()(za, zb, row2d, col2d).reshape(NLP // 2, 2 * H)
    zcol = jnp.zeros((H, 1), _f32)
    w42 = jnp.concatenate(
        [jnp.concatenate([W4, zcol], axis=1),
         jnp.concatenate([zcol, W4], axis=1)], axis=0)
    out2 = _tc_head_fin(hid2, w42, jnp.broadcast_to(b4.reshape(1, 1), (1, 2)))
    return out2.reshape(NLP)[:NL]

# --- scband reference (transcript-rebuilt; emitter-appended) ---
"""Pipeline reference for scband-link-pred-model-63720134803965 (READ-ONLY COPY).

The authoritative reference and input builder live on the scoring server;
editing this copy changes nothing except your own understanding.
"""

import jax, jax.numpy as jnp
import numpy as np

N_NODES = 10000
N_EDGES = 320000
N_LABEL = 100000
D_IN = 128
HIDDEN = 64


def setup_inputs(seed: int = 0) -> dict:
    key = jax.random.key(seed)
    ks = jax.random.split(key, 16)
    x = jax.random.normal(ks[0], (N_NODES, D_IN), dtype=jnp.float32)
    edge_index = jax.random.randint(ks[1], (2, N_EDGES), 0, N_NODES, dtype=jnp.int32)
    edge_label_index = jax.random.randint(ks[2], (2, N_LABEL), 0, N_NODES, dtype=jnp.int32)
    # SAGEConv layer 1: lin_l applied to aggregated neighbors, lin_r to root
    Wl1 = jax.random.normal(ks[3], (D_IN, HIDDEN), dtype=jnp.float32) * 0.05
    Wr1 = jax.random.normal(ks[4], (D_IN, HIDDEN), dtype=jnp.float32) * 0.05
    b1 = jnp.zeros((HIDDEN,), dtype=jnp.float32)
    # SAGEConv layer 2
    Wl2 = jax.random.normal(ks[5], (HIDDEN, HIDDEN), dtype=jnp.float32) * 0.05
    Wr2 = jax.random.normal(ks[6], (HIDDEN, HIDDEN), dtype=jnp.float32) * 0.05
    b2 = jnp.zeros((HIDDEN,), dtype=jnp.float32)
    # MLP head: Linear(2*hidden, 64) -> ReLU -> Linear(64, 1) -> Sigmoid
    W3 = jax.random.normal(ks[7], (2 * HIDDEN, 64), dtype=jnp.float32) * 0.05
    b3 = jnp.zeros((64,), dtype=jnp.float32)
    W4 = jax.random.normal(ks[8], (64, 1), dtype=jnp.float32) * 0.05
    b4 = jnp.zeros((1,), dtype=jnp.float32)
    return {"x": x, "edge_index": edge_index, "edge_label_index": edge_label_index,
            "Wl1": Wl1, "Wr1": Wr1, "b1": b1, "Wl2": Wl2, "Wr2": Wr2, "b2": b2,
            "W3": W3, "b3": b3, "W4": W4, "b4": b4}


def _sage_conv(x, edge_index, Wl, Wr, b):
    # PyG SAGEConv (aggr='mean'): out = lin_l(mean_j x_j) + lin_r(x_i) + bias
    src = edge_index[0]
    dst = edge_index[1]
    msgs = jnp.take(x, src, axis=0)
    agg = jax.ops.segment_sum(msgs, dst, num_segments=N_NODES)
    deg = jax.ops.segment_sum(jnp.ones((msgs.shape[0],), dtype=x.dtype), dst, num_segments=N_NODES)
    mean = agg / jnp.clip(deg, 1.0, None)[:, None]
    return mean @ Wl + x @ Wr + b


def reference(x, edge_index, edge_label_index, Wl1, Wr1, b1, Wl2, Wr2, b2, W3, b3, W4, b4):
    # Encoder (eval mode: dropout is identity)
    h = _sage_conv(x, edge_index, Wl1, Wr1, b1)
    h = jax.nn.relu(h)
    z = _sage_conv(h, edge_index, Wl2, Wr2, b2)
    # Link prediction head
    row = edge_label_index[0]
    col = edge_label_index[1]
    pair = jnp.concatenate([jnp.take(z, row, axis=0), jnp.take(z, col, axis=0)], axis=-1)
    hid = jax.nn.relu(pair @ W3 + b3)
    out = jax.nn.sigmoid(hid @ W4 + b4)
    return out.squeeze(-1)

if __name__ == "__main__":
    import jax
    _d = setup_inputs()
    print(jax.jit(kernel)(*tuple(_d.values())))

</pallas_src>

<mosaic_0001>
#map = affine_map<(d0, d1) -> (0, 0)>
#map1 = affine_map<(d0, d1) -> (0)>
#map2 = affine_map<(d0, d1) -> (0, 0, 0, 0)>
#map3 = affine_map<(d0, d1) -> (0, 0, 0)>
module attributes {stable_mosaic.version = 14 : i64} {
  func.func @_segsum_body(%arg0: i32, %arg1: i32, %arg2: memref<10240x64xf32, #tpu.memory_space<hbm>>, %arg3: memref<2560x128xi32, #tpu.memory_space<hbm>>, %arg4: memref<2560x128xi32, #tpu.memory_space<hbm>>, %arg5: memref<10240x64xf32, #tpu.memory_space<hbm>>, %arg6: memref<10240xf32, #tpu.memory_space<hbm>>, %arg7: memref<2x16x640x64xf32, #tpu.memory_space<hbm>>, %arg8: memref<2x16x640xf32, #tpu.memory_space<hbm>>, %arg9: memref<80x128xi32, #tpu.memory_space<vmem>>, %arg10: memref<80x128xi32, #tpu.memory_space<vmem>>, %arg11: memref<4x128x64xf32, #tpu.memory_space<vmem>>, %arg12: memref<128xf32, #tpu.memory_space<vmem>>, %arg13: memref<10240x64xf32, #tpu.memory_space<vmem_shared>>, %arg14: memref<10240xf32, #tpu.memory_space<vmem_shared>>, %arg15: memref<!tpu.dma_semaphore, #tpu.memory_space<semaphore_mem>>, %arg16: memref<!tpu.dma_semaphore, #tpu.memory_space<semaphore_mem>>, %arg17: memref<!tpu.dma_semaphore, #tpu.memory_space<semaphore_mem>>, %arg18: memref<!tpu.dma_semaphore, #tpu.memory_space<semaphore_mem>>, %arg19: memref<!tpu.dma_semaphore, #tpu.memory_space<semaphore_mem>>, %arg20: memref<!tpu.dma_semaphore, #tpu.memory_space<semaphore_mem>>, %arg21: memref<!tpu.dma_semaphore, #tpu.memory_space<semaphore_mem>>, %arg22: memref<!tpu.dma_semaphore, #tpu.memory_space<semaphore_mem>>, %arg23: memref<!tpu.dma_semaphore, #tpu.memory_space<semaphore_mem>>) attributes {dimension_semantics = [#tpu.dimension_semantics<core_parallel>, #tpu.dimension_semantics<subcore_parallel>], iteration_bounds = array<i64: 2, 16>, scalar_prefetch = 0 : i64, scratch_operands = 15 : i64, tpu.core_type = #tpu.core_type<sc_vector_subcore>, window_params = [{transform_indices = #map}, {transform_indices = #map}, {transform_indices = #map}, {transform_indices = #map}, {transform_indices = #map1}, {transform_indices = #map2}, {transform_indices = #map3}]} {
    %mul3A = arith.constant 640 : i32
    %mul3A_0 = arith.muli %arg1, %mul3A : i32
    "tpu.region"() ({
      %run_scoped3A = tpu.sem_alloc : memref<!tpu.dma_semaphore, #tpu.memory_space<semaphore_mem>>
      %dma_start3A_365 = arith.constant 0 : i32
      %dma_start3A_366 = tpu.memref_slice %arg13[%mul3A_0, %dma_start3A_365] : memref<10240x64xf32, #tpu.memory_space<vmem_shared>> -> memref<640x64xf32, #tpu.memory_space<vmem_shared>>
      %dma_start3A_367 = arith.constant 0 : i32
      %dma_start3A_368 = tpu.memref_slice %arg5[%mul3A_0, %dma_start3A_367] : memref<10240x64xf32, #tpu.memory_space<hbm>> -> memref<640x64xf32, #tpu.memory_space<hbm>>
      tpu.enqueue_dma source(%dma_start3A_368 : memref<640x64xf32, #tpu.memory_space<hbm>>) target(%dma_start3A_366 : memref<640x64xf32, #tpu.memory_space<vmem_shared>>) target_semaphore(%run_scoped3A : memref<!tpu.dma_semaphore, #tpu.memory_space<semaphore_mem>>)
      %dma_wait3A_369 = arith.constant 0 : i32
      %dma_wait3A_370 = tpu.memref_slice %arg13[%mul3A_0, %dma_wait3A_369] : memref<10240x64xf32, #tpu.memory_space<vmem_shared>> -> memref<640x64xf32, #tpu.memory_space<vmem_shared>>
      %dma_wait3A_371 = arith.constant 0 : i32
      %dma_wait3A_372 = tpu.memref_slice %arg5[%mul3A_0, %dma_wait3A_371] : memref<10240x64xf32, #tpu.memory_space<hbm>> -> memref<640x64xf32, #tpu.memory_space<hbm>>
      tpu.wait_dma2 semaphore(%run_scoped3A : memref<!tpu.dma_semaphore, #tpu.memory_space<semaphore_mem>>) src(%dma_wait3A_372 : memref<640x64xf32, #tpu.memory_space<hbm>>) dst(%dma_wait3A_370 : memref<640x64xf32, #tpu.memory_space<vmem_shared>>)
      tpu.yield
    }) : () -> ()
    %mul3A_1 = arith.constant 16 : i32
    %mul3A_2 = arith.muli %arg0, %mul3A_1 : i32
    %add3A = arith.addi %mul3A_2, %arg1 : i32
    %mul3A_3 = arith.constant 80 : i32
    %mul3A_4 = arith.muli %add3A, %mul3A_3 : i32
    "tpu.region"() ({
      %run_scoped3A = tpu.sem_alloc : memref<!tpu.dma_semaphore, #tpu.memory_space<semaphore_mem>>
      %dma_start3A_365 = arith.constant 0 : i32
      %dma_start3A_366 = tpu.memref_slice %arg3[%mul3A_4, %dma_start3A_365] : memref<2560x128xi32, #tpu.memory_space<hbm>> -> memref<80x128xi32, #tpu.memory_space<hbm>>
      %dma_start3A_367 = arith.constant 0 : i32
      %dma_start3A_368 = tpu.memref_slice %arg3[%mul3A_4, %dma_start3A_367] : memref<2560x128xi32, #tpu.memory_space<hbm>> -> memref<80x128xi32, #tpu.memory_space<hbm>>
      tpu.enqueue_dma source(%dma_start3A_368 : memref<80x128xi32, #tpu.memory_space<hbm>>) target(%arg9 : memref<80x128xi32, #tpu.memory_space<vmem>>) target_semaphore(%run_scoped3A : memref<!tpu.dma_semaphore, #tpu.memory_space<semaphore_mem>>)
      %dma_wait3A_369 = arith.constant 0 : i32
      %dma_wait3A_370 = tpu.memref_slice %arg3[%mul3A_4, %dma_wait3A_369] : memref<2560x128xi32, #tpu.memory_space<hbm>> -> memref<80x128xi32, #tpu.memory_space<hbm>>
      %dma_wait3A_371 = arith.constant 0 : i32
      %dma_wait3A_372 = tpu.memref_slice %arg3[%mul3A_4, %dma_wait3A_371] : memref<2560x128xi32, #tpu.memory_space<hbm>> -> memref<80x128xi32, #tpu.memory_space<hbm>>
      tpu.wait_dma2 semaphore(%run_scoped3A : memref<!tpu.dma_semaphore, #tpu.memory_space<semaphore_mem>>) src(%dma_wait3A_372 : memref<80x128xi32, #tpu.memory_space<hbm>>) dst(%arg9 : memref<80x128xi32, #tpu.memory_space<vmem>>)
      tpu.yield
    }) : () -> ()
    "tpu.region"() ({
      %run_scoped3A = tpu.sem_alloc : memref<!tpu.dma_semaphore, #tpu.memory_space<semaphore_mem>>
      %dma_start3A_365 = arith.constant 0 : i32
      %dma_start3A_366 = tpu.memref_slice %arg4[%mul3A_4, %dma_start3A_365] : memref<2560x128xi32, #tpu.memory_space<hbm>> -> memref<80x128xi32, #tpu.memory_space<hbm>>
      %dma_start3A_367 = arith.constant 0 : i32
      %dma_start3A_368 = tpu.memref_slice %arg4[%mul3A_4, %dma_start3A_367] : memref<2560x128xi32, #tpu.memory_space<hbm>> -> memref<80x128xi32, #tpu.memory_space<hbm>>
      tpu.enqueue_dma source(%dma_start3A_368 : memref<80x128xi32, #tpu.memory_space<hbm>>) target(%arg10 : memref<80x128xi32, #tpu.memory_space<vmem>>) target_semaphore(%run_scoped3A : memref<!tpu.dma_semaphore, #tpu.memory_space<semaphore_mem>>)
      %dma_wait3A_369 = arith.constant 0 : i32
      %dma_wait3A_370 = tpu.memref_slice %arg4[%mul3A_4, %dma_wait3A_369] : memref<2560x128xi32, #tpu.memory_space<hbm>> -> memref<80x128xi32, #tpu.memory_space<hbm>>
      %dma_wait3A_371 = arith.constant 0 : i32
      %dma_wait3A_372 = tpu.memref_slice %arg4[%mul3A_4, %dma_wait3A_371] : memref<2560x128xi32, #tpu.memory_space<hbm>> -> memref<80x128xi32, #tpu.memory_space<hbm>>
      tpu.wait_dma2 semaphore(%run_scoped3A : memref<!tpu.dma_semaphore, #tpu.memory_space<semaphore_mem>>) src(%dma_wait3A_372 : memref<80x128xi32, #tpu.memory_space<hbm>>) dst(%arg10 : memref<80x128xi32, #tpu.memory_space<vmem>>)
      tpu.yield
    }) : () -> ()
    "tpu.region"() ({
      %run_scoped3A = tpu.sem_alloc : memref<!tpu.dma_semaphore, #tpu.memory_space<semaphore_mem>>
      %dma_start3A_365 = tpu.memref_slice %arg14[%mul3A_0] : memref<10240xf32, #tpu.memory_space<vmem_shared>> -> memref<640xf32, #tpu.memory_space<vmem_shared>>
      %dma_start3A_366 = tpu.memref_slice %arg6[%mul3A_0] : memref<10240xf32, #tpu.memory_space<hbm>> -> memref<640xf32, #tpu.memory_space<hbm>>
      tpu.enqueue_dma source(%dma_start3A_366 : memref<640xf32, #tpu.memory_space<hbm>>) target(%dma_start3A_365 : memref<640xf32, #tpu.memory_space<vmem_shared>>) target_semaphore(%run_scoped3A : memref<!tpu.dma_semaphore, #tpu.memory_space<semaphore_mem>>)
      %dma_wait3A_367 = tpu.memref_slice %arg14[%mul3A_0] : memref<10240xf32, #tpu.memory_space<vmem_shared>> -> memref<640xf32, #tpu.memory_space<vmem_shared>>
      %dma_wait3A_368 = tpu.memref_slice %arg6[%mul3A_0] : memref<10240xf32, #tpu.memory_space<hbm>> -> memref<640xf32, #tpu.memory_space<hbm>>
      tpu.wait_dma2 semaphore(%run_scoped3A : memref<!tpu.dma_semaphore, #tpu.memory_space<semaphore_mem>>) src(%dma_wait3A_368 : memref<640xf32, #tpu.memory_space<hbm>>) dst(%dma_wait3A_367 : memref<640xf32, #tpu.memory_space<vmem_shared>>)
      tpu.yield
    }) : () -> ()
    %broadcast_in_dim3A = arith.constant 1.000000e+00 : f32
    %broadcast_in_dim3A_5 = vector.broadcast %broadcast_in_dim3A : f32 to vector<16xf32>
    %swap3A = arith.constant 0 : index
    %swap3A_6 = tpu.vector_load %arg12[%swap3A] {strides = array<i32>} : memref<128xf32, #tpu.memory_space<vmem>>, vector<16xf32>,
    %swap3A_7 = vector.shape_cast %swap3A_6 : vector<16xf32> to vector<16xf32>
    %swap3A_8 = vector.shape_cast %broadcast_in_dim3A_5 : vector<16xf32> to vector<16xf32>
    tpu.vector_store %arg12[%swap3A], %swap3A_8 {strides = array<i32>} : memref<128xf32, #tpu.memory_space<vmem>>, vector<16xf32>,
    %broadcast_in_dim3A_9 = arith.constant 1.000000e+00 : f32
    %broadcast_in_dim3A_10 = vector.broadcast %broadcast_in_dim3A_9 : f32 to vector<16xf32>
    %swap3A_11 = arith.constant 16 : index
    %swap3A_12 = tpu.vector_load %arg12[%swap3A_11] {strides = array<i32>} : memref<128xf32, #tpu.memory_space<vmem>>, vector<16xf32>,
    %swap3A_13 = vector.shape_cast %swap3A_12 : vector<16xf32> to vector<16xf32>
    %swap3A_14 = vector.shape_cast %broadcast_in_dim3A_10 : vector<16xf32> to vector<16xf32>
    tpu.vector_store %arg12[%swap3A_11], %swap3A_14 {strides = array<i32>} : memref<128xf32, #tpu.memory_space<vmem>>, vector<16xf32>,
    %broadcast_in_dim3A_15 = arith.constant 1.000000e+00 : f32
    %broadcast_in_dim3A_16 = vector.broadcast %broadcast_in_dim3A_15 : f32 to vector<16xf32>
    %swap3A_17 = arith.constant 32 : index
    %swap3A_18 = tpu.vector_load %arg12[%swap3A_17] {strides = array<i32>} : memref<128xf32, #tpu.memory_space<vmem>>, vector<16xf32>,
    %swap3A_19 = vector.shape_cast %swap3A_18 : vector<16xf32> to vector<16xf32>
    %swap3A_20 = vector.shape_cast %broadcast_in_dim3A_16 : vector<16xf32> to vector<16xf32>
    tpu.vector_store %arg12[%swap3A_17], %swap3A_20 {strides = array<i32>} : memref<128xf32, #tpu.memory_space<vmem>>, vector<16xf32>,
    %broadcast_in_dim3A_21 = arith.constant 1.000000e+00 : f32
    %broadcast_in_dim3A_22 = vector.broadcast %broadcast_in_dim3A_21 : f32 to vector<16xf32>
    %swap3A_23 = arith.constant 48 : index
    %swap3A_24 = tpu.vector_load %arg12[%swap3A_23] {strides = array<i32>} : memref<128xf32, #tpu.memory_space<vmem>>, vector<16xf32>,
    %swap3A_25 = vector.shape_cast %swap3A_24 : vector<16xf32> to vector<16xf32>
    %swap3A_26 = vector.shape_cast %broadcast_in_dim3A_22 : vector<16xf32> to vector<16xf32>
    tpu.vector_store %arg12[%swap3A_23], %swap3A_26 {strides = array<i32>} : memref<128xf32, #tpu.memory_space<vmem>>, vector<16xf32>,
    %broadcast_in_dim3A_27 = arith.constant 1.000000e+00 : f32
    %broadcast_in_dim3A_28 = vector.broadcast %broadcast_in_dim3A_27 : f32 to vector<16xf32>
    %swap3A_29 = arith.constant 64 : index
    %swap3A_30 = tpu.vector_load %arg12[%swap3A_29] {strides = array<i32>} : memref<128xf32, #tpu.memory_space<vmem>>, vector<16xf32>,
    %swap3A_31 = vector.shape_cast %swap3A_30 : vector<16xf32> to vector<16xf32>
    %swap3A_32 = vector.shape_cast %broadcast_in_dim3A_28 : vector<16xf32> to vector<16xf32>
    tpu.vector_store %arg12[%swap3A_29], %swap3A_32 {strides = array<i32>} : memref<128xf32, #tpu.memory_space<vmem>>, vector<16xf32>,
    %broadcast_in_dim3A_33 = arith.constant 1.000000e+00 : f32
    %broadcast_in_dim3A_34 = vector.broadcast %broadcast_in_dim3A_33 : f32 to vector<16xf32>
    %swap3A_35 = arith.constant 80 : index
    %swap3A_36 = tpu.vector_load %arg12[%swap3A_35] {strides = array<i32>} : memref<128xf32, #tpu.memory_space<vmem>>, vector<16xf32>,
    %swap3A_37 = vector.shape_cast %swap3A_36 : vector<16xf32> to vector<16xf32>
    %swap3A_38 = vector.shape_cast %broadcast_in_dim3A_34 : vector<16xf32> to vector<16xf32>
    tpu.vector_store %arg12[%swap3A_35], %swap3A_38 {strides = array<i32>} : memref<128xf32, #tpu.memory_space<vmem>>, vector<16xf32>,
    %broadcast_in_dim3A_39 = arith.constant 1.000000e+00 : f32
    %broadcast_in_dim3A_40 = vector.broadcast %broadcast_in_dim3A_39 : f32 to vector<16xf32>
    %swap3A_41 = arith.constant 96 : index
    %swap3A_42 = tpu.vector_load %arg12[%swap3A_41] {strides = array<i32>} : memref<128xf32, #tpu.memory_space<vmem>>, vector<16xf32>,
    %swap3A_43 = vector.shape_cast %swap3A_42 : vector<16xf32> to vector<16xf32>
    %swap3A_44 = vector.shape_cast %broadcast_in_dim3A_40 : vector<16xf32> to vector<16xf32>
    tpu.vector_store %arg12[%swap3A_41], %swap3A_44 {strides = array<i32>} : memref<128xf32, #tpu.memory_space<vmem>>, vector<16xf32>,
    %broadcast_in_dim3A_45 = arith.constant 1.000000e+00 : f32
    %broadcast_in_dim3A_46 = vector.broadcast %broadcast_in_dim3A_45 : f32 to vector<16xf32>
    %swap3A_47 = arith.constant 112 : index
    %swap3A_48 = tpu.vector_load %arg12[%swap3A_47] {strides = array<i32>} : memref<128xf32, #tpu.memory_space<vmem>>, vector<16xf32>,
    %swap3A_49 = vector.shape_cast %swap3A_48 : vector<16xf32> to vector<16xf32>
    %swap3A_50 = vector.shape_cast %broadcast_in_dim3A_46 : vector<16xf32> to vector<16xf32>
    tpu.vector_store %arg12[%swap3A_47], %swap3A_50 {strides = array<i32>} : memref<128xf32, #tpu.memory_space<vmem>>, vector<16xf32>,
    %barrier3A = arith.constant 0 : index
    tpu.barrier barrier_id(%barrier3A)
    %dma_start3A = arith.constant 0 : i32
    %dma_start3A_51 = arith.constant 0 : i32
    %dma_start3A_52 = arith.constant 0 : i32
    %dma_start3A_53 = arith.constant 0 : i32
    %dma_start3A_54 = tpu.memref_slice %arg11[%dma_start3A_51, %dma_start3A_52, %dma_start3A_53] : memref<4x128x64xf32, #tpu.memory_space<vmem>> -> memref<1x128x64xf32, #tpu.memory_space<vmem>>
    %dma_start3A_55 = tpu.memref_squeeze %dma_start3A_54 : memref<1x128x64xf32, #tpu.memory_space<vmem>> -> memref<128x64xf32, #tpu.memory_space<vmem>>
    %dma_start3A_56 = arith.constant 0 : i32
    %dma_start3A_57 = tpu.memref_slice %arg9[%dma_start3A, %dma_start3A_56] : memref<80x128xi32, #tpu.memory_space<vmem>> -> memref<1x128xi32, #tpu.memory_space<vmem>>
    %dma_start3A_58 = tpu.memref_squeeze %dma_start3A_57 : memref<1x128xi32, #tpu.memory_space<vmem>> -> memref<128xi32, #tpu.memory_space<vmem>>
    %dma_start3A_59 = arith.constant 0 : i32
    %dma_start3A_60 = arith.constant 0 : i32
    %dma_start3A_61 = tpu.memref_slice %arg2[%dma_start3A_59, %dma_start3A_60] : memref<10240x64xf32, #tpu.memory_space<hbm>> -> memref<10240x64xf32, #tpu.memory_space<hbm>>
    tpu.enqueue_indirect_dma source(%dma_start3A_61 : memref<10240x64xf32, #tpu.memory_space<hbm>>) target(%dma_start3A_55 : memref<128x64xf32, #tpu.memory_space<vmem>>) offsets(%dma_start3A_58 : memref<128xi32, #tpu.memory_space<vmem>>) semaphore(%arg15 : memref<!tpu.dma_semaphore, #tpu.memory_space<semaphore_mem>>)
    %dma_start3A_62 = arith.constant 1 : i32
    %dma_start3A_63 = arith.constant 1 : i32
    %dma_start3A_64 = arith.constant 0 : i32
    %dma_start3A_65 = arith.constant 0 : i32
    %dma_start3A_66 = tpu.memref_slice %arg11[%dma_start3A_63, %dma_start3A_64, %dma_start3A_65] : memref<4x128x64xf32, #tpu.memory_space<vmem>> -> memref<1x128x64xf32, #tpu.memory_space<vmem>>
    %dma_start3A_67 = tpu.memref_squeeze %dma_start3A_66 : memref<1x128x64xf32, #tpu.memory_space<vmem>> -> memref<128x64xf32, #tpu.memory_space<vmem>>
    %dma_start3A_68 = arith.constant 0 : i32
    %dma_start3A_69 = tpu.memref_slice %arg9[%dma_start3A_62, %dma_start3A_68] : memref<80x128xi32, #tpu.memory_space<vmem>> -> memref<1x128xi32, #tpu.memory_space<vmem>>
    %dma_start3A_70 = tpu.memref_squeeze %dma_start3A_69 : memref<1x128xi32, #tpu.memory_space<vmem>> -> memref<128xi32, #tpu.memory_space<vmem>>
    %dma_start3A_71 = arith.constant 0 : i32
    %dma_start3A_72 = arith.constant 0 : i32
    %dma_start3A_73 = tpu.memref_slice %arg2[%dma_start3A_71, %dma_start3A_72] : memref<10240x64xf32, #tpu.memory_space<hbm>> -> memref<10240x64xf32, #tpu.memory_space<hbm>>
    tpu.enqueue_indirect_dma source(%dma_start3A_73 : memref<10240x64xf32, #tpu.memory_space<hbm>>) target(%dma_start3A_67 : memref<128x64xf32, #tpu.memory_space<vmem>>) offsets(%dma_start3A_70 : memref<128xi32, #tpu.memory_space<vmem>>) semaphore(%arg16 : memref<!tpu.dma_semaphore, #tpu.memory_space<semaphore_mem>>)
    %dma_wait3A = arith.constant 0 : i32
    %dma_wait3A_74 = arith.constant 0 : i32
    %dma_wait3A_75 = arith.constant 0 : i32
    %dma_wait3A_76 = tpu.memref_slice %arg11[%dma_wait3A, %dma_wait3A_74, %dma_wait3A_75] : memref<4x128x64xf32, #tpu.memory_space<vmem>> -> memref<1x128x64xf32, #tpu.memory_space<vmem>>
    %dma_wait3A_77 = tpu.memref_squeeze %dma_wait3A_76 : memref<1x128x64xf32, #tpu.memory_space<vmem>> -> memref<128x64xf32, #tpu.memory_space<vmem>>
    %dma_wait3A_78 = arith.constant 0 : i32
    %dma_wait3A_79 = arith.constant 0 : i32
    %dma_wait3A_80 = tpu.memref_slice %arg2[%dma_wait3A_78, %dma_wait3A_79] : memref<10240x64xf32, #tpu.memory_space<hbm>> -> memref<128x64xf32, #tpu.memory_space<hbm>>
    %dma_wait3A_81 = arith.constant 0 : i32
    %dma_wait3A_82 = arith.constant 0 : i32
    %dma_wait3A_83 = tpu.memref_slice %arg11[%dma_wait3A, %dma_wait3A_81, %dma_wait3A_82] : memref<4x128x64xf32, #tpu.memory_space<vmem>> -> memref<1x128x64xf32, #tpu.memory_space<vmem>>
    %dma_wait3A_84 = tpu.memref_squeeze %dma_wait3A_83 : memref<1x128x64xf32, #tpu.memory_space<vmem>> -> memref<128x64xf32, #tpu.memory_space<vmem>>
    %dma_wait3A_85 = arith.constant 0 : i32
    %dma_wait3A_86 = arith.constant 0 : i32
    %dma_wait3A_87 = tpu.memref_slice %arg2[%dma_wait3A_85, %dma_wait3A_86] : memref<10240x64xf32, #tpu.memory_space<hbm>> -> memref<128x64xf32, #tpu.memory_space<hbm>>
    tpu.wait_dma2 semaphore(%arg15 : memref<!tpu.dma_semaphore, #tpu.memory_space<semaphore_mem>>) src(%dma_wait3A_87 : memref<128x64xf32, #tpu.memory_space<hbm>>) dst(%dma_wait3A_84 : memref<128x64xf32, #tpu.memory_space<vmem>>)
    %dma_start3A_88 = arith.constant 0 : i32
    %dma_start3A_89 = arith.constant 0 : i32
    %dma_start3A_90 = arith.constant 0 : i32
    %dma_start3A_91 = arith.constant 0 : i32
    %dma_start3A_92 = tpu.memref_slice %arg11[%dma_start3A_88, %dma_start3A_90, %dma_start3A_91] : memref<4x128x64xf32, #tpu.memory_space<vmem>> -> memref<1x128x64xf32, #tpu.memory_space<vmem>>
    %dma_start3A_93 = tpu.memref_squeeze %dma_start3A_92 : memref<1x128x64xf32, #tpu.memory_space<vmem>> -> memref<128x64xf32, #tpu.memory_space<vmem>>
    %dma_start3A_94 = arith.constant 0 : i32
    %dma_start3A_95 = tpu.memref_slice %arg10[%dma_start3A_89, %dma_start3A_94] : memref<80x128xi32, #tpu.memory_space<vmem>> -> memref<1x128xi32, #tpu.memory_space<vmem>>
    %dma_start3A_96 = tpu.memref_squeeze %dma_start3A_95 : memref<1x128xi32, #tpu.memory_space<vmem>> -> memref<128xi32, #tpu.memory_space<vmem>>
    %dma_start3A_97 = arith.constant 0 : i32
    %dma_start3A_98 = arith.constant 0 : i32
    %dma_start3A_99 = tpu.memref_slice %arg13[%dma_start3A_97, %dma_start3A_98] : memref<10240x64xf32, #tpu.memory_space<vmem_shared>> -> memref<10240x64xf32, #tpu.memory_space<vmem_shared>>
    tpu.enqueue_indirect_dma source(%dma_start3A_93 : memref<128x64xf32, #tpu.memory_space<vmem>>) target(%dma_start3A_99 : memref<10240x64xf32, #tpu.memory_space<vmem_shared>>) offsets(%dma_start3A_96 : memref<128xi32, #tpu.memory_space<vmem>>) semaphore(%arg19 : memref<!tpu.dma_semaphore, #tpu.memory_space<semaphore_mem>>) {add = true}
    %dma_start3A_100 = arith.constant 0 : i32
    %dma_start3A_101 = arith.constant 0 : i32
    %dma_start3A_102 = tpu.memref_slice %arg10[%dma_start3A_100, %dma_start3A_101] : memref<80x128xi32, #tpu.memory_space<vmem>> -> memref<1x128xi32, #tpu.memory_space<vmem>>
    %dma_start3A_103 = tpu.memref_squeeze %dma_start3A_102 : memref<1x128xi32, #tpu.memory_space<vmem>> -> memref<128xi32, #tpu.memory_space<vmem>>
    %dma_start3A_104 = arith.constant 0 : i32
    %dma_start3A_105 = tpu.memref_slice %arg14[%dma_start3A_104] : memref<10240xf32, #tpu.memory_space<vmem_shared>> -> memref<10240xf32, #tpu.memory_space<vmem_shared>>
    tpu.enqueue_indirect_dma source(%arg12 : memref<128xf32, #tpu.memory_space<vmem>>) target(%dma_start3A_105 : memref<10240xf32, #tpu.memory_space<vmem_shared>>) offsets(%dma_start3A_103 : memref<128xi32, #tpu.memory_space<vmem>>) semaphore(%arg23 : memref<!tpu.dma_semaphore, #tpu.memory_space<semaphore_mem>>) {add = true}
    %dma_start3A_106 = arith.constant 2 : i32
    %dma_start3A_107 = arith.constant 2 : i32
    %dma_start3A_108 = arith.constant 0 : i32
    %dma_start3A_109 = arith.constant 0 : i32
    %dma_start3A_110 = tpu.memref_slice %arg11[%dma_start3A_107, %dma_start3A_108, %dma_start3A_109] : memref<4x128x64xf32, #tpu.memory_space<vmem>> -> memref<1x128x64xf32, #tpu.memory_space<vmem>>
    %dma_start3A_111 = tpu.memref_squeeze %dma_start3A_110 : memref<1x128x64xf32, #tpu.memory_space<vmem>> -> memref<128x64xf32, #tpu.memory_space<vmem>>
    %dma_start3A_112 = arith.constant 0 : i32
    %dma_start3A_113 = tpu.memref_slice %arg9[%dma_start3A_106, %dma_start3A_112] : memref<80x128xi32, #tpu.memory_space<vmem>> -> memref<1x128xi32, #tpu.memory_space<vmem>>
    %dma_start3A_114 = tpu.memref_squeeze %dma_start3A_113 : memref<1x128xi32, #tpu.memory_space<vmem>> -> memref<128xi32, #tpu.memory_space<vmem>>
    %dma_start3A_115 = arith.constant 0 : i32
    %dma_start3A_116 = arith.constant 0 : i32
    %dma_start3A_117 = tpu.memref_slice %arg2[%dma_start3A_115, %dma_start3A_116] : memref<10240x64xf32, #tpu.memory_space<hbm>> -> memref<10240x64xf32, #tpu.memory_space<hbm>>
    tpu.enqueue_indirect_dma source(%dma_start3A_117 : memref<10240x64xf32, #tpu.memory_space<hbm>>) target(%dma_start3A_111 : memref<128x64xf32, #tpu.memory_space<vmem>>) offsets(%dma_start3A_114 : memref<128xi32, #tpu.memory_space<vmem>>) semaphore(%arg17 : memref<!tpu.dma_semaphore, #tpu.memory_space<semaphore_mem>>)
    %dma_wait3A_118 = arith.constant 1 : i32
    %dma_wait3A_119 = arith.constant 0 : i32
    %dma_wait3A_120 = arith.constant 0 : i32
    %dma_wait3A_121 = tpu.memref_slice %arg11[%dma_wait3A_118, %dma_wait3A_119, %dma_wait3A_120] : memref<4x128x64xf32, #tpu.memory_space<vmem>> -> memref<1x128x64xf32, #tpu.memory_space<vmem>>
    %dma_wait3A_122 = tpu.memref_squeeze %dma_wait3A_121 : memref<1x128x64xf32, #tpu.memory_space<vmem>> -> memref<128x64xf32, #tpu.memory_space<vmem>>
    %dma_wait3A_123 = arith.constant 0 : i32
    %dma_wait3A_124 = arith.constant 0 : i32
    %dma_wait3A_125 = tpu.memref_slice %arg2[%dma_wait3A_123, %dma_wait3A_124] : memref<10240x64xf32, #tpu.memory_space<hbm>> -> memref<128x64xf32, #tpu.memory_space<hbm>>
    %dma_wait3A_126 = arith.constant 0 : i32
    %dma_wait3A_127 = arith.constant 0 : i32
    %dma_wait3A_128 = tpu.memref_slice %arg11[%dma_wait3A_118, %dma_wait3A_126, %dma_wait3A_127] : memref<4x128x64xf32, #tpu.memory_space<vmem>> -> memref<1x128x64xf32, #tpu.memory_space<vmem>>
    %dma_wait3A_129 = tpu.memref_squeeze %dma_wait3A_128 : memref<1x128x64xf32, #tpu.memory_space<vmem>> -> memref<128x64xf32, #tpu.memory_space<vmem>>
    %dma_wait3A_130 = arith.constant 0 : i32
    %dma_wait3A_131 = arith.constant 0 : i32
    %dma_wait3A_132 = tpu.memref_slice %arg2[%dma_wait3A_130, %dma_wait3A_131] : memref<10240x64xf32, #tpu.memory_space<hbm>> -> memref<128x64xf32, #tpu.memory_space<hbm>>
    tpu.wait_dma2 semaphore(%arg16 : memref<!tpu.dma_semaphore, #tpu.memory_space<semaphore_mem>>) src(%dma_wait3A_132 : memref<128x64xf32, #tpu.memory_space<hbm>>) dst(%dma_wait3A_129 : memref<128x64xf32, #tpu.memory_space<vmem>>)
    %dma_start3A_133 = arith.constant 1 : i32
    %dma_start3A_134 = arith.constant 1 : i32
    %dma_start3A_135 = arith.constant 0 : i32
    %dma_start3A_136 = arith.constant 0 : i32
    %dma_start3A_137 = tpu.memref_slice %arg11[%dma_start3A_133, %dma_start3A_135, %dma_start3A_136] : memref<4x128x64xf32, #tpu.memory_space<vmem>> -> memref<1x128x64xf32, #tpu.memory_space<vmem>>
    %dma_start3A_138 = tpu.memref_squeeze %dma_start3A_137 : memref<1x128x64xf32, #tpu.memory_space<vmem>> -> memref<128x64xf32, #tpu.memory_space<vmem>>
    %dma_start3A_139 = arith.constant 0 : i32
    %dma_start3A_140 = tpu.memref_slice %arg10[%dma_start3A_134, %dma_start3A_139] : memref<80x128xi32, #tpu.memory_space<vmem>> -> memref<1x128xi32, #tpu.memory_space<vmem>>
    %dma_start3A_141 = tpu.memref_squeeze %dma_start3A_140 : memref<1x128xi32, #tpu.memory_space<vmem>> -> memref<128xi32, #tpu.memory_space<vmem>>
    %dma_start3A_142 = arith.constant 0 : i32
    %dma_start3A_143 = arith.constant 0 : i32
    %dma_start3A_144 = tpu.memref_slice %arg13[%dma_start3A_142, %dma_start3A_143] : memref<10240x64xf32, #tpu.memory_space<vmem_shared>> -> memref<10240x64xf32, #tpu.memory_space<vmem_shared>>
    tpu.enqueue_indirect_dma source(%dma_start3A_138 : memref<128x64xf32, #tpu.memory_space<vmem>>) target(%dma_start3A_144 : memref<10240x64xf32, #tpu.memory_space<vmem_shared>>) offsets(%dma_start3A_141 : memref<128xi32, #tpu.memory_space<vmem>>) semaphore(%arg20 : memref<!tpu.dma_semaphore, #tpu.memory_space<semaphore_mem>>) {add = true}
    %dma_start3A_145 = arith.constant 1 : i32
    %dma_start3A_146 = arith.constant 0 : i32
    %dma_start3A_147 = tpu.memref_slice %arg10[%dma_start3A_145, %dma_start3A_146] : memref<80x128xi32, #tpu.memory_space<vmem>> -> memref<1x128xi32, #tpu.memory_space<vmem>>
    %dma_start3A_148 = tpu.memref_squeeze %dma_start3A_147 : memref<1x128xi32, #tpu.memory_space<vmem>> -> memref<128xi32, #tpu.memory_space<vmem>>
    %dma_start3A_149 = arith.constant 0 : i32
    %dma_start3A_150 = tpu.memref_slice %arg14[%dma_start3A_149] : memref<10240xf32, #tpu.memory_space<vmem_shared>> -> memref<10240xf32, #tpu.memory_space<vmem_shared>>
    tpu.enqueue_indirect_dma source(%arg12 : memref<128xf32, #tpu.memory_space<vmem>>) target(%dma_start3A_150 : memref<10240xf32, #tpu.memory_space<vmem_shared>>) offsets(%dma_start3A_148 : memref<128xi32, #tpu.memory_space<vmem>>) semaphore(%arg23 : memref<!tpu.dma_semaphore, #tpu.memory_space<semaphore_mem>>) {add = true}
    %dma_start3A_151 = arith.constant 3 : i32
    %dma_start3A_152 = arith.constant 3 : i32
    %dma_start3A_153 = arith.constant 0 : i32
    %dma_start3A_154 = arith.constant 0 : i32
    %dma_start3A_155 = tpu.memref_slice %arg11[%dma_start3A_152, %dma_start3A_153, %dma_start3A_154] : memref<4x128x64xf32, #tpu.memory_space<vmem>> -> memref<1x128x64xf32, #tpu.memory_space<vmem>>
    %dma_start3A_156 = tpu.memref_squeeze %dma_start3A_155 : memref<1x128x64xf32, #tpu.memory_space<vmem>> -> memref<128x64xf32, #tpu.memory_space<vmem>>
    %dma_start3A_157 = arith.constant 0 : i32
    %dma_start3A_158 = tpu.memref_slice %arg9[%dma_start3A_151, %dma_start3A_157] : memref<80x128xi32, #tpu.memory_space<vmem>> -> memref<1x128xi32, #tpu.memory_space<vmem>>
    %dma_start3A_159 = tpu.memref_squeeze %dma_start3A_158 : memref<1x128xi32, #tpu.memory_space<vmem>> -> memref<128xi32, #tpu.memory_space<vmem>>
    %dma_start3A_160 = arith.constant 0 : i32
    %dma_start3A_161 = arith.constant 0 : i32
    %dma_start3A_162 = tpu.memref_slice %arg2[%dma_start3A_160, %dma_start3A_161] : memref<10240x64xf32, #tpu.memory_space<hbm>> -> memref<10240x64xf32, #tpu.memory_space<hbm>>
    tpu.enqueue_indirect_dma source(%dma_start3A_162 : memref<10240x64xf32, #tpu.memory_space<hbm>>) target(%dma_start3A_156 : memref<128x64xf32, #tpu.memory_space<vmem>>) offsets(%dma_start3A_159 : memref<128xi32, #tpu.memory_space<vmem>>) semaphore(%arg18 : memref<!tpu.dma_semaphore, #tpu.memory_space<semaphore_mem>>)
    %dma_wait3A_163 = arith.constant 2 : i32
    %dma_wait3A_164 = arith.constant 0 : i32
    %dma_wait3A_165 = arith.constant 0 : i32
    %dma_wait3A_166 = tpu.memref_slice %arg11[%dma_wait3A_163, %dma_wait3A_164, %dma_wait3A_165] : memref<4x128x64xf32, #tpu.memory_space<vmem>> -> memref<1x128x64xf32, #tpu.memory_space<vmem>>
    %dma_wait3A_167 = tpu.memref_squeeze %dma_wait3A_166 : memref<1x128x64xf32, #tpu.memory_space<vmem>> -> memref<128x64xf32, #tpu.memory_space<vmem>>
    %dma_wait3A_168 = arith.constant 0 : i32
    %dma_wait3A_169 = arith.constant 0 : i32
    %dma_wait3A_170 = tpu.memref_slice %arg2[%dma_wait3A_168, %dma_wait3A_169] : memref<10240x64xf32, #tpu.memory_space<hbm>> -> memref<128x64xf32, #tpu.memory_space<hbm>>
    %dma_wait3A_171 = arith.constant 0 : i32
    %dma_wait3A_172 = arith.constant 0 : i32
    %dma_wait3A_173 = tpu.memref_slice %arg11[%dma_wait3A_163, %dma_wait3A_171, %dma_wait3A_172] : memref<4x128x64xf32, #tpu.memory_space<vmem>> -> memref<1x128x64xf32, #tpu.memory_space<vmem>>
    %dma_wait3A_174 = tpu.memref_squeeze %dma_wait3A_173 : memref<1x128x64xf32, #tpu.memory_space<vmem>> -> memref<128x64xf32, #tpu.memory_space<vmem>>
    %dma_wait3A_175 = arith.constant 0 : i32
    %dma_wait3A_176 = arith.constant 0 : i32
    %dma_wait3A_177 = tpu.memref_slice %arg2[%dma_wait3A_175, %dma_wait3A_176] : memref<10240x64xf32, #tpu.memory_space<hbm>> -> memref<128x64xf32, #tpu.memory_space<hbm>>
    tpu.wait_dma2 semaphore(%arg17 : memref<!tpu.dma_semaphore, #tpu.memory_space<semaphore_mem>>) src(%dma_wait3A_177 : memref<128x64xf32, #tpu.memory_space<hbm>>) dst(%dma_wait3A_174 : memref<128x64xf32, #tpu.memory_space<vmem>>)
    %dma_start3A_178 = arith.constant 2 : i32
    %dma_start3A_179 = arith.constant 2 : i32
    %dma_start3A_180 = arith.constant 0 : i32
    %dma_start3A_181 = arith.constant 0 : i32
    %dma_start3A_182 = tpu.memref_slice %arg11[%dma_start3A_178, %dma_start3A_180, %dma_start3A_181] : memref<4x128x64xf32, #tpu.memory_space<vmem>> -> memref<1x128x64xf32, #tpu.memory_space<vmem>>
    %dma_start3A_183 = tpu.memref_squeeze %dma_start3A_182 : memref<1x128x64xf32, #tpu.memory_space<vmem>> -> memref<128x64xf32, #tpu.memory_space<vmem>>
    %dma_start3A_184 = arith.constant 0 : i32
    %dma_start3A_185 = tpu.memref_slice %arg10[%dma_start3A_179, %dma_start3A_184] : memref<80x128xi32, #tpu.memory_space<vmem>> -> memref<1x128xi32, #tpu.memory_space<vmem>>
    %dma_start3A_186 = tpu.memref_squeeze %dma_start3A_185 : memref<1x128xi32, #tpu.memory_space<vmem>> -> memref<128xi32, #tpu.memory_space<vmem>>
    %dma_start3A_187 = arith.constant 0 : i32
    %dma_start3A_188 = arith.constant 0 : i32
    %dma_start3A_189 = tpu.memref_slice %arg13[%dma_start3A_187, %dma_start3A_188] : memref<10240x64xf32, #tpu.memory_space<vmem_shared>> -> memref<10240x64xf32, #tpu.memory_space<vmem_shared>>
    tpu.enqueue_indirect_dma source(%dma_start3A_183 : memref<128x64xf32, #tpu.memory_space<vmem>>) target(%dma_start3A_189 : memref<10240x64xf32, #tpu.memory_space<vmem_shared>>) offsets(%dma_start3A_186 : memref<128xi32, #tpu.memory_space<vmem>>) semaphore(%arg21 : memref<!tpu.dma_semaphore, #tpu.memory_space<semaphore_mem>>) {add = true}
    %dma_start3A_190 = arith.constant 2 : i32
    %dma_start3A_191 = arith.constant 0 : i32
    %dma_start3A_192 = tpu.memref_slice %arg10[%dma_start3A_190, %dma_start3A_191] : memref<80x128xi32, #tpu.memory_space<vmem>> -> memref<1x128xi32, #tpu.memory_space<vmem>>
    %dma_start3A_193 = tpu.memref_squeeze %dma_start3A_192 : memref<1x128xi32, #tpu.memory_space<vmem>> -> memref<128xi32, #tpu.memory_space<vmem>>
    %dma_start3A_194 = arith.constant 0 : i32
    %dma_start3A_195 = tpu.memref_slice %arg14[%dma_start3A_194] : memref<10240xf32, #tpu.memory_space<vmem_shared>> -> memref<10240xf32, #tpu.memory_space<vmem_shared>>
    tpu.enqueue_indirect_dma source(%arg12 : memref<128xf32, #tpu.memory_space<vmem>>) target(%dma_start3A_195 : memref<10240xf32, #tpu.memory_space<vmem_shared>>) offsets(%dma_start3A_193 : memref<128xi32, #tpu.memory_space<vmem>>) semaphore(%arg23 : memref<!tpu.dma_semaphore, #tpu.memory_space<semaphore_mem>>) {add = true}
    %dma_wait3A_196 = arith.constant 0 : i32
    %dma_wait3A_197 = arith.constant 0 : i32
    %dma_wait3A_198 = arith.constant 0 : i32
    %dma_wait3A_199 = tpu.memref_slice %arg11[%dma_wait3A_196, %dma_wait3A_197, %dma_wait3A_198] : memref<4x128x64xf32, #tpu.memory_space<vmem>> -> memref<1x128x64xf32, #tpu.memory_space<vmem>>
    %dma_wait3A_200 = tpu.memref_squeeze %dma_wait3A_199 : memref<1x128x64xf32, #tpu.memory_space<vmem>> -> memref<128x64xf32, #tpu.memory_space<vmem>>
    %dma_wait3A_201 = arith.constant 0 : i32
    %dma_wait3A_202 = arith.constant 0 : i32
    %dma_wait3A_203 = tpu.memref_slice %arg13[%dma_wait3A_201, %dma_wait3A_202] : memref<10240x64xf32, #tpu.memory_space<vmem_shared>> -> memref<128x64xf32, #tpu.memory_space<vmem_shared>>
    %dma_wait3A_204 = arith.constant 0 : i32
    %dma_wait3A_205 = arith.constant 0 : i32
    %dma_wait3A_206 = tpu.memref_slice %arg13[%dma_wait3A_204, %dma_wait3A_205] : memref<10240x64xf32, #tpu.memory_space<vmem_shared>> -> memref<128x64xf32, #tpu.memory_space<vmem_shared>>
    %dma_wait3A_207 = arith.constant 0 : i32
    %dma_wait3A_208 = arith.constant 0 : i32
    %dma_wait3A_209 = tpu.memref_slice %arg11[%dma_wait3A_196, %dma_wait3A_207, %dma_wait3A_208] : memref<4x128x64xf32, #tpu.memory_space<vmem>> -> memref<1x128x64xf32, #tpu.memory_space<vmem>>
    %dma_wait3A_210 = tpu.memref_squeeze %dma_wait3A_209 : memref<1x128x64xf32, #tpu.memory_space<vmem>> -> memref<128x64xf32, #tpu.memory_space<vmem>>
    tpu.wait_dma2 semaphore(%arg19 : memref<!tpu.dma_semaphore, #tpu.memory_space<semaphore_mem>>) src(%dma_wait3A_210 : memref<128x64xf32, #tpu.memory_space<vmem>>) dst(%dma_wait3A_206 : memref<128x64xf32, #tpu.memory_space<vmem_shared>>)
    %dma_start3A_211 = arith.constant 4 : i32
    %dma_start3A_212 = arith.constant 0 : i32
    %dma_start3A_213 = arith.constant 0 : i32
    %dma_start3A_214 = arith.constant 0 : i32
    %dma_start3A_215 = tpu.memref_slice %arg11[%dma_start3A_212, %dma_start3A_213, %dma_start3A_214] : memref<4x128x64xf32, #tpu.memory_space<vmem>> -> memref<1x128x64xf32, #tpu.memory_space<vmem>>
    %dma_start3A_216 = tpu.memref_squeeze %dma_start3A_215 : memref<1x128x64xf32, #tpu.memory_space<vmem>> -> memref<128x64xf32, #tpu.memory_space<vmem>>
    %dma_start3A_217 = arith.constant 0 : i32
    %dma_start3A_218 = tpu.memref_slice %arg9[%dma_start3A_211, %dma_start3A_217] : memref<80x128xi32, #tpu.memory_space<vmem>> -> memref<1x128xi32, #tpu.memory_space<vmem>>
    %dma_start3A_219 = tpu.memref_squeeze %dma_start3A_218 : memref<1x128xi32, #tpu.memory_space<vmem>> -> memref<128xi32, #tpu.memory_space<vmem>>
    %dma_start3A_220 = arith.constant 0 : i32
    %dma_start3A_221 = arith.constant 0 : i32
    %dma_start3A_222 = tpu.memref_slice %arg2[%dma_start3A_220, %dma_start3A_221] : memref<10240x64xf32, #tpu.memory_space<hbm>> -> memref<10240x64xf32, #tpu.memory_space<hbm>>
    tpu.enqueue_indirect_dma source(%dma_start3A_222 : memref<10240x64xf32, #tpu.memory_space<hbm>>) target(%dma_start3A_216 : memref<128x64xf32, #tpu.memory_space<vmem>>) offsets(%dma_start3A_219 : memref<128xi32, #tpu.memory_space<vmem>>) semaphore(%arg15 : memref<!tpu.dma_semaphore, #tpu.memory_space<semaphore_mem>>)
    %dma_wait3A_223 = arith.constant 3 : i32
    %dma_wait3A_224 = arith.constant 0 : i32
    %dma_wait3A_225 = arith.constant 0 : i32
    %dma_wait3A_226 = tpu.memref_slice %arg11[%dma_wait3A_223, %dma_wait3A_224, %dma_wait3A_225] : memref<4x128x64xf32, #tpu.memory_space<vmem>> -> memref<1x128x64xf32, #tpu.memory_space<vmem>>
    %dma_wait3A_227 = tpu.memref_squeeze %dma_wait3A_226 : memref<1x128x64xf32, #tpu.memory_space<vmem>> -> memref<128x64xf32, #tpu.memory_space<vmem>>
    %dma_wait3A_228 = arith.constant 0 : i32
    %dma_wait3A_229 = arith.constant 0 : i32
    %dma_wait3A_230 = tpu.memref_slice %arg2[%dma_wait3A_228, %dma_wait3A_229] : memref<10240x64xf32, #tpu.memory_space<hbm>> -> memref<128x64xf32, #tpu.memory_space<hbm>>
    %dma_wait3A_231 = arith.constant 0 : i32
    %dma_wait3A_232 = arith.constant 0 : i32
    %dma_wait3A_233 = tpu.memref_slice %arg11[%dma_wait3A_223, %dma_wait3A_231, %dma_wait3A_232] : memref<4x128x64xf32, #tpu.memory_space<vmem>> -> memref<1x128x64xf32, #tpu.memory_space<vmem>>
    %dma_wait3A_234 = tpu.memref_squeeze %dma_wait3A_233 : memref<1x128x64xf32, #tpu.memory_space<vmem>> -> memref<128x64xf32, #tpu.memory_space<vmem>>
    %dma_wait3A_235 = arith.constant 0 : i32
    %dma_wait3A_236 = arith.constant 0 : i32
    %dma_wait3A_237 = tpu.memref_slice %arg2[%dma_wait3A_235, %dma_wait3A_236] : memref<10240x64xf32, #tpu.memory_space<hbm>> -> memref<128x64xf32, #tpu.memory_space<hbm>>
    tpu.wait_dma2 semaphore(%arg18 : memref<!tpu.dma_semaphore, #tpu.memory_space<semaphore_mem>>) src(%dma_wait3A_237 : memref<128x64xf32, #tpu.memory_space<hbm>>) dst(%dma_wait3A_234 : memref<128x64xf32, #tpu.memory_space<vmem>>)
    %dma_start3A_238 = arith.constant 3 : i32
    %dma_start3A_239 = arith.constant 3 : i32
    %dma_start3A_240 = arith.constant 0 : i32
    %dma_start3A_241 = arith.constant 0 : i32
    %dma_start3A_242 = tpu.memref_slice %arg11[%dma_start3A_238, %dma_start3A_240, %dma_start3A_241] : memref<4x128x64xf32, #tpu.memory_space<vmem>> -> memref<1x128x64xf32, #tpu.memory_space<vmem>>
    %dma_start3A_243 = tpu.memref_squeeze %dma_start3A_242 : memref<1x128x64xf32, #tpu.memory_space<vmem>> -> memref<128x64xf32, #tpu.memory_space<vmem>>
    %dma_start3A_244 = arith.constant 0 : i32
    %dma_start3A_245 = tpu.memref_slice %arg10[%dma_start3A_239, %dma_start3A_244] : memref<80x128xi32, #tpu.memory_space<vmem>> -> memref<1x128xi32, #tpu.memory_space<vmem>>
    %dma_start3A_246 = tpu.memref_squeeze %dma_start3A_245 : memref<1x128xi32, #tpu.memory_space<vmem>> -> memref<128xi32, #tpu.memory_space<vmem>>
    %dma_start3A_247 = arith.constant 0 : i32
    %dma_start3A_248 = arith.constant 0 : i32
    %dma_start3A_249 = tpu.memref_slice %arg13[%dma_start3A_247, %dma_start3A_248] : memref<10240x64xf32, #tpu.memory_space<vmem_shared>> -> memref<10240x64xf32, #tpu.memory_space<vmem_shared>>
    tpu.enqueue_indirect_dma source(%dma_start3A_243 : memref<128x64xf32, #tpu.memory_space<vmem>>) target(%dma_start3A_249 : memref<10240x64xf32, #tpu.memory_space<vmem_shared>>) offsets(%dma_start3A_246 : memref<128xi32, #tpu.memory_space<vmem>>) semaphore(%arg22 : memref<!tpu.dma_semaphore, #tpu.memory_space<semaphore_mem>>) {add = true}
    %dma_start3A_250 = arith.constant 3 : i32
    %dma_start3A_251 = arith.constant 0 : i32
    %dma_start3A_252 = tpu.memref_slice %arg10[%dma_start3A_250, %dma_start3A_251] : memref<80x128xi32, #tpu.memory_space<vmem>> -> memref<1x128xi32, #tpu.memory_space<vmem>>
    %dma_start3A_253 = tpu.memref_squeeze %dma_start3A_252 : memref<1x128xi32, #tpu.memory_space<vmem>> -> memref<128xi32, #tpu.memory_space<vmem>>
    %dma_start3A_254 = arith.constant 0 : i32
    %dma_start3A_255 = tpu.memref_slice %arg14[%dma_start3A_254] : memref<10240xf32, #tpu.memory_space<vmem_shared>> -> memref<10240xf32, #tpu.memory_space<vmem_shared>>
    tpu.enqueue_indirect_dma source(%arg12 : memref<128xf32, #tpu.memory_space<vmem>>) target(%dma_start3A_255 : memref<10240xf32, #tpu.memory_space<vmem_shared>>) offsets(%dma_start3A_253 : memref<128xi32, #tpu.memory_space<vmem>>) semaphore(%arg23 : memref<!tpu.dma_semaphore, #tpu.memory_space<semaphore_mem>>) {add = true}
    %dma_wait3A_256 = arith.constant 1 : i32
    %dma_wait3A_257 = arith.constant 0 : i32
    %dma_wait3A_258 = arith.constant 0 : i32
    %dma_wait3A_259 = tpu.memref_slice %arg11[%dma_wait3A_256, %dma_wait3A_257, %dma_wait3A_258] : memref<4x128x64xf32, #tpu.memory_space<vmem>> -> memref<1x128x64xf32, #tpu.memory_space<vmem>>
    %dma_wait3A_260 = tpu.memref_squeeze %dma_wait3A_259 : memref<1x128x64xf32, #tpu.memory_space<vmem>> -> memref<128x64xf32, #tpu.memory_space<vmem>>
    %dma_wait3A_261 = arith.constant 0 : i32
    %dma_wait3A_262 = arith.constant 0 : i32
    %dma_wait3A_263 = tpu.memref_slice %arg13[%dma_wait3A_261, %dma_wait3A_262] : memref<10240x64xf32, #tpu.memory_space<vmem_shared>> -> memref<128x64xf32, #tpu.memory_space<vmem_shared>>
    %dma_wait3A_264 = arith.constant 0 : i32
    %dma_wait3A_265 = arith.constant 0 : i32
    %dma_wait3A_266 = tpu.memref_slice %arg13[%dma_wait3A_264, %dma_wait3A_265] : memref<10240x64xf32, #tpu.memory_space<vmem_shared>> -> memref<128x64xf32, #tpu.memory_space<vmem_shared>>
    %dma_wait3A_267 = arith.constant 0 : i32
    %dma_wait3A_268 = arith.constant 0 : i32
    %dma_wait3A_269 = tpu.memref_slice %arg11[%dma_wait3A_256, %dma_wait3A_267, %dma_wait3A_268] : memref<4x128x64xf32, #tpu.memory_space<vmem>> -> memref<1x128x64xf32, #tpu.memory_space<vmem>>
    %dma_wait3A_270 = tpu.memref_squeeze %dma_wait3A_269 : memref<1x128x64xf32, #tpu.memory_space<vmem>> -> memref<128x64xf32, #tpu.memory_space<vmem>>
    tpu.wait_dma2 semaphore(%arg20 : memref<!tpu.dma_semaphore, #tpu.memory_space<semaphore_mem>>) src(%dma_wait3A_270 : memref<128x64xf32, #tpu.memory_space<vmem>>) dst(%dma_wait3A_266 : memref<128x64xf32, #tpu.memory_space<vmem_shared>>)
    %dma_start3A_271 = arith.constant 5 : i32
    %dma_start3A_272 = arith.constant 1 : i32
    %dma_start3A_273 = arith.constant 0 : i32
    %dma_start3A_274 = arith.constant 0 : i32
    %dma_start3A_275 = tpu.memref_slice %arg11[%dma_start3A_272, %dma_start3A_273, %dma_start3A_274] : memref<4x128x64xf32, #tpu.memory_space<vmem>> -> memref<1x128x64xf32, #tpu.memory_space<vmem>>
    %dma_start3A_276 = tpu.memref_squeeze %dma_start3A_275 : memref<1x128x64xf32, #tpu.memory_space<vmem>> -> memref<128x64xf32, #tpu.memory_space<vmem>>
    %dma_start3A_277 = arith.constant 0 : i32
    %dma_start3A_278 = tpu.memref_slice %arg9[%dma_start3A_271, %dma_start3A_277] : memref<80x128xi32, #tpu.memory_space<vmem>> -> memref<1x128xi32, #tpu.memory_space<vmem>>
    %dma_start3A_279 = tpu.memref_squeeze %dma_start3A_278 : memref<1x128xi32, #tpu.memory_space<vmem>> -> memref<128xi32, #tpu.memory_space<vmem>>
    %dma_start3A_280 = arith.constant 0 : i32
    %dma_start3A_281 = arith.constant 0 : i32
    %dma_start3A_282 = tpu.memref_slice %arg2[%dma_start3A_280, %dma_start3A_281] : memref<10240x64xf32, #tpu.memory_space<hbm>> -> memref<10240x64xf32, #tpu.memory_space<hbm>>
    tpu.enqueue_indirect_dma source(%dma_start3A_282 : memref<10240x64xf32, #tpu.memory_space<hbm>>) target(%dma_start3A_276 : memref<128x64xf32, #tpu.memory_space<vmem>>) offsets(%dma_start3A_279 : memref<128xi32, #tpu.memory_space<vmem>>) semaphore(%arg16 : memref<!tpu.dma_semaphore, #tpu.memory_space<semaphore_mem>>)
    %scan3A = arith.constant 0 : i32
    %scan3A_283 = arith.constant 1 : i32
    %scan3A_284 = arith.constant 19 : i32
    %scan3A_285 = arith.addi %scan3A_283, %scan3A_284 : i32
    %scan3A_286 = arith.constant 1 : i32
    scf.for %scan3A_365 = %scan3A_283 to %scan3A_285 step %scan3A_286  : i32 {
      %mul3A_366 = arith.constant 4 : i32
      %mul3A_367 = arith.muli %mul3A_366, %scan3A_365 : i32
      %add3A_368 = arith.constant 0 : i32
      %add3A_369 = arith.addi %mul3A_367, %add3A_368 : i32
      %dma_wait3A_370 = arith.constant 0 : i32
      %dma_wait3A_371 = arith.constant 0 : i32
      %dma_wait3A_372 = arith.constant 0 : i32
      %dma_wait3A_373 = tpu.memref_slice %arg11[%dma_wait3A_370, %dma_wait3A_371, %dma_wait3A_372] : memref<4x128x64xf32, #tpu.memory_space<vmem>> -> memref<1x128x64xf32, #tpu.memory_space<vmem>>
      %dma_wait3A_374 = tpu.memref_squeeze %dma_wait3A_373 : memref<1x128x64xf32, #tpu.memory_space<vmem>> -> memref<128x64xf32, #tpu.memory_space<vmem>>
      %dma_wait3A_375 = arith.constant 0 : i32
      %dma_wait3A_376 = arith.constant 0 : i32
      %dma_wait3A_377 = tpu.memref_slice %arg2[%dma_wait3A_375, %dma_wait3A_376] : memref<10240x64xf32, #tpu.memory_space<hbm>> -> memref<128x64xf32, #tpu.memory_space<hbm>>
      %dma_wait3A_378 = arith.constant 0 : i32
      %dma_wait3A_379 = arith.constant 0 : i32
      %dma_wait3A_380 = tpu.memref_slice %arg11[%dma_wait3A_370, %dma_wait3A_378, %dma_wait3A_379] : memref<4x128x64xf32, #tpu.memory_space<vmem>> -> memref<1x128x64xf32, #tpu.memory_space<vmem>>
      %dma_wait3A_381 = tpu.memref_squeeze %dma_wait3A_380 : memref<1x128x64xf32, #tpu.memory_space<vmem>> -> memref<128x64xf32, #tpu.memory_space<vmem>>
      %dma_wait3A_382 = arith.constant 0 : i32
      %dma_wait3A_383 = arith.constant 0 : i32
      %dma_wait3A_384 = tpu.memref_slice %arg2[%dma_wait3A_382, %dma_wait3A_383] : memref<10240x64xf32, #tpu.memory_space<hbm>> -> memref<128x64xf32, #tpu.memory_space<hbm>>
      tpu.wait_dma2 semaphore(%arg15 : memref<!tpu.dma_semaphore, #tpu.memory_space<semaphore_mem>>) src(%dma_wait3A_384 : memref<128x64xf32, #tpu.memory_space<hbm>>) dst(%dma_wait3A_381 : memref<128x64xf32, #tpu.memory_space<vmem>>)
      %dma_start3A_385 = arith.constant 0 : i32
      %dma_start3A_386 = arith.constant 0 : i32
      %dma_start3A_387 = arith.constant 0 : i32
      %dma_start3A_388 = tpu.memref_slice %arg11[%dma_start3A_385, %dma_start3A_386, %dma_start3A_387] : memref<4x128x64xf32, #tpu.memory_space<vmem>> -> memref<1x128x64xf32, #tpu.memory_space<vmem>>
      %dma_start3A_389 = tpu.memref_squeeze %dma_start3A_388 : memref<1x128x64xf32, #tpu.memory_space<vmem>> -> memref<128x64xf32, #tpu.memory_space<vmem>>
      %dma_start3A_390 = arith.constant 0 : i32
      %dma_start3A_391 = tpu.memref_slice %arg10[%add3A_369, %dma_start3A_390] : memref<80x128xi32, #tpu.memory_space<vmem>> -> memref<1x128xi32, #tpu.memory_space<vmem>>
      %dma_start3A_392 = tpu.memref_squeeze %dma_start3A_391 : memref<1x128xi32, #tpu.memory_space<vmem>> -> memref<128xi32, #tpu.memory_space<vmem>>
      %dma_start3A_393 = arith.constant 0 : i32
      %dma_start3A_394 = arith.constant 0 : i32
      %dma_start3A_395 = tpu.memref_slice %arg13[%dma_start3A_393, %dma_start3A_394] : memref<10240x64xf32, #tpu.memory_space<vmem_shared>> -> memref<10240x64xf32, #tpu.memory_space<vmem_shared>>
      tpu.enqueue_indirect_dma source(%dma_start3A_389 : memref<128x64xf32, #tpu.memory_space<vmem>>) target(%dma_start3A_395 : memref<10240x64xf32, #tpu.memory_space<vmem_shared>>) offsets(%dma_start3A_392 : memref<128xi32, #tpu.memory_space<vmem>>) semaphore(%arg19 : memref<!tpu.dma_semaphore, #tpu.memory_space<semaphore_mem>>) {add = true}
      %dma_start3A_396 = arith.constant 0 : i32
      %dma_start3A_397 = tpu.memref_slice %arg10[%add3A_369, %dma_start3A_396] : memref<80x128xi32, #tpu.memory_space<vmem>> -> memref<1x128xi32, #tpu.memory_space<vmem>>
      %dma_start3A_398 = tpu.memref_squeeze %dma_start3A_397 : memref<1x128xi32, #tpu.memory_space<vmem>> -> memref<128xi32, #tpu.memory_space<vmem>>
      %dma_start3A_399 = arith.constant 0 : i32
      %dma_start3A_400 = tpu.memref_slice %arg14[%dma_start3A_399] : memref<10240xf32, #tpu.memory_space<vmem_shared>> -> memref<10240xf32, #tpu.memory_space<vmem_shared>>
      tpu.enqueue_indirect_dma source(%arg12 : memref<128xf32, #tpu.memory_space<vmem>>) target(%dma_start3A_400 : memref<10240xf32, #tpu.memory_space<vmem_shared>>) offsets(%dma_start3A_398 : memref<128xi32, #tpu.memory_space<vmem>>) semaphore(%arg23 : memref<!tpu.dma_semaphore, #tpu.memory_space<semaphore_mem>>) {add = true}
      %dma_wait3A_401 = arith.constant 2 : i32
      %dma_wait3A_402 = arith.constant 0 : i32
      %dma_wait3A_403 = arith.constant 0 : i32
      %dma_wait3A_404 = tpu.memref_slice %arg11[%dma_wait3A_401, %dma_wait3A_402, %dma_wait3A_403] : memref<4x128x64xf32, #tpu.memory_space<vmem>> -> memref<1x128x64xf32, #tpu.memory_space<vmem>>
      %dma_wait3A_405 = tpu.memref_squeeze %dma_wait3A_404 : memref<1x128x64xf32, #tpu.memory_space<vmem>> -> memref<128x64xf32, #tpu.memory_space<vmem>>
      %dma_wait3A_406 = arith.constant 0 : i32
      %dma_wait3A_407 = arith.constant 0 : i32
      %dma_wait3A_408 = tpu.memref_slice %arg13[%dma_wait3A_406, %dma_wait3A_407] : memref<10240x64xf32, #tpu.memory_space<vmem_shared>> -> memref<128x64xf32, #tpu.memory_space<vmem_shared>>
      %dma_wait3A_409 = arith.constant 0 : i32
      %dma_wait3A_410 = arith.constant 0 : i32
      %dma_wait3A_411 = tpu.memref_slice %arg13[%dma_wait3A_409, %dma_wait3A_410] : memref<10240x64xf32, #tpu.memory_space<vmem_shared>> -> memref<128x64xf32, #tpu.memory_space<vmem_shared>>
      %dma_wait3A_412 = arith.constant 0 : i32
      %dma_wait3A_413 = arith.constant 0 : i32
      %dma_wait3A_414 = tpu.memref_slice %arg11[%dma_wait3A_401, %dma_wait3A_412, %dma_wait3A_413] : memref<4x128x64xf32, #tpu.memory_space<vmem>> -> memref<1x128x64xf32, #tpu.memory_space<vmem>>
      %dma_wait3A_415 = tpu.memref_squeeze %dma_wait3A_414 : memref<1x128x64xf32, #tpu.memory_space<vmem>> -> memref<128x64xf32, #tpu.memory_space<vmem>>
      tpu.wait_dma2 semaphore(%arg21 : memref<!tpu.dma_semaphore, #tpu.memory_space<semaphore_mem>>) src(%dma_wait3A_415 : memref<128x64xf32, #tpu.memory_space<vmem>>) dst(%dma_wait3A_411 : memref<128x64xf32, #tpu.memory_space<vmem_shared>>)
      %dma_wait3A_416 = arith.constant 0 : i32
      %dma_wait3A_417 = tpu.memref_slice %arg14[%dma_wait3A_416] : memref<10240xf32, #tpu.memory_space<vmem_shared>> -> memref<128xf32, #tpu.memory_space<vmem_shared>>
      %dma_wait3A_418 = arith.constant 0 : i32
      %dma_wait3A_419 = tpu.memref_slice %arg14[%dma_wait3A_418] : memref<10240xf32, #tpu.memory_space<vmem_shared>> -> memref<128xf32, #tpu.memory_space<vmem_shared>>
      tpu.wait_dma2 semaphore(%arg23 : memref<!tpu.dma_semaphore, #tpu.memory_space<semaphore_mem>>) src(%arg12 : memref<128xf32, #tpu.memory_space<vmem>>) dst(%dma_wait3A_419 : memref<128xf32, #tpu.memory_space<vmem_shared>>)
      %add3A_420 = arith.constant 2 : i32
      %add3A_421 = arith.addi %add3A_369, %add3A_420 : i32
      %min3A = arith.constant 79 : i32
      %min3A_422 = arith.minsi %add3A_421, %min3A : i32
      %dma_start3A_423 = arith.constant 2 : i32
      %dma_start3A_424 = arith.constant 0 : i32
      %dma_start3A_425 = arith.constant 0 : i32
      %dma_start3A_426 = tpu.memref_slice %arg11[%dma_start3A_423, %dma_start3A_424, %dma_start3A_425] : memref<4x128x64xf32, #tpu.memory_space<vmem>> -> memref<1x128x64xf32, #tpu.memory_space<vmem>>
      %dma_start3A_427 = tpu.memref_squeeze %dma_start3A_426 : memref<1x128x64xf32, #tpu.memory_space<vmem>> -> memref<128x64xf32, #tpu.memory_space<vmem>>
      %dma_start3A_428 = arith.constant 0 : i32
      %dma_start3A_429 = tpu.memref_slice %arg9[%min3A_422, %dma_start3A_428] : memref<80x128xi32, #tpu.memory_space<vmem>> -> memref<1x128xi32, #tpu.memory_space<vmem>>
      %dma_start3A_430 = tpu.memref_squeeze %dma_start3A_429 : memref<1x128xi32, #tpu.memory_space<vmem>> -> memref<128xi32, #tpu.memory_space<vmem>>
      %dma_start3A_431 = arith.constant 0 : i32
      %dma_start3A_432 = arith.constant 0 : i32
      %dma_start3A_433 = tpu.memref_slice %arg2[%dma_start3A_431, %dma_start3A_432] : memref<10240x64xf32, #tpu.memory_space<hbm>> -> memref<10240x64xf32, #tpu.memory_space<hbm>>
      tpu.enqueue_indirect_dma source(%dma_start3A_433 : memref<10240x64xf32, #tpu.memory_space<hbm>>) target(%dma_start3A_427 : memref<128x64xf32, #tpu.memory_space<vmem>>) offsets(%dma_start3A_430 : memref<128xi32, #tpu.memory_space<vmem>>) semaphore(%arg17 : memref<!tpu.dma_semaphore, #tpu.memory_space<semaphore_mem>>)
      %mul3A_434 = arith.constant 4 : i32
      %mul3A_435 = arith.muli %mul3A_434, %scan3A_365 : i32
      %add3A_436 = arith.constant 1 : i32
      %add3A_437 = arith.addi %mul3A_435, %add3A_436 : i32
      %dma_wait3A_438 = arith.constant 1 : i32
      %dma_wait3A_439 = arith.constant 0 : i32
      %dma_wait3A_440 = arith.constant 0 : i32
      %dma_wait3A_441 = tpu.memref_slice %arg11[%dma_wait3A_438, %dma_wait3A_439, %dma_wait3A_440] : memref<4x128x64xf32, #tpu.memory_space<vmem>> -> memref<1x128x64xf32, #tpu.memory_space<vmem>>
      %dma_wait3A_442 = tpu.memref_squeeze %dma_wait3A_441 : memref<1x128x64xf32, #tpu.memory_space<vmem>> -> memref<128x64xf32, #tpu.memory_space<vmem>>
      %dma_wait3A_443 = arith.constant 0 : i32
      %dma_wait3A_444 = arith.constant 0 : i32
      %dma_wait3A_445 = tpu.memref_slice %arg2[%dma_wait3A_443, %dma_wait3A_444] : memref<10240x64xf32, #tpu.memory_space<hbm>> -> memref<128x64xf32, #tpu.memory_space<hbm>>
      %dma_wait3A_446 = arith.constant 0 : i32
      %dma_wait3A_447 = arith.constant 0 : i32
      %dma_wait3A_448 = tpu.memref_slice %arg11[%dma_wait3A_438, %dma_wait3A_446, %dma_wait3A_447] : memref<4x128x64xf32, #tpu.memory_space<vmem>> -> memref<1x128x64xf32, #tpu.memory_space<vmem>>
      %dma_wait3A_449 = tpu.memref_squeeze %dma_wait3A_448 : memref<1x128x64xf32, #tpu.memory_space<vmem>> -> memref<128x64xf32, #tpu.memory_space<vmem>>
      %dma_wait3A_450 = arith.constant 0 : i32
      %dma_wait3A_451 = arith.constant 0 : i32
      %dma_wait3A_452 = tpu.memref_slice %arg2[%dma_wait3A_450, %dma_wait3A_451] : memref<10240x64xf32, #tpu.memory_space<hbm>> -> memref<128x64xf32, #tpu.memory_space<hbm>>
      tpu.wait_dma2 semaphore(%arg16 : memref<!tpu.dma_semaphore, #tpu.memory_space<semaphore_mem>>) src(%dma_wait3A_452 : memref<128x64xf32, #tpu.memory_space<hbm>>) dst(%dma_wait3A_449 : memref<128x64xf32, #tpu.memory_space<vmem>>)
      %dma_start3A_453 = arith.constant 1 : i32
      %dma_start3A_454 = arith.constant 0 : i32
      %dma_start3A_455 = arith.constant 0 : i32
      %dma_start3A_456 = tpu.memref_slice %arg11[%dma_start3A_453, %dma_start3A_454, %dma_start3A_455] : memref<4x128x64xf32, #tpu.memory_space<vmem>> -> memref<1x128x64xf32, #tpu.memory_space<vmem>>
      %dma_start3A_457 = tpu.memref_squeeze %dma_start3A_456 : memref<1x128x64xf32, #tpu.memory_space<vmem>> -> memref<128x64xf32, #tpu.memory_space<vmem>>
      %dma_start3A_458 = arith.constant 0 : i32
      %dma_start3A_459 = tpu.memref_slice %arg10[%add3A_437, %dma_start3A_458] : memref<80x128xi32, #tpu.memory_space<vmem>> -> memref<1x128xi32, #tpu.memory_space<vmem>>
      %dma_start3A_460 = tpu.memref_squeeze %dma_start3A_459 : memref<1x128xi32, #tpu.memory_space<vmem>> -> memref<128xi32, #tpu.memory_space<vmem>>
      %dma_start3A_461 = arith.constant 0 : i32
      %dma_start3A_462 = arith.constant 0 : i32
      %dma_start3A_463 = tpu.memref_slice %arg13[%dma_start3A_461, %dma_start3A_462] : memref<10240x64xf32, #tpu.memory_space<vmem_shared>> -> memref<10240x64xf32, #tpu.memory_space<vmem_shared>>
      tpu.enqueue_indirect_dma source(%dma_start3A_457 : memref<128x64xf32, #tpu.memory_space<vmem>>) target(%dma_start3A_463 : memref<10240x64xf32, #tpu.memory_space<vmem_shared>>) offsets(%dma_start3A_460 : memref<128xi32, #tpu.memory_space<vmem>>) semaphore(%arg20 : memref<!tpu.dma_semaphore, #tpu.memory_space<semaphore_mem>>) {add = true}
      %dma_start3A_464 = arith.constant 0 : i32
      %dma_start3A_465 = tpu.memref_slice %arg10[%add3A_437, %dma_start3A_464] : memref<80x128xi32, #tpu.memory_space<vmem>> -> memref<1x128xi32, #tpu.memory_space<vmem>>
      %dma_start3A_466 = tpu.memref_squeeze %dma_start3A_465 : memref<1x128xi32, #tpu.memory_space<vmem>> -> memref<128xi32, #tpu.memory_space<vmem>>
      %dma_start3A_467 = arith.constant 0 : i32
      %dma_start3A_468 = tpu.memref_slice %arg14[%dma_start3A_467] : memref<10240xf32, #tpu.memory_space<vmem_shared>> -> memref<10240xf32, #tpu.memory_space<vmem_shared>>
      tpu.enqueue_indirect_dma source(%arg12 : memref<128xf32, #tpu.memory_space<vmem>>) target(%dma_start3A_468 : memref<10240xf32, #tpu.memory_space<vmem_shared>>) offsets(%dma_start3A_466 : memref<128xi32, #tpu.memory_space<vmem>>) semaphore(%arg23 : memref<!tpu.dma_semaphore, #tpu.memory_space<semaphore_mem>>) {add = true}
      %dma_wait3A_469 = arith.constant 3 : i32
      %dma_wait3A_470 = arith.constant 0 : i32
      %dma_wait3A_471 = arith.constant 0 : i32
      %dma_wait3A_472 = tpu.memref_slice %arg11[%dma_wait3A_469, %dma_wait3A_470, %dma_wait3A_471] : memref<4x128x64xf32, #tpu.memory_space<vmem>> -> memref<1x128x64xf32, #tpu.memory_space<vmem>>
      %dma_wait3A_473 = tpu.memref_squeeze %dma_wait3A_472 : memref<1x128x64xf32, #tpu.memory_space<vmem>> -> memref<128x64xf32, #tpu.memory_space<vmem>>
      %dma_wait3A_474 = arith.constant 0 : i32
      %dma_wait3A_475 = arith.constant 0 : i32
      %dma_wait3A_476 = tpu.memref_slice %arg13[%dma_wait3A_474, %dma_wait3A_475] : memref<10240x64xf32, #tpu.memory_space<vmem_shared>> -> memref<128x64xf32, #tpu.memory_space<vmem_shared>>
      %dma_wait3A_477 = arith.constant 0 : i32
      %dma_wait3A_478 = arith.constant 0 : i32
      %dma_wait3A_479 = tpu.memref_slice %arg13[%dma_wait3A_477, %dma_wait3A_478] : memref<10240x64xf32, #tpu.memory_space<vmem_shared>> -> memref<128x64xf32, #tpu.memory_space<vmem_shared>>
      %dma_wait3A_480 = arith.constant 0 : i32
      %dma_wait3A_481 = arith.constant 0 : i32
      %dma_wait3A_482 = tpu.memref_slice %arg11[%dma_wait3A_469, %dma_wait3A_480, %dma_wait3A_481] : memref<4x128x64xf32, #tpu.memory_space<vmem>> -> memref<1x128x64xf32, #tpu.memory_space<vmem>>
      %dma_wait3A_483 = tpu.memref_squeeze %dma_wait3A_482 : memref<1x128x64xf32, #tpu.memory_space<vmem>> -> memref<128x64xf32, #tpu.memory_space<vmem>>
      tpu.wait_dma2 semaphore(%arg22 : memref<!tpu.dma_semaphore, #tpu.memory_space<semaphore_mem>>) src(%dma_wait3A_483 : memref<128x64xf32, #tpu.memory_space<vmem>>) dst(%dma_wait3A_479 : memref<128x64xf32, #tpu.memory_space<vmem_shared>>)
      %dma_wait3A_484 = arith.constant 0 : i32
      %dma_wait3A_485 = tpu.memref_slice %arg14[%dma_wait3A_484] : memref<10240xf32, #tpu.memory_space<vmem_shared>> -> memref<128xf32, #tpu.memory_space<vmem_shared>>
      %dma_wait3A_486 = arith.constant 0 : i32
      %dma_wait3A_487 = tpu.memref_slice %arg14[%dma_wait3A_486] : memref<10240xf32, #tpu.memory_space<vmem_shared>> -> memref<128xf32, #tpu.memory_space<vmem_shared>>
      tpu.wait_dma2 semaphore(%arg23 : memref<!tpu.dma_semaphore, #tpu.memory_space<semaphore_mem>>) src(%arg12 : memref<128xf32, #tpu.memory_space<vmem>>) dst(%dma_wait3A_487 : memref<128xf32, #tpu.memory_space<vmem_shared>>)
      %add3A_488 = arith.constant 2 : i32
      %add3A_489 = arith.addi %add3A_437, %add3A_488 : i32
      %min3A_490 = arith.constant 79 : i32
      %min3A_491 = arith.minsi %add3A_489, %min3A_490 : i32
      %dma_start3A_492 = arith.constant 3 : i32
      %dma_start3A_493 = arith.constant 0 : i32
      %dma_start3A_494 = arith.constant 0 : i32
      %dma_start3A_495 = tpu.memref_slice %arg11[%dma_start3A_492, %dma_start3A_493, %dma_start3A_494] : memref<4x128x64xf32, #tpu.memory_space<vmem>> -> memref<1x128x64xf32, #tpu.memory_space<vmem>>
      %dma_start3A_496 = tpu.memref_squeeze %dma_start3A_495 : memref<1x128x64xf32, #tpu.memory_space<vmem>> -> memref<128x64xf32, #tpu.memory_space<vmem>>
      %dma_start3A_497 = arith.constant 0 : i32
      %dma_start3A_498 = tpu.memref_slice %arg9[%min3A_491, %dma_start3A_497] : memref<80x128xi32, #tpu.memory_space<vmem>> -> memref<1x128xi32, #tpu.memory_space<vmem>>
      %dma_start3A_499 = tpu.memref_squeeze %dma_start3A_498 : memref<1x128xi32, #tpu.memory_space<vmem>> -> memref<128xi32, #tpu.memory_space<vmem>>
      %dma_start3A_500 = arith.constant 0 : i32
      %dma_start3A_501 = arith.constant 0 : i32
      %dma_start3A_502 = tpu.memref_slice %arg2[%dma_start3A_500, %dma_start3A_501] : memref<10240x64xf32, #tpu.memory_space<hbm>> -> memref<10240x64xf32, #tpu.memory_space<hbm>>
      tpu.enqueue_indirect_dma source(%dma_start3A_502 : memref<10240x64xf32, #tpu.memory_space<hbm>>) target(%dma_start3A_496 : memref<128x64xf32, #tpu.memory_space<vmem>>) offsets(%dma_start3A_499 : memref<128xi32, #tpu.memory_space<vmem>>) semaphore(%arg18 : memref<!tpu.dma_semaphore, #tpu.memory_space<semaphore_mem>>)
      %mul3A_503 = arith.constant 4 : i32
      %mul3A_504 = arith.muli %mul3A_503, %scan3A_365 : i32
      %add3A_505 = arith.constant 2 : i32
      %add3A_506 = arith.addi %mul3A_504, %add3A_505 : i32
      %dma_wait3A_507 = arith.constant 2 : i32
      %dma_wait3A_508 = arith.constant 0 : i32
      %dma_wait3A_509 = arith.constant 0 : i32
      %dma_wait3A_510 = tpu.memref_slice %arg11[%dma_wait3A_507, %dma_wait3A_508, %dma_wait3A_509] : memref<4x128x64xf32, #tpu.memory_space<vmem>> -> memref<1x128x64xf32, #tpu.memory_space<vmem>>
      %dma_wait3A_511 = tpu.memref_squeeze %dma_wait3A_510 : memref<1x128x64xf32, #tpu.memory_space<vmem>> -> memref<128x64xf32, #tpu.memory_space<vmem>>
      %dma_wait3A_512 = arith.constant 0 : i32
      %dma_wait3A_513 = arith.constant 0 : i32
      %dma_wait3A_514 = tpu.memref_slice %arg2[%dma_wait3A_512, %dma_wait3A_513] : memref<10240x64xf32, #tpu.memory_space<hbm>> -> memref<128x64xf32, #tpu.memory_space<hbm>>
      %dma_wait3A_515 = arith.constant 0 : i32
      %dma_wait3A_516 = arith.constant 0 : i32
      %dma_wait3A_517 = tpu.memref_slice %arg11[%dma_wait3A_507, %dma_wait3A_515, %dma_wait3A_516] : memref<4x128x64xf32, #tpu.memory_space<vmem>> -> memref<1x128x64xf32, #tpu.memory_space<vmem>>
      %dma_wait3A_518 = tpu.memref_squeeze %dma_wait3A_517 : memref<1x128x64xf32, #tpu.memory_space<vmem>> -> memref<128x64xf32, #tpu.memory_space<vmem>>
      %dma_wait3A_519 = arith.constant 0 : i32
      %dma_wait3A_520 = arith.constant 0 : i32
      %dma_wait3A_521 = tpu.memref_slice %arg2[%dma_wait3A_519, %dma_wait3A_520] : memref<10240x64xf32, #tpu.memory_space<hbm>> -> memref<128x64xf32, #tpu.memory_space<hbm>>
      tpu.wait_dma2 semaphore(%arg17 : memref<!tpu.dma_semaphore, #tpu.memory_space<semaphore_mem>>) src(%dma_wait3A_521 : memref<128x64xf32, #tpu.memory_space<hbm>>) dst(%dma_wait3A_518 : memref<128x64xf32, #tpu.memory_space<vmem>>)
      %dma_start3A_522 = arith.constant 2 : i32
      %dma_start3A_523 = arith.constant 0 : i32
      %dma_start3A_524 = arith.constant 0 : i32
      %dma_start3A_525 = tpu.memref_slice %arg11[%dma_start3A_522, %dma_start3A_523, %dma_start3A_524] : memref<4x128x64xf32, #tpu.memory_space<vmem>> -> memref<1x128x64xf32, #tpu.memory_space<vmem>>
      %dma_start3A_526 = tpu.memref_squeeze %dma_start3A_525 : memref<1x128x64xf32, #tpu.memory_space<vmem>> -> memref<128x64xf32, #tpu.memory_space<vmem>>
      %dma_start3A_527 = arith.constant 0 : i32
      %dma_start3A_528 = tpu.memref_slice %arg10[%add3A_506, %dma_start3A_527] : memref<80x128xi32, #tpu.memory_space<vmem>> -> memref<1x128xi32, #tpu.memory_space<vmem>>
      %dma_start3A_529 = tpu.memref_squeeze %dma_start3A_528 : memref<1x128xi32, #tpu.memory_space<vmem>> -> memref<128xi32, #tpu.memory_space<vmem>>
      %dma_start3A_530 = arith.constant 0 : i32
      %dma_start3A_531 = arith.constant 0 : i32
      %dma_start3A_532 = tpu.memref_slice %arg13[%dma_start3A_530, %dma_start3A_531] : memref<10240x64xf32, #tpu.memory_space<vmem_shared>> -> memref<10240x64xf32, #tpu.memory_space<vmem_shared>>
      tpu.enqueue_indirect_dma source(%dma_start3A_526 : memref<128x64xf32, #tpu.memory_space<vmem>>) target(%dma_start3A_532 : memref<10240x64xf32, #tpu.memory_space<vmem_shared>>) offsets(%dma_start3A_529 : memref<128xi32, #tpu.memory_space<vmem>>) semaphore(%arg21 : memref<!tpu.dma_semaphore, #tpu.memory_space<semaphore_mem>>) {add = true}
      %dma_start3A_533 = arith.constant 0 : i32
      %dma_start3A_534 = tpu.memref_slice %arg10[%add3A_506, %dma_start3A_533] : memref<80x128xi32, #tpu.memory_space<vmem>> -> memref<1x128xi32, #tpu.memory_space<vmem>>
      %dma_start3A_535 = tpu.memref_squeeze %dma_start3A_534 : memref<1x128xi32, #tpu.memory_space<vmem>> -> memref<128xi32, #tpu.memory_space<vmem>>
      %dma_start3A_536 = arith.constant 0 : i32
      %dma_start3A_537 = tpu.memref_slice %arg14[%dma_start3A_536] : memref<10240xf32, #tpu.memory_space<vmem_shared>> -> memref<10240xf32, #tpu.memory_space<vmem_shared>>
      tpu.enqueue_indirect_dma source(%arg12 : memref<128xf32, #tpu.memory_space<vmem>>) target(%dma_start3A_537 : memref<10240xf32, #tpu.memory_space<vmem_shared>>) offsets(%dma_start3A_535 : memref<128xi32, #tpu.memory_space<vmem>>) semaphore(%arg23 : memref<!tpu.dma_semaphore, #tpu.memory_space<semaphore_mem>>) {add = true}
      %dma_wait3A_538 = arith.constant 0 : i32
      %dma_wait3A_539 = arith.constant 0 : i32
      %dma_wait3A_540 = arith.constant 0 : i32
      %dma_wait3A_541 = tpu.memref_slice %arg11[%dma_wait3A_538, %dma_wait3A_539, %dma_wait3A_540] : memref<4x128x64xf32, #tpu.memory_space<vmem>> -> memref<1x128x64xf32, #tpu.memory_space<vmem>>
      %dma_wait3A_542 = tpu.memref_squeeze %dma_wait3A_541 : memref<1x128x64xf32, #tpu.memory_space<vmem>> -> memref<128x64xf32, #tpu.memory_space<vmem>>
      %dma_wait3A_543 = arith.constant 0 : i32
      %dma_wait3A_544 = arith.constant 0 : i32
      %dma_wait3A_545 = tpu.memref_slice %arg13[%dma_wait3A_543, %dma_wait3A_544] : memref<10240x64xf32, #tpu.memory_space<vmem_shared>> -> memref<128x64xf32, #tpu.memory_space<vmem_shared>>
      %dma_wait3A_546 = arith.constant 0 : i32
      %dma_wait3A_547 = arith.constant 0 : i32
      %dma_wait3A_548 = tpu.memref_slice %arg13[%dma_wait3A_546, %dma_wait3A_547] : memref<10240x64xf32, #tpu.memory_space<vmem_shared>> -> memref<128x64xf32, #tpu.memory_space<vmem_shared>>
      %dma_wait3A_549 = arith.constant 0 : i32
      %dma_wait3A_550 = arith.constant 0 : i32
      %dma_wait3A_551 = tpu.memref_slice %arg11[%dma_wait3A_538, %dma_wait3A_549, %dma_wait3A_550] : memref<4x128x64xf32, #tpu.memory_space<vmem>> -> memref<1x128x64xf32, #tpu.memory_space<vmem>>
      %dma_wait3A_552 = tpu.memref_squeeze %dma_wait3A_551 : memref<1x128x64xf32, #tpu.memory_space<vmem>> -> memref<128x64xf32, #tpu.memory_space<vmem>>
      tpu.wait_dma2 semaphore(%arg19 : memref<!tpu.dma_semaphore, #tpu.memory_space<semaphore_mem>>) src(%dma_wait3A_552 : memref<128x64xf32, #tpu.memory_space<vmem>>) dst(%dma_wait3A_548 : memref<128x64xf32, #tpu.memory_space<vmem_shared>>)
      %dma_wait3A_553 = arith.constant 0 : i32
      %dma_wait3A_554 = tpu.memref_slice %arg14[%dma_wait3A_553] : memref<10240xf32, #tpu.memory_space<vmem_shared>> -> memref<128xf32, #tpu.memory_space<vmem_shared>>
      %dma_wait3A_555 = arith.constant 0 : i32
      %dma_wait3A_556 = tpu.memref_slice %arg14[%dma_wait3A_555] : memref<10240xf32, #tpu.memory_space<vmem_shared>> -> memref<128xf32, #tpu.memory_space<vmem_shared>>
      tpu.wait_dma2 semaphore(%arg23 : memref<!tpu.dma_semaphore, #tpu.memory_space<semaphore_mem>>) src(%arg12 : memref<128xf32, #tpu.memory_space<vmem>>) dst(%dma_wait3A_556 : memref<128xf32, #tpu.memory_space<vmem_shared>>)
      %add3A_557 = arith.constant 2 : i32
      %add3A_558 = arith.addi %add3A_506, %add3A_557 : i32
      %min3A_559 = arith.constant 79 : i32
      %min3A_560 = arith.minsi %add3A_558, %min3A_559 : i32
      %dma_start3A_561 = arith.constant 0 : i32
      %dma_start3A_562 = arith.constant 0 : i32
      %dma_start3A_563 = arith.constant 0 : i32
      %dma_start3A_564 = tpu.memref_slice %arg11[%dma_start3A_561, %dma_start3A_562, %dma_start3A_563] : memref<4x128x64xf32, #tpu.memory_space<vmem>> -> memref<1x128x64xf32, #tpu.memory_space<vmem>>
      %dma_start3A_565 = tpu.memref_squeeze %dma_start3A_564 : memref<1x128x64xf32, #tpu.memory_space<vmem>> -> memref<128x64xf32, #tpu.memory_space<vmem>>
      %dma_start3A_566 = arith.constant 0 : i32
      %dma_start3A_567 = tpu.memref_slice %arg9[%min3A_560, %dma_start3A_566] : memref<80x128xi32, #tpu.memory_space<vmem>> -> memref<1x128xi32, #tpu.memory_space<vmem>>
      %dma_start3A_568 = tpu.memref_squeeze %dma_start3A_567 : memref<1x128xi32, #tpu.memory_space<vmem>> -> memref<128xi32, #tpu.memory_space<vmem>>
      %dma_start3A_569 = arith.constant 0 : i32
      %dma_start3A_570 = arith.constant 0 : i32
      %dma_start3A_571 = tpu.memref_slice %arg2[%dma_start3A_569, %dma_start3A_570] : memref<10240x64xf32, #tpu.memory_space<hbm>> -> memref<10240x64xf32, #tpu.memory_space<hbm>>
      tpu.enqueue_indirect_dma source(%dma_start3A_571 : memref<10240x64xf32, #tpu.memory_space<hbm>>) target(%dma_start3A_565 : memref<128x64xf32, #tpu.memory_space<vmem>>) offsets(%dma_start3A_568 : memref<128xi32, #tpu.memory_space<vmem>>) semaphore(%arg15 : memref<!tpu.dma_semaphore, #tpu.memory_space<semaphore_mem>>)
      %mul3A_572 = arith.constant 4 : i32
      %mul3A_573 = arith.muli %mul3A_572, %scan3A_365 : i32
      %add3A_574 = arith.constant 3 : i32
      %add3A_575 = arith.addi %mul3A_573, %add3A_574 : i32
      %dma_wait3A_576 = arith.constant 3 : i32
      %dma_wait3A_577 = arith.constant 0 : i32
      %dma_wait3A_578 = arith.constant 0 : i32
      %dma_wait3A_579 = tpu.memref_slice %arg11[%dma_wait3A_576, %dma_wait3A_577, %dma_wait3A_578] : memref<4x128x64xf32, #tpu.memory_space<vmem>> -> memref<1x128x64xf32, #tpu.memory_space<vmem>>
      %dma_wait3A_580 = tpu.memref_squeeze %dma_wait3A_579 : memref<1x128x64xf32, #tpu.memory_space<vmem>> -> memref<128x64xf32, #tpu.memory_space<vmem>>
      %dma_wait3A_581 = arith.constant 0 : i32
      %dma_wait3A_582 = arith.constant 0 : i32
      %dma_wait3A_583 = tpu.memref_slice %arg2[%dma_wait3A_581, %dma_wait3A_582] : memref<10240x64xf32, #tpu.memory_space<hbm>> -> memref<128x64xf32, #tpu.memory_space<hbm>>
      %dma_wait3A_584 = arith.constant 0 : i32
      %dma_wait3A_585 = arith.constant 0 : i32
      %dma_wait3A_586 = tpu.memref_slice %arg11[%dma_wait3A_576, %dma_wait3A_584, %dma_wait3A_585] : memref<4x128x64xf32, #tpu.memory_space<vmem>> -> memref<1x128x64xf32, #tpu.memory_space<vmem>>
      %dma_wait3A_587 = tpu.memref_squeeze %dma_wait3A_586 : memref<1x128x64xf32, #tpu.memory_space<vmem>> -> memref<128x64xf32, #tpu.memory_space<vmem>>
      %dma_wait3A_588 = arith.constant 0 : i32
      %dma_wait3A_589 = arith.constant 0 : i32
      %dma_wait3A_590 = tpu.memref_slice %arg2[%dma_wait3A_588, %dma_wait3A_589] : memref<10240x64xf32, #tpu.memory_space<hbm>> -> memref<128x64xf32, #tpu.memory_space<hbm>>
      tpu.wait_dma2 semaphore(%arg18 : memref<!tpu.dma_semaphore, #tpu.memory_space<semaphore_mem>>) src(%dma_wait3A_590 : memref<128x64xf32, #tpu.memory_space<hbm>>) dst(%dma_wait3A_587 : memref<128x64xf32, #tpu.memory_space<vmem>>)
      %dma_start3A_591 = arith.constant 3 : i32
      %dma_start3A_592 = arith.constant 0 : i32
      %dma_start3A_593 = arith.constant 0 : i32
      %dma_start3A_594 = tpu.memref_slice %arg11[%dma_start3A_591, %dma_start3A_592, %dma_start3A_593] : memref<4x128x64xf32, #tpu.memory_space<vmem>> -> memref<1x128x64xf32, #tpu.memory_space<vmem>>
      %dma_start3A_595 = tpu.memref_squeeze %dma_start3A_594 : memref<1x128x64xf32, #tpu.memory_space<vmem>> -> memref<128x64xf32, #tpu.memory_space<vmem>>
      %dma_start3A_596 = arith.constant 0 : i32
      %dma_start3A_597 = tpu.memref_slice %arg10[%add3A_575, %dma_start3A_596] : memref<80x128xi32, #tpu.memory_space<vmem>> -> memref<1x128xi32, #tpu.memory_space<vmem>>
      %dma_start3A_598 = tpu.memref_squeeze %dma_start3A_597 : memref<1x128xi32, #tpu.memory_space<vmem>> -> memref<128xi32, #tpu.memory_space<vmem>>
      %dma_start3A_599 = arith.constant 0 : i32
      %dma_start3A_600 = arith.constant 0 : i32
      %dma_start3A_601 = tpu.memref_slice %arg13[%dma_start3A_599, %dma_start3A_600] : memref<10240x64xf32, #tpu.memory_space<vmem_shared>> -> memref<10240x64xf32, #tpu.memory_space<vmem_shared>>
      tpu.enqueue_indirect_dma source(%dma_start3A_595 : memref<128x64xf32, #tpu.memory_space<vmem>>) target(%dma_start3A_601 : memref<10240x64xf32, #tpu.memory_space<vmem_shared>>) offsets(%dma_start3A_598 : memref<128xi32, #tpu.memory_space<vmem>>) semaphore(%arg22 : memref<!tpu.dma_semaphore, #tpu.memory_space<semaphore_mem>>) {add = true}
      %dma_start3A_602 = arith.constant 0 : i32
      %dma_start3A_603 = tpu.memref_slice %arg10[%add3A_575, %dma_start3A_602] : memref<80x128xi32, #tpu.memory_space<vmem>> -> memref<1x128xi32, #tpu.memory_space<vmem>>
      %dma_start3A_604 = tpu.memref_squeeze %dma_start3A_603 : memref<1x128xi32, #tpu.memory_space<vmem>> -> memref<128xi32, #tpu.memory_space<vmem>>
      %dma_start3A_605 = arith.constant 0 : i32
      %dma_start3A_606 = tpu.memref_slice %arg14[%dma_start3A_605] : memref<10240xf32, #tpu.memory_space<vmem_shared>> -> memref<10240xf32, #tpu.memory_space<vmem_shared>>
      tpu.enqueue_indirect_dma source(%arg12 : memref<128xf32, #tpu.memory_space<vmem>>) target(%dma_start3A_606 : memref<10240xf32, #tpu.memory_space<vmem_shared>>) offsets(%dma_start3A_604 : memref<128xi32, #tpu.memory_space<vmem>>) semaphore(%arg23 : memref<!tpu.dma_semaphore, #tpu.memory_space<semaphore_mem>>) {add = true}
      %dma_wait3A_607 = arith.constant 1 : i32
      %dma_wait3A_608 = arith.constant 0 : i32
      %dma_wait3A_609 = arith.constant 0 : i32
      %dma_wait3A_610 = tpu.memref_slice %arg11[%dma_wait3A_607, %dma_wait3A_608, %dma_wait3A_609] : memref<4x128x64xf32, #tpu.memory_space<vmem>> -> memref<1x128x64xf32, #tpu.memory_space<vmem>>
      %dma_wait3A_611 = tpu.memref_squeeze %dma_wait3A_610 : memref<1x128x64xf32, #tpu.memory_space<vmem>> -> memref<128x64xf32, #tpu.memory_space<vmem>>
      %dma_wait3A_612 = arith.constant 0 : i32
      %dma_wait3A_613 = arith.constant 0 : i32
      %dma_wait3A_614 = tpu.memref_slice %arg13[%dma_wait3A_612, %dma_wait3A_613] : memref<10240x64xf32, #tpu.memory_space<vmem_shared>> -> memref<128x64xf32, #tpu.memory_space<vmem_shared>>
      %dma_wait3A_615 = arith.constant 0 : i32
      %dma_wait3A_616 = arith.constant 0 : i32
      %dma_wait3A_617 = tpu.memref_slice %arg13[%dma_wait3A_615, %dma_wait3A_616] : memref<10240x64xf32, #tpu.memory_space<vmem_shared>> -> memref<128x64xf32, #tpu.memory_space<vmem_shared>>
      %dma_wait3A_618 = arith.constant 0 : i32
      %dma_wait3A_619 = arith.constant 0 : i32
      %dma_wait3A_620 = tpu.memref_slice %arg11[%dma_wait3A_607, %dma_wait3A_618, %dma_wait3A_619] : memref<4x128x64xf32, #tpu.memory_space<vmem>> -> memref<1x128x64xf32, #tpu.memory_space<vmem>>
      %dma_wait3A_621 = tpu.memref_squeeze %dma_wait3A_620 : memref<1x128x64xf32, #tpu.memory_space<vmem>> -> memref<128x64xf32, #tpu.memory_space<vmem>>
      tpu.wait_dma2 semaphore(%arg20 : memref<!tpu.dma_semaphore, #tpu.memory_space<semaphore_mem>>) src(%dma_wait3A_621 : memref<128x64xf32, #tpu.memory_space<vmem>>) dst(%dma_wait3A_617 : memref<128x64xf32, #tpu.memory_space<vmem_shared>>)
      %dma_wait3A_622 = arith.constant 0 : i32
      %dma_wait3A_623 = tpu.memref_slice %arg14[%dma_wait3A_622] : memref<10240xf32, #tpu.memory_space<vmem_shared>> -> memref<128xf32, #tpu.memory_space<vmem_shared>>
      %dma_wait3A_624 = arith.constant 0 : i32
      %dma_wait3A_625 = tpu.memref_slice %arg14[%dma_wait3A_624] : memref<10240xf32, #tpu.memory_space<vmem_shared>> -> memref<128xf32, #tpu.memory_space<vmem_shared>>
      tpu.wait_dma2 semaphore(%arg23 : memref<!tpu.dma_semaphore, #tpu.memory_space<semaphore_mem>>) src(%arg12 : memref<128xf32, #tpu.memory_space<vmem>>) dst(%dma_wait3A_625 : memref<128xf32, #tpu.memory_space<vmem_shared>>)
      %add3A_626 = arith.constant 2 : i32
      %add3A_627 = arith.addi %add3A_575, %add3A_626 : i32
      %min3A_628 = arith.constant 79 : i32
      %min3A_629 = arith.minsi %add3A_627, %min3A_628 : i32
      %dma_start3A_630 = arith.constant 1 : i32
      %dma_start3A_631 = arith.constant 0 : i32
      %dma_start3A_632 = arith.constant 0 : i32
      %dma_start3A_633 = tpu.memref_slice %arg11[%dma_start3A_630, %dma_start3A_631, %dma_start3A_632] : memref<4x128x64xf32, #tpu.memory_space<vmem>> -> memref<1x128x64xf32, #tpu.memory_space<vmem>>
      %dma_start3A_634 = tpu.memref_squeeze %dma_start3A_633 : memref<1x128x64xf32, #tpu.memory_space<vmem>> -> memref<128x64xf32, #tpu.memory_space<vmem>>
      %dma_start3A_635 = arith.constant 0 : i32
      %dma_start3A_636 = tpu.memref_slice %arg9[%min3A_629, %dma_start3A_635] : memref<80x128xi32, #tpu.memory_space<vmem>> -> memref<1x128xi32, #tpu.memory_space<vmem>>
      %dma_start3A_637 = tpu.memref_squeeze %dma_start3A_636 : memref<1x128xi32, #tpu.memory_space<vmem>> -> memref<128xi32, #tpu.memory_space<vmem>>
      %dma_start3A_638 = arith.constant 0 : i32
      %dma_start3A_639 = arith.constant 0 : i32
      %dma_start3A_640 = tpu.memref_slice %arg2[%dma_start3A_638, %dma_start3A_639] : memref<10240x64xf32, #tpu.memory_space<hbm>> -> memref<10240x64xf32, #tpu.memory_space<hbm>>
      tpu.enqueue_indirect_dma source(%dma_start3A_640 : memref<10240x64xf32, #tpu.memory_space<hbm>>) target(%dma_start3A_634 : memref<128x64xf32, #tpu.memory_space<vmem>>) offsets(%dma_start3A_637 : memref<128xi32, #tpu.memory_space<vmem>>) semaphore(%arg16 : memref<!tpu.dma_semaphore, #tpu.memory_space<semaphore_mem>>)
    }
    %scan3A_287 = arith.constant 19 : i32
    %dma_wait3A_288 = arith.constant 0 : i32
    %dma_wait3A_289 = arith.constant 0 : i32
    %dma_wait3A_290 = arith.constant 0 : i32
    %dma_wait3A_291 = tpu.memref_slice %arg11[%dma_wait3A_288, %dma_wait3A_289, %dma_wait3A_290] : memref<4x128x64xf32, #tpu.memory_space<vmem>> -> memref<1x128x64xf32, #tpu.memory_space<vmem>>
    %dma_wait3A_292 = tpu.memref_squeeze %dma_wait3A_291 : memref<1x128x64xf32, #tpu.memory_space<vmem>> -> memref<128x64xf32, #tpu.memory_space<vmem>>
    %dma_wait3A_293 = arith.constant 0 : i32
    %dma_wait3A_294 = arith.constant 0 : i32
    %dma_wait3A_295 = tpu.memref_slice %arg2[%dma_wait3A_293, %dma_wait3A_294] : memref<10240x64xf32, #tpu.memory_space<hbm>> -> memref<128x64xf32, #tpu.memory_space<hbm>>
    %dma_wait3A_296 = arith.constant 0 : i32
    %dma_wait3A_297 = arith.constant 0 : i32
    %dma_wait3A_298 = tpu.memref_slice %arg11[%dma_wait3A_288, %dma_wait3A_296, %dma_wait3A_297] : memref<4x128x64xf32, #tpu.memory_space<vmem>> -> memref<1x128x64xf32, #tpu.memory_space<vmem>>
    %dma_wait3A_299 = tpu.memref_squeeze %dma_wait3A_298 : memref<1x128x64xf32, #tpu.memory_space<vmem>> -> memref<128x64xf32, #tpu.memory_space<vmem>>
    %dma_wait3A_300 = arith.constant 0 : i32
    %dma_wait3A_301 = arith.constant 0 : i32
    %dma_wait3A_302 = tpu.memref_slice %arg2[%dma_wait3A_300, %dma_wait3A_301] : memref<10240x64xf32, #tpu.memory_space<hbm>> -> memref<128x64xf32, #tpu.memory_space<hbm>>
    tpu.wait_dma2 semaphore(%arg15 : memref<!tpu.dma_semaphore, #tpu.memory_space<semaphore_mem>>) src(%dma_wait3A_302 : memref<128x64xf32, #tpu.memory_space<hbm>>) dst(%dma_wait3A_299 : memref<128x64xf32, #tpu.memory_space<vmem>>)
    %dma_wait3A_303 = arith.constant 1 : i32
    %dma_wait3A_304 = arith.constant 0 : i32
    %dma_wait3A_305 = arith.constant 0 : i32
    %dma_wait3A_306 = tpu.memref_slice %arg11[%dma_wait3A_303, %dma_wait3A_304, %dma_wait3A_305] : memref<4x128x64xf32, #tpu.memory_space<vmem>> -> memref<1x128x64xf32, #tpu.memory_space<vmem>>
    %dma_wait3A_307 = tpu.memref_squeeze %dma_wait3A_306 : memref<1x128x64xf32, #tpu.memory_space<vmem>> -> memref<128x64xf32, #tpu.memory_space<vmem>>
    %dma_wait3A_308 = arith.constant 0 : i32
    %dma_wait3A_309 = arith.constant 0 : i32
    %dma_wait3A_310 = tpu.memref_slice %arg2[%dma_wait3A_308, %dma_wait3A_309] : memref<10240x64xf32, #tpu.memory_space<hbm>> -> memref<128x64xf32, #tpu.memory_space<hbm>>
    %dma_wait3A_311 = arith.constant 0 : i32
    %dma_wait3A_312 = arith.constant 0 : i32
    %dma_wait3A_313 = tpu.memref_slice %arg11[%dma_wait3A_303, %dma_wait3A_311, %dma_wait3A_312] : memref<4x128x64xf32, #tpu.memory_space<vmem>> -> memref<1x128x64xf32, #tpu.memory_space<vmem>>
    %dma_wait3A_314 = tpu.memref_squeeze %dma_wait3A_313 : memref<1x128x64xf32, #tpu.memory_space<vmem>> -> memref<128x64xf32, #tpu.memory_space<vmem>>
    %dma_wait3A_315 = arith.constant 0 : i32
    %dma_wait3A_316 = arith.constant 0 : i32
    %dma_wait3A_317 = tpu.memref_slice %arg2[%dma_wait3A_315, %dma_wait3A_316] : memref<10240x64xf32, #tpu.memory_space<hbm>> -> memref<128x64xf32, #tpu.memory_space<hbm>>
    tpu.wait_dma2 semaphore(%arg16 : memref<!tpu.dma_semaphore, #tpu.memory_space<semaphore_mem>>) src(%dma_wait3A_317 : memref<128x64xf32, #tpu.memory_space<hbm>>) dst(%dma_wait3A_314 : memref<128x64xf32, #tpu.memory_space<vmem>>)
    %dma_wait3A_318 = arith.constant 2 : i32
    %dma_wait3A_319 = arith.constant 0 : i32
    %dma_wait3A_320 = arith.constant 0 : i32
    %dma_wait3A_321 = tpu.memref_slice %arg11[%dma_wait3A_318, %dma_wait3A_319, %dma_wait3A_320] : memref<4x128x64xf32, #tpu.memory_space<vmem>> -> memref<1x128x64xf32, #tpu.memory_space<vmem>>
    %dma_wait3A_322 = tpu.memref_squeeze %dma_wait3A_321 : memref<1x128x64xf32, #tpu.memory_space<vmem>> -> memref<128x64xf32, #tpu.memory_space<vmem>>
    %dma_wait3A_323 = arith.constant 0 : i32
    %dma_wait3A_324 = arith.constant 0 : i32
    %dma_wait3A_325 = tpu.memref_slice %arg13[%dma_wait3A_323, %dma_wait3A_324] : memref<10240x64xf32, #tpu.memory_space<vmem_shared>> -> memref<128x64xf32, #tpu.memory_space<vmem_shared>>
    %dma_wait3A_326 = arith.constant 0 : i32
    %dma_wait3A_327 = arith.constant 0 : i32
    %dma_wait3A_328 = tpu.memref_slice %arg13[%dma_wait3A_326, %dma_wait3A_327] : memref<10240x64xf32, #tpu.memory_space<vmem_shared>> -> memref<128x64xf32, #tpu.memory_space<vmem_shared>>
    %dma_wait3A_329 = arith.constant 0 : i32
    %dma_wait3A_330 = arith.constant 0 : i32
    %dma_wait3A_331 = tpu.memref_slice %arg11[%dma_wait3A_318, %dma_wait3A_329, %dma_wait3A_330] : memref<4x128x64xf32, #tpu.memory_space<vmem>> -> memref<1x128x64xf32, #tpu.memory_space<vmem>>
    %dma_wait3A_332 = tpu.memref_squeeze %dma_wait3A_331 : memref<1x128x64xf32, #tpu.memory_space<vmem>> -> memref<128x64xf32, #tpu.memory_space<vmem>>
    tpu.wait_dma2 semaphore(%arg21 : memref<!tpu.dma_semaphore, #tpu.memory_space<semaphore_mem>>) src(%dma_wait3A_332 : memref<128x64xf32, #tpu.memory_space<vmem>>) dst(%dma_wait3A_328 : memref<128x64xf32, #tpu.memory_space<vmem_shared>>)
    %dma_wait3A_333 = arith.constant 3 : i32
    %dma_wait3A_334 = arith.constant 0 : i32
    %dma_wait3A_335 = arith.constant 0 : i32
    %dma_wait3A_336 = tpu.memref_slice %arg11[%dma_wait3A_333, %dma_wait3A_334, %dma_wait3A_335] : memref<4x128x64xf32, #tpu.memory_space<vmem>> -> memref<1x128x64xf32, #tpu.memory_space<vmem>>
    %dma_wait3A_337 = tpu.memref_squeeze %dma_wait3A_336 : memref<1x128x64xf32, #tpu.memory_space<vmem>> -> memref<128x64xf32, #tpu.memory_space<vmem>>
    %dma_wait3A_338 = arith.constant 0 : i32
    %dma_wait3A_339 = arith.constant 0 : i32
    %dma_wait3A_340 = tpu.memref_slice %arg13[%dma_wait3A_338, %dma_wait3A_339] : memref<10240x64xf32, #tpu.memory_space<vmem_shared>> -> memref<128x64xf32, #tpu.memory_space<vmem_shared>>
    %dma_wait3A_341 = arith.constant 0 : i32
    %dma_wait3A_342 = arith.constant 0 : i32
    %dma_wait3A_343 = tpu.memref_slice %arg13[%dma_wait3A_341, %dma_wait3A_342] : memref<10240x64xf32, #tpu.memory_space<vmem_shared>> -> memref<128x64xf32, #tpu.memory_space<vmem_shared>>
    %dma_wait3A_344 = arith.constant 0 : i32
    %dma_wait3A_345 = arith.constant 0 : i32
    %dma_wait3A_346 = tpu.memref_slice %arg11[%dma_wait3A_333, %dma_wait3A_344, %dma_wait3A_345] : memref<4x128x64xf32, #tpu.memory_space<vmem>> -> memref<1x128x64xf32, #tpu.memory_space<vmem>>
    %dma_wait3A_347 = tpu.memref_squeeze %dma_wait3A_346 : memref<1x128x64xf32, #tpu.memory_space<vmem>> -> memref<128x64xf32, #tpu.memory_space<vmem>>
    tpu.wait_dma2 semaphore(%arg22 : memref<!tpu.dma_semaphore, #tpu.memory_space<semaphore_mem>>) src(%dma_wait3A_347 : memref<128x64xf32, #tpu.memory_space<vmem>>) dst(%dma_wait3A_343 : memref<128x64xf32, #tpu.memory_space<vmem_shared>>)
    %dma_wait3A_348 = arith.constant 0 : i32
    %dma_wait3A_349 = tpu.memref_slice %arg14[%dma_wait3A_348] : memref<10240xf32, #tpu.memory_space<vmem_shared>> -> memref<128xf32, #tpu.memory_space<vmem_shared>>
    %dma_wait3A_350 = arith.constant 0 : i32
    %dma_wait3A_351 = tpu.memref_slice %arg14[%dma_wait3A_350] : memref<10240xf32, #tpu.memory_space<vmem_shared>> -> memref<128xf32, #tpu.memory_space<vmem_shared>>
    tpu.wait_dma2 semaphore(%arg23 : memref<!tpu.dma_semaphore, #tpu.memory_space<semaphore_mem>>) src(%arg12 : memref<128xf32, #tpu.memory_space<vmem>>) dst(%dma_wait3A_351 : memref<128xf32, #tpu.memory_space<vmem_shared>>)
    %dma_wait3A_352 = arith.constant 0 : i32
    %dma_wait3A_353 = tpu.memref_slice %arg14[%dma_wait3A_352] : memref<10240xf32, #tpu.memory_space<vmem_shared>> -> memref<128xf32, #tpu.memory_space<vmem_shared>>
    %dma_wait3A_354 = arith.constant 0 : i32
    %dma_wait3A_355 = tpu.memref_slice %arg14[%dma_wait3A_354] : memref<10240xf32, #tpu.memory_space<vmem_shared>> -> memref<128xf32, #tpu.memory_space<vmem_shared>>
    tpu.wait_dma2 semaphore(%arg23 : memref<!tpu.dma_semaphore, #tpu.memory_space<semaphore_mem>>) src(%arg12 : memref<128xf32, #tpu.memory_space<vmem>>) dst(%dma_wait3A_355 : memref<128xf32, #tpu.memory_space<vmem_shared>>)
    %dma_wait3A_356 = arith.constant 0 : i32
    %dma_wait3A_357 = tpu.memref_slice %arg14[%dma_wait3A_356] : memref<10240xf32, #tpu.memory_space<vmem_shared>> -> memref<128xf32, #tpu.memory_space<vmem_shared>>
    %dma_wait3A_358 = arith.constant 0 : i32
    %dma_wait3A_359 = tpu.memref_slice %arg14[%dma_wait3A_358] : memref<10240xf32, #tpu.memory_space<vmem_shared>> -> memref<128xf32, #tpu.memory_space<vmem_shared>>
    tpu.wait_dma2 semaphore(%arg23 : memref<!tpu.dma_semaphore, #tpu.memory_space<semaphore_mem>>) src(%arg12 : memref<128xf32, #tpu.memory_space<vmem>>) dst(%dma_wait3A_359 : memref<128xf32, #tpu.memory_space<vmem_shared>>)
    %dma_wait3A_360 = arith.constant 0 : i32
    %dma_wait3A_361 = tpu.memref_slice %arg14[%dma_wait3A_360] : memref<10240xf32, #tpu.memory_space<vmem_shared>> -> memref<128xf32, #tpu.memory_space<vmem_shared>>
    %dma_wait3A_362 = arith.constant 0 : i32
    %dma_wait3A_363 = tpu.memref_slice %arg14[%dma_wait3A_362] : memref<10240xf32, #tpu.memory_space<vmem_shared>> -> memref<128xf32, #tpu.memory_space<vmem_shared>>
    tpu.wait_dma2 semaphore(%arg23 : memref<!tpu.dma_semaphore, #tpu.memory_space<semaphore_mem>>) src(%arg12 : memref<128xf32, #tpu.memory_space<vmem>>) dst(%dma_wait3A_363 : memref<128xf32, #tpu.memory_space<vmem_shared>>)
    %barrier3A_364 = arith.constant 0 : index
    tpu.barrier barrier_id(%barrier3A_364)
    "tpu.region"() ({
      %run_scoped3A = tpu.sem_alloc : memref<!tpu.dma_semaphore, #tpu.memory_space<semaphore_mem>>
      %dma_start3A_365 = arith.constant 0 : i32
      %dma_start3A_366 = arith.constant 0 : i32
      %dma_start3A_367 = tpu.memref_slice %arg7[%arg0, %arg1, %dma_start3A_365, %dma_start3A_366] : memref<2x16x640x64xf32, #tpu.memory_space<hbm>> -> memref<1x1x640x64xf32, #tpu.memory_space<hbm>>
      %dma_start3A_368 = tpu.memref_squeeze %dma_start3A_367 : memref<1x1x640x64xf32, #tpu.memory_space<hbm>> -> memref<640x64xf32, #tpu.memory_space<hbm>>
      %dma_start3A_369 = arith.constant 0 : i32
      %dma_start3A_370 = tpu.memref_slice %arg13[%mul3A_0, %dma_start3A_369] : memref<10240x64xf32, #tpu.memory_space<vmem_shared>> -> memref<640x64xf32, #tpu.memory_space<vmem_shared>>
      tpu.enqueue_dma source(%dma_start3A_370 : memref<640x64xf32, #tpu.memory_space<vmem_shared>>) target(%dma_start3A_368 : memref<640x64xf32, #tpu.memory_space<hbm>>) target_semaphore(%run_scoped3A : memref<!tpu.dma_semaphore, #tpu.memory_space<semaphore_mem>>)
      %dma_wait3A_371 = arith.constant 0 : i32
      %dma_wait3A_372 = arith.constant 0 : i32
      %dma_wait3A_373 = tpu.memref_slice %arg7[%arg0, %arg1, %dma_wait3A_371, %dma_wait3A_372] : memref<2x16x640x64xf32, #tpu.memory_space<hbm>> -> memref<1x1x640x64xf32, #tpu.memory_space<hbm>>
      %dma_wait3A_374 = tpu.memref_squeeze %dma_wait3A_373 : memref<1x1x640x64xf32, #tpu.memory_space<hbm>> -> memref<640x64xf32, #tpu.memory_space<hbm>>
      %dma_wait3A_375 = arith.constant 0 : i32
      %dma_wait3A_376 = tpu.memref_slice %arg13[%mul3A_0, %dma_wait3A_375] : memref<10240x64xf32, #tpu.memory_space<vmem_shared>> -> memref<640x64xf32, #tpu.memory_space<vmem_shared>>
      tpu.wait_dma2 semaphore(%run_scoped3A : memref<!tpu.dma_semaphore, #tpu.memory_space<semaphore_mem>>) src(%dma_wait3A_376 : memref<640x64xf32, #tpu.memory_space<vmem_shared>>) dst(%dma_wait3A_374 : memref<640x64xf32, #tpu.memory_space<hbm>>)
      tpu.yield
    }) : () -> ()
    "tpu.region"() ({
      %run_scoped3A = tpu.sem_alloc : memref<!tpu.dma_semaphore, #tpu.memory_space<semaphore_mem>>
      %dma_start3A_365 = arith.constant 0 : i32
      %dma_start3A_366 = tpu.memref_slice %arg8[%arg0, %arg1, %dma_start3A_365] : memref<2x16x640xf32, #tpu.memory_space<hbm>> -> memref<1x1x640xf32, #tpu.memory_space<hbm>>
      %dma_start3A_367 = tpu.memref_squeeze %dma_start3A_366 : memref<1x1x640xf32, #tpu.memory_space<hbm>> -> memref<640xf32, #tpu.memory_space<hbm>>
      %dma_start3A_368 = tpu.memref_slice %arg14[%mul3A_0] : memref<10240xf32, #tpu.memory_space<vmem_shared>> -> memref<640xf32, #tpu.memory_space<vmem_shared>>
      tpu.enqueue_dma source(%dma_start3A_368 : memref<640xf32, #tpu.memory_space<vmem_shared>>) target(%dma_start3A_367 : memref<640xf32, #tpu.memory_space<hbm>>) target_semaphore(%run_scoped3A : memref<!tpu.dma_semaphore, #tpu.memory_space<semaphore_mem>>)
      %dma_wait3A_369 = arith.constant 0 : i32
      %dma_wait3A_370 = tpu.memref_slice %arg8[%arg0, %arg1, %dma_wait3A_369] : memref<2x16x640xf32, #tpu.memory_space<hbm>> -> memref<1x1x640xf32, #tpu.memory_space<hbm>>
      %dma_wait3A_371 = tpu.memref_squeeze %dma_wait3A_370 : memref<1x1x640xf32, #tpu.memory_space<hbm>> -> memref<640xf32, #tpu.memory_space<hbm>>
      %dma_wait3A_372 = tpu.memref_slice %arg14[%mul3A_0] : memref<10240xf32, #tpu.memory_space<vmem_shared>> -> memref<640xf32, #tpu.memory_space<vmem_shared>>
      tpu.wait_dma2 semaphore(%run_scoped3A : memref<!tpu.dma_semaphore, #tpu.memory_space<semaphore_mem>>) src(%dma_wait3A_372 : memref<640xf32, #tpu.memory_space<vmem_shared>>) dst(%dma_wait3A_371 : memref<640xf32, #tpu.memory_space<hbm>>)
      tpu.yield
    }) : () -> ()
    return
  }
}

#map = affine_map<(d0, d1) -> (0, 0)>
#map1 = affine_map<(d0, d1) -> (0, 0, 0, 0)>
module attributes {stable_mosaic.version = 14 : i64} {
  func.func @_segsum_body(%arg0: i32, %arg1: i32, %arg2: memref<10240x64xf32, #tpu.memory_space<hbm>>, %arg3: memref<2560x128xi32, #tpu.memory_space<hbm>>, %arg4: memref<2560x128xi32, #tpu.memory_space<hbm>>, %arg5: memref<10240x64xf32, #tpu.memory_space<hbm>>, %arg6: memref<2x16x640x64xf32, #tpu.memory_space<hbm>>, %arg7: memref<80x128xi32, #tpu.memory_space<vmem>>, %arg8: memref<80x128xi32, #tpu.memory_space<vmem>>, %arg9: memref<4x128x64xf32, #tpu.memory_space<vmem>>, %arg10: memref<10240x64xf32, #tpu.memory_space<vmem_shared>>, %arg11: memref<!tpu.dma_semaphore, #tpu.memory_space<semaphore_mem>>, %arg12: memref<!tpu.dma_semaphore, #tpu.memory_space<semaphore_mem>>, %arg13: memref<!tpu.dma_semaphore, #tpu.memory_space<semaphore_mem>>, %arg14: memref<!tpu.dma_semaphore, #tpu.memory_space<semaphore_mem>>, %arg15: memref<!tpu.dma_semaphore, #tpu.memory_space<semaphore_mem>>, %arg16: memref<!tpu.dma_semaphore, #tpu.memory_space<semaphore_mem>>, %arg17: memref<!tpu.dma_semaphore, #tpu.memory_space<semaphore_mem>>, %arg18: memref<!tpu.dma_semaphore, #tpu.memory_space<semaphore_mem>>) attributes {dimension_semantics = [#tpu.dimension_semantics<core_parallel>, #tpu.dimension_semantics<subcore_parallel>], iteration_bounds = array<i64: 2, 16>, scalar_prefetch = 0 : i64, scratch_operands = 12 : i64, tpu.core_type = #tpu.core_type<sc_vector_subcore>, window_params = [{transform_indices = #map}, {transform_indices = #map}, {transform_indices = #map}, {transform_indices = #map}, {transform_indices = #map1}]} {
    %mul3A = arith.constant 640 : i32
    %mul3A_0 = arith.muli %arg1, %mul3A : i32
    "tpu.region"() ({
      %run_scoped3A = tpu.sem_alloc : memref<!tpu.dma_semaphore, #tpu.memory_space<semaphore_mem>>
      %dma_start3A_279 = arith.constant 0 : i32
      %dma_start3A_280 = tpu.memref_slice %arg10[%mul3A_0, %dma_start3A_279] : memref<10240x64xf32, #tpu.memory_space<vmem_shared>> -> memref<640x64xf32, #tpu.memory_space<vmem_shared>>
      %dma_start3A_281 = arith.constant 0 : i32
      %dma_start3A_282 = tpu.memref_slice %arg5[%mul3A_0, %dma_start3A_281] : memref<10240x64xf32, #tpu.memory_space<hbm>> -> memref<640x64xf32, #tpu.memory_space<hbm>>
      tpu.enqueue_dma source(%dma_start3A_282 : memref<640x64xf32, #tpu.memory_space<hbm>>) target(%dma_start3A_280 : memref<640x64xf32, #tpu.memory_space<vmem_shared>>) target_semaphore(%run_scoped3A : memref<!tpu.dma_semaphore, #tpu.memory_space<semaphore_mem>>)
      %dma_wait3A_283 = arith.constant 0 : i32
      %dma_wait3A_284 = tpu.memref_slice %arg10[%mul3A_0, %dma_wait3A_283] : memref<10240x64xf32, #tpu.memory_space<vmem_shared>> -> memref<640x64xf32, #tpu.memory_space<vmem_shared>>
      %dma_wait3A_285 = arith.constant 0 : i32
      %dma_wait3A_286 = tpu.memref_slice %arg5[%mul3A_0, %dma_wait3A_285] : memref<10240x64xf32, #tpu.memory_space<hbm>> -> memref<640x64xf32, #tpu.memory_space<hbm>>
      tpu.wait_dma2 semaphore(%run_scoped3A : memref<!tpu.dma_semaphore, #tpu.memory_space<semaphore_mem>>) src(%dma_wait3A_286 : memref<640x64xf32, #tpu.memory_space<hbm>>) dst(%dma_wait3A_284 : memref<640x64xf32, #tpu.memory_space<vmem_shared>>)
      tpu.yield
    }) : () -> ()
    %mul3A_1 = arith.constant 16 : i32
    %mul3A_2 = arith.muli %arg0, %mul3A_1 : i32
    %add3A = arith.addi %mul3A_2, %arg1 : i32
    %mul3A_3 = arith.constant 80 : i32
    %mul3A_4 = arith.muli %add3A, %mul3A_3 : i32
    "tpu.region"() ({
      %run_scoped3A = tpu.sem_alloc : memref<!tpu.dma_semaphore, #tpu.memory_space<semaphore_mem>>
      %dma_start3A_279 = arith.constant 0 : i32
      %dma_start3A_280 = tpu.memref_slice %arg3[%mul3A_4, %dma_start3A_279] : memref<2560x128xi32, #tpu.memory_space<hbm>> -> memref<80x128xi32, #tpu.memory_space<hbm>>
      %dma_start3A_281 = arith.constant 0 : i32
      %dma_start3A_282 = tpu.memref_slice %arg3[%mul3A_4, %dma_start3A_281] : memref<2560x128xi32, #tpu.memory_space<hbm>> -> memref<80x128xi32, #tpu.memory_space<hbm>>
      tpu.enqueue_dma source(%dma_start3A_282 : memref<80x128xi32, #tpu.memory_space<hbm>>) target(%arg7 : memref<80x128xi32, #tpu.memory_space<vmem>>) target_semaphore(%run_scoped3A : memref<!tpu.dma_semaphore, #tpu.memory_space<semaphore_mem>>)
      %dma_wait3A_283 = arith.constant 0 : i32
      %dma_wait3A_284 = tpu.memref_slice %arg3[%mul3A_4, %dma_wait3A_283] : memref<2560x128xi32, #tpu.memory_space<hbm>> -> memref<80x128xi32, #tpu.memory_space<hbm>>
      %dma_wait3A_285 = arith.constant 0 : i32
      %dma_wait3A_286 = tpu.memref_slice %arg3[%mul3A_4, %dma_wait3A_285] : memref<2560x128xi32, #tpu.memory_space<hbm>> -> memref<80x128xi32, #tpu.memory_space<hbm>>
      tpu.wait_dma2 semaphore(%run_scoped3A : memref<!tpu.dma_semaphore, #tpu.memory_space<semaphore_mem>>) src(%dma_wait3A_286 : memref<80x128xi32, #tpu.memory_space<hbm>>) dst(%arg7 : memref<80x128xi32, #tpu.memory_space<vmem>>)
      tpu.yield
    }) : () -> ()
    "tpu.region"() ({
      %run_scoped3A = tpu.sem_alloc : memref<!tpu.dma_semaphore, #tpu.memory_space<semaphore_mem>>
      %dma_start3A_279 = arith.constant 0 : i32
      %dma_start3A_280 = tpu.memref_slice %arg4[%mul3A_4, %dma_start3A_279] : memref<2560x128xi32, #tpu.memory_space<hbm>> -> memref<80x128xi32, #tpu.memory_space<hbm>>
      %dma_start3A_281 = arith.constant 0 : i32
      %dma_start3A_282 = tpu.memref_slice %arg4[%mul3A_4, %dma_start3A_281] : memref<2560x128xi32, #tpu.memory_space<hbm>> -> memref<80x128xi32, #tpu.memory_space<hbm>>
      tpu.enqueue_dma source(%dma_start3A_282 : memref<80x128xi32, #tpu.memory_space<hbm>>) target(%arg8 : memref<80x128xi32, #tpu.memory_space<vmem>>) target_semaphore(%run_scoped3A : memref<!tpu.dma_semaphore, #tpu.memory_space<semaphore_mem>>)
      %dma_wait3A_283 = arith.constant 0 : i32
      %dma_wait3A_284 = tpu.memref_slice %arg4[%mul3A_4, %dma_wait3A_283] : memref<2560x128xi32, #tpu.memory_space<hbm>> -> memref<80x128xi32, #tpu.memory_space<hbm>>
      %dma_wait3A_285 = arith.constant 0 : i32
      %dma_wait3A_286 = tpu.memref_slice %arg4[%mul3A_4, %dma_wait3A_285] : memref<2560x128xi32, #tpu.memory_space<hbm>> -> memref<80x128xi32, #tpu.memory_space<hbm>>
      tpu.wait_dma2 semaphore(%run_scoped3A : memref<!tpu.dma_semaphore, #tpu.memory_space<semaphore_mem>>) src(%dma_wait3A_286 : memref<80x128xi32, #tpu.memory_space<hbm>>) dst(%arg8 : memref<80x128xi32, #tpu.memory_space<vmem>>)
      tpu.yield
    }) : () -> ()
    %barrier3A = arith.constant 0 : index
    tpu.barrier barrier_id(%barrier3A)
    %dma_start3A = arith.constant 0 : i32
    %dma_start3A_5 = arith.constant 0 : i32
    %dma_start3A_6 = arith.constant 0 : i32
    %dma_start3A_7 = arith.constant 0 : i32
    %dma_start3A_8 = tpu.memref_slice %arg9[%dma_start3A_5, %dma_start3A_6, %dma_start3A_7] : memref<4x128x64xf32, #tpu.memory_space<vmem>> -> memref<1x128x64xf32, #tpu.memory_space<vmem>>
    %dma_start3A_9 = tpu.memref_squeeze %dma_start3A_8 : memref<1x128x64xf32, #tpu.memory_space<vmem>> -> memref<128x64xf32, #tpu.memory_space<vmem>>
    %dma_start3A_10 = arith.constant 0 : i32
    %dma_start3A_11 = tpu.memref_slice %arg7[%dma_start3A, %dma_start3A_10] : memref<80x128xi32, #tpu.memory_space<vmem>> -> memref<1x128xi32, #tpu.memory_space<vmem>>
    %dma_start3A_12 = tpu.memref_squeeze %dma_start3A_11 : memref<1x128xi32, #tpu.memory_space<vmem>> -> memref<128xi32, #tpu.memory_space<vmem>>
    %dma_start3A_13 = arith.constant 0 : i32
    %dma_start3A_14 = arith.constant 0 : i32
    %dma_start3A_15 = tpu.memref_slice %arg2[%dma_start3A_13, %dma_start3A_14] : memref<10240x64xf32, #tpu.memory_space<hbm>> -> memref<10240x64xf32, #tpu.memory_space<hbm>>
    tpu.enqueue_indirect_dma source(%dma_start3A_15 : memref<10240x64xf32, #tpu.memory_space<hbm>>) target(%dma_start3A_9 : memref<128x64xf32, #tpu.memory_space<vmem>>) offsets(%dma_start3A_12 : memref<128xi32, #tpu.memory_space<vmem>>) semaphore(%arg11 : memref<!tpu.dma_semaphore, #tpu.memory_space<semaphore_mem>>)
    %dma_start3A_16 = arith.constant 1 : i32
    %dma_start3A_17 = arith.constant 1 : i32
    %dma_start3A_18 = arith.constant 0 : i32
    %dma_start3A_19 = arith.constant 0 : i32
    %dma_start3A_20 = tpu.memref_slice %arg9[%dma_start3A_17, %dma_start3A_18, %dma_start3A_19] : memref<4x128x64xf32, #tpu.memory_space<vmem>> -> memref<1x128x64xf32, #tpu.memory_space<vmem>>
    %dma_start3A_21 = tpu.memref_squeeze %dma_start3A_20 : memref<1x128x64xf32, #tpu.memory_space<vmem>> -> memref<128x64xf32, #tpu.memory_space<vmem>>
    %dma_start3A_22 = arith.constant 0 : i32
    %dma_start3A_23 = tpu.memref_slice %arg7[%dma_start3A_16, %dma_start3A_22] : memref<80x128xi32, #tpu.memory_space<vmem>> -> memref<1x128xi32, #tpu.memory_space<vmem>>
    %dma_start3A_24 = tpu.memref_squeeze %dma_start3A_23 : memref<1x128xi32, #tpu.memory_space<vmem>> -> memref<128xi32, #tpu.memory_space<vmem>>
    %dma_start3A_25 = arith.constant 0 : i32
    %dma_start3A_26 = arith.constant 0 : i32
    %dma_start3A_27 = tpu.memref_slice %arg2[%dma_start3A_25, %dma_start3A_26] : memref<10240x64xf32, #tpu.memory_space<hbm>> -> memref<10240x64xf32, #tpu.memory_space<hbm>>
    tpu.enqueue_indirect_dma source(%dma_start3A_27 : memref<10240x64xf32, #tpu.memory_space<hbm>>) target(%dma_start3A_21 : memref<128x64xf32, #tpu.memory_space<vmem>>) offsets(%dma_start3A_24 : memref<128xi32, #tpu.memory_space<vmem>>) semaphore(%arg12 : memref<!tpu.dma_semaphore, #tpu.memory_space<semaphore_mem>>)
    %dma_wait3A = arith.constant 0 : i32
    %dma_wait3A_28 = arith.constant 0 : i32
    %dma_wait3A_29 = arith.constant 0 : i32
    %dma_wait3A_30 = tpu.memref_slice %arg9[%dma_wait3A, %dma_wait3A_28, %dma_wait3A_29] : memref<4x128x64xf32, #tpu.memory_space<vmem>> -> memref<1x128x64xf32, #tpu.memory_space<vmem>>
    %dma_wait3A_31 = tpu.memref_squeeze %dma_wait3A_30 : memref<1x128x64xf32, #tpu.memory_space<vmem>> -> memref<128x64xf32, #tpu.memory_space<vmem>>
    %dma_wait3A_32 = arith.constant 0 : i32
    %dma_wait3A_33 = arith.constant 0 : i32
    %dma_wait3A_34 = tpu.memref_slice %arg2[%dma_wait3A_32, %dma_wait3A_33] : memref<10240x64xf32, #tpu.memory_space<hbm>> -> memref<128x64xf32, #tpu.memory_space<hbm>>
    %dma_wait3A_35 = arith.constant 0 : i32
    %dma_wait3A_36 = arith.constant 0 : i32
    %dma_wait3A_37 = tpu.memref_slice %arg9[%dma_wait3A, %dma_wait3A_35, %dma_wait3A_36] : memref<4x128x64xf32, #tpu.memory_space<vmem>> -> memref<1x128x64xf32, #tpu.memory_space<vmem>>
    %dma_wait3A_38 = tpu.memref_squeeze %dma_wait3A_37 : memref<1x128x64xf32, #tpu.memory_space<vmem>> -> memref<128x64xf32, #tpu.memory_space<vmem>>
    %dma_wait3A_39 = arith.constant 0 : i32
    %dma_wait3A_40 = arith.constant 0 : i32
    %dma_wait3A_41 = tpu.memref_slice %arg2[%dma_wait3A_39, %dma_wait3A_40] : memref<10240x64xf32, #tpu.memory_space<hbm>> -> memref<128x64xf32, #tpu.memory_space<hbm>>
    tpu.wait_dma2 semaphore(%arg11 : memref<!tpu.dma_semaphore, #tpu.memory_space<semaphore_mem>>) src(%dma_wait3A_41 : memref<128x64xf32, #tpu.memory_space<hbm>>) dst(%dma_wait3A_38 : memref<128x64xf32, #tpu.memory_space<vmem>>)
    %dma_start3A_42 = arith.constant 0 : i32
    %dma_start3A_43 = arith.constant 0 : i32
    %dma_start3A_44 = arith.constant 0 : i32
    %dma_start3A_45 = arith.constant 0 : i32
    %dma_start3A_46 = tpu.memref_slice %arg9[%dma_start3A_42, %dma_start3A_44, %dma_start3A_45] : memref<4x128x64xf32, #tpu.memory_space<vmem>> -> memref<1x128x64xf32, #tpu.memory_space<vmem>>
    %dma_start3A_47 = tpu.memref_squeeze %dma_start3A_46 : memref<1x128x64xf32, #tpu.memory_space<vmem>> -> memref<128x64xf32, #tpu.memory_space<vmem>>
    %dma_start3A_48 = arith.constant 0 : i32
    %dma_start3A_49 = tpu.memref_slice %arg8[%dma_start3A_43, %dma_start3A_48] : memref<80x128xi32, #tpu.memory_space<vmem>> -> memref<1x128xi32, #tpu.memory_space<vmem>>
    %dma_start3A_50 = tpu.memref_squeeze %dma_start3A_49 : memref<1x128xi32, #tpu.memory_space<vmem>> -> memref<128xi32, #tpu.memory_space<vmem>>
    %dma_start3A_51 = arith.constant 0 : i32
    %dma_start3A_52 = arith.constant 0 : i32
    %dma_start3A_53 = tpu.memref_slice %arg10[%dma_start3A_51, %dma_start3A_52] : memref<10240x64xf32, #tpu.memory_space<vmem_shared>> -> memref<10240x64xf32, #tpu.memory_space<vmem_shared>>
    tpu.enqueue_indirect_dma source(%dma_start3A_47 : memref<128x64xf32, #tpu.memory_space<vmem>>) target(%dma_start3A_53 : memref<10240x64xf32, #tpu.memory_space<vmem_shared>>) offsets(%dma_start3A_50 : memref<128xi32, #tpu.memory_space<vmem>>) semaphore(%arg15 : memref<!tpu.dma_semaphore, #tpu.memory_space<semaphore_mem>>) {add = true}
    %dma_start3A_54 = arith.constant 2 : i32
    %dma_start3A_55 = arith.constant 2 : i32
    %dma_start3A_56 = arith.constant 0 : i32
    %dma_start3A_57 = arith.constant 0 : i32
    %dma_start3A_58 = tpu.memref_slice %arg9[%dma_start3A_55, %dma_start3A_56, %dma_start3A_57] : memref<4x128x64xf32, #tpu.memory_space<vmem>> -> memref<1x128x64xf32, #tpu.memory_space<vmem>>
    %dma_start3A_59 = tpu.memref_squeeze %dma_start3A_58 : memref<1x128x64xf32, #tpu.memory_space<vmem>> -> memref<128x64xf32, #tpu.memory_space<vmem>>
    %dma_start3A_60 = arith.constant 0 : i32
    %dma_start3A_61 = tpu.memref_slice %arg7[%dma_start3A_54, %dma_start3A_60] : memref<80x128xi32, #tpu.memory_space<vmem>> -> memref<1x128xi32, #tpu.memory_space<vmem>>
    %dma_start3A_62 = tpu.memref_squeeze %dma_start3A_61 : memref<1x128xi32, #tpu.memory_space<vmem>> -> memref<128xi32, #tpu.memory_space<vmem>>
    %dma_start3A_63 = arith.constant 0 : i32
    %dma_start3A_64 = arith.constant 0 : i32
    %dma_start3A_65 = tpu.memref_slice %arg2[%dma_start3A_63, %dma_start3A_64] : memref<10240x64xf32, #tpu.memory_space<hbm>> -> memref<10240x64xf32, #tpu.memory_space<hbm>>
    tpu.enqueue_indirect_dma source(%dma_start3A_65 : memref<10240x64xf32, #tpu.memory_space<hbm>>) target(%dma_start3A_59 : memref<128x64xf32, #tpu.memory_space<vmem>>) offsets(%dma_start3A_62 : memref<128xi32, #tpu.memory_space<vmem>>) semaphore(%arg13 : memref<!tpu.dma_semaphore, #tpu.memory_space<semaphore_mem>>)
    %dma_wait3A_66 = arith.constant 1 : i32
    %dma_wait3A_67 = arith.constant 0 : i32
    %dma_wait3A_68 = arith.constant 0 : i32
    %dma_wait3A_69 = tpu.memref_slice %arg9[%dma_wait3A_66, %dma_wait3A_67, %dma_wait3A_68] : memref<4x128x64xf32, #tpu.memory_space<vmem>> -> memref<1x128x64xf32, #tpu.memory_space<vmem>>
    %dma_wait3A_70 = tpu.memref_squeeze %dma_wait3A_69 : memref<1x128x64xf32, #tpu.memory_space<vmem>> -> memref<128x64xf32, #tpu.memory_space<vmem>>
    %dma_wait3A_71 = arith.constant 0 : i32
    %dma_wait3A_72 = arith.constant 0 : i32
    %dma_wait3A_73 = tpu.memref_slice %arg2[%dma_wait3A_71, %dma_wait3A_72] : memref<10240x64xf32, #tpu.memory_space<hbm>> -> memref<128x64xf32, #tpu.memory_space<hbm>>
    %dma_wait3A_74 = arith.constant 0 : i32
    %dma_wait3A_75 = arith.constant 0 : i32
    %dma_wait3A_76 = tpu.memref_slice %arg9[%dma_wait3A_66, %dma_wait3A_74, %dma_wait3A_75] : memref<4x128x64xf32, #tpu.memory_space<vmem>> -> memref<1x128x64xf32, #tpu.memory_space<vmem>>
    %dma_wait3A_77 = tpu.memref_squeeze %dma_wait3A_76 : memref<1x128x64xf32, #tpu.memory_space<vmem>> -> memref<128x64xf32, #tpu.memory_space<vmem>>
    %dma_wait3A_78 = arith.constant 0 : i32
    %dma_wait3A_79 = arith.constant 0 : i32
    %dma_wait3A_80 = tpu.memref_slice %arg2[%dma_wait3A_78, %dma_wait3A_79] : memref<10240x64xf32, #tpu.memory_space<hbm>> -> memref<128x64xf32, #tpu.memory_space<hbm>>
    tpu.wait_dma2 semaphore(%arg12 : memref<!tpu.dma_semaphore, #tpu.memory_space<semaphore_mem>>) src(%dma_wait3A_80 : memref<128x64xf32, #tpu.memory_space<hbm>>) dst(%dma_wait3A_77 : memref<128x64xf32, #tpu.memory_space<vmem>>)
    %dma_start3A_81 = arith.constant 1 : i32
    %dma_start3A_82 = arith.constant 1 : i32
    %dma_start3A_83 = arith.constant 0 : i32
    %dma_start3A_84 = arith.constant 0 : i32
    %dma_start3A_85 = tpu.memref_slice %arg9[%dma_start3A_81, %dma_start3A_83, %dma_start3A_84] : memref<4x128x64xf32, #tpu.memory_space<vmem>> -> memref<1x128x64xf32, #tpu.memory_space<vmem>>
    %dma_start3A_86 = tpu.memref_squeeze %dma_start3A_85 : memref<1x128x64xf32, #tpu.memory_space<vmem>> -> memref<128x64xf32, #tpu.memory_space<vmem>>
    %dma_start3A_87 = arith.constant 0 : i32
    %dma_start3A_88 = tpu.memref_slice %arg8[%dma_start3A_82, %dma_start3A_87] : memref<80x128xi32, #tpu.memory_space<vmem>> -> memref<1x128xi32, #tpu.memory_space<vmem>>
    %dma_start3A_89 = tpu.memref_squeeze %dma_start3A_88 : memref<1x128xi32, #tpu.memory_space<vmem>> -> memref<128xi32, #tpu.memory_space<vmem>>
    %dma_start3A_90 = arith.constant 0 : i32
    %dma_start3A_91 = arith.constant 0 : i32
    %dma_start3A_92 = tpu.memref_slice %arg10[%dma_start3A_90, %dma_start3A_91] : memref<10240x64xf32, #tpu.memory_space<vmem_shared>> -> memref<10240x64xf32, #tpu.memory_space<vmem_shared>>
    tpu.enqueue_indirect_dma source(%dma_start3A_86 : memref<128x64xf32, #tpu.memory_space<vmem>>) target(%dma_start3A_92 : memref<10240x64xf32, #tpu.memory_space<vmem_shared>>) offsets(%dma_start3A_89 : memref<128xi32, #tpu.memory_space<vmem>>) semaphore(%arg16 : memref<!tpu.dma_semaphore, #tpu.memory_space<semaphore_mem>>) {add = true}
    %dma_start3A_93 = arith.constant 3 : i32
    %dma_start3A_94 = arith.constant 3 : i32
    %dma_start3A_95 = arith.constant 0 : i32
    %dma_start3A_96 = arith.constant 0 : i32
    %dma_start3A_97 = tpu.memref_slice %arg9[%dma_start3A_94, %dma_start3A_95, %dma_start3A_96] : memref<4x128x64xf32, #tpu.memory_space<vmem>> -> memref<1x128x64xf32, #tpu.memory_space<vmem>>
    %dma_start3A_98 = tpu.memref_squeeze %dma_start3A_97 : memref<1x128x64xf32, #tpu.memory_space<vmem>> -> memref<128x64xf32, #tpu.memory_space<vmem>>
    %dma_start3A_99 = arith.constant 0 : i32
    %dma_start3A_100 = tpu.memref_slice %arg7[%dma_start3A_93, %dma_start3A_99] : memref<80x128xi32, #tpu.memory_space<vmem>> -> memref<1x128xi32, #tpu.memory_space<vmem>>
    %dma_start3A_101 = tpu.memref_squeeze %dma_start3A_100 : memref<1x128xi32, #tpu.memory_space<vmem>> -> memref<128xi32, #tpu.memory_space<vmem>>
    %dma_start3A_102 = arith.constant 0 : i32
    %dma_start3A_103 = arith.constant 0 : i32
    %dma_start3A_104 = tpu.memref_slice %arg2[%dma_start3A_102, %dma_start3A_103] : memref<10240x64xf32, #tpu.memory_space<hbm>> -> memref<10240x64xf32, #tpu.memory_space<hbm>>
    tpu.enqueue_indirect_dma source(%dma_start3A_104 : memref<10240x64xf32, #tpu.memory_space<hbm>>) target(%dma_start3A_98 : memref<128x64xf32, #tpu.memory_space<vmem>>) offsets(%dma_start3A_101 : memref<128xi32, #tpu.memory_space<vmem>>) semaphore(%arg14 : memref<!tpu.dma_semaphore, #tpu.memory_space<semaphore_mem>>)
    %dma_wait3A_105 = arith.constant 2 : i32
    %dma_wait3A_106 = arith.constant 0 : i32
    %dma_wait3A_107 = arith.constant 0 : i32
    %dma_wait3A_108 = tpu.memref_slice %arg9[%dma_wait3A_105, %dma_wait3A_106, %dma_wait3A_107] : memref<4x128x64xf32, #tpu.memory_space<vmem>> -> memref<1x128x64xf32, #tpu.memory_space<vmem>>
    %dma_wait3A_109 = tpu.memref_squeeze %dma_wait3A_108 : memref<1x128x64xf32, #tpu.memory_space<vmem>> -> memref<128x64xf32, #tpu.memory_space<vmem>>
    %dma_wait3A_110 = arith.constant 0 : i32
    %dma_wait3A_111 = arith.constant 0 : i32
    %dma_wait3A_112 = tpu.memref_slice %arg2[%dma_wait3A_110, %dma_wait3A_111] : memref<10240x64xf32, #tpu.memory_space<hbm>> -> memref<128x64xf32, #tpu.memory_space<hbm>>
    %dma_wait3A_113 = arith.constant 0 : i32
    %dma_wait3A_114 = arith.constant 0 : i32
    %dma_wait3A_115 = tpu.memref_slice %arg9[%dma_wait3A_105, %dma_wait3A_113, %dma_wait3A_114] : memref<4x128x64xf32, #tpu.memory_space<vmem>> -> memref<1x128x64xf32, #tpu.memory_space<vmem>>
    %dma_wait3A_116 = tpu.memref_squeeze %dma_wait3A_115 : memref<1x128x64xf32, #tpu.memory_space<vmem>> -> memref<128x64xf32, #tpu.memory_space<vmem>>
    %dma_wait3A_117 = arith.constant 0 : i32
    %dma_wait3A_118 = arith.constant 0 : i32
    %dma_wait3A_119 = tpu.memref_slice %arg2[%dma_wait3A_117, %dma_wait3A_118] : memref<10240x64xf32, #tpu.memory_space<hbm>> -> memref<128x64xf32, #tpu.memory_space<hbm>>
    tpu.wait_dma2 semaphore(%arg13 : memref<!tpu.dma_semaphore, #tpu.memory_space<semaphore_mem>>) src(%dma_wait3A_119 : memref<128x64xf32, #tpu.memory_space<hbm>>) dst(%dma_wait3A_116 : memref<128x64xf32, #tpu.memory_space<vmem>>)
    %dma_start3A_120 = arith.constant 2 : i32
    %dma_start3A_121 = arith.constant 2 : i32
    %dma_start3A_122 = arith.constant 0 : i32
    %dma_start3A_123 = arith.constant 0 : i32
    %dma_start3A_124 = tpu.memref_slice %arg9[%dma_start3A_120, %dma_start3A_122, %dma_start3A_123] : memref<4x128x64xf32, #tpu.memory_space<vmem>> -> memref<1x128x64xf32, #tpu.memory_space<vmem>>
    %dma_start3A_125 = tpu.memref_squeeze %dma_start3A_124 : memref<1x128x64xf32, #tpu.memory_space<vmem>> -> memref<128x64xf32, #tpu.memory_space<vmem>>
    %dma_start3A_126 = arith.constant 0 : i32
    %dma_start3A_127 = tpu.memref_slice %arg8[%dma_start3A_121, %dma_start3A_126] : memref<80x128xi32, #tpu.memory_space<vmem>> -> memref<1x128xi32, #tpu.memory_space<vmem>>
    %dma_start3A_128 = tpu.memref_squeeze %dma_start3A_127 : memref<1x128xi32, #tpu.memory_space<vmem>> -> memref<128xi32, #tpu.memory_space<vmem>>
    %dma_start3A_129 = arith.constant 0 : i32
    %dma_start3A_130 = arith.constant 0 : i32
    %dma_start3A_131 = tpu.memref_slice %arg10[%dma_start3A_129, %dma_start3A_130] : memref<10240x64xf32, #tpu.memory_space<vmem_shared>> -> memref<10240x64xf32, #tpu.memory_space<vmem_shared>>
    tpu.enqueue_indirect_dma source(%dma_start3A_125 : memref<128x64xf32, #tpu.memory_space<vmem>>) target(%dma_start3A_131 : memref<10240x64xf32, #tpu.memory_space<vmem_shared>>) offsets(%dma_start3A_128 : memref<128xi32, #tpu.memory_space<vmem>>) semaphore(%arg17 : memref<!tpu.dma_semaphore, #tpu.memory_space<semaphore_mem>>) {add = true}
    %dma_wait3A_132 = arith.constant 0 : i32
    %dma_wait3A_133 = arith.constant 0 : i32
    %dma_wait3A_134 = arith.constant 0 : i32
    %dma_wait3A_135 = tpu.memref_slice %arg9[%dma_wait3A_132, %dma_wait3A_133, %dma_wait3A_134] : memref<4x128x64xf32, #tpu.memory_space<vmem>> -> memref<1x128x64xf32, #tpu.memory_space<vmem>>
    %dma_wait3A_136 = tpu.memref_squeeze %dma_wait3A_135 : memref<1x128x64xf32, #tpu.memory_space<vmem>> -> memref<128x64xf32, #tpu.memory_space<vmem>>
    %dma_wait3A_137 = arith.constant 0 : i32
    %dma_wait3A_138 = arith.constant 0 : i32
    %dma_wait3A_139 = tpu.memref_slice %arg10[%dma_wait3A_137, %dma_wait3A_138] : memref<10240x64xf32, #tpu.memory_space<vmem_shared>> -> memref<128x64xf32, #tpu.memory_space<vmem_shared>>
    %dma_wait3A_140 = arith.constant 0 : i32
    %dma_wait3A_141 = arith.constant 0 : i32
    %dma_wait3A_142 = tpu.memref_slice %arg10[%dma_wait3A_140, %dma_wait3A_141] : memref<10240x64xf32, #tpu.memory_space<vmem_shared>> -> memref<128x64xf32, #tpu.memory_space<vmem_shared>>
    %dma_wait3A_143 = arith.constant 0 : i32
    %dma_wait3A_144 = arith.constant 0 : i32
    %dma_wait3A_145 = tpu.memref_slice %arg9[%dma_wait3A_132, %dma_wait3A_143, %dma_wait3A_144] : memref<4x128x64xf32, #tpu.memory_space<vmem>> -> memref<1x128x64xf32, #tpu.memory_space<vmem>>
    %dma_wait3A_146 = tpu.memref_squeeze %dma_wait3A_145 : memref<1x128x64xf32, #tpu.memory_space<vmem>> -> memref<128x64xf32, #tpu.memory_space<vmem>>
    tpu.wait_dma2 semaphore(%arg15 : memref<!tpu.dma_semaphore, #tpu.memory_space<semaphore_mem>>) src(%dma_wait3A_146 : memref<128x64xf32, #tpu.memory_space<vmem>>) dst(%dma_wait3A_142 : memref<128x64xf32, #tpu.memory_space<vmem_shared>>)
    %dma_start3A_147 = arith.constant 4 : i32
    %dma_start3A_148 = arith.constant 0 : i32
    %dma_start3A_149 = arith.constant 0 : i32
    %dma_start3A_150 = arith.constant 0 : i32
    %dma_start3A_151 = tpu.memref_slice %arg9[%dma_start3A_148, %dma_start3A_149, %dma_start3A_150] : memref<4x128x64xf32, #tpu.memory_space<vmem>> -> memref<1x128x64xf32, #tpu.memory_space<vmem>>
    %dma_start3A_152 = tpu.memref_squeeze %dma_start3A_151 : memref<1x128x64xf32, #tpu.memory_space<vmem>> -> memref<128x64xf32, #tpu.memory_space<vmem>>
    %dma_start3A_153 = arith.constant 0 : i32
    %dma_start3A_154 = tpu.memref_slice %arg7[%dma_start3A_147, %dma_start3A_153] : memref<80x128xi32, #tpu.memory_space<vmem>> -> memref<1x128xi32, #tpu.memory_space<vmem>>
    %dma_start3A_155 = tpu.memref_squeeze %dma_start3A_154 : memref<1x128xi32, #tpu.memory_space<vmem>> -> memref<128xi32, #tpu.memory_space<vmem>>
    %dma_start3A_156 = arith.constant 0 : i32
    %dma_start3A_157 = arith.constant 0 : i32
    %dma_start3A_158 = tpu.memref_slice %arg2[%dma_start3A_156, %dma_start3A_157] : memref<10240x64xf32, #tpu.memory_space<hbm>> -> memref<10240x64xf32, #tpu.memory_space<hbm>>
    tpu.enqueue_indirect_dma source(%dma_start3A_158 : memref<10240x64xf32, #tpu.memory_space<hbm>>) target(%dma_start3A_152 : memref<128x64xf32, #tpu.memory_space<vmem>>) offsets(%dma_start3A_155 : memref<128xi32, #tpu.memory_space<vmem>>) semaphore(%arg11 : memref<!tpu.dma_semaphore, #tpu.memory_space<semaphore_mem>>)
    %dma_wait3A_159 = arith.constant 3 : i32
    %dma_wait3A_160 = arith.constant 0 : i32
    %dma_wait3A_161 = arith.constant 0 : i32
    %dma_wait3A_162 = tpu.memref_slice %arg9[%dma_wait3A_159, %dma_wait3A_160, %dma_wait3A_161] : memref<4x128x64xf32, #tpu.memory_space<vmem>> -> memref<1x128x64xf32, #tpu.memory_space<vmem>>
    %dma_wait3A_163 = tpu.memref_squeeze %dma_wait3A_162 : memref<1x128x64xf32, #tpu.memory_space<vmem>> -> memref<128x64xf32, #tpu.memory_space<vmem>>
    %dma_wait3A_164 = arith.constant 0 : i32
    %dma_wait3A_165 = arith.constant 0 : i32
    %dma_wait3A_166 = tpu.memref_slice %arg2[%dma_wait3A_164, %dma_wait3A_165] : memref<10240x64xf32, #tpu.memory_space<hbm>> -> memref<128x64xf32, #tpu.memory_space<hbm>>
    %dma_wait3A_167 = arith.constant 0 : i32
    %dma_wait3A_168 = arith.constant 0 : i32
    %dma_wait3A_169 = tpu.memref_slice %arg9[%dma_wait3A_159, %dma_wait3A_167, %dma_wait3A_168] : memref<4x128x64xf32, #tpu.memory_space<vmem>> -> memref<1x128x64xf32, #tpu.memory_space<vmem>>
    %dma_wait3A_170 = tpu.memref_squeeze %dma_wait3A_169 : memref<1x128x64xf32, #tpu.memory_space<vmem>> -> memref<128x64xf32, #tpu.memory_space<vmem>>
    %dma_wait3A_171 = arith.constant 0 : i32
    %dma_wait3A_172 = arith.constant 0 : i32
    %dma_wait3A_173 = tpu.memref_slice %arg2[%dma_wait3A_171, %dma_wait3A_172] : memref<10240x64xf32, #tpu.memory_space<hbm>> -> memref<128x64xf32, #tpu.memory_space<hbm>>
    tpu.wait_dma2 semaphore(%arg14 : memref<!tpu.dma_semaphore, #tpu.memory_space<semaphore_mem>>) src(%dma_wait3A_173 : memref<128x64xf32, #tpu.memory_space<hbm>>) dst(%dma_wait3A_170 : memref<128x64xf32, #tpu.memory_space<vmem>>)
    %dma_start3A_174 = arith.constant 3 : i32
    %dma_start3A_175 = arith.constant 3 : i32
    %dma_start3A_176 = arith.constant 0 : i32
    %dma_start3A_177 = arith.constant 0 : i32
    %dma_start3A_178 = tpu.memref_slice %arg9[%dma_start3A_174, %dma_start3A_176, %dma_start3A_177] : memref<4x128x64xf32, #tpu.memory_space<vmem>> -> memref<1x128x64xf32, #tpu.memory_space<vmem>>
    %dma_start3A_179 = tpu.memref_squeeze %dma_start3A_178 : memref<1x128x64xf32, #tpu.memory_space<vmem>> -> memref<128x64xf32, #tpu.memory_space<vmem>>
    %dma_start3A_180 = arith.constant 0 : i32
    %dma_start3A_181 = tpu.memref_slice %arg8[%dma_start3A_175, %dma_start3A_180] : memref<80x128xi32, #tpu.memory_space<vmem>> -> memref<1x128xi32, #tpu.memory_space<vmem>>
    %dma_start3A_182 = tpu.memref_squeeze %dma_start3A_181 : memref<1x128xi32, #tpu.memory_space<vmem>> -> memref<128xi32, #tpu.memory_space<vmem>>
    %dma_start3A_183 = arith.constant 0 : i32
    %dma_start3A_184 = arith.constant 0 : i32
    %dma_start3A_185 = tpu.memref_slice %arg10[%dma_start3A_183, %dma_start3A_184] : memref<10240x64xf32, #tpu.memory_space<vmem_shared>> -> memref<10240x64xf32, #tpu.memory_space<vmem_shared>>
    tpu.enqueue_indirect_dma source(%dma_start3A_179 : memref<128x64xf32, #tpu.memory_space<vmem>>) target(%dma_start3A_185 : memref<10240x64xf32, #tpu.memory_space<vmem_shared>>) offsets(%dma_start3A_182 : memref<128xi32, #tpu.memory_space<vmem>>) semaphore(%arg18 : memref<!tpu.dma_semaphore, #tpu.memory_space<semaphore_mem>>) {add = true}
    %dma_wait3A_186 = arith.constant 1 : i32
    %dma_wait3A_187 = arith.constant 0 : i32
    %dma_wait3A_188 = arith.constant 0 : i32
    %dma_wait3A_189 = tpu.memref_slice %arg9[%dma_wait3A_186, %dma_wait3A_187, %dma_wait3A_188] : memref<4x128x64xf32, #tpu.memory_space<vmem>> -> memref<1x128x64xf32, #tpu.memory_space<vmem>>
    %dma_wait3A_190 = tpu.memref_squeeze %dma_wait3A_189 : memref<1x128x64xf32, #tpu.memory_space<vmem>> -> memref<128x64xf32, #tpu.memory_space<vmem>>
    %dma_wait3A_191 = arith.constant 0 : i32
    %dma_wait3A_192 = arith.constant 0 : i32
    %dma_wait3A_193 = tpu.memref_slice %arg10[%dma_wait3A_191, %dma_wait3A_192] : memref<10240x64xf32, #tpu.memory_space<vmem_shared>> -> memref<128x64xf32, #tpu.memory_space<vmem_shared>>
    %dma_wait3A_194 = arith.constant 0 : i32
    %dma_wait3A_195 = arith.constant 0 : i32
    %dma_wait3A_196 = tpu.memref_slice %arg10[%dma_wait3A_194, %dma_wait3A_195] : memref<10240x64xf32, #tpu.memory_space<vmem_shared>> -> memref<128x64xf32, #tpu.memory_space<vmem_shared>>
    %dma_wait3A_197 = arith.constant 0 : i32
    %dma_wait3A_198 = arith.constant 0 : i32
    %dma_wait3A_199 = tpu.memref_slice %arg9[%dma_wait3A_186, %dma_wait3A_197, %dma_wait3A_198] : memref<4x128x64xf32, #tpu.memory_space<vmem>> -> memref<1x128x64xf32, #tpu.memory_space<vmem>>
    %dma_wait3A_200 = tpu.memref_squeeze %dma_wait3A_199 : memref<1x128x64xf32, #tpu.memory_space<vmem>> -> memref<128x64xf32, #tpu.memory_space<vmem>>
    tpu.wait_dma2 semaphore(%arg16 : memref<!tpu.dma_semaphore, #tpu.memory_space<semaphore_mem>>) src(%dma_wait3A_200 : memref<128x64xf32, #tpu.memory_space<vmem>>) dst(%dma_wait3A_196 : memref<128x64xf32, #tpu.memory_space<vmem_shared>>)
    %dma_start3A_201 = arith.constant 5 : i32
    %dma_start3A_202 = arith.constant 1 : i32
    %dma_start3A_203 = arith.constant 0 : i32
    %dma_start3A_204 = arith.constant 0 : i32
    %dma_start3A_205 = tpu.memref_slice %arg9[%dma_start3A_202, %dma_start3A_203, %dma_start3A_204] : memref<4x128x64xf32, #tpu.memory_space<vmem>> -> memref<1x128x64xf32, #tpu.memory_space<vmem>>
    %dma_start3A_206 = tpu.memref_squeeze %dma_start3A_205 : memref<1x128x64xf32, #tpu.memory_space<vmem>> -> memref<128x64xf32, #tpu.memory_space<vmem>>
    %dma_start3A_207 = arith.constant 0 : i32
    %dma_start3A_208 = tpu.memref_slice %arg7[%dma_start3A_201, %dma_start3A_207] : memref<80x128xi32, #tpu.memory_space<vmem>> -> memref<1x128xi32, #tpu.memory_space<vmem>>
    %dma_start3A_209 = tpu.memref_squeeze %dma_start3A_208 : memref<1x128xi32, #tpu.memory_space<vmem>> -> memref<128xi32, #tpu.memory_space<vmem>>
    %dma_start3A_210 = arith.constant 0 : i32
    %dma_start3A_211 = arith.constant 0 : i32
    %dma_start3A_212 = tpu.memref_slice %arg2[%dma_start3A_210, %dma_start3A_211] : memref<10240x64xf32, #tpu.memory_space<hbm>> -> memref<10240x64xf32, #tpu.memory_space<hbm>>
    tpu.enqueue_indirect_dma source(%dma_start3A_212 : memref<10240x64xf32, #tpu.memory_space<hbm>>) target(%dma_start3A_206 : memref<128x64xf32, #tpu.memory_space<vmem>>) offsets(%dma_start3A_209 : memref<128xi32, #tpu.memory_space<vmem>>) semaphore(%arg12 : memref<!tpu.dma_semaphore, #tpu.memory_space<semaphore_mem>>)
    %scan3A = arith.constant 0 : i32
    %scan3A_213 = arith.constant 1 : i32
    %scan3A_214 = arith.constant 19 : i32
    %scan3A_215 = arith.addi %scan3A_213, %scan3A_214 : i32
    %scan3A_216 = arith.constant 1 : i32
    scf.for %scan3A_279 = %scan3A_213 to %scan3A_215 step %scan3A_216  : i32 {
      %mul3A_280 = arith.constant 4 : i32
      %mul3A_281 = arith.muli %mul3A_280, %scan3A_279 : i32
      %add3A_282 = arith.constant 0 : i32
      %add3A_283 = arith.addi %mul3A_281, %add3A_282 : i32
      %dma_wait3A_284 = arith.constant 0 : i32
      %dma_wait3A_285 = arith.constant 0 : i32
      %dma_wait3A_286 = arith.constant 0 : i32
      %dma_wait3A_287 = tpu.memref_slice %arg9[%dma_wait3A_284, %dma_wait3A_285, %dma_wait3A_286] : memref<4x128x64xf32, #tpu.memory_space<vmem>> -> memref<1x128x64xf32, #tpu.memory_space<vmem>>
      %dma_wait3A_288 = tpu.memref_squeeze %dma_wait3A_287 : memref<1x128x64xf32, #tpu.memory_space<vmem>> -> memref<128x64xf32, #tpu.memory_space<vmem>>
      %dma_wait3A_289 = arith.constant 0 : i32
      %dma_wait3A_290 = arith.constant 0 : i32
      %dma_wait3A_291 = tpu.memref_slice %arg2[%dma_wait3A_289, %dma_wait3A_290] : memref<10240x64xf32, #tpu.memory_space<hbm>> -> memref<128x64xf32, #tpu.memory_space<hbm>>
      %dma_wait3A_292 = arith.constant 0 : i32
      %dma_wait3A_293 = arith.constant 0 : i32
      %dma_wait3A_294 = tpu.memref_slice %arg9[%dma_wait3A_284, %dma_wait3A_292, %dma_wait3A_293] : memref<4x128x64xf32, #tpu.memory_space<vmem>> -> memref<1x128x64xf32, #tpu.memory_space<vmem>>
      %dma_wait3A_295 = tpu.memref_squeeze %dma_wait3A_294 : memref<1x128x64xf32, #tpu.memory_space<vmem>> -> memref<128x64xf32, #tpu.memory_space<vmem>>
      %dma_wait3A_296 = arith.constant 0 : i32
      %dma_wait3A_297 = arith.constant 0 : i32
      %dma_wait3A_298 = tpu.memref_slice %arg2[%dma_wait3A_296, %dma_wait3A_297] : memref<10240x64xf32, #tpu.memory_space<hbm>> -> memref<128x64xf32, #tpu.memory_space<hbm>>
      tpu.wait_dma2 semaphore(%arg11 : memref<!tpu.dma_semaphore, #tpu.memory_space<semaphore_mem>>) src(%dma_wait3A_298 : memref<128x64xf32, #tpu.memory_space<hbm>>) dst(%dma_wait3A_295 : memref<128x64xf32, #tpu.memory_space<vmem>>)
      %dma_start3A_299 = arith.constant 0 : i32
      %dma_start3A_300 = arith.constant 0 : i32
      %dma_start3A_301 = arith.constant 0 : i32
      %dma_start3A_302 = tpu.memref_slice %arg9[%dma_start3A_299, %dma_start3A_300, %dma_start3A_301] : memref<4x128x64xf32, #tpu.memory_space<vmem>> -> memref<1x128x64xf32, #tpu.memory_space<vmem>>
      %dma_start3A_303 = tpu.memref_squeeze %dma_start3A_302 : memref<1x128x64xf32, #tpu.memory_space<vmem>> -> memref<128x64xf32, #tpu.memory_space<vmem>>
      %dma_start3A_304 = arith.constant 0 : i32
      %dma_start3A_305 = tpu.memref_slice %arg8[%add3A_283, %dma_start3A_304] : memref<80x128xi32, #tpu.memory_space<vmem>> -> memref<1x128xi32, #tpu.memory_space<vmem>>
      %dma_start3A_306 = tpu.memref_squeeze %dma_start3A_305 : memref<1x128xi32, #tpu.memory_space<vmem>> -> memref<128xi32, #tpu.memory_space<vmem>>
      %dma_start3A_307 = arith.constant 0 : i32
      %dma_start3A_308 = arith.constant 0 : i32
      %dma_start3A_309 = tpu.memref_slice %arg10[%dma_start3A_307, %dma_start3A_308] : memref<10240x64xf32, #tpu.memory_space<vmem_shared>> -> memref<10240x64xf32, #tpu.memory_space<vmem_shared>>
      tpu.enqueue_indirect_dma source(%dma_start3A_303 : memref<128x64xf32, #tpu.memory_space<vmem>>) target(%dma_start3A_309 : memref<10240x64xf32, #tpu.memory_space<vmem_shared>>) offsets(%dma_start3A_306 : memref<128xi32, #tpu.memory_space<vmem>>) semaphore(%arg15 : memref<!tpu.dma_semaphore, #tpu.memory_space<semaphore_mem>>) {add = true}
      %dma_wait3A_310 = arith.constant 2 : i32
      %dma_wait3A_311 = arith.constant 0 : i32
      %dma_wait3A_312 = arith.constant 0 : i32
      %dma_wait3A_313 = tpu.memref_slice %arg9[%dma_wait3A_310, %dma_wait3A_311, %dma_wait3A_312] : memref<4x128x64xf32, #tpu.memory_space<vmem>> -> memref<1x128x64xf32, #tpu.memory_space<vmem>>
      %dma_wait3A_314 = tpu.memref_squeeze %dma_wait3A_313 : memref<1x128x64xf32, #tpu.memory_space<vmem>> -> memref<128x64xf32, #tpu.memory_space<vmem>>
      %dma_wait3A_315 = arith.constant 0 : i32
      %dma_wait3A_316 = arith.constant 0 : i32
      %dma_wait3A_317 = tpu.memref_slice %arg10[%dma_wait3A_315, %dma_wait3A_316] : memref<10240x64xf32, #tpu.memory_space<vmem_shared>> -> memref<128x64xf32, #tpu.memory_space<vmem_shared>>
      %dma_wait3A_318 = arith.constant 0 : i32
      %dma_wait3A_319 = arith.constant 0 : i32
      %dma_wait3A_320 = tpu.memref_slice %arg10[%dma_wait3A_318, %dma_wait3A_319] : memref<10240x64xf32, #tpu.memory_space<vmem_shared>> -> memref<128x64xf32, #tpu.memory_space<vmem_shared>>
      %dma_wait3A_321 = arith.constant 0 : i32
      %dma_wait3A_322 = arith.constant 0 : i32
      %dma_wait3A_323 = tpu.memref_slice %arg9[%dma_wait3A_310, %dma_wait3A_321, %dma_wait3A_322] : memref<4x128x64xf32, #tpu.memory_space<vmem>> -> memref<1x128x64xf32, #tpu.memory_space<vmem>>
      %dma_wait3A_324 = tpu.memref_squeeze %dma_wait3A_323 : memref<1x128x64xf32, #tpu.memory_space<vmem>> -> memref<128x64xf32, #tpu.memory_space<vmem>>
      tpu.wait_dma2 semaphore(%arg17 : memref<!tpu.dma_semaphore, #tpu.memory_space<semaphore_mem>>) src(%dma_wait3A_324 : memref<128x64xf32, #tpu.memory_space<vmem>>) dst(%dma_wait3A_320 : memref<128x64xf32, #tpu.memory_space<vmem_shared>>)
      %add3A_325 = arith.constant 2 : i32
      %add3A_326 = arith.addi %add3A_283, %add3A_325 : i32
      %min3A = arith.constant 79 : i32
      %min3A_327 = arith.minsi %add3A_326, %min3A : i32
      %dma_start3A_328 = arith.constant 2 : i32
      %dma_start3A_329 = arith.constant 0 : i32
      %dma_start3A_330 = arith.constant 0 : i32
      %dma_start3A_331 = tpu.memref_slice %arg9[%dma_start3A_328, %dma_start3A_329, %dma_start3A_330] : memref<4x128x64xf32, #tpu.memory_space<vmem>> -> memref<1x128x64xf32, #tpu.memory_space<vmem>>
      %dma_start3A_332 = tpu.memref_squeeze %dma_start3A_331 : memref<1x128x64xf32, #tpu.memory_space<vmem>> -> memref<128x64xf32, #tpu.memory_space<vmem>>
      %dma_start3A_333 = arith.constant 0 : i32
      %dma_start3A_334 = tpu.memref_slice %arg7[%min3A_327, %dma_start3A_333] : memref<80x128xi32, #tpu.memory_space<vmem>> -> memref<1x128xi32, #tpu.memory_space<vmem>>
      %dma_start3A_335 = tpu.memref_squeeze %dma_start3A_334 : memref<1x128xi32, #tpu.memory_space<vmem>> -> memref<128xi32, #tpu.memory_space<vmem>>
      %dma_start3A_336 = arith.constant 0 : i32
      %dma_start3A_337 = arith.constant 0 : i32
      %dma_start3A_338 = tpu.memref_slice %arg2[%dma_start3A_336, %dma_start3A_337] : memref<10240x64xf32, #tpu.memory_space<hbm>> -> memref<10240x64xf32, #tpu.memory_space<hbm>>
      tpu.enqueue_indirect_dma source(%dma_start3A_338 : memref<10240x64xf32, #tpu.memory_space<hbm>>) target(%dma_start3A_332 : memref<128x64xf32, #tpu.memory_space<vmem>>) offsets(%dma_start3A_335 : memref<128xi32, #tpu.memory_space<vmem>>) semaphore(%arg13 : memref<!tpu.dma_semaphore, #tpu.memory_space<semaphore_mem>>)
      %mul3A_339 = arith.constant 4 : i32
      %mul3A_340 = arith.muli %mul3A_339, %scan3A_279 : i32
      %add3A_341 = arith.constant 1 : i32
      %add3A_342 = arith.addi %mul3A_340, %add3A_341 : i32
      %dma_wait3A_343 = arith.constant 1 : i32
      %dma_wait3A_344 = arith.constant 0 : i32
      %dma_wait3A_345 = arith.constant 0 : i32
      %dma_wait3A_346 = tpu.memref_slice %arg9[%dma_wait3A_343, %dma_wait3A_344, %dma_wait3A_345] : memref<4x128x64xf32, #tpu.memory_space<vmem>> -> memref<1x128x64xf32, #tpu.memory_space<vmem>>
      %dma_wait3A_347 = tpu.memref_squeeze %dma_wait3A_346 : memref<1x128x64xf32, #tpu.memory_space<vmem>> -> memref<128x64xf32, #tpu.memory_space<vmem>>
      %dma_wait3A_348 = arith.constant 0 : i32
      %dma_wait3A_349 = arith.constant 0 : i32
      %dma_wait3A_350 = tpu.memref_slice %arg2[%dma_wait3A_348, %dma_wait3A_349] : memref<10240x64xf32, #tpu.memory_space<hbm>> -> memref<128x64xf32, #tpu.memory_space<hbm>>
      %dma_wait3A_351 = arith.constant 0 : i32
      %dma_wait3A_352 = arith.constant 0 : i32
      %dma_wait3A_353 = tpu.memref_slice %arg9[%dma_wait3A_343, %dma_wait3A_351, %dma_wait3A_352] : memref<4x128x64xf32, #tpu.memory_space<vmem>> -> memref<1x128x64xf32, #tpu.memory_space<vmem>>
      %dma_wait3A_354 = tpu.memref_squeeze %dma_wait3A_353 : memref<1x128x64xf32, #tpu.memory_space<vmem>> -> memref<128x64xf32, #tpu.memory_space<vmem>>
      %dma_wait3A_355 = arith.constant 0 : i32
      %dma_wait3A_356 = arith.constant 0 : i32
      %dma_wait3A_357 = tpu.memref_slice %arg2[%dma_wait3A_355, %dma_wait3A_356] : memref<10240x64xf32, #tpu.memory_space<hbm>> -> memref<128x64xf32, #tpu.memory_space<hbm>>
      tpu.wait_dma2 semaphore(%arg12 : memref<!tpu.dma_semaphore, #tpu.memory_space<semaphore_mem>>) src(%dma_wait3A_357 : memref<128x64xf32, #tpu.memory_space<hbm>>) dst(%dma_wait3A_354 : memref<128x64xf32, #tpu.memory_space<vmem>>)
      %dma_start3A_358 = arith.constant 1 : i32
      %dma_start3A_359 = arith.constant 0 : i32
      %dma_start3A_360 = arith.constant 0 : i32
      %dma_start3A_361 = tpu.memref_slice %arg9[%dma_start3A_358, %dma_start3A_359, %dma_start3A_360] : memref<4x128x64xf32, #tpu.memory_space<vmem>> -> memref<1x128x64xf32, #tpu.memory_space<vmem>>
      %dma_start3A_362 = tpu.memref_squeeze %dma_start3A_361 : memref<1x128x64xf32, #tpu.memory_space<vmem>> -> memref<128x64xf32, #tpu.memory_space<vmem>>
      %dma_start3A_363 = arith.constant 0 : i32
      %dma_start3A_364 = tpu.memref_slice %arg8[%add3A_342, %dma_start3A_363] : memref<80x128xi32, #tpu.memory_space<vmem>> -> memref<1x128xi32, #tpu.memory_space<vmem>>
      %dma_start3A_365 = tpu.memref_squeeze %dma_start3A_364 : memref<1x128xi32, #tpu.memory_space<vmem>> -> memref<128xi32, #tpu.memory_space<vmem>>
      %dma_start3A_366 = arith.constant 0 : i32
      %dma_start3A_367 = arith.constant 0 : i32
      %dma_start3A_368 = tpu.memref_slice %arg10[%dma_start3A_366, %dma_start3A_367] : memref<10240x64xf32, #tpu.memory_space<vmem_shared>> -> memref<10240x64xf32, #tpu.memory_space<vmem_shared>>
      tpu.enqueue_indirect_dma source(%dma_start3A_362 : memref<128x64xf32, #tpu.memory_space<vmem>>) target(%dma_start3A_368 : memref<10240x64xf32, #tpu.memory_space<vmem_shared>>) offsets(%dma_start3A_365 : memref<128xi32, #tpu.memory_space<vmem>>) semaphore(%arg16 : memref<!tpu.dma_semaphore, #tpu.memory_space<semaphore_mem>>) {add = true}
      %dma_wait3A_369 = arith.constant 3 : i32
      %dma_wait3A_370 = arith.constant 0 : i32
      %dma_wait3A_371 = arith.constant 0 : i32
      %dma_wait3A_372 = tpu.memref_slice %arg9[%dma_wait3A_369, %dma_wait3A_370, %dma_wait3A_371] : memref<4x128x64xf32, #tpu.memory_space<vmem>> -> memref<1x128x64xf32, #tpu.memory_space<vmem>>
      %dma_wait3A_373 = tpu.memref_squeeze %dma_wait3A_372 : memref<1x128x64xf32, #tpu.memory_space<vmem>> -> memref<128x64xf32, #tpu.memory_space<vmem>>
      %dma_wait3A_374 = arith.constant 0 : i32
      %dma_wait3A_375 = arith.constant 0 : i32
      %dma_wait3A_376 = tpu.memref_slice %arg10[%dma_wait3A_374, %dma_wait3A_375] : memref<10240x64xf32, #tpu.memory_space<vmem_shared>> -> memref<128x64xf32, #tpu.memory_space<vmem_shared>>
      %dma_wait3A_377 = arith.constant 0 : i32
      %dma_wait3A_378 = arith.constant 0 : i32
      %dma_wait3A_379 = tpu.memref_slice %arg10[%dma_wait3A_377, %dma_wait3A_378] : memref<10240x64xf32, #tpu.memory_space<vmem_shared>> -> memref<128x64xf32, #tpu.memory_space<vmem_shared>>
      %dma_wait3A_380 = arith.constant 0 : i32
      %dma_wait3A_381 = arith.constant 0 : i32
      %dma_wait3A_382 = tpu.memref_slice %arg9[%dma_wait3A_369, %dma_wait3A_380, %dma_wait3A_381] : memref<4x128x64xf32, #tpu.memory_space<vmem>> -> memref<1x128x64xf32, #tpu.memory_space<vmem>>
      %dma_wait3A_383 = tpu.memref_squeeze %dma_wait3A_382 : memref<1x128x64xf32, #tpu.memory_space<vmem>> -> memref<128x64xf32, #tpu.memory_space<vmem>>
      tpu.wait_dma2 semaphore(%arg18 : memref<!tpu.dma_semaphore, #tpu.memory_space<semaphore_mem>>) src(%dma_wait3A_383 : memref<128x64xf32, #tpu.memory_space<vmem>>) dst(%dma_wait3A_379 : memref<128x64xf32, #tpu.memory_space<vmem_shared>>)
      %add3A_384 = arith.constant 2 : i32
      %add3A_385 = arith.addi %add3A_342, %add3A_384 : i32
      %min3A_386 = arith.constant 79 : i32
      %min3A_387 = arith.minsi %add3A_385, %min3A_386 : i32
      %dma_start3A_388 = arith.constant 3 : i32
      %dma_start3A_389 = arith.constant 0 : i32
      %dma_start3A_390 = arith.constant 0 : i32
      %dma_start3A_391 = tpu.memref_slice %arg9[%dma_start3A_388, %dma_start3A_389, %dma_start3A_390] : memref<4x128x64xf32, #tpu.memory_space<vmem>> -> memref<1x128x64xf32, #tpu.memory_space<vmem>>
      %dma_start3A_392 = tpu.memref_squeeze %dma_start3A_391 : memref<1x128x64xf32, #tpu.memory_space<vmem>> -> memref<128x64xf32, #tpu.memory_space<vmem>>
      %dma_start3A_393 = arith.constant 0 : i32
      %dma_start3A_394 = tpu.memref_slice %arg7[%min3A_387, %dma_start3A_393] : memref<80x128xi32, #tpu.memory_space<vmem>> -> memref<1x128xi32, #tpu.memory_space<vmem>>
      %dma_start3A_395 = tpu.memref_squeeze %dma_start3A_394 : memref<1x128xi32, #tpu.memory_space<vmem>> -> memref<128xi32, #tpu.memory_space<vmem>>
      %dma_start3A_396 = arith.constant 0 : i32
      %dma_start3A_397 = arith.constant 0 : i32
      %dma_start3A_398 = tpu.memref_slice %arg2[%dma_start3A_396, %dma_start3A_397] : memref<10240x64xf32, #tpu.memory_space<hbm>> -> memref<10240x64xf32, #tpu.memory_space<hbm>>
      tpu.enqueue_indirect_dma source(%dma_start3A_398 : memref<10240x64xf32, #tpu.memory_space<hbm>>) target(%dma_start3A_392 : memref<128x64xf32, #tpu.memory_space<vmem>>) offsets(%dma_start3A_395 : memref<128xi32, #tpu.memory_space<vmem>>) semaphore(%arg14 : memref<!tpu.dma_semaphore, #tpu.memory_space<semaphore_mem>>)
      %mul3A_399 = arith.constant 4 : i32
      %mul3A_400 = arith.muli %mul3A_399, %scan3A_279 : i32
      %add3A_401 = arith.constant 2 : i32
      %add3A_402 = arith.addi %mul3A_400, %add3A_401 : i32
      %dma_wait3A_403 = arith.constant 2 : i32
      %dma_wait3A_404 = arith.constant 0 : i32
      %dma_wait3A_405 = arith.constant 0 : i32
      %dma_wait3A_406 = tpu.memref_slice %arg9[%dma_wait3A_403, %dma_wait3A_404, %dma_wait3A_405] : memref<4x128x64xf32, #tpu.memory_space<vmem>> -> memref<1x128x64xf32, #tpu.memory_space<vmem>>
      %dma_wait3A_407 = tpu.memref_squeeze %dma_wait3A_406 : memref<1x128x64xf32, #tpu.memory_space<vmem>> -> memref<128x64xf32, #tpu.memory_space<vmem>>
      %dma_wait3A_408 = arith.constant 0 : i32
      %dma_wait3A_409 = arith.constant 0 : i32
      %dma_wait3A_410 = tpu.memref_slice %arg2[%dma_wait3A_408, %dma_wait3A_409] : memref<10240x64xf32, #tpu.memory_space<hbm>> -> memref<128x64xf32, #tpu.memory_space<hbm>>
      %dma_wait3A_411 = arith.constant 0 : i32
      %dma_wait3A_412 = arith.constant 0 : i32
      %dma_wait3A_413 = tpu.memref_slice %arg9[%dma_wait3A_403, %dma_wait3A_411, %dma_wait3A_412] : memref<4x128x64xf32, #tpu.memory_space<vmem>> -> memref<1x128x64xf32, #tpu.memory_space<vmem>>
      %dma_wait3A_414 = tpu.memref_squeeze %dma_wait3A_413 : memref<1x128x64xf32, #tpu.memory_space<vmem>> -> memref<128x64xf32, #tpu.memory_space<vmem>>
      %dma_wait3A_415 = arith.constant 0 : i32
      %dma_wait3A_416 = arith.constant 0 : i32
      %dma_wait3A_417 = tpu.memref_slice %arg2[%dma_wait3A_415, %dma_wait3A_416] : memref<10240x64xf32, #tpu.memory_space<hbm>> -> memref<128x64xf32, #tpu.memory_space<hbm>>
      tpu.wait_dma2 semaphore(%arg13 : memref<!tpu.dma_semaphore, #tpu.memory_space<semaphore_mem>>) src(%dma_wait3A_417 : memref<128x64xf32, #tpu.memory_space<hbm>>) dst(%dma_wait3A_414 : memref<128x64xf32, #tpu.memory_space<vmem>>)
      %dma_start3A_418 = arith.constant 2 : i32
      %dma_start3A_419 = arith.constant 0 : i32
      %dma_start3A_420 = arith.constant 0 : i32
      %dma_start3A_421 = tpu.memref_slice %arg9[%dma_start3A_418, %dma_start3A_419, %dma_start3A_420] : memref<4x128x64xf32, #tpu.memory_space<vmem>> -> memref<1x128x64xf32, #tpu.memory_space<vmem>>
      %dma_start3A_422 = tpu.memref_squeeze %dma_start3A_421 : memref<1x128x64xf32, #tpu.memory_space<vmem>> -> memref<128x64xf32, #tpu.memory_space<vmem>>
      %dma_start3A_423 = arith.constant 0 : i32
      %dma_start3A_424 = tpu.memref_slice %arg8[%add3A_402, %dma_start3A_423] : memref<80x128xi32, #tpu.memory_space<vmem>> -> memref<1x128xi32, #tpu.memory_space<vmem>>
      %dma_start3A_425 = tpu.memref_squeeze %dma_start3A_424 : memref<1x128xi32, #tpu.memory_space<vmem>> -> memref<128xi32, #tpu.memory_space<vmem>>
      %dma_start3A_426 = arith.constant 0 : i32
      %dma_start3A_427 = arith.constant 0 : i32
      %dma_start3A_428 = tpu.memref_slice %arg10[%dma_start3A_426, %dma_start3A_427] : memref<10240x64xf32, #tpu.memory_space<vmem_shared>> -> memref<10240x64xf32, #tpu.memory_space<vmem_shared>>
      tpu.enqueue_indirect_dma source(%dma_start3A_422 : memref<128x64xf32, #tpu.memory_space<vmem>>) target(%dma_start3A_428 : memref<10240x64xf32, #tpu.memory_space<vmem_shared>>) offsets(%dma_start3A_425 : memref<128xi32, #tpu.memory_space<vmem>>) semaphore(%arg17 : memref<!tpu.dma_semaphore, #tpu.memory_space<semaphore_mem>>) {add = true}
      %dma_wait3A_429 = arith.constant 0 : i32
      %dma_wait3A_430 = arith.constant 0 : i32
      %dma_wait3A_431 = arith.constant 0 : i32
      %dma_wait3A_432 = tpu.memref_slice %arg9[%dma_wait3A_429, %dma_wait3A_430, %dma_wait3A_431] : memref<4x128x64xf32, #tpu.memory_space<vmem>> -> memref<1x128x64xf32, #tpu.memory_space<vmem>>
      %dma_wait3A_433 = tpu.memref_squeeze %dma_wait3A_432 : memref<1x128x64xf32, #tpu.memory_space<vmem>> -> memref<128x64xf32, #tpu.memory_space<vmem>>
      %dma_wait3A_434 = arith.constant 0 : i32
      %dma_wait3A_435 = arith.constant 0 : i32
      %dma_wait3A_436 = tpu.memref_slice %arg10[%dma_wait3A_434, %dma_wait3A_435] : memref<10240x64xf32, #tpu.memory_space<vmem_shared>> -> memref<128x64xf32, #tpu.memory_space<vmem_shared>>
      %dma_wait3A_437 = arith.constant 0 : i32
      %dma_wait3A_438 = arith.constant 0 : i32
      %dma_wait3A_439 = tpu.memref_slice %arg10[%dma_wait3A_437, %dma_wait3A_438] : memref<10240x64xf32, #tpu.memory_space<vmem_shared>> -> memref<128x64xf32, #tpu.memory_space<vmem_shared>>
      %dma_wait3A_440 = arith.constant 0 : i32
      %dma_wait3A_441 = arith.constant 0 : i32
      %dma_wait3A_442 = tpu.memref_slice %arg9[%dma_wait3A_429, %dma_wait3A_440, %dma_wait3A_441] : memref<4x128x64xf32, #tpu.memory_space<vmem>> -> memref<1x128x64xf32, #tpu.memory_space<vmem>>
      %dma_wait3A_443 = tpu.memref_squeeze %dma_wait3A_442 : memref<1x128x64xf32, #tpu.memory_space<vmem>> -> memref<128x64xf32, #tpu.memory_space<vmem>>
      tpu.wait_dma2 semaphore(%arg15 : memref<!tpu.dma_semaphore, #tpu.memory_space<semaphore_mem>>) src(%dma_wait3A_443 : memref<128x64xf32, #tpu.memory_space<vmem>>) dst(%dma_wait3A_439 : memref<128x64xf32, #tpu.memory_space<vmem_shared>>)
      %add3A_444 = arith.constant 2 : i32
      %add3A_445 = arith.addi %add3A_402, %add3A_444 : i32
      %min3A_446 = arith.constant 79 : i32
      %min3A_447 = arith.minsi %add3A_445, %min3A_446 : i32
      %dma_start3A_448 = arith.constant 0 : i32
      %dma_start3A_449 = arith.constant 0 : i32
      %dma_start3A_450 = arith.constant 0 : i32
      %dma_start3A_451 = tpu.memref_slice %arg9[%dma_start3A_448, %dma_start3A_449, %dma_start3A_450] : memref<4x128x64xf32, #tpu.memory_space<vmem>> -> memref<1x128x64xf32, #tpu.memory_space<vmem>>
      %dma_start3A_452 = tpu.memref_squeeze %dma_start3A_451 : memref<1x128x64xf32, #tpu.memory_space<vmem>> -> memref<128x64xf32, #tpu.memory_space<vmem>>
      %dma_start3A_453 = arith.constant 0 : i32
      %dma_start3A_454 = tpu.memref_slice %arg7[%min3A_447, %dma_start3A_453] : memref<80x128xi32, #tpu.memory_space<vmem>> -> memref<1x128xi32, #tpu.memory_space<vmem>>
      %dma_start3A_455 = tpu.memref_squeeze %dma_start3A_454 : memref<1x128xi32, #tpu.memory_space<vmem>> -> memref<128xi32, #tpu.memory_space<vmem>>
      %dma_start3A_456 = arith.constant 0 : i32
      %dma_start3A_457 = arith.constant 0 : i32
      %dma_start3A_458 = tpu.memref_slice %arg2[%dma_start3A_456, %dma_start3A_457] : memref<10240x64xf32, #tpu.memory_space<hbm>> -> memref<10240x64xf32, #tpu.memory_space<hbm>>
      tpu.enqueue_indirect_dma source(%dma_start3A_458 : memref<10240x64xf32, #tpu.memory_space<hbm>>) target(%dma_start3A_452 : memref<128x64xf32, #tpu.memory_space<vmem>>) offsets(%dma_start3A_455 : memref<128xi32, #tpu.memory_space<vmem>>) semaphore(%arg11 : memref<!tpu.dma_semaphore, #tpu.memory_space<semaphore_mem>>)
      %mul3A_459 = arith.constant 4 : i32
      %mul3A_460 = arith.muli %mul3A_459, %scan3A_279 : i32
      %add3A_461 = arith.constant 3 : i32
      %add3A_462 = arith.addi %mul3A_460, %add3A_461 : i32
      %dma_wait3A_463 = arith.constant 3 : i32
      %dma_wait3A_464 = arith.constant 0 : i32
      %dma_wait3A_465 = arith.constant 0 : i32
      %dma_wait3A_466 = tpu.memref_slice %arg9[%dma_wait3A_463, %dma_wait3A_464, %dma_wait3A_465] : memref<4x128x64xf32, #tpu.memory_space<vmem>> -> memref<1x128x64xf32, #tpu.memory_space<vmem>>
      %dma_wait3A_467 = tpu.memref_squeeze %dma_wait3A_466 : memref<1x128x64xf32, #tpu.memory_space<vmem>> -> memref<128x64xf32, #tpu.memory_space<vmem>>
      %dma_wait3A_468 = arith.constant 0 : i32
      %dma_wait3A_469 = arith.constant 0 : i32
      %dma_wait3A_470 = tpu.memref_slice %arg2[%dma_wait3A_468, %dma_wait3A_469] : memref<10240x64xf32, #tpu.memory_space<hbm>> -> memref<128x64xf32, #tpu.memory_space<hbm>>
      %dma_wait3A_471 = arith.constant 0 : i32
      %dma_wait3A_472 = arith.constant 0 : i32
      %dma_wait3A_473 = tpu.memref_slice %arg9[%dma_wait3A_463, %dma_wait3A_471, %dma_wait3A_472] : memref<4x128x64xf32, #tpu.memory_space<vmem>> -> memref<1x128x64xf32, #tpu.memory_space<vmem>>
      %dma_wait3A_474 = tpu.memref_squeeze %dma_wait3A_473 : memref<1x128x64xf32, #tpu.memory_space<vmem>> -> memref<128x64xf32, #tpu.memory_space<vmem>>
      %dma_wait3A_475 = arith.constant 0 : i32
      %dma_wait3A_476 = arith.constant 0 : i32
      %dma_wait3A_477 = tpu.memref_slice %arg2[%dma_wait3A_475, %dma_wait3A_476] : memref<10240x64xf32, #tpu.memory_space<hbm>> -> memref<128x64xf32, #tpu.memory_space<hbm>>
      tpu.wait_dma2 semaphore(%arg14 : memref<!tpu.dma_semaphore, #tpu.memory_space<semaphore_mem>>) src(%dma_wait3A_477 : memref<128x64xf32, #tpu.memory_space<hbm>>) dst(%dma_wait3A_474 : memref<128x64xf32, #tpu.memory_space<vmem>>)
      %dma_start3A_478 = arith.constant 3 : i32
      %dma_start3A_479 = arith.constant 0 : i32
      %dma_start3A_480 = arith.constant 0 : i32
      %dma_start3A_481 = tpu.memref_slice %arg9[%dma_start3A_478, %dma_start3A_479, %dma_start3A_480] : memref<4x128x64xf32, #tpu.memory_space<vmem>> -> memref<1x128x64xf32, #tpu.memory_space<vmem>>
      %dma_start3A_482 = tpu.memref_squeeze %dma_start3A_481 : memref<1x128x64xf32, #tpu.memory_space<vmem>> -> memref<128x64xf32, #tpu.memory_space<vmem>>
      %dma_start3A_483 = arith.constant 0 : i32
      %dma_start3A_484 = tpu.memref_slice %arg8[%add3A_462, %dma_start3A_483] : memref<80x128xi32, #tpu.memory_space<vmem>> -> memref<1x128xi32, #tpu.memory_space<vmem>>
      %dma_start3A_485 = tpu.memref_squeeze %dma_start3A_484 : memref<1x128xi32, #tpu.memory_space<vmem>> -> memref<128xi32, #tpu.memory_space<vmem>>
      %dma_start3A_486 = arith.constant 0 : i32
      %dma_start3A_487 = arith.constant 0 : i32
      %dma_start3A_488 = tpu.memref_slice %arg10[%dma_start3A_486, %dma_start3A_487] : memref<10240x64xf32, #tpu.memory_space<vmem_shared>> -> memref<10240x64xf32, #tpu.memory_space<vmem_shared>>
      tpu.enqueue_indirect_dma source(%dma_start3A_482 : memref<128x64xf32, #tpu.memory_space<vmem>>) target(%dma_start3A_488 : memref<10240x64xf32, #tpu.memory_space<vmem_shared>>) offsets(%dma_start3A_485 : memref<128xi32, #tpu.memory_space<vmem>>) semaphore(%arg18 : memref<!tpu.dma_semaphore, #tpu.memory_space<semaphore_mem>>) {add = true}
      %dma_wait3A_489 = arith.constant 1 : i32
      %dma_wait3A_490 = arith.constant 0 : i32
      %dma_wait3A_491 = arith.constant 0 : i32
      %dma_wait3A_492 = tpu.memref_slice %arg9[%dma_wait3A_489, %dma_wait3A_490, %dma_wait3A_491] : memref<4x128x64xf32, #tpu.memory_space<vmem>> -> memref<1x128x64xf32, #tpu.memory_space<vmem>>
      %dma_wait3A_493 = tpu.memref_squeeze %dma_wait3A_492 : memref<1x128x64xf32, #tpu.memory_space<vmem>> -> memref<128x64xf32, #tpu.memory_space<vmem>>
      %dma_wait3A_494 = arith.constant 0 : i32
      %dma_wait3A_495 = arith.constant 0 : i32
      %dma_wait3A_496 = tpu.memref_slice %arg10[%dma_wait3A_494, %dma_wait3A_495] : memref<10240x64xf32, #tpu.memory_space<vmem_shared>> -> memref<128x64xf32, #tpu.memory_space<vmem_shared>>
      %dma_wait3A_497 = arith.constant 0 : i32
      %dma_wait3A_498 = arith.constant 0 : i32
      %dma_wait3A_499 = tpu.memref_slice %arg10[%dma_wait3A_497, %dma_wait3A_498] : memref<10240x64xf32, #tpu.memory_space<vmem_shared>> -> memref<128x64xf32, #tpu.memory_space<vmem_shared>>
      %dma_wait3A_500 = arith.constant 0 : i32
      %dma_wait3A_501 = arith.constant 0 : i32
      %dma_wait3A_502 = tpu.memref_slice %arg9[%dma_wait3A_489, %dma_wait3A_500, %dma_wait3A_501] : memref<4x128x64xf32, #tpu.memory_space<vmem>> -> memref<1x128x64xf32, #tpu.memory_space<vmem>>
      %dma_wait3A_503 = tpu.memref_squeeze %dma_wait3A_502 : memref<1x128x64xf32, #tpu.memory_space<vmem>> -> memref<128x64xf32, #tpu.memory_space<vmem>>
      tpu.wait_dma2 semaphore(%arg16 : memref<!tpu.dma_semaphore, #tpu.memory_space<semaphore_mem>>) src(%dma_wait3A_503 : memref<128x64xf32, #tpu.memory_space<vmem>>) dst(%dma_wait3A_499 : memref<128x64xf32, #tpu.memory_space<vmem_shared>>)
      %add3A_504 = arith.constant 2 : i32
      %add3A_505 = arith.addi %add3A_462, %add3A_504 : i32
      %min3A_506 = arith.constant 79 : i32
      %min3A_507 = arith.minsi %add3A_505, %min3A_506 : i32
      %dma_start3A_508 = arith.constant 1 : i32
      %dma_start3A_509 = arith.constant 0 : i32
      %dma_start3A_510 = arith.constant 0 : i32
      %dma_start3A_511 = tpu.memref_slice %arg9[%dma_start3A_508, %dma_start3A_509, %dma_start3A_510] : memref<4x128x64xf32, #tpu.memory_space<vmem>> -> memref<1x128x64xf32, #tpu.memory_space<vmem>>
      %dma_start3A_512 = tpu.memref_squeeze %dma_start3A_511 : memref<1x128x64xf32, #tpu.memory_space<vmem>> -> memref<128x64xf32, #tpu.memory_space<vmem>>
      %dma_start3A_513 = arith.constant 0 : i32
      %dma_start3A_514 = tpu.memref_slice %arg7[%min3A_507, %dma_start3A_513] : memref<80x128xi32, #tpu.memory_space<vmem>> -> memref<1x128xi32, #tpu.memory_space<vmem>>
      %dma_start3A_515 = tpu.memref_squeeze %dma_start3A_514 : memref<1x128xi32, #tpu.memory_space<vmem>> -> memref<128xi32, #tpu.memory_space<vmem>>
      %dma_start3A_516 = arith.constant 0 : i32
      %dma_start3A_517 = arith.constant 0 : i32
      %dma_start3A_518 = tpu.memref_slice %arg2[%dma_start3A_516, %dma_start3A_517] : memref<10240x64xf32, #tpu.memory_space<hbm>> -> memref<10240x64xf32, #tpu.memory_space<hbm>>
      tpu.enqueue_indirect_dma source(%dma_start3A_518 : memref<10240x64xf32, #tpu.memory_space<hbm>>) target(%dma_start3A_512 : memref<128x64xf32, #tpu.memory_space<vmem>>) offsets(%dma_start3A_515 : memref<128xi32, #tpu.memory_space<vmem>>) semaphore(%arg12 : memref<!tpu.dma_semaphore, #tpu.memory_space<semaphore_mem>>)
    }
    %scan3A_217 = arith.constant 19 : i32
    %dma_wait3A_218 = arith.constant 0 : i32
    %dma_wait3A_219 = arith.constant 0 : i32
    %dma_wait3A_220 = arith.constant 0 : i32
    %dma_wait3A_221 = tpu.memref_slice %arg9[%dma_wait3A_218, %dma_wait3A_219, %dma_wait3A_220] : memref<4x128x64xf32, #tpu.memory_space<vmem>> -> memref<1x128x64xf32, #tpu.memory_space<vmem>>
    %dma_wait3A_222 = tpu.memref_squeeze %dma_wait3A_221 : memref<1x128x64xf32, #tpu.memory_space<vmem>> -> memref<128x64xf32, #tpu.memory_space<vmem>>
    %dma_wait3A_223 = arith.constant 0 : i32
    %dma_wait3A_224 = arith.constant 0 : i32
    %dma_wait3A_225 = tpu.memref_slice %arg2[%dma_wait3A_223, %dma_wait3A_224] : memref<10240x64xf32, #tpu.memory_space<hbm>> -> memref<128x64xf32, #tpu.memory_space<hbm>>
    %dma_wait3A_226 = arith.constant 0 : i32
    %dma_wait3A_227 = arith.constant 0 : i32
    %dma_wait3A_228 = tpu.memref_slice %arg9[%dma_wait3A_218, %dma_wait3A_226, %dma_wait3A_227] : memref<4x128x64xf32, #tpu.memory_space<vmem>> -> memref<1x128x64xf32, #tpu.memory_space<vmem>>
    %dma_wait3A_229 = tpu.memref_squeeze %dma_wait3A_228 : memref<1x128x64xf32, #tpu.memory_space<vmem>> -> memref<128x64xf32, #tpu.memory_space<vmem>>
    %dma_wait3A_230 = arith.constant 0 : i32
    %dma_wait3A_231 = arith.constant 0 : i32
    %dma_wait3A_232 = tpu.memref_slice %arg2[%dma_wait3A_230, %dma_wait3A_231] : memref<10240x64xf32, #tpu.memory_space<hbm>> -> memref<128x64xf32, #tpu.memory_space<hbm>>
    tpu.wait_dma2 semaphore(%arg11 : memref<!tpu.dma_semaphore, #tpu.memory_space<semaphore_mem>>) src(%dma_wait3A_232 : memref<128x64xf32, #tpu.memory_space<hbm>>) dst(%dma_wait3A_229 : memref<128x64xf32, #tpu.memory_space<vmem>>)
    %dma_wait3A_233 = arith.constant 1 : i32
    %dma_wait3A_234 = arith.constant 0 : i32
    %dma_wait3A_235 = arith.constant 0 : i32
    %dma_wait3A_236 = tpu.memref_slice %arg9[%dma_wait3A_233, %dma_wait3A_234, %dma_wait3A_235] : memref<4x128x64xf32, #tpu.memory_space<vmem>> -> memref<1x128x64xf32, #tpu.memory_space<vmem>>
    %dma_wait3A_237 = tpu.memref_squeeze %dma_wait3A_236 : memref<1x128x64xf32, #tpu.memory_space<vmem>> -> memref<128x64xf32, #tpu.memory_space<vmem>>
    %dma_wait3A_238 = arith.constant 0 : i32
    %dma_wait3A_239 = arith.constant 0 : i32
    %dma_wait3A_240 = tpu.memref_slice %arg2[%dma_wait3A_238, %dma_wait3A_239] : memref<10240x64xf32, #tpu.memory_space<hbm>> -> memref<128x64xf32, #tpu.memory_space<hbm>>
    %dma_wait3A_241 = arith.constant 0 : i32
    %dma_wait3A_242 = arith.constant 0 : i32
    %dma_wait3A_243 = tpu.memref_slice %arg9[%dma_wait3A_233, %dma_wait3A_241, %dma_wait3A_242] : memref<4x128x64xf32, #tpu.memory_space<vmem>> -> memref<1x128x64xf32, #tpu.memory_space<vmem>>
    %dma_wait3A_244 = tpu.memref_squeeze %dma_wait3A_243 : memref<1x128x64xf32, #tpu.memory_space<vmem>> -> memref<128x64xf32, #tpu.memory_space<vmem>>
    %dma_wait3A_245 = arith.constant 0 : i32
    %dma_wait3A_246 = arith.constant 0 : i32
    %dma_wait3A_247 = tpu.memref_slice %arg2[%dma_wait3A_245, %dma_wait3A_246] : memref<10240x64xf32, #tpu.memory_space<hbm>> -> memref<128x64xf32, #tpu.memory_space<hbm>>
    tpu.wait_dma2 semaphore(%arg12 : memref<!tpu.dma_semaphore, #tpu.memory_space<semaphore_mem>>) src(%dma_wait3A_247 : memref<128x64xf32, #tpu.memory_space<hbm>>) dst(%dma_wait3A_244 : memref<128x64xf32, #tpu.memory_space<vmem>>)
    %dma_wait3A_248 = arith.constant 2 : i32
    %dma_wait3A_249 = arith.constant 0 : i32
    %dma_wait3A_250 = arith.constant 0 : i32
    %dma_wait3A_251 = tpu.memref_slice %arg9[%dma_wait3A_248, %dma_wait3A_249, %dma_wait3A_250] : memref<4x128x64xf32, #tpu.memory_space<vmem>> -> memref<1x128x64xf32, #tpu.memory_space<vmem>>
    %dma_wait3A_252 = tpu.memref_squeeze %dma_wait3A_251 : memref<1x128x64xf32, #tpu.memory_space<vmem>> -> memref<128x64xf32, #tpu.memory_space<vmem>>
    %dma_wait3A_253 = arith.constant 0 : i32
    %dma_wait3A_254 = arith.constant 0 : i32
    %dma_wait3A_255 = tpu.memref_slice %arg10[%dma_wait3A_253, %dma_wait3A_254] : memref<10240x64xf32, #tpu.memory_space<vmem_shared>> -> memref<128x64xf32, #tpu.memory_space<vmem_shared>>
    %dma_wait3A_256 = arith.constant 0 : i32
    %dma_wait3A_257 = arith.constant 0 : i32
    %dma_wait3A_258 = tpu.memref_slice %arg10[%dma_wait3A_256, %dma_wait3A_257] : memref<10240x64xf32, #tpu.memory_space<vmem_shared>> -> memref<128x64xf32, #tpu.memory_space<vmem_shared>>
    %dma_wait3A_259 = arith.constant 0 : i32
    %dma_wait3A_260 = arith.constant 0 : i32
    %dma_wait3A_261 = tpu.memref_slice %arg9[%dma_wait3A_248, %dma_wait3A_259, %dma_wait3A_260] : memref<4x128x64xf32, #tpu.memory_space<vmem>> -> memref<1x128x64xf32, #tpu.memory_space<vmem>>
    %dma_wait3A_262 = tpu.memref_squeeze %dma_wait3A_261 : memref<1x128x64xf32, #tpu.memory_space<vmem>> -> memref<128x64xf32, #tpu.memory_space<vmem>>
    tpu.wait_dma2 semaphore(%arg17 : memref<!tpu.dma_semaphore, #tpu.memory_space<semaphore_mem>>) src(%dma_wait3A_262 : memref<128x64xf32, #tpu.memory_space<vmem>>) dst(%dma_wait3A_258 : memref<128x64xf32, #tpu.memory_space<vmem_shared>>)
    %dma_wait3A_263 = arith.constant 3 : i32
    %dma_wait3A_264 = arith.constant 0 : i32
    %dma_wait3A_265 = arith.constant 0 : i32
    %dma_wait3A_266 = tpu.memref_slice %arg9[%dma_wait3A_263, %dma_wait3A_264, %dma_wait3A_265] : memref<4x128x64xf32, #tpu.memory_space<vmem>> -> memref<1x128x64xf32, #tpu.memory_space<vmem>>
    %dma_wait3A_267 = tpu.memref_squeeze %dma_wait3A_266 : memref<1x128x64xf32, #tpu.memory_space<vmem>> -> memref<128x64xf32, #tpu.memory_space<vmem>>
    %dma_wait3A_268 = arith.constant 0 : i32
    %dma_wait3A_269 = arith.constant 0 : i32
    %dma_wait3A_270 = tpu.memref_slice %arg10[%dma_wait3A_268, %dma_wait3A_269] : memref<10240x64xf32, #tpu.memory_space<vmem_shared>> -> memref<128x64xf32, #tpu.memory_space<vmem_shared>>
    %dma_wait3A_271 = arith.constant 0 : i32
    %dma_wait3A_272 = arith.constant 0 : i32
    %dma_wait3A_273 = tpu.memref_slice %arg10[%dma_wait3A_271, %dma_wait3A_272] : memref<10240x64xf32, #tpu.memory_space<vmem_shared>> -> memref<128x64xf32, #tpu.memory_space<vmem_shared>>
    %dma_wait3A_274 = arith.constant 0 : i32
    %dma_wait3A_275 = arith.constant 0 : i32
    %dma_wait3A_276 = tpu.memref_slice %arg9[%dma_wait3A_263, %dma_wait3A_274, %dma_wait3A_275] : memref<4x128x64xf32, #tpu.memory_space<vmem>> -> memref<1x128x64xf32, #tpu.memory_space<vmem>>
    %dma_wait3A_277 = tpu.memref_squeeze %dma_wait3A_276 : memref<1x128x64xf32, #tpu.memory_space<vmem>> -> memref<128x64xf32, #tpu.memory_space<vmem>>
    tpu.wait_dma2 semaphore(%arg18 : memref<!tpu.dma_semaphore, #tpu.memory_space<semaphore_mem>>) src(%dma_wait3A_277 : memref<128x64xf32, #tpu.memory_space<vmem>>) dst(%dma_wait3A_273 : memref<128x64xf32, #tpu.memory_space<vmem_shared>>)
    %barrier3A_278 = arith.constant 0 : index
    tpu.barrier barrier_id(%barrier3A_278)
    "tpu.region"() ({
      %run_scoped3A = tpu.sem_alloc : memref<!tpu.dma_semaphore, #tpu.memory_space<semaphore_mem>>
      %dma_start3A_279 = arith.constant 0 : i32
      %dma_start3A_280 = arith.constant 0 : i32
      %dma_start3A_281 = tpu.memref_slice %arg6[%arg0, %arg1, %dma_start3A_279, %dma_start3A_280] : memref<2x16x640x64xf32, #tpu.memory_space<hbm>> -> memref<1x1x640x64xf32, #tpu.memory_space<hbm>>
      %dma_start3A_282 = tpu.memref_squeeze %dma_start3A_281 : memref<1x1x640x64xf32, #tpu.memory_space<hbm>> -> memref<640x64xf32, #tpu.memory_space<hbm>>
      %dma_start3A_283 = arith.constant 0 : i32
      %dma_start3A_284 = tpu.memref_slice %arg10[%mul3A_0, %dma_start3A_283] : memref<10240x64xf32, #tpu.memory_space<vmem_shared>> -> memref<640x64xf32, #tpu.memory_space<vmem_shared>>
      tpu.enqueue_dma source(%dma_start3A_284 : memref<640x64xf32, #tpu.memory_space<vmem_shared>>) target(%dma_start3A_282 : memref<640x64xf32, #tpu.memory_space<hbm>>) target_semaphore(%run_scoped3A : memref<!tpu.dma_semaphore, #tpu.memory_space<semaphore_mem>>)
      %dma_wait3A_285 = arith.constant 0 : i32
      %dma_wait3A_286 = arith.constant 0 : i32
      %dma_wait3A_287 = tpu.memref_slice %arg6[%arg0, %arg1, %dma_wait3A_285, %dma_wait3A_286] : memref<2x16x640x64xf32, #tpu.memory_space<hbm>> -> memref<1x1x640x64xf32, #tpu.memory_space<hbm>>
      %dma_wait3A_288 = tpu.memref_squeeze %dma_wait3A_287 : memref<1x1x640x64xf32, #tpu.memory_space<hbm>> -> memref<640x64xf32, #tpu.memory_space<hbm>>
      %dma_wait3A_289 = arith.constant 0 : i32
      %dma_wait3A_290 = tpu.memref_slice %arg10[%mul3A_0, %dma_wait3A_289] : memref<10240x64xf32, #tpu.memory_space<vmem_shared>> -> memref<640x64xf32, #tpu.memory_space<vmem_shared>>
      tpu.wait_dma2 semaphore(%run_scoped3A : memref<!tpu.dma_semaphore, #tpu.memory_space<semaphore_mem>>) src(%dma_wait3A_290 : memref<640x64xf32, #tpu.memory_space<vmem_shared>>) dst(%dma_wait3A_288 : memref<640x64xf32, #tpu.memory_space<hbm>>)
      tpu.yield
    }) : () -> ()
    return
  }
}

#map = affine_map<(d0, d1) -> (0, 0)>
#map1 = affine_map<(d0, d1) -> (0, 0, 0)>
module attributes {stable_mosaic.version = 14 : i64} {
  func.func @_head_gather_body(%arg0: i32, %arg1: i32, %arg2: memref<10240x64xf32, #tpu.memory_space<hbm>>, %arg3: memref<10240x64xf32, #tpu.memory_space<hbm>>, %arg4: memref<832x128xi32, #tpu.memory_space<hbm>>, %arg5: memref<832x128xi32, #tpu.memory_space<hbm>>, %arg6: memref<832x64x128xf32, #tpu.memory_space<hbm>>, %arg7: memref<26x128xi32, #tpu.memory_space<vmem>>, %arg8: memref<26x128xi32, #tpu.memory_space<vmem>>, %arg9: memref<2x128x64xf32, #tpu.memory_space<vmem>>, %arg10: memref<2x128x64xf32, #tpu.memory_space<vmem>>, %arg11: memref<2x64x128xf32, #tpu.memory_space<vmem>>, %arg12: memref<!tpu.dma_semaphore, #tpu.memory_space<semaphore_mem>>, %arg13: memref<!tpu.dma_semaphore, #tpu.memory_space<semaphore_mem>>, %arg14: memref<!tpu.dma_semaphore, #tpu.memory_space<semaphore_mem>>, %arg15: memref<!tpu.dma_semaphore, #tpu.memory_space<semaphore_mem>>, %arg16: memref<!tpu.dma_semaphore, #tpu.memory_space<semaphore_mem>>, %arg17: memref<!tpu.dma_semaphore, #tpu.memory_space<semaphore_mem>>) attributes {dimension_semantics = [#tpu.dimension_semantics<core_parallel>, #tpu.dimension_semantics<subcore_parallel>], iteration_bounds = array<i64: 2, 16>, scalar_prefetch = 0 : i64, scratch_operands = 11 : i64, tpu.core_type = #tpu.core_type<sc_vector_subcore>, window_params = [{transform_indices = #map}, {transform_indices = #map}, {transform_indices = #map}, {transform_indices = #map}, {transform_indices = #map1}]} {
    %mul3A = arith.constant 16 : i32
    %mul3A_0 = arith.muli %arg0, %mul3A : i32
    %add3A = arith.addi %mul3A_0, %arg1 : i32
    %mul3A_1 = arith.constant 26 : i32
    %mul3A_2 = arith.muli %add3A, %mul3A_1 : i32
    "tpu.region"() ({
      %run_scoped3A = tpu.sem_alloc : memref<!tpu.dma_semaphore, #tpu.memory_space<semaphore_mem>>
      %dma_start3A_306 = arith.constant 0 : i32
      %dma_start3A_307 = tpu.memref_slice %arg4[%mul3A_2, %dma_start3A_306] : memref<832x128xi32, #tpu.memory_space<hbm>> -> memref<26x128xi32, #tpu.memory_space<hbm>>
      %dma_start3A_308 = arith.constant 0 : i32
      %dma_start3A_309 = tpu.memref_slice %arg4[%mul3A_2, %dma_start3A_308] : memref<832x128xi32, #tpu.memory_space<hbm>> -> memref<26x128xi32, #tpu.memory_space<hbm>>
      tpu.enqueue_dma source(%dma_start3A_309 : memref<26x128xi32, #tpu.memory_space<hbm>>) target(%arg7 : memref<26x128xi32, #tpu.memory_space<vmem>>) target_semaphore(%run_scoped3A : memref<!tpu.dma_semaphore, #tpu.memory_space<semaphore_mem>>)
      %dma_wait3A_310 = arith.constant 0 : i32
      %dma_wait3A_311 = tpu.memref_slice %arg4[%mul3A_2, %dma_wait3A_310] : memref<832x128xi32, #tpu.memory_space<hbm>> -> memref<26x128xi32, #tpu.memory_space<hbm>>
      %dma_wait3A_312 = arith.constant 0 : i32
      %dma_wait3A_313 = tpu.memref_slice %arg4[%mul3A_2, %dma_wait3A_312] : memref<832x128xi32, #tpu.memory_space<hbm>> -> memref<26x128xi32, #tpu.memory_space<hbm>>
      tpu.wait_dma2 semaphore(%run_scoped3A : memref<!tpu.dma_semaphore, #tpu.memory_space<semaphore_mem>>) src(%dma_wait3A_313 : memref<26x128xi32, #tpu.memory_space<hbm>>) dst(%arg7 : memref<26x128xi32, #tpu.memory_space<vmem>>)
      tpu.yield
    }) : () -> ()
    "tpu.region"() ({
      %run_scoped3A = tpu.sem_alloc : memref<!tpu.dma_semaphore, #tpu.memory_space<semaphore_mem>>
      %dma_start3A_306 = arith.constant 0 : i32
      %dma_start3A_307 = tpu.memref_slice %arg5[%mul3A_2, %dma_start3A_306] : memref<832x128xi32, #tpu.memory_space<hbm>> -> memref<26x128xi32, #tpu.memory_space<hbm>>
      %dma_start3A_308 = arith.constant 0 : i32
      %dma_start3A_309 = tpu.memref_slice %arg5[%mul3A_2, %dma_start3A_308] : memref<832x128xi32, #tpu.memory_space<hbm>> -> memref<26x128xi32, #tpu.memory_space<hbm>>
      tpu.enqueue_dma source(%dma_start3A_309 : memref<26x128xi32, #tpu.memory_space<hbm>>) target(%arg8 : memref<26x128xi32, #tpu.memory_space<vmem>>) target_semaphore(%run_scoped3A : memref<!tpu.dma_semaphore, #tpu.memory_space<semaphore_mem>>)
      %dma_wait3A_310 = arith.constant 0 : i32
      %dma_wait3A_311 = tpu.memref_slice %arg5[%mul3A_2, %dma_wait3A_310] : memref<832x128xi32, #tpu.memory_space<hbm>> -> memref<26x128xi32, #tpu.memory_space<hbm>>
      %dma_wait3A_312 = arith.constant 0 : i32
      %dma_wait3A_313 = tpu.memref_slice %arg5[%mul3A_2, %dma_wait3A_312] : memref<832x128xi32, #tpu.memory_space<hbm>> -> memref<26x128xi32, #tpu.memory_space<hbm>>
      tpu.wait_dma2 semaphore(%run_scoped3A : memref<!tpu.dma_semaphore, #tpu.memory_space<semaphore_mem>>) src(%dma_wait3A_313 : memref<26x128xi32, #tpu.memory_space<hbm>>) dst(%arg8 : memref<26x128xi32, #tpu.memory_space<vmem>>)
      tpu.yield
    }) : () -> ()
    %dma_start3A = arith.constant 0 : i32
    %dma_start3A_3 = arith.constant 0 : i32
    %dma_start3A_4 = arith.constant 0 : i32
    %dma_start3A_5 = arith.constant 0 : i32
    %dma_start3A_6 = tpu.memref_slice %arg9[%dma_start3A_3, %dma_start3A_4, %dma_start3A_5] : memref<2x128x64xf32, #tpu.memory_space<vmem>> -> memref<1x128x64xf32, #tpu.memory_space<vmem>>
    %dma_start3A_7 = tpu.memref_squeeze %dma_start3A_6 : memref<1x128x64xf32, #tpu.memory_space<vmem>> -> memref<128x64xf32, #tpu.memory_space<vmem>>
    %dma_start3A_8 = arith.constant 0 : i32
    %dma_start3A_9 = tpu.memref_slice %arg7[%dma_start3A, %dma_start3A_8] : memref<26x128xi32, #tpu.memory_space<vmem>> -> memref<1x128xi32, #tpu.memory_space<vmem>>
    %dma_start3A_10 = tpu.memref_squeeze %dma_start3A_9 : memref<1x128xi32, #tpu.memory_space<vmem>> -> memref<128xi32, #tpu.memory_space<vmem>>
    %dma_start3A_11 = arith.constant 0 : i32
    %dma_start3A_12 = arith.constant 0 : i32
    %dma_start3A_13 = tpu.memref_slice %arg2[%dma_start3A_11, %dma_start3A_12] : memref<10240x64xf32, #tpu.memory_space<hbm>> -> memref<10240x64xf32, #tpu.memory_space<hbm>>
    tpu.enqueue_indirect_dma source(%dma_start3A_13 : memref<10240x64xf32, #tpu.memory_space<hbm>>) target(%dma_start3A_7 : memref<128x64xf32, #tpu.memory_space<vmem>>) offsets(%dma_start3A_10 : memref<128xi32, #tpu.memory_space<vmem>>) semaphore(%arg12 : memref<!tpu.dma_semaphore, #tpu.memory_space<semaphore_mem>>)
    %dma_start3A_14 = arith.constant 0 : i32
    %dma_start3A_15 = arith.constant 0 : i32
    %dma_start3A_16 = arith.constant 0 : i32
    %dma_start3A_17 = arith.constant 0 : i32
    %dma_start3A_18 = tpu.memref_slice %arg10[%dma_start3A_15, %dma_start3A_16, %dma_start3A_17] : memref<2x128x64xf32, #tpu.memory_space<vmem>> -> memref<1x128x64xf32, #tpu.memory_space<vmem>>
    %dma_start3A_19 = tpu.memref_squeeze %dma_start3A_18 : memref<1x128x64xf32, #tpu.memory_space<vmem>> -> memref<128x64xf32, #tpu.memory_space<vmem>>
    %dma_start3A_20 = arith.constant 0 : i32
    %dma_start3A_21 = tpu.memref_slice %arg8[%dma_start3A_14, %dma_start3A_20] : memref<26x128xi32, #tpu.memory_space<vmem>> -> memref<1x128xi32, #tpu.memory_space<vmem>>
    %dma_start3A_22 = tpu.memref_squeeze %dma_start3A_21 : memref<1x128xi32, #tpu.memory_space<vmem>> -> memref<128xi32, #tpu.memory_space<vmem>>
    %dma_start3A_23 = arith.constant 0 : i32
    %dma_start3A_24 = arith.constant 0 : i32
    %dma_start3A_25 = tpu.memref_slice %arg3[%dma_start3A_23, %dma_start3A_24] : memref<10240x64xf32, #tpu.memory_space<hbm>> -> memref<10240x64xf32, #tpu.memory_space<hbm>>
    tpu.enqueue_indirect_dma source(%dma_start3A_25 : memref<10240x64xf32, #tpu.memory_space<hbm>>) target(%dma_start3A_19 : memref<128x64xf32, #tpu.memory_space<vmem>>) offsets(%dma_start3A_22 : memref<128xi32, #tpu.memory_space<vmem>>) semaphore(%arg14 : memref<!tpu.dma_semaphore, #tpu.memory_space<semaphore_mem>>)
    %dma_start3A_26 = arith.constant 1 : i32
    %dma_start3A_27 = arith.constant 1 : i32
    %dma_start3A_28 = arith.constant 0 : i32
    %dma_start3A_29 = arith.constant 0 : i32
    %dma_start3A_30 = tpu.memref_slice %arg9[%dma_start3A_27, %dma_start3A_28, %dma_start3A_29] : memref<2x128x64xf32, #tpu.memory_space<vmem>> -> memref<1x128x64xf32, #tpu.memory_space<vmem>>
    %dma_start3A_31 = tpu.memref_squeeze %dma_start3A_30 : memref<1x128x64xf32, #tpu.memory_space<vmem>> -> memref<128x64xf32, #tpu.memory_space<vmem>>
    %dma_start3A_32 = arith.constant 0 : i32
    %dma_start3A_33 = tpu.memref_slice %arg7[%dma_start3A_26, %dma_start3A_32] : memref<26x128xi32, #tpu.memory_space<vmem>> -> memref<1x128xi32, #tpu.memory_space<vmem>>
    %dma_start3A_34 = tpu.memref_squeeze %dma_start3A_33 : memref<1x128xi32, #tpu.memory_space<vmem>> -> memref<128xi32, #tpu.memory_space<vmem>>
    %dma_start3A_35 = arith.constant 0 : i32
    %dma_start3A_36 = arith.constant 0 : i32
    %dma_start3A_37 = tpu.memref_slice %arg2[%dma_start3A_35, %dma_start3A_36] : memref<10240x64xf32, #tpu.memory_space<hbm>> -> memref<10240x64xf32, #tpu.memory_space<hbm>>
    tpu.enqueue_indirect_dma source(%dma_start3A_37 : memref<10240x64xf32, #tpu.memory_space<hbm>>) target(%dma_start3A_31 : memref<128x64xf32, #tpu.memory_space<vmem>>) offsets(%dma_start3A_34 : memref<128xi32, #tpu.memory_space<vmem>>) semaphore(%arg13 : memref<!tpu.dma_semaphore, #tpu.memory_space<semaphore_mem>>)
    %dma_start3A_38 = arith.constant 1 : i32
    %dma_start3A_39 = arith.constant 1 : i32
    %dma_start3A_40 = arith.constant 0 : i32
    %dma_start3A_41 = arith.constant 0 : i32
    %dma_start3A_42 = tpu.memref_slice %arg10[%dma_start3A_39, %dma_start3A_40, %dma_start3A_41] : memref<2x128x64xf32, #tpu.memory_space<vmem>> -> memref<1x128x64xf32, #tpu.memory_space<vmem>>
    %dma_start3A_43 = tpu.memref_squeeze %dma_start3A_42 : memref<1x128x64xf32, #tpu.memory_space<vmem>> -> memref<128x64xf32, #tpu.memory_space<vmem>>
    %dma_start3A_44 = arith.constant 0 : i32
    %dma_start3A_45 = tpu.memref_slice %arg8[%dma_start3A_38, %dma_start3A_44] : memref<26x128xi32, #tpu.memory_space<vmem>> -> memref<1x128xi32, #tpu.memory_space<vmem>>
    %dma_start3A_46 = tpu.memref_squeeze %dma_start3A_45 : memref<1x128xi32, #tpu.memory_space<vmem>> -> memref<128xi32, #tpu.memory_space<vmem>>
    %dma_start3A_47 = arith.constant 0 : i32
    %dma_start3A_48 = arith.constant 0 : i32
    %dma_start3A_49 = tpu.memref_slice %arg3[%dma_start3A_47, %dma_start3A_48] : memref<10240x64xf32, #tpu.memory_space<hbm>> -> memref<10240x64xf32, #tpu.memory_space<hbm>>
    tpu.enqueue_indirect_dma source(%dma_start3A_49 : memref<10240x64xf32, #tpu.memory_space<hbm>>) target(%dma_start3A_43 : memref<128x64xf32, #tpu.memory_space<vmem>>) offsets(%dma_start3A_46 : memref<128xi32, #tpu.memory_space<vmem>>) semaphore(%arg15 : memref<!tpu.dma_semaphore, #tpu.memory_space<semaphore_mem>>)
    %dma_wait3A = arith.constant 0 : i32
    %dma_wait3A_50 = arith.constant 0 : i32
    %dma_wait3A_51 = arith.constant 0 : i32
    %dma_wait3A_52 = tpu.memref_slice %arg9[%dma_wait3A, %dma_wait3A_50, %dma_wait3A_51] : memref<2x128x64xf32, #tpu.memory_space<vmem>> -> memref<1x128x64xf32, #tpu.memory_space<vmem>>
    %dma_wait3A_53 = tpu.memref_squeeze %dma_wait3A_52 : memref<1x128x64xf32, #tpu.memory_space<vmem>> -> memref<128x64xf32, #tpu.memory_space<vmem>>
    %dma_wait3A_54 = arith.constant 0 : i32
    %dma_wait3A_55 = arith.constant 0 : i32
    %dma_wait3A_56 = tpu.memref_slice %arg2[%dma_wait3A_54, %dma_wait3A_55] : memref<10240x64xf32, #tpu.memory_space<hbm>> -> memref<128x64xf32, #tpu.memory_space<hbm>>
    %dma_wait3A_57 = arith.constant 0 : i32
    %dma_wait3A_58 = arith.constant 0 : i32
    %dma_wait3A_59 = tpu.memref_slice %arg9[%dma_wait3A, %dma_wait3A_57, %dma_wait3A_58] : memref<2x128x64xf32, #tpu.memory_space<vmem>> -> memref<1x128x64xf32, #tpu.memory_space<vmem>>
    %dma_wait3A_60 = tpu.memref_squeeze %dma_wait3A_59 : memref<1x128x64xf32, #tpu.memory_space<vmem>> -> memref<128x64xf32, #tpu.memory_space<vmem>>
    %dma_wait3A_61 = arith.constant 0 : i32
    %dma_wait3A_62 = arith.constant 0 : i32
    %dma_wait3A_63 = tpu.memref_slice %arg2[%dma_wait3A_61, %dma_wait3A_62] : memref<10240x64xf32, #tpu.memory_space<hbm>> -> memref<128x64xf32, #tpu.memory_space<hbm>>
    tpu.wait_dma2 semaphore(%arg12 : memref<!tpu.dma_semaphore, #tpu.memory_space<semaphore_mem>>) src(%dma_wait3A_63 : memref<128x64xf32, #tpu.memory_space<hbm>>) dst(%dma_wait3A_60 : memref<128x64xf32, #tpu.memory_space<vmem>>)
    %dma_wait3A_64 = arith.constant 0 : i32
    %dma_wait3A_65 = arith.constant 0 : i32
    %dma_wait3A_66 = arith.constant 0 : i32
    %dma_wait3A_67 = tpu.memref_slice %arg10[%dma_wait3A_64, %dma_wait3A_65, %dma_wait3A_66] : memref<2x128x64xf32, #tpu.memory_space<vmem>> -> memref<1x128x64xf32, #tpu.memory_space<vmem>>
    %dma_wait3A_68 = tpu.memref_squeeze %dma_wait3A_67 : memref<1x128x64xf32, #tpu.memory_space<vmem>> -> memref<128x64xf32, #tpu.memory_space<vmem>>
    %dma_wait3A_69 = arith.constant 0 : i32
    %dma_wait3A_70 = arith.constant 0 : i32
    %dma_wait3A_71 = tpu.memref_slice %arg3[%dma_wait3A_69, %dma_wait3A_70] : memref<10240x64xf32, #tpu.memory_space<hbm>> -> memref<128x64xf32, #tpu.memory_space<hbm>>
    %dma_wait3A_72 = arith.constant 0 : i32
    %dma_wait3A_73 = arith.constant 0 : i32
    %dma_wait3A_74 = tpu.memref_slice %arg10[%dma_wait3A_64, %dma_wait3A_72, %dma_wait3A_73] : memref<2x128x64xf32, #tpu.memory_space<vmem>> -> memref<1x128x64xf32, #tpu.memory_space<vmem>>
    %dma_wait3A_75 = tpu.memref_squeeze %dma_wait3A_74 : memref<1x128x64xf32, #tpu.memory_space<vmem>> -> memref<128x64xf32, #tpu.memory_space<vmem>>
    %dma_wait3A_76 = arith.constant 0 : i32
    %dma_wait3A_77 = arith.constant 0 : i32
    %dma_wait3A_78 = tpu.memref_slice %arg3[%dma_wait3A_76, %dma_wait3A_77] : memref<10240x64xf32, #tpu.memory_space<hbm>> -> memref<128x64xf32, #tpu.memory_space<hbm>>
    tpu.wait_dma2 semaphore(%arg14 : memref<!tpu.dma_semaphore, #tpu.memory_space<semaphore_mem>>) src(%dma_wait3A_78 : memref<128x64xf32, #tpu.memory_space<hbm>>) dst(%dma_wait3A_75 : memref<128x64xf32, #tpu.memory_space<vmem>>)
    %scan3A = arith.constant 0 : i32
    %scan3A_79 = arith.constant 0 : i32
    %scan3A_80 = arith.constant 64 : i32
    %scan3A_81 = arith.addi %scan3A_79, %scan3A_80 : i32
    %scan3A_82 = arith.constant 1 : i32
    scf.for %scan3A_306 = %scan3A_79 to %scan3A_81 step %scan3A_82  : i32 {
      %mul3A_307 = arith.constant 2 : i32
      %mul3A_308 = arith.muli %mul3A_307, %scan3A_306 : i32
      %get3A = arith.constant 0 : i32
      %get3A_309 = arith.index_cast %get3A : i32 to index
      %get3A_310 = arith.index_cast %mul3A_308 : i32 to index
      %get3A_311 = arith.constant 0 : index
      %get3A_312 = tpu.vector_load %arg9[%get3A_309, %get3A_310, %get3A_311] {strides = array<i32>} : memref<2x128x64xf32, #tpu.memory_space<vmem>>, vector<1x1x16xf32>,
      %get3A_313 = vector.shape_cast %get3A_312 : vector<1x1x16xf32> to vector<16xf32>
      %mul3A_314 = arith.constant 2 : i32
      %mul3A_315 = arith.muli %mul3A_314, %scan3A_306 : i32
      %get3A_316 = arith.constant 0 : i32
      %get3A_317 = arith.index_cast %get3A_316 : i32 to index
      %get3A_318 = arith.index_cast %mul3A_315 : i32 to index
      %get3A_319 = arith.constant 0 : index
      %get3A_320 = tpu.vector_load %arg10[%get3A_317, %get3A_318, %get3A_319] {strides = array<i32>} : memref<2x128x64xf32, #tpu.memory_space<vmem>>, vector<1x1x16xf32>,
      %get3A_321 = vector.shape_cast %get3A_320 : vector<1x1x16xf32> to vector<16xf32>
      %add3A_322 = arith.addf %get3A_313, %get3A_321 : vector<16xf32>
      %swap3A = arith.constant 0 : i32
      %swap3A_323 = arith.index_cast %swap3A : i32 to index
      %swap3A_324 = arith.index_cast %scan3A_306 : i32 to index
      %swap3A_325 = arith.constant 0 : index
      %swap3A_326 = tpu.vector_load %arg11[%swap3A_323, %swap3A_324, %swap3A_325] {strides = array<i32>} : memref<2x64x128xf32, #tpu.memory_space<vmem>>, vector<1x1x16xf32>,
      %swap3A_327 = vector.shape_cast %swap3A_326 : vector<1x1x16xf32> to vector<16xf32>
      %swap3A_328 = vector.shape_cast %add3A_322 : vector<16xf32> to vector<1x1x16xf32>
      tpu.vector_store %arg11[%swap3A_323, %swap3A_324, %swap3A_325], %swap3A_328 {strides = array<i32>} : memref<2x64x128xf32, #tpu.memory_space<vmem>>, vector<1x1x16xf32>,
      %mul3A_329 = arith.constant 2 : i32
      %mul3A_330 = arith.muli %mul3A_329, %scan3A_306 : i32
      %add3A_331 = arith.constant 1 : i32
      %add3A_332 = arith.addi %mul3A_330, %add3A_331 : i32
      %get3A_333 = arith.constant 0 : i32
      %get3A_334 = arith.index_cast %get3A_333 : i32 to index
      %get3A_335 = arith.index_cast %add3A_332 : i32 to index
      %get3A_336 = arith.constant 0 : index
      %get3A_337 = tpu.vector_load %arg9[%get3A_334, %get3A_335, %get3A_336] {strides = array<i32>} : memref<2x128x64xf32, #tpu.memory_space<vmem>>, vector<1x1x16xf32>,
      %get3A_338 = vector.shape_cast %get3A_337 : vector<1x1x16xf32> to vector<16xf32>
      %mul3A_339 = arith.constant 2 : i32
      %mul3A_340 = arith.muli %mul3A_339, %scan3A_306 : i32
      %add3A_341 = arith.constant 1 : i32
      %add3A_342 = arith.addi %mul3A_340, %add3A_341 : i32
      %get3A_343 = arith.constant 0 : i32
      %get3A_344 = arith.index_cast %get3A_343 : i32 to index
      %get3A_345 = arith.index_cast %add3A_342 : i32 to index
      %get3A_346 = arith.constant 0 : index
      %get3A_347 = tpu.vector_load %arg10[%get3A_344, %get3A_345, %get3A_346] {strides = array<i32>} : memref<2x128x64xf32, #tpu.memory_space<vmem>>, vector<1x1x16xf32>,
      %get3A_348 = vector.shape_cast %get3A_347 : vector<1x1x16xf32> to vector<16xf32>
      %add3A_349 = arith.addf %get3A_338, %get3A_348 : vector<16xf32>
      %swap3A_350 = arith.constant 0 : i32
      %swap3A_351 = arith.index_cast %swap3A_350 : i32 to index
      %swap3A_352 = arith.index_cast %scan3A_306 : i32 to index
      %swap3A_353 = arith.constant 64 : index
      %swap3A_354 = tpu.vector_load %arg11[%swap3A_351, %swap3A_352, %swap3A_353] {strides = array<i32>} : memref<2x64x128xf32, #tpu.memory_space<vmem>>, vector<1x1x16xf32>,
      %swap3A_355 = vector.shape_cast %swap3A_354 : vector<1x1x16xf32> to vector<16xf32>
      %swap3A_356 = vector.shape_cast %add3A_349 : vector<16xf32> to vector<1x1x16xf32>
      tpu.vector_store %arg11[%swap3A_351, %swap3A_352, %swap3A_353], %swap3A_356 {strides = array<i32>} : memref<2x64x128xf32, #tpu.memory_space<vmem>>, vector<1x1x16xf32>,
      %mul3A_357 = arith.constant 2 : i32
      %mul3A_358 = arith.muli %mul3A_357, %scan3A_306 : i32
      %get3A_359 = arith.constant 0 : i32
      %get3A_360 = arith.index_cast %get3A_359 : i32 to index
      %get3A_361 = arith.index_cast %mul3A_358 : i32 to index
      %get3A_362 = arith.constant 16 : index
      %get3A_363 = tpu.vector_load %arg9[%get3A_360, %get3A_361, %get3A_362] {strides = array<i32>} : memref<2x128x64xf32, #tpu.memory_space<vmem>>, vector<1x1x16xf32>,
      %get3A_364 = vector.shape_cast %get3A_363 : vector<1x1x16xf32> to vector<16xf32>
      %mul3A_365 = arith.constant 2 : i32
      %mul3A_366 = arith.muli %mul3A_365, %scan3A_306 : i32
      %get3A_367 = arith.constant 0 : i32
      %get3A_368 = arith.index_cast %get3A_367 : i32 to index
      %get3A_369 = arith.index_cast %mul3A_366 : i32 to index
      %get3A_370 = arith.constant 16 : index
      %get3A_371 = tpu.vector_load %arg10[%get3A_368, %get3A_369, %get3A_370] {strides = array<i32>} : memref<2x128x64xf32, #tpu.memory_space<vmem>>, vector<1x1x16xf32>,
      %get3A_372 = vector.shape_cast %get3A_371 : vector<1x1x16xf32> to vector<16xf32>
      %add3A_373 = arith.addf %get3A_364, %get3A_372 : vector<16xf32>
      %swap3A_374 = arith.constant 0 : i32
      %swap3A_375 = arith.index_cast %swap3A_374 : i32 to index
      %swap3A_376 = arith.index_cast %scan3A_306 : i32 to index
      %swap3A_377 = arith.constant 16 : index
      %swap3A_378 = tpu.vector_load %arg11[%swap3A_375, %swap3A_376, %swap3A_377] {strides = array<i32>} : memref<2x64x128xf32, #tpu.memory_space<vmem>>, vector<1x1x16xf32>,
      %swap3A_379 = vector.shape_cast %swap3A_378 : vector<1x1x16xf32> to vector<16xf32>
      %swap3A_380 = vector.shape_cast %add3A_373 : vector<16xf32> to vector<1x1x16xf32>
      tpu.vector_store %arg11[%swap3A_375, %swap3A_376, %swap3A_377], %swap3A_380 {strides = array<i32>} : memref<2x64x128xf32, #tpu.memory_space<vmem>>, vector<1x1x16xf32>,
      %mul3A_381 = arith.constant 2 : i32
      %mul3A_382 = arith.muli %mul3A_381, %scan3A_306 : i32
      %add3A_383 = arith.constant 1 : i32
      %add3A_384 = arith.addi %mul3A_382, %add3A_383 : i32
      %get3A_385 = arith.constant 0 : i32
      %get3A_386 = arith.index_cast %get3A_385 : i32 to index
      %get3A_387 = arith.index_cast %add3A_384 : i32 to index
      %get3A_388 = arith.constant 16 : index
      %get3A_389 = tpu.vector_load %arg9[%get3A_386, %get3A_387, %get3A_388] {strides = array<i32>} : memref<2x128x64xf32, #tpu.memory_space<vmem>>, vector<1x1x16xf32>,
      %get3A_390 = vector.shape_cast %get3A_389 : vector<1x1x16xf32> to vector<16xf32>
      %mul3A_391 = arith.constant 2 : i32
      %mul3A_392 = arith.muli %mul3A_391, %scan3A_306 : i32
      %add3A_393 = arith.constant 1 : i32
      %add3A_394 = arith.addi %mul3A_392, %add3A_393 : i32
      %get3A_395 = arith.constant 0 : i32
      %get3A_396 = arith.index_cast %get3A_395 : i32 to index
      %get3A_397 = arith.index_cast %add3A_394 : i32 to index
      %get3A_398 = arith.constant 16 : index
      %get3A_399 = tpu.vector_load %arg10[%get3A_396, %get3A_397, %get3A_398] {strides = array<i32>} : memref<2x128x64xf32, #tpu.memory_space<vmem>>, vector<1x1x16xf32>,
      %get3A_400 = vector.shape_cast %get3A_399 : vector<1x1x16xf32> to vector<16xf32>
      %add3A_401 = arith.addf %get3A_390, %get3A_400 : vector<16xf32>
      %swap3A_402 = arith.constant 0 : i32
      %swap3A_403 = arith.index_cast %swap3A_402 : i32 to index
      %swap3A_404 = arith.index_cast %scan3A_306 : i32 to index
      %swap3A_405 = arith.constant 80 : index
      %swap3A_406 = tpu.vector_load %arg11[%swap3A_403, %swap3A_404, %swap3A_405] {strides = array<i32>} : memref<2x64x128xf32, #tpu.memory_space<vmem>>, vector<1x1x16xf32>,
      %swap3A_407 = vector.shape_cast %swap3A_406 : vector<1x1x16xf32> to vector<16xf32>
      %swap3A_408 = vector.shape_cast %add3A_401 : vector<16xf32> to vector<1x1x16xf32>
      tpu.vector_store %arg11[%swap3A_403, %swap3A_404, %swap3A_405], %swap3A_408 {strides = array<i32>} : memref<2x64x128xf32, #tpu.memory_space<vmem>>, vector<1x1x16xf32>,
      %mul3A_409 = arith.constant 2 : i32
      %mul3A_410 = arith.muli %mul3A_409, %scan3A_306 : i32
      %get3A_411 = arith.constant 0 : i32
      %get3A_412 = arith.index_cast %get3A_411 : i32 to index
      %get3A_413 = arith.index_cast %mul3A_410 : i32 to index
      %get3A_414 = arith.constant 32 : index
      %get3A_415 = tpu.vector_load %arg9[%get3A_412, %get3A_413, %get3A_414] {strides = array<i32>} : memref<2x128x64xf32, #tpu.memory_space<vmem>>, vector<1x1x16xf32>,
      %get3A_416 = vector.shape_cast %get3A_415 : vector<1x1x16xf32> to vector<16xf32>
      %mul3A_417 = arith.constant 2 : i32
      %mul3A_418 = arith.muli %mul3A_417, %scan3A_306 : i32
      %get3A_419 = arith.constant 0 : i32
      %get3A_420 = arith.index_cast %get3A_419 : i32 to index
      %get3A_421 = arith.index_cast %mul3A_418 : i32 to index
      %get3A_422 = arith.constant 32 : index
      %get3A_423 = tpu.vector_load %arg10[%get3A_420, %get3A_421, %get3A_422] {strides = array<i32>} : memref<2x128x64xf32, #tpu.memory_space<vmem>>, vector<1x1x16xf32>,
      %get3A_424 = vector.shape_cast %get3A_423 : vector<1x1x16xf32> to vector<16xf32>
      %add3A_425 = arith.addf %get3A_416, %get3A_424 : vector<16xf32>
      %swap3A_426 = arith.constant 0 : i32
      %swap3A_427 = arith.index_cast %swap3A_426 : i32 to index
      %swap3A_428 = arith.index_cast %scan3A_306 : i32 to index
      %swap3A_429 = arith.constant 32 : index
      %swap3A_430 = tpu.vector_load %arg11[%swap3A_427, %swap3A_428, %swap3A_429] {strides = array<i32>} : memref<2x64x128xf32, #tpu.memory_space<vmem>>, vector<1x1x16xf32>,
      %swap3A_431 = vector.shape_cast %swap3A_430 : vector<1x1x16xf32> to vector<16xf32>
      %swap3A_432 = vector.shape_cast %add3A_425 : vector<16xf32> to vector<1x1x16xf32>
      tpu.vector_store %arg11[%swap3A_427, %swap3A_428, %swap3A_429], %swap3A_432 {strides = array<i32>} : memref<2x64x128xf32, #tpu.memory_space<vmem>>, vector<1x1x16xf32>,
      %mul3A_433 = arith.constant 2 : i32
      %mul3A_434 = arith.muli %mul3A_433, %scan3A_306 : i32
      %add3A_435 = arith.constant 1 : i32
      %add3A_436 = arith.addi %mul3A_434, %add3A_435 : i32
      %get3A_437 = arith.constant 0 : i32
      %get3A_438 = arith.index_cast %get3A_437 : i32 to index
      %get3A_439 = arith.index_cast %add3A_436 : i32 to index
      %get3A_440 = arith.constant 32 : index
      %get3A_441 = tpu.vector_load %arg9[%get3A_438, %get3A_439, %get3A_440] {strides = array<i32>} : memref<2x128x64xf32, #tpu.memory_space<vmem>>, vector<1x1x16xf32>,
      %get3A_442 = vector.shape_cast %get3A_441 : vector<1x1x16xf32> to vector<16xf32>
      %mul3A_443 = arith.constant 2 : i32
      %mul3A_444 = arith.muli %mul3A_443, %scan3A_306 : i32
      %add3A_445 = arith.constant 1 : i32
      %add3A_446 = arith.addi %mul3A_444, %add3A_445 : i32
      %get3A_447 = arith.constant 0 : i32
      %get3A_448 = arith.index_cast %get3A_447 : i32 to index
      %get3A_449 = arith.index_cast %add3A_446 : i32 to index
      %get3A_450 = arith.constant 32 : index
      %get3A_451 = tpu.vector_load %arg10[%get3A_448, %get3A_449, %get3A_450] {strides = array<i32>} : memref<2x128x64xf32, #tpu.memory_space<vmem>>, vector<1x1x16xf32>,
      %get3A_452 = vector.shape_cast %get3A_451 : vector<1x1x16xf32> to vector<16xf32>
      %add3A_453 = arith.addf %get3A_442, %get3A_452 : vector<16xf32>
      %swap3A_454 = arith.constant 0 : i32
      %swap3A_455 = arith.index_cast %swap3A_454 : i32 to index
      %swap3A_456 = arith.index_cast %scan3A_306 : i32 to index
      %swap3A_457 = arith.constant 96 : index
      %swap3A_458 = tpu.vector_load %arg11[%swap3A_455, %swap3A_456, %swap3A_457] {strides = array<i32>} : memref<2x64x128xf32, #tpu.memory_space<vmem>>, vector<1x1x16xf32>,
      %swap3A_459 = vector.shape_cast %swap3A_458 : vector<1x1x16xf32> to vector<16xf32>
      %swap3A_460 = vector.shape_cast %add3A_453 : vector<16xf32> to vector<1x1x16xf32>
      tpu.vector_store %arg11[%swap3A_455, %swap3A_456, %swap3A_457], %swap3A_460 {strides = array<i32>} : memref<2x64x128xf32, #tpu.memory_space<vmem>>, vector<1x1x16xf32>,
      %mul3A_461 = arith.constant 2 : i32
      %mul3A_462 = arith.muli %mul3A_461, %scan3A_306 : i32
      %get3A_463 = arith.constant 0 : i32
      %get3A_464 = arith.index_cast %get3A_463 : i32 to index
      %get3A_465 = arith.index_cast %mul3A_462 : i32 to index
      %get3A_466 = arith.constant 48 : index
      %get3A_467 = tpu.vector_load %arg9[%get3A_464, %get3A_465, %get3A_466] {strides = array<i32>} : memref<2x128x64xf32, #tpu.memory_space<vmem>>, vector<1x1x16xf32>,
      %get3A_468 = vector.shape_cast %get3A_467 : vector<1x1x16xf32> to vector<16xf32>
      %mul3A_469 = arith.constant 2 : i32
      %mul3A_470 = arith.muli %mul3A_469, %scan3A_306 : i32
      %get3A_471 = arith.constant 0 : i32
      %get3A_472 = arith.index_cast %get3A_471 : i32 to index
      %get3A_473 = arith.index_cast %mul3A_470 : i32 to index
      %get3A_474 = arith.constant 48 : index
      %get3A_475 = tpu.vector_load %arg10[%get3A_472, %get3A_473, %get3A_474] {strides = array<i32>} : memref<2x128x64xf32, #tpu.memory_space<vmem>>, vector<1x1x16xf32>,
      %get3A_476 = vector.shape_cast %get3A_475 : vector<1x1x16xf32> to vector<16xf32>
      %add3A_477 = arith.addf %get3A_468, %get3A_476 : vector<16xf32>
      %swap3A_478 = arith.constant 0 : i32
      %swap3A_479 = arith.index_cast %swap3A_478 : i32 to index
      %swap3A_480 = arith.index_cast %scan3A_306 : i32 to index
      %swap3A_481 = arith.constant 48 : index
      %swap3A_482 = tpu.vector_load %arg11[%swap3A_479, %swap3A_480, %swap3A_481] {strides = array<i32>} : memref<2x64x128xf32, #tpu.memory_space<vmem>>, vector<1x1x16xf32>,
      %swap3A_483 = vector.shape_cast %swap3A_482 : vector<1x1x16xf32> to vector<16xf32>
      %swap3A_484 = vector.shape_cast %add3A_477 : vector<16xf32> to vector<1x1x16xf32>
      tpu.vector_store %arg11[%swap3A_479, %swap3A_480, %swap3A_481], %swap3A_484 {strides = array<i32>} : memref<2x64x128xf32, #tpu.memory_space<vmem>>, vector<1x1x16xf32>,
      %mul3A_485 = arith.constant 2 : i32
      %mul3A_486 = arith.muli %mul3A_485, %scan3A_306 : i32
      %add3A_487 = arith.constant 1 : i32
      %add3A_488 = arith.addi %mul3A_486, %add3A_487 : i32
      %get3A_489 = arith.constant 0 : i32
      %get3A_490 = arith.index_cast %get3A_489 : i32 to index
      %get3A_491 = arith.index_cast %add3A_488 : i32 to index
      %get3A_492 = arith.constant 48 : index
      %get3A_493 = tpu.vector_load %arg9[%get3A_490, %get3A_491, %get3A_492] {strides = array<i32>} : memref<2x128x64xf32, #tpu.memory_space<vmem>>, vector<1x1x16xf32>,
      %get3A_494 = vector.shape_cast %get3A_493 : vector<1x1x16xf32> to vector<16xf32>
      %mul3A_495 = arith.constant 2 : i32
      %mul3A_496 = arith.muli %mul3A_495, %scan3A_306 : i32
      %add3A_497 = arith.constant 1 : i32
      %add3A_498 = arith.addi %mul3A_496, %add3A_497 : i32
      %get3A_499 = arith.constant 0 : i32
      %get3A_500 = arith.index_cast %get3A_499 : i32 to index
      %get3A_501 = arith.index_cast %add3A_498 : i32 to index
      %get3A_502 = arith.constant 48 : index
      %get3A_503 = tpu.vector_load %arg10[%get3A_500, %get3A_501, %get3A_502] {strides = array<i32>} : memref<2x128x64xf32, #tpu.memory_space<vmem>>, vector<1x1x16xf32>,
      %get3A_504 = vector.shape_cast %get3A_503 : vector<1x1x16xf32> to vector<16xf32>
      %add3A_505 = arith.addf %get3A_494, %get3A_504 : vector<16xf32>
      %swap3A_506 = arith.constant 0 : i32
      %swap3A_507 = arith.index_cast %swap3A_506 : i32 to index
      %swap3A_508 = arith.index_cast %scan3A_306 : i32 to index
      %swap3A_509 = arith.constant 112 : index
      %swap3A_510 = tpu.vector_load %arg11[%swap3A_507, %swap3A_508, %swap3A_509] {strides = array<i32>} : memref<2x64x128xf32, #tpu.memory_space<vmem>>, vector<1x1x16xf32>,
      %swap3A_511 = vector.shape_cast %swap3A_510 : vector<1x1x16xf32> to vector<16xf32>
      %swap3A_512 = vector.shape_cast %add3A_505 : vector<16xf32> to vector<1x1x16xf32>
      tpu.vector_store %arg11[%swap3A_507, %swap3A_508, %swap3A_509], %swap3A_512 {strides = array<i32>} : memref<2x64x128xf32, #tpu.memory_space<vmem>>, vector<1x1x16xf32>,
    }
    %scan3A_83 = arith.constant 64 : i32
    %dma_start3A_84 = arith.constant 2 : i32
    %dma_start3A_85 = arith.constant 0 : i32
    %dma_start3A_86 = arith.constant 0 : i32
    %dma_start3A_87 = arith.constant 0 : i32
    %dma_start3A_88 = tpu.memref_slice %arg9[%dma_start3A_85, %dma_start3A_86, %dma_start3A_87] : memref<2x128x64xf32, #tpu.memory_space<vmem>> -> memref<1x128x64xf32, #tpu.memory_space<vmem>>
    %dma_start3A_89 = tpu.memref_squeeze %dma_start3A_88 : memref<1x128x64xf32, #tpu.memory_space<vmem>> -> memref<128x64xf32, #tpu.memory_space<vmem>>
    %dma_start3A_90 = arith.constant 0 : i32
    %dma_start3A_91 = tpu.memref_slice %arg7[%dma_start3A_84, %dma_start3A_90] : memref<26x128xi32, #tpu.memory_space<vmem>> -> memref<1x128xi32, #tpu.memory_space<vmem>>
    %dma_start3A_92 = tpu.memref_squeeze %dma_start3A_91 : memref<1x128xi32, #tpu.memory_space<vmem>> -> memref<128xi32, #tpu.memory_space<vmem>>
    %dma_start3A_93 = arith.constant 0 : i32
    %dma_start3A_94 = arith.constant 0 : i32
    %dma_start3A_95 = tpu.memref_slice %arg2[%dma_start3A_93, %dma_start3A_94] : memref<10240x64xf32, #tpu.memory_space<hbm>> -> memref<10240x64xf32, #tpu.memory_space<hbm>>
    tpu.enqueue_indirect_dma source(%dma_start3A_95 : memref<10240x64xf32, #tpu.memory_space<hbm>>) target(%dma_start3A_89 : memref<128x64xf32, #tpu.memory_space<vmem>>) offsets(%dma_start3A_92 : memref<128xi32, #tpu.memory_space<vmem>>) semaphore(%arg12 : memref<!tpu.dma_semaphore, #tpu.memory_space<semaphore_mem>>)
    %dma_start3A_96 = arith.constant 2 : i32
    %dma_start3A_97 = arith.constant 0 : i32
    %dma_start3A_98 = arith.constant 0 : i32
    %dma_start3A_99 = arith.constant 0 : i32
    %dma_start3A_100 = tpu.memref_slice %arg10[%dma_start3A_97, %dma_start3A_98, %dma_start3A_99] : memref<2x128x64xf32, #tpu.memory_space<vmem>> -> memref<1x128x64xf32, #tpu.memory_space<vmem>>
    %dma_start3A_101 = tpu.memref_squeeze %dma_start3A_100 : memref<1x128x64xf32, #tpu.memory_space<vmem>> -> memref<128x64xf32, #tpu.memory_space<vmem>>
    %dma_start3A_102 = arith.constant 0 : i32
    %dma_start3A_103 = tpu.memref_slice %arg8[%dma_start3A_96, %dma_start3A_102] : memref<26x128xi32, #tpu.memory_space<vmem>> -> memref<1x128xi32, #tpu.memory_space<vmem>>
    %dma_start3A_104 = tpu.memref_squeeze %dma_start3A_103 : memref<1x128xi32, #tpu.memory_space<vmem>> -> memref<128xi32, #tpu.memory_space<vmem>>
    %dma_start3A_105 = arith.constant 0 : i32
    %dma_start3A_106 = arith.constant 0 : i32
    %dma_start3A_107 = tpu.memref_slice %arg3[%dma_start3A_105, %dma_start3A_106] : memref<10240x64xf32, #tpu.memory_space<hbm>> -> memref<10240x64xf32, #tpu.memory_space<hbm>>
    tpu.enqueue_indirect_dma source(%dma_start3A_107 : memref<10240x64xf32, #tpu.memory_space<hbm>>) target(%dma_start3A_101 : memref<128x64xf32, #tpu.memory_space<vmem>>) offsets(%dma_start3A_104 : memref<128xi32, #tpu.memory_space<vmem>>) semaphore(%arg14 : memref<!tpu.dma_semaphore, #tpu.memory_space<semaphore_mem>>)
    %add3A_108 = arith.constant 0 : i32
    %add3A_109 = arith.addi %mul3A_2, %add3A_108 : i32
    %dma_start3A_110 = arith.constant 0 : i32
    %dma_start3A_111 = arith.constant 0 : i32
    %dma_start3A_112 = arith.constant 0 : i32
    %dma_start3A_113 = tpu.memref_slice %arg11[%dma_start3A_110, %dma_start3A_111, %dma_start3A_112] : memref<2x64x128xf32, #tpu.memory_space<vmem>> -> memref<1x64x128xf32, #tpu.memory_space<vmem>>
    %dma_start3A_114 = tpu.memref_squeeze %dma_start3A_113 : memref<1x64x128xf32, #tpu.memory_space<vmem>> -> memref<64x128xf32, #tpu.memory_space<vmem>>
    %dma_start3A_115 = arith.constant 0 : i32
    %dma_start3A_116 = arith.constant 0 : i32
    %dma_start3A_117 = tpu.memref_slice %arg6[%add3A_109, %dma_start3A_115, %dma_start3A_116] : memref<832x64x128xf32, #tpu.memory_space<hbm>> -> memref<1x64x128xf32, #tpu.memory_space<hbm>>
    %dma_start3A_118 = tpu.memref_squeeze %dma_start3A_117 : memref<1x64x128xf32, #tpu.memory_space<hbm>> -> memref<64x128xf32, #tpu.memory_space<hbm>>
    %dma_start3A_119 = arith.constant 0 : i32
    %dma_start3A_120 = arith.constant 0 : i32
    %dma_start3A_121 = tpu.memref_slice %arg6[%add3A_109, %dma_start3A_119, %dma_start3A_120] : memref<832x64x128xf32, #tpu.memory_space<hbm>> -> memref<1x64x128xf32, #tpu.memory_space<hbm>>
    %dma_start3A_122 = tpu.memref_squeeze %dma_start3A_121 : memref<1x64x128xf32, #tpu.memory_space<hbm>> -> memref<64x128xf32, #tpu.memory_space<hbm>>
    %dma_start3A_123 = arith.constant 0 : i32
    %dma_start3A_124 = arith.constant 0 : i32
    %dma_start3A_125 = tpu.memref_slice %arg11[%dma_start3A_110, %dma_start3A_123, %dma_start3A_124] : memref<2x64x128xf32, #tpu.memory_space<vmem>> -> memref<1x64x128xf32, #tpu.memory_space<vmem>>
    %dma_start3A_126 = tpu.memref_squeeze %dma_start3A_125 : memref<1x64x128xf32, #tpu.memory_space<vmem>> -> memref<64x128xf32, #tpu.memory_space<vmem>>
    tpu.enqueue_dma source(%dma_start3A_126 : memref<64x128xf32, #tpu.memory_space<vmem>>) target(%dma_start3A_122 : memref<64x128xf32, #tpu.memory_space<hbm>>) target_semaphore(%arg16 : memref<!tpu.dma_semaphore, #tpu.memory_space<semaphore_mem>>)
    %dma_wait3A_127 = arith.constant 1 : i32
    %dma_wait3A_128 = arith.constant 0 : i32
    %dma_wait3A_129 = arith.constant 0 : i32
    %dma_wait3A_130 = tpu.memref_slice %arg9[%dma_wait3A_127, %dma_wait3A_128, %dma_wait3A_129] : memref<2x128x64xf32, #tpu.memory_space<vmem>> -> memref<1x128x64xf32, #tpu.memory_space<vmem>>
    %dma_wait3A_131 = tpu.memref_squeeze %dma_wait3A_130 : memref<1x128x64xf32, #tpu.memory_space<vmem>> -> memref<128x64xf32, #tpu.memory_space<vmem>>
    %dma_wait3A_132 = arith.constant 0 : i32
    %dma_wait3A_133 = arith.constant 0 : i32
    %dma_wait3A_134 = tpu.memref_slice %arg2[%dma_wait3A_132, %dma_wait3A_133] : memref<10240x64xf32, #tpu.memory_space<hbm>> -> memref<128x64xf32, #tpu.memory_space<hbm>>
    %dma_wait3A_135 = arith.constant 0 : i32
    %dma_wait3A_136 = arith.constant 0 : i32
    %dma_wait3A_137 = tpu.memref_slice %arg9[%dma_wait3A_127, %dma_wait3A_135, %dma_wait3A_136] : memref<2x128x64xf32, #tpu.memory_space<vmem>> -> memref<1x128x64xf32, #tpu.memory_space<vmem>>
    %dma_wait3A_138 = tpu.memref_squeeze %dma_wait3A_137 : memref<1x128x64xf32, #tpu.memory_space<vmem>> -> memref<128x64xf32, #tpu.memory_space<vmem>>
    %dma_wait3A_139 = arith.constant 0 : i32
    %dma_wait3A_140 = arith.constant 0 : i32
    %dma_wait3A_141 = tpu.memref_slice %arg2[%dma_wait3A_139, %dma_wait3A_140] : memref<10240x64xf32, #tpu.memory_space<hbm>> -> memref<128x64xf32, #tpu.memory_space<hbm>>
    tpu.wait_dma2 semaphore(%arg13 : memref<!tpu.dma_semaphore, #tpu.memory_space<semaphore_mem>>) src(%dma_wait3A_141 : memref<128x64xf32, #tpu.memory_space<hbm>>) dst(%dma_wait3A_138 : memref<128x64xf32, #tpu.memory_space<vmem>>)
    %dma_wait3A_142 = arith.constant 1 : i32
    %dma_wait3A_143 = arith.constant 0 : i32
    %dma_wait3A_144 = arith.constant 0 : i32
    %dma_wait3A_145 = tpu.memref_slice %arg10[%dma_wait3A_142, %dma_wait3A_143, %dma_wait3A_144] : memref<2x128x64xf32, #tpu.memory_space<vmem>> -> memref<1x128x64xf32, #tpu.memory_space<vmem>>
    %dma_wait3A_146 = tpu.memref_squeeze %dma_wait3A_145 : memref<1x128x64xf32, #tpu.memory_space<vmem>> -> memref<128x64xf32, #tpu.memory_space<vmem>>
    %dma_wait3A_147 = arith.constant 0 : i32
    %dma_wait3A_148 = arith.constant 0 : i32
    %dma_wait3A_149 = tpu.memref_slice %arg3[%dma_wait3A_147, %dma_wait3A_148] : memref<10240x64xf32, #tpu.memory_space<hbm>> -> memref<128x64xf32, #tpu.memory_space<hbm>>
    %dma_wait3A_150 = arith.constant 0 : i32
    %dma_wait3A_151 = arith.constant 0 : i32
    %dma_wait3A_152 = tpu.memref_slice %arg10[%dma_wait3A_142, %dma_wait3A_150, %dma_wait3A_151] : memref<2x128x64xf32, #tpu.memory_space<vmem>> -> memref<1x128x64xf32, #tpu.memory_space<vmem>>
    %dma_wait3A_153 = tpu.memref_squeeze %dma_wait3A_152 : memref<1x128x64xf32, #tpu.memory_space<vmem>> -> memref<128x64xf32, #tpu.memory_space<vmem>>
    %dma_wait3A_154 = arith.constant 0 : i32
    %dma_wait3A_155 = arith.constant 0 : i32
    %dma_wait3A_156 = tpu.memref_slice %arg3[%dma_wait3A_154, %dma_wait3A_155] : memref<10240x64xf32, #tpu.memory_space<hbm>> -> memref<128x64xf32, #tpu.memory_space<hbm>>
    tpu.wait_dma2 semaphore(%arg15 : memref<!tpu.dma_semaphore, #tpu.memory_space<semaphore_mem>>) src(%dma_wait3A_156 : memref<128x64xf32, #tpu.memory_space<hbm>>) dst(%dma_wait3A_153 : memref<128x64xf32, #tpu.memory_space<vmem>>)
    %scan3A_157 = arith.constant 0 : i32
    %scan3A_158 = arith.constant 0 : i32
    %scan3A_159 = arith.constant 64 : i32
    %scan3A_160 = arith.addi %scan3A_158, %scan3A_159 : i32
    %scan3A_161 = arith.constant 1 : i32
    scf.for %scan3A_306 = %scan3A_158 to %scan3A_160 step %scan3A_161  : i32 {
      %mul3A_307 = arith.constant 2 : i32
      %mul3A_308 = arith.muli %mul3A_307, %scan3A_306 : i32
      %get3A = arith.constant 1 : i32
      %get3A_309 = arith.index_cast %get3A : i32 to index
      %get3A_310 = arith.index_cast %mul3A_308 : i32 to index
      %get3A_311 = arith.constant 0 : index
      %get3A_312 = tpu.vector_load %arg9[%get3A_309, %get3A_310, %get3A_311] {strides = array<i32>} : memref<2x128x64xf32, #tpu.memory_space<vmem>>, vector<1x1x16xf32>,
      %get3A_313 = vector.shape_cast %get3A_312 : vector<1x1x16xf32> to vector<16xf32>
      %mul3A_314 = arith.constant 2 : i32
      %mul3A_315 = arith.muli %mul3A_314, %scan3A_306 : i32
      %get3A_316 = arith.constant 1 : i32
      %get3A_317 = arith.index_cast %get3A_316 : i32 to index
      %get3A_318 = arith.index_cast %mul3A_315 : i32 to index
      %get3A_319 = arith.constant 0 : index
      %get3A_320 = tpu.vector_load %arg10[%get3A_317, %get3A_318, %get3A_319] {strides = array<i32>} : memref<2x128x64xf32, #tpu.memory_space<vmem>>, vector<1x1x16xf32>,
      %get3A_321 = vector.shape_cast %get3A_320 : vector<1x1x16xf32> to vector<16xf32>
      %add3A_322 = arith.addf %get3A_313, %get3A_321 : vector<16xf32>
      %swap3A = arith.constant 1 : i32
      %swap3A_323 = arith.index_cast %swap3A : i32 to index
      %swap3A_324 = arith.index_cast %scan3A_306 : i32 to index
      %swap3A_325 = arith.constant 0 : index
      %swap3A_326 = tpu.vector_load %arg11[%swap3A_323, %swap3A_324, %swap3A_325] {strides = array<i32>} : memref<2x64x128xf32, #tpu.memory_space<vmem>>, vector<1x1x16xf32>,
      %swap3A_327 = vector.shape_cast %swap3A_326 : vector<1x1x16xf32> to vector<16xf32>
      %swap3A_328 = vector.shape_cast %add3A_322 : vector<16xf32> to vector<1x1x16xf32>
      tpu.vector_store %arg11[%swap3A_323, %swap3A_324, %swap3A_325], %swap3A_328 {strides = array<i32>} : memref<2x64x128xf32, #tpu.memory_space<vmem>>, vector<1x1x16xf32>,
      %mul3A_329 = arith.constant 2 : i32
      %mul3A_330 = arith.muli %mul3A_329, %scan3A_306 : i32
      %add3A_331 = arith.constant 1 : i32
      %add3A_332 = arith.addi %mul3A_330, %add3A_331 : i32
      %get3A_333 = arith.constant 1 : i32
      %get3A_334 = arith.index_cast %get3A_333 : i32 to index
      %get3A_335 = arith.index_cast %add3A_332 : i32 to index
      %get3A_336 = arith.constant 0 : index
      %get3A_337 = tpu.vector_load %arg9[%get3A_334, %get3A_335, %get3A_336] {strides = array<i32>} : memref<2x128x64xf32, #tpu.memory_space<vmem>>, vector<1x1x16xf32>,
      %get3A_338 = vector.shape_cast %get3A_337 : vector<1x1x16xf32> to vector<16xf32>
      %mul3A_339 = arith.constant 2 : i32
      %mul3A_340 = arith.muli %mul3A_339, %scan3A_306 : i32
      %add3A_341 = arith.constant 1 : i32
      %add3A_342 = arith.addi %mul3A_340, %add3A_341 : i32
      %get3A_343 = arith.constant 1 : i32
      %get3A_344 = arith.index_cast %get3A_343 : i32 to index
      %get3A_345 = arith.index_cast %add3A_342 : i32 to index
      %get3A_346 = arith.constant 0 : index
      %get3A_347 = tpu.vector_load %arg10[%get3A_344, %get3A_345, %get3A_346] {strides = array<i32>} : memref<2x128x64xf32, #tpu.memory_space<vmem>>, vector<1x1x16xf32>,
      %get3A_348 = vector.shape_cast %get3A_347 : vector<1x1x16xf32> to vector<16xf32>
      %add3A_349 = arith.addf %get3A_338, %get3A_348 : vector<16xf32>
      %swap3A_350 = arith.constant 1 : i32
      %swap3A_351 = arith.index_cast %swap3A_350 : i32 to index
      %swap3A_352 = arith.index_cast %scan3A_306 : i32 to index
      %swap3A_353 = arith.constant 64 : index
      %swap3A_354 = tpu.vector_load %arg11[%swap3A_351, %swap3A_352, %swap3A_353] {strides = array<i32>} : memref<2x64x128xf32, #tpu.memory_space<vmem>>, vector<1x1x16xf32>,
      %swap3A_355 = vector.shape_cast %swap3A_354 : vector<1x1x16xf32> to vector<16xf32>
      %swap3A_356 = vector.shape_cast %add3A_349 : vector<16xf32> to vector<1x1x16xf32>
      tpu.vector_store %arg11[%swap3A_351, %swap3A_352, %swap3A_353], %swap3A_356 {strides = array<i32>} : memref<2x64x128xf32, #tpu.memory_space<vmem>>, vector<1x1x16xf32>,
      %mul3A_357 = arith.constant 2 : i32
      %mul3A_358 = arith.muli %mul3A_357, %scan3A_306 : i32
      %get3A_359 = arith.constant 1 : i32
      %get3A_360 = arith.index_cast %get3A_359 : i32 to index
      %get3A_361 = arith.index_cast %mul3A_358 : i32 to index
      %get3A_362 = arith.constant 16 : index
      %get3A_363 = tpu.vector_load %arg9[%get3A_360, %get3A_361, %get3A_362] {strides = array<i32>} : memref<2x128x64xf32, #tpu.memory_space<vmem>>, vector<1x1x16xf32>,
      %get3A_364 = vector.shape_cast %get3A_363 : vector<1x1x16xf32> to vector<16xf32>
      %mul3A_365 = arith.constant 2 : i32
      %mul3A_366 = arith.muli %mul3A_365, %scan3A_306 : i32
      %get3A_367 = arith.constant 1 : i32
      %get3A_368 = arith.index_cast %get3A_367 : i32 to index
      %get3A_369 = arith.index_cast %mul3A_366 : i32 to index
      %get3A_370 = arith.constant 16 : index
      %get3A_371 = tpu.vector_load %arg10[%get3A_368, %get3A_369, %get3A_370] {strides = array<i32>} : memref<2x128x64xf32, #tpu.memory_space<vmem>>, vector<1x1x16xf32>,
      %get3A_372 = vector.shape_cast %get3A_371 : vector<1x1x16xf32> to vector<16xf32>
      %add3A_373 = arith.addf %get3A_364, %get3A_372 : vector<16xf32>
      %swap3A_374 = arith.constant 1 : i32
      %swap3A_375 = arith.index_cast %swap3A_374 : i32 to index
      %swap3A_376 = arith.index_cast %scan3A_306 : i32 to index
      %swap3A_377 = arith.constant 16 : index
      %swap3A_378 = tpu.vector_load %arg11[%swap3A_375, %swap3A_376, %swap3A_377] {strides = array<i32>} : memref<2x64x128xf32, #tpu.memory_space<vmem>>, vector<1x1x16xf32>,
      %swap3A_379 = vector.shape_cast %swap3A_378 : vector<1x1x16xf32> to vector<16xf32>
      %swap3A_380 = vector.shape_cast %add3A_373 : vector<16xf32> to vector<1x1x16xf32>
      tpu.vector_store %arg11[%swap3A_375, %swap3A_376, %swap3A_377], %swap3A_380 {strides = array<i32>} : memref<2x64x128xf32, #tpu.memory_space<vmem>>, vector<1x1x16xf32>,
      %mul3A_381 = arith.constant 2 : i32
      %mul3A_382 = arith.muli %mul3A_381, %scan3A_306 : i32
      %add3A_383 = arith.constant 1 : i32
      %add3A_384 = arith.addi %mul3A_382, %add3A_383 : i32
      %get3A_385 = arith.constant 1 : i32
      %get3A_386 = arith.index_cast %get3A_385 : i32 to index
      %get3A_387 = arith.index_cast %add3A_384 : i32 to index
      %get3A_388 = arith.constant 16 : index
      %get3A_389 = tpu.vector_load %arg9[%get3A_386, %get3A_387, %get3A_388] {strides = array<i32>} : memref<2x128x64xf32, #tpu.memory_space<vmem>>, vector<1x1x16xf32>,
      %get3A_390 = vector.shape_cast %get3A_389 : vector<1x1x16xf32> to vector<16xf32>
      %mul3A_391 = arith.constant 2 : i32
      %mul3A_392 = arith.muli %mul3A_391, %scan3A_306 : i32
      %add3A_393 = arith.constant 1 : i32
      %add3A_394 = arith.addi %mul3A_392, %add3A_393 : i32
      %get3A_395 = arith.constant 1 : i32
      %get3A_396 = arith.index_cast %get3A_395 : i32 to index
      %get3A_397 = arith.index_cast %add3A_394 : i32 to index
      %get3A_398 = arith.constant 16 : index
      %get3A_399 = tpu.vector_load %arg10[%get3A_396, %get3A_397, %get3A_398] {strides = array<i32>} : memref<2x128x64xf32, #tpu.memory_space<vmem>>, vector<1x1x16xf32>,
      %get3A_400 = vector.shape_cast %get3A_399 : vector<1x1x16xf32> to vector<16xf32>
      %add3A_401 = arith.addf %get3A_390, %get3A_400 : vector<16xf32>
      %swap3A_402 = arith.constant 1 : i32
      %swap3A_403 = arith.index_cast %swap3A_402 : i32 to index
      %swap3A_404 = arith.index_cast %scan3A_306 : i32 to index
      %swap3A_405 = arith.constant 80 : index
      %swap3A_406 = tpu.vector_load %arg11[%swap3A_403, %swap3A_404, %swap3A_405] {strides = array<i32>} : memref<2x64x128xf32, #tpu.memory_space<vmem>>, vector<1x1x16xf32>,
      %swap3A_407 = vector.shape_cast %swap3A_406 : vector<1x1x16xf32> to vector<16xf32>
      %swap3A_408 = vector.shape_cast %add3A_401 : vector<16xf32> to vector<1x1x16xf32>
      tpu.vector_store %arg11[%swap3A_403, %swap3A_404, %swap3A_405], %swap3A_408 {strides = array<i32>} : memref<2x64x128xf32, #tpu.memory_space<vmem>>, vector<1x1x16xf32>,
      %mul3A_409 = arith.constant 2 : i32
      %mul3A_410 = arith.muli %mul3A_409, %scan3A_306 : i32
      %get3A_411 = arith.constant 1 : i32
      %get3A_412 = arith.index_cast %get3A_411 : i32 to index
      %get3A_413 = arith.index_cast %mul3A_410 : i32 to index
      %get3A_414 = arith.constant 32 : index
      %get3A_415 = tpu.vector_load %arg9[%get3A_412, %get3A_413, %get3A_414] {strides = array<i32>} : memref<2x128x64xf32, #tpu.memory_space<vmem>>, vector<1x1x16xf32>,
      %get3A_416 = vector.shape_cast %get3A_415 : vector<1x1x16xf32> to vector<16xf32>
      %mul3A_417 = arith.constant 2 : i32
      %mul3A_418 = arith.muli %mul3A_417, %scan3A_306 : i32
      %get3A_419 = arith.constant 1 : i32
      %get3A_420 = arith.index_cast %get3A_419 : i32 to index
      %get3A_421 = arith.index_cast %mul3A_418 : i32 to index
      %get3A_422 = arith.constant 32 : index
      %get3A_423 = tpu.vector_load %arg10[%get3A_420, %get3A_421, %get3A_422] {strides = array<i32>} : memref<2x128x64xf32, #tpu.memory_space<vmem>>, vector<1x1x16xf32>,
      %get3A_424 = vector.shape_cast %get3A_423 : vector<1x1x16xf32> to vector<16xf32>
      %add3A_425 = arith.addf %get3A_416, %get3A_424 : vector<16xf32>
      %swap3A_426 = arith.constant 1 : i32
      %swap3A_427 = arith.index_cast %swap3A_426 : i32 to index
      %swap3A_428 = arith.index_cast %scan3A_306 : i32 to index
      %swap3A_429 = arith.constant 32 : index
      %swap3A_430 = tpu.vector_load %arg11[%swap3A_427, %swap3A_428, %swap3A_429] {strides = array<i32>} : memref<2x64x128xf32, #tpu.memory_space<vmem>>, vector<1x1x16xf32>,
      %swap3A_431 = vector.shape_cast %swap3A_430 : vector<1x1x16xf32> to vector<16xf32>
      %swap3A_432 = vector.shape_cast %add3A_425 : vector<16xf32> to vector<1x1x16xf32>
      tpu.vector_store %arg11[%swap3A_427, %swap3A_428, %swap3A_429], %swap3A_432 {strides = array<i32>} : memref<2x64x128xf32, #tpu.memory_space<vmem>>, vector<1x1x16xf32>,
      %mul3A_433 = arith.constant 2 : i32
      %mul3A_434 = arith.muli %mul3A_433, %scan3A_306 : i32
      %add3A_435 = arith.constant 1 : i32
      %add3A_436 = arith.addi %mul3A_434, %add3A_435 : i32
      %get3A_437 = arith.constant 1 : i32
      %get3A_438 = arith.index_cast %get3A_437 : i32 to index
      %get3A_439 = arith.index_cast %add3A_436 : i32 to index
      %get3A_440 = arith.constant 32 : index
      %get3A_441 = tpu.vector_load %arg9[%get3A_438, %get3A_439, %get3A_440] {strides = array<i32>} : memref<2x128x64xf32, #tpu.memory_space<vmem>>, vector<1x1x16xf32>,
      %get3A_442 = vector.shape_cast %get3A_441 : vector<1x1x16xf32> to vector<16xf32>
      %mul3A_443 = arith.constant 2 : i32
      %mul3A_444 = arith.muli %mul3A_443, %scan3A_306 : i32
      %add3A_445 = arith.constant 1 : i32
      %add3A_446 = arith.addi %mul3A_444, %add3A_445 : i32
      %get3A_447 = arith.constant 1 : i32
      %get3A_448 = arith.index_cast %get3A_447 : i32 to index
      %get3A_449 = arith.index_cast %add3A_446 : i32 to index
      %get3A_450 = arith.constant 32 : index
      %get3A_451 = tpu.vector_load %arg10[%get3A_448, %get3A_449, %get3A_450] {strides = array<i32>} : memref<2x128x64xf32, #tpu.memory_space<vmem>>, vector<1x1x16xf32>,
      %get3A_452 = vector.shape_cast %get3A_451 : vector<1x1x16xf32> to vector<16xf32>
      %add3A_453 = arith.addf %get3A_442, %get3A_452 : vector<16xf32>
      %swap3A_454 = arith.constant 1 : i32
      %swap3A_455 = arith.index_cast %swap3A_454 : i32 to index
      %swap3A_456 = arith.index_cast %scan3A_306 : i32 to index
      %swap3A_457 = arith.constant 96 : index
      %swap3A_458 = tpu.vector_load %arg11[%swap3A_455, %swap3A_456, %swap3A_457] {strides = array<i32>} : memref<2x64x128xf32, #tpu.memory_space<vmem>>, vector<1x1x16xf32>,
      %swap3A_459 = vector.shape_cast %swap3A_458 : vector<1x1x16xf32> to vector<16xf32>
      %swap3A_460 = vector.shape_cast %add3A_453 : vector<16xf32> to vector<1x1x16xf32>
      tpu.vector_store %arg11[%swap3A_455, %swap3A_456, %swap3A_457], %swap3A_460 {strides = array<i32>} : memref<2x64x128xf32, #tpu.memory_space<vmem>>, vector<1x1x16xf32>,
      %mul3A_461 = arith.constant 2 : i32
      %mul3A_462 = arith.muli %mul3A_461, %scan3A_306 : i32
      %get3A_463 = arith.constant 1 : i32
      %get3A_464 = arith.index_cast %get3A_463 : i32 to index
      %get3A_465 = arith.index_cast %mul3A_462 : i32 to index
      %get3A_466 = arith.constant 48 : index
      %get3A_467 = tpu.vector_load %arg9[%get3A_464, %get3A_465, %get3A_466] {strides = array<i32>} : memref<2x128x64xf32, #tpu.memory_space<vmem>>, vector<1x1x16xf32>,
      %get3A_468 = vector.shape_cast %get3A_467 : vector<1x1x16xf32> to vector<16xf32>
      %mul3A_469 = arith.constant 2 : i32
      %mul3A_470 = arith.muli %mul3A_469, %scan3A_306 : i32
      %get3A_471 = arith.constant 1 : i32
      %get3A_472 = arith.index_cast %get3A_471 : i32 to index
      %get3A_473 = arith.index_cast %mul3A_470 : i32 to index
      %get3A_474 = arith.constant 48 : index
      %get3A_475 = tpu.vector_load %arg10[%get3A_472, %get3A_473, %get3A_474] {strides = array<i32>} : memref<2x128x64xf32, #tpu.memory_space<vmem>>, vector<1x1x16xf32>,
      %get3A_476 = vector.shape_cast %get3A_475 : vector<1x1x16xf32> to vector<16xf32>
      %add3A_477 = arith.addf %get3A_468, %get3A_476 : vector<16xf32>
      %swap3A_478 = arith.constant 1 : i32
      %swap3A_479 = arith.index_cast %swap3A_478 : i32 to index
      %swap3A_480 = arith.index_cast %scan3A_306 : i32 to index
      %swap3A_481 = arith.constant 48 : index
      %swap3A_482 = tpu.vector_load %arg11[%swap3A_479, %swap3A_480, %swap3A_481] {strides = array<i32>} : memref<2x64x128xf32, #tpu.memory_space<vmem>>, vector<1x1x16xf32>,
      %swap3A_483 = vector.shape_cast %swap3A_482 : vector<1x1x16xf32> to vector<16xf32>
      %swap3A_484 = vector.shape_cast %add3A_477 : vector<16xf32> to vector<1x1x16xf32>
      tpu.vector_store %arg11[%swap3A_479, %swap3A_480, %swap3A_481], %swap3A_484 {strides = array<i32>} : memref<2x64x128xf32, #tpu.memory_space<vmem>>, vector<1x1x16xf32>,
      %mul3A_485 = arith.constant 2 : i32
      %mul3A_486 = arith.muli %mul3A_485, %scan3A_306 : i32
      %add3A_487 = arith.constant 1 : i32
      %add3A_488 = arith.addi %mul3A_486, %add3A_487 : i32
      %get3A_489 = arith.constant 1 : i32
      %get3A_490 = arith.index_cast %get3A_489 : i32 to index
      %get3A_491 = arith.index_cast %add3A_488 : i32 to index
      %get3A_492 = arith.constant 48 : index
      %get3A_493 = tpu.vector_load %arg9[%get3A_490, %get3A_491, %get3A_492] {strides = array<i32>} : memref<2x128x64xf32, #tpu.memory_space<vmem>>, vector<1x1x16xf32>,
      %get3A_494 = vector.shape_cast %get3A_493 : vector<1x1x16xf32> to vector<16xf32>
      %mul3A_495 = arith.constant 2 : i32
      %mul3A_496 = arith.muli %mul3A_495, %scan3A_306 : i32
      %add3A_497 = arith.constant 1 : i32
      %add3A_498 = arith.addi %mul3A_496, %add3A_497 : i32
      %get3A_499 = arith.constant 1 : i32
      %get3A_500 = arith.index_cast %get3A_499 : i32 to index
      %get3A_501 = arith.index_cast %add3A_498 : i32 to index
      %get3A_502 = arith.constant 48 : index
      %get3A_503 = tpu.vector_load %arg10[%get3A_500, %get3A_501, %get3A_502] {strides = array<i32>} : memref<2x128x64xf32, #tpu.memory_space<vmem>>, vector<1x1x16xf32>,
      %get3A_504 = vector.shape_cast %get3A_503 : vector<1x1x16xf32> to vector<16xf32>
      %add3A_505 = arith.addf %get3A_494, %get3A_504 : vector<16xf32>
      %swap3A_506 = arith.constant 1 : i32
      %swap3A_507 = arith.index_cast %swap3A_506 : i32 to index
      %swap3A_508 = arith.index_cast %scan3A_306 : i32 to index
      %swap3A_509 = arith.constant 112 : index
      %swap3A_510 = tpu.vector_load %arg11[%swap3A_507, %swap3A_508, %swap3A_509] {strides = array<i32>} : memref<2x64x128xf32, #tpu.memory_space<vmem>>, vector<1x1x16xf32>,
      %swap3A_511 = vector.shape_cast %swap3A_510 : vector<1x1x16xf32> to vector<16xf32>
      %swap3A_512 = vector.shape_cast %add3A_505 : vector<16xf32> to vector<1x1x16xf32>
      tpu.vector_store %arg11[%swap3A_507, %swap3A_508, %swap3A_509], %swap3A_512 {strides = array<i32>} : memref<2x64x128xf32, #tpu.memory_space<vmem>>, vector<1x1x16xf32>,
    }
    %scan3A_162 = arith.constant 64 : i32
    %dma_start3A_163 = arith.constant 3 : i32
    %dma_start3A_164 = arith.constant 1 : i32
    %dma_start3A_165 = arith.constant 0 : i32
    %dma_start3A_166 = arith.constant 0 : i32
    %dma_start3A_167 = tpu.memref_slice %arg9[%dma_start3A_164, %dma_start3A_165, %dma_start3A_166] : memref<2x128x64xf32, #tpu.memory_space<vmem>> -> memref<1x128x64xf32, #tpu.memory_space<vmem>>
    %dma_start3A_168 = tpu.memref_squeeze %dma_start3A_167 : memref<1x128x64xf32, #tpu.memory_space<vmem>> -> memref<128x64xf32, #tpu.memory_space<vmem>>
    %dma_start3A_169 = arith.constant 0 : i32
    %dma_start3A_170 = tpu.memref_slice %arg7[%dma_start3A_163, %dma_start3A_169] : memref<26x128xi32, #tpu.memory_space<vmem>> -> memref<1x128xi32, #tpu.memory_space<vmem>>
    %dma_start3A_171 = tpu.memref_squeeze %dma_start3A_170 : memref<1x128xi32, #tpu.memory_space<vmem>> -> memref<128xi32, #tpu.memory_space<vmem>>
    %dma_start3A_172 = arith.constant 0 : i32
    %dma_start3A_173 = arith.constant 0 : i32
    %dma_start3A_174 = tpu.memref_slice %arg2[%dma_start3A_172, %dma_start3A_173] : memref<10240x64xf32, #tpu.memory_space<hbm>> -> memref<10240x64xf32, #tpu.memory_space<hbm>>
    tpu.enqueue_indirect_dma source(%dma_start3A_174 : memref<10240x64xf32, #tpu.memory_space<hbm>>) target(%dma_start3A_168 : memref<128x64xf32, #tpu.memory_space<vmem>>) offsets(%dma_start3A_171 : memref<128xi32, #tpu.memory_space<vmem>>) semaphore(%arg13 : memref<!tpu.dma_semaphore, #tpu.memory_space<semaphore_mem>>)
    %dma_start3A_175 = arith.constant 3 : i32
    %dma_start3A_176 = arith.constant 1 : i32
    %dma_start3A_177 = arith.constant 0 : i32
    %dma_start3A_178 = arith.constant 0 : i32
    %dma_start3A_179 = tpu.memref_slice %arg10[%dma_start3A_176, %dma_start3A_177, %dma_start3A_178] : memref<2x128x64xf32, #tpu.memory_space<vmem>> -> memref<1x128x64xf32, #tpu.memory_space<vmem>>
    %dma_start3A_180 = tpu.memref_squeeze %dma_start3A_179 : memref<1x128x64xf32, #tpu.memory_space<vmem>> -> memref<128x64xf32, #tpu.memory_space<vmem>>
    %dma_start3A_181 = arith.constant 0 : i32
    %dma_start3A_182 = tpu.memref_slice %arg8[%dma_start3A_175, %dma_start3A_181] : memref<26x128xi32, #tpu.memory_space<vmem>> -> memref<1x128xi32, #tpu.memory_space<vmem>>
    %dma_start3A_183 = tpu.memref_squeeze %dma_start3A_182 : memref<1x128xi32, #tpu.memory_space<vmem>> -> memref<128xi32, #tpu.memory_space<vmem>>
    %dma_start3A_184 = arith.constant 0 : i32
    %dma_start3A_185 = arith.constant 0 : i32
    %dma_start3A_186 = tpu.memref_slice %arg3[%dma_start3A_184, %dma_start3A_185] : memref<10240x64xf32, #tpu.memory_space<hbm>> -> memref<10240x64xf32, #tpu.memory_space<hbm>>
    tpu.enqueue_indirect_dma source(%dma_start3A_186 : memref<10240x64xf32, #tpu.memory_space<hbm>>) target(%dma_start3A_180 : memref<128x64xf32, #tpu.memory_space<vmem>>) offsets(%dma_start3A_183 : memref<128xi32, #tpu.memory_space<vmem>>) semaphore(%arg15 : memref<!tpu.dma_semaphore, #tpu.memory_space<semaphore_mem>>)
    %add3A_187 = arith.constant 1 : i32
    %add3A_188 = arith.addi %mul3A_2, %add3A_187 : i32
    %dma_start3A_189 = arith.constant 1 : i32
    %dma_start3A_190 = arith.constant 0 : i32
    %dma_start3A_191 = arith.constant 0 : i32
    %dma_start3A_192 = tpu.memref_slice %arg11[%dma_start3A_189, %dma_start3A_190, %dma_start3A_191] : memref<2x64x128xf32, #tpu.memory_space<vmem>> -> memref<1x64x128xf32, #tpu.memory_space<vmem>>
    %dma_start3A_193 = tpu.memref_squeeze %dma_start3A_192 : memref<1x64x128xf32, #tpu.memory_space<vmem>> -> memref<64x128xf32, #tpu.memory_space<vmem>>
    %dma_start3A_194 = arith.constant 0 : i32
    %dma_start3A_195 = arith.constant 0 : i32
    %dma_start3A_196 = tpu.memref_slice %arg6[%add3A_188, %dma_start3A_194, %dma_start3A_195] : memref<832x64x128xf32, #tpu.memory_space<hbm>> -> memref<1x64x128xf32, #tpu.memory_space<hbm>>
    %dma_start3A_197 = tpu.memref_squeeze %dma_start3A_196 : memref<1x64x128xf32, #tpu.memory_space<hbm>> -> memref<64x128xf32, #tpu.memory_space<hbm>>
    %dma_start3A_198 = arith.constant 0 : i32
    %dma_start3A_199 = arith.constant 0 : i32
    %dma_start3A_200 = tpu.memref_slice %arg6[%add3A_188, %dma_start3A_198, %dma_start3A_199] : memref<832x64x128xf32, #tpu.memory_space<hbm>> -> memref<1x64x128xf32, #tpu.memory_space<hbm>>
    %dma_start3A_201 = tpu.memref_squeeze %dma_start3A_200 : memref<1x64x128xf32, #tpu.memory_space<hbm>> -> memref<64x128xf32, #tpu.memory_space<hbm>>
    %dma_start3A_202 = arith.constant 0 : i32
    %dma_start3A_203 = arith.constant 0 : i32
    %dma_start3A_204 = tpu.memref_slice %arg11[%dma_start3A_189, %dma_start3A_202, %dma_start3A_203] : memref<2x64x128xf32, #tpu.memory_space<vmem>> -> memref<1x64x128xf32, #tpu.memory_space<vmem>>
    %dma_start3A_205 = tpu.memref_squeeze %dma_start3A_204 : memref<1x64x128xf32, #tpu.memory_space<vmem>> -> memref<64x128xf32, #tpu.memory_space<vmem>>
    tpu.enqueue_dma source(%dma_start3A_205 : memref<64x128xf32, #tpu.memory_space<vmem>>) target(%dma_start3A_201 : memref<64x128xf32, #tpu.memory_space<hbm>>) target_semaphore(%arg17 : memref<!tpu.dma_semaphore, #tpu.memory_space<semaphore_mem>>)
    %scan3A_206 = arith.constant 0 : i32
    %scan3A_207 = arith.constant 1 : i32
    %scan3A_208 = arith.constant 12 : i32
    %scan3A_209 = arith.addi %scan3A_207, %scan3A_208 : i32
    %scan3A_210 = arith.constant 1 : i32
    scf.for %scan3A_306 = %scan3A_207 to %scan3A_209 step %scan3A_210  : i32 {
      %mul3A_307 = arith.constant 2 : i32
      %mul3A_308 = arith.muli %mul3A_307, %scan3A_306 : i32
      %add3A_309 = arith.constant 0 : i32
      %add3A_310 = arith.addi %mul3A_308, %add3A_309 : i32
      %dma_wait3A_311 = arith.constant 0 : i32
      %dma_wait3A_312 = arith.constant 0 : i32
      %dma_wait3A_313 = arith.constant 0 : i32
      %dma_wait3A_314 = tpu.memref_slice %arg9[%dma_wait3A_311, %dma_wait3A_312, %dma_wait3A_313] : memref<2x128x64xf32, #tpu.memory_space<vmem>> -> memref<1x128x64xf32, #tpu.memory_space<vmem>>
      %dma_wait3A_315 = tpu.memref_squeeze %dma_wait3A_314 : memref<1x128x64xf32, #tpu.memory_space<vmem>> -> memref<128x64xf32, #tpu.memory_space<vmem>>
      %dma_wait3A_316 = arith.constant 0 : i32
      %dma_wait3A_317 = arith.constant 0 : i32
      %dma_wait3A_318 = tpu.memref_slice %arg2[%dma_wait3A_316, %dma_wait3A_317] : memref<10240x64xf32, #tpu.memory_space<hbm>> -> memref<128x64xf32, #tpu.memory_space<hbm>>
      %dma_wait3A_319 = arith.constant 0 : i32
      %dma_wait3A_320 = arith.constant 0 : i32
      %dma_wait3A_321 = tpu.memref_slice %arg9[%dma_wait3A_311, %dma_wait3A_319, %dma_wait3A_320] : memref<2x128x64xf32, #tpu.memory_space<vmem>> -> memref<1x128x64xf32, #tpu.memory_space<vmem>>
      %dma_wait3A_322 = tpu.memref_squeeze %dma_wait3A_321 : memref<1x128x64xf32, #tpu.memory_space<vmem>> -> memref<128x64xf32, #tpu.memory_space<vmem>>
      %dma_wait3A_323 = arith.constant 0 : i32
      %dma_wait3A_324 = arith.constant 0 : i32
      %dma_wait3A_325 = tpu.memref_slice %arg2[%dma_wait3A_323, %dma_wait3A_324] : memref<10240x64xf32, #tpu.memory_space<hbm>> -> memref<128x64xf32, #tpu.memory_space<hbm>>
      tpu.wait_dma2 semaphore(%arg12 : memref<!tpu.dma_semaphore, #tpu.memory_space<semaphore_mem>>) src(%dma_wait3A_325 : memref<128x64xf32, #tpu.memory_space<hbm>>) dst(%dma_wait3A_322 : memref<128x64xf32, #tpu.memory_space<vmem>>)
      %dma_wait3A_326 = arith.constant 0 : i32
      %dma_wait3A_327 = arith.constant 0 : i32
      %dma_wait3A_328 = arith.constant 0 : i32
      %dma_wait3A_329 = tpu.memref_slice %arg10[%dma_wait3A_326, %dma_wait3A_327, %dma_wait3A_328] : memref<2x128x64xf32, #tpu.memory_space<vmem>> -> memref<1x128x64xf32, #tpu.memory_space<vmem>>
      %dma_wait3A_330 = tpu.memref_squeeze %dma_wait3A_329 : memref<1x128x64xf32, #tpu.memory_space<vmem>> -> memref<128x64xf32, #tpu.memory_space<vmem>>
      %dma_wait3A_331 = arith.constant 0 : i32
      %dma_wait3A_332 = arith.constant 0 : i32
      %dma_wait3A_333 = tpu.memref_slice %arg3[%dma_wait3A_331, %dma_wait3A_332] : memref<10240x64xf32, #tpu.memory_space<hbm>> -> memref<128x64xf32, #tpu.memory_space<hbm>>
      %dma_wait3A_334 = arith.constant 0 : i32
      %dma_wait3A_335 = arith.constant 0 : i32
      %dma_wait3A_336 = tpu.memref_slice %arg10[%dma_wait3A_326, %dma_wait3A_334, %dma_wait3A_335] : memref<2x128x64xf32, #tpu.memory_space<vmem>> -> memref<1x128x64xf32, #tpu.memory_space<vmem>>
      %dma_wait3A_337 = tpu.memref_squeeze %dma_wait3A_336 : memref<1x128x64xf32, #tpu.memory_space<vmem>> -> memref<128x64xf32, #tpu.memory_space<vmem>>
      %dma_wait3A_338 = arith.constant 0 : i32
      %dma_wait3A_339 = arith.constant 0 : i32
      %dma_wait3A_340 = tpu.memref_slice %arg3[%dma_wait3A_338, %dma_wait3A_339] : memref<10240x64xf32, #tpu.memory_space<hbm>> -> memref<128x64xf32, #tpu.memory_space<hbm>>
      tpu.wait_dma2 semaphore(%arg14 : memref<!tpu.dma_semaphore, #tpu.memory_space<semaphore_mem>>) src(%dma_wait3A_340 : memref<128x64xf32, #tpu.memory_space<hbm>>) dst(%dma_wait3A_337 : memref<128x64xf32, #tpu.memory_space<vmem>>)
      %dma_wait3A_341 = arith.constant 0 : i32
      %dma_wait3A_342 = arith.constant 0 : i32
      %dma_wait3A_343 = arith.constant 0 : i32
      %dma_wait3A_344 = tpu.memref_slice %arg11[%dma_wait3A_341, %dma_wait3A_342, %dma_wait3A_343] : memref<2x64x128xf32, #tpu.memory_space<vmem>> -> memref<1x64x128xf32, #tpu.memory_space<vmem>>
      %dma_wait3A_345 = tpu.memref_squeeze %dma_wait3A_344 : memref<1x64x128xf32, #tpu.memory_space<vmem>> -> memref<64x128xf32, #tpu.memory_space<vmem>>
      %dma_wait3A_346 = arith.constant 0 : i32
      %dma_wait3A_347 = arith.constant 0 : i32
      %dma_wait3A_348 = tpu.memref_slice %arg6[%mul3A_2, %dma_wait3A_346, %dma_wait3A_347] : memref<832x64x128xf32, #tpu.memory_space<hbm>> -> memref<1x64x128xf32, #tpu.memory_space<hbm>>
      %dma_wait3A_349 = tpu.memref_squeeze %dma_wait3A_348 : memref<1x64x128xf32, #tpu.memory_space<hbm>> -> memref<64x128xf32, #tpu.memory_space<hbm>>
      %dma_wait3A_350 = arith.constant 0 : i32
      %dma_wait3A_351 = arith.constant 0 : i32
      %dma_wait3A_352 = tpu.memref_slice %arg6[%mul3A_2, %dma_wait3A_350, %dma_wait3A_351] : memref<832x64x128xf32, #tpu.memory_space<hbm>> -> memref<1x64x128xf32, #tpu.memory_space<hbm>>
      %dma_wait3A_353 = tpu.memref_squeeze %dma_wait3A_352 : memref<1x64x128xf32, #tpu.memory_space<hbm>> -> memref<64x128xf32, #tpu.memory_space<hbm>>
      %dma_wait3A_354 = arith.constant 0 : i32
      %dma_wait3A_355 = arith.constant 0 : i32
      %dma_wait3A_356 = tpu.memref_slice %arg11[%dma_wait3A_341, %dma_wait3A_354, %dma_wait3A_355] : memref<2x64x128xf32, #tpu.memory_space<vmem>> -> memref<1x64x128xf32, #tpu.memory_space<vmem>>
      %dma_wait3A_357 = tpu.memref_squeeze %dma_wait3A_356 : memref<1x64x128xf32, #tpu.memory_space<vmem>> -> memref<64x128xf32, #tpu.memory_space<vmem>>
      tpu.wait_dma2 semaphore(%arg16 : memref<!tpu.dma_semaphore, #tpu.memory_space<semaphore_mem>>) src(%dma_wait3A_357 : memref<64x128xf32, #tpu.memory_space<vmem>>) dst(%dma_wait3A_353 : memref<64x128xf32, #tpu.memory_space<hbm>>)
      %scan3A_358 = arith.constant 0 : i32
      %scan3A_359 = arith.constant 0 : i32
      %scan3A_360 = arith.constant 64 : i32
      %scan3A_361 = arith.addi %scan3A_359, %scan3A_360 : i32
      %scan3A_362 = arith.constant 1 : i32
      scf.for %scan3A_508 = %scan3A_359 to %scan3A_361 step %scan3A_362  : i32 {
        %mul3A_509 = arith.constant 2 : i32
        %mul3A_510 = arith.muli %mul3A_509, %scan3A_508 : i32
        %get3A = arith.constant 0 : i32
        %get3A_511 = arith.index_cast %get3A : i32 to index
        %get3A_512 = arith.index_cast %mul3A_510 : i32 to index
        %get3A_513 = arith.constant 0 : index
        %get3A_514 = tpu.vector_load %arg9[%get3A_511, %get3A_512, %get3A_513] {strides = array<i32>} : memref<2x128x64xf32, #tpu.memory_space<vmem>>, vector<1x1x16xf32>,
        %get3A_515 = vector.shape_cast %get3A_514 : vector<1x1x16xf32> to vector<16xf32>
        %mul3A_516 = arith.constant 2 : i32
        %mul3A_517 = arith.muli %mul3A_516, %scan3A_508 : i32
        %get3A_518 = arith.constant 0 : i32
        %get3A_519 = arith.index_cast %get3A_518 : i32 to index
        %get3A_520 = arith.index_cast %mul3A_517 : i32 to index
        %get3A_521 = arith.constant 0 : index
        %get3A_522 = tpu.vector_load %arg10[%get3A_519, %get3A_520, %get3A_521] {strides = array<i32>} : memref<2x128x64xf32, #tpu.memory_space<vmem>>, vector<1x1x16xf32>,
        %get3A_523 = vector.shape_cast %get3A_522 : vector<1x1x16xf32> to vector<16xf32>
        %add3A_524 = arith.addf %get3A_515, %get3A_523 : vector<16xf32>
        %swap3A = arith.constant 0 : i32
        %swap3A_525 = arith.index_cast %swap3A : i32 to index
        %swap3A_526 = arith.index_cast %scan3A_508 : i32 to index
        %swap3A_527 = arith.constant 0 : index
        %swap3A_528 = tpu.vector_load %arg11[%swap3A_525, %swap3A_526, %swap3A_527] {strides = array<i32>} : memref<2x64x128xf32, #tpu.memory_space<vmem>>, vector<1x1x16xf32>,
        %swap3A_529 = vector.shape_cast %swap3A_528 : vector<1x1x16xf32> to vector<16xf32>
        %swap3A_530 = vector.shape_cast %add3A_524 : vector<16xf32> to vector<1x1x16xf32>
        tpu.vector_store %arg11[%swap3A_525, %swap3A_526, %swap3A_527], %swap3A_530 {strides = array<i32>} : memref<2x64x128xf32, #tpu.memory_space<vmem>>, vector<1x1x16xf32>,
        %mul3A_531 = arith.constant 2 : i32
        %mul3A_532 = arith.muli %mul3A_531, %scan3A_508 : i32
        %add3A_533 = arith.constant 1 : i32
        %add3A_534 = arith.addi %mul3A_532, %add3A_533 : i32
        %get3A_535 = arith.constant 0 : i32
        %get3A_536 = arith.index_cast %get3A_535 : i32 to index
        %get3A_537 = arith.index_cast %add3A_534 : i32 to index
        %get3A_538 = arith.constant 0 : index
        %get3A_539 = tpu.vector_load %arg9[%get3A_536, %get3A_537, %get3A_538] {strides = array<i32>} : memref<2x128x64xf32, #tpu.memory_space<vmem>>, vector<1x1x16xf32>,
        %get3A_540 = vector.shape_cast %get3A_539 : vector<1x1x16xf32> to vector<16xf32>
        %mul3A_541 = arith.constant 2 : i32
        %mul3A_542 = arith.muli %mul3A_541, %scan3A_508 : i32
        %add3A_543 = arith.constant 1 : i32
        %add3A_544 = arith.addi %mul3A_542, %add3A_543 : i32
        %get3A_545 = arith.constant 0 : i32
        %get3A_546 = arith.index_cast %get3A_545 : i32 to index
        %get3A_547 = arith.index_cast %add3A_544 : i32 to index
        %get3A_548 = arith.constant 0 : index
        %get3A_549 = tpu.vector_load %arg10[%get3A_546, %get3A_547, %get3A_548] {strides = array<i32>} : memref<2x128x64xf32, #tpu.memory_space<vmem>>, vector<1x1x16xf32>,
        %get3A_550 = vector.shape_cast %get3A_549 : vector<1x1x16xf32> to vector<16xf32>
        %add3A_551 = arith.addf %get3A_540, %get3A_550 : vector<16xf32>
        %swap3A_552 = arith.constant 0 : i32
        %swap3A_553 = arith.index_cast %swap3A_552 : i32 to index
        %swap3A_554 = arith.index_cast %scan3A_508 : i32 to index
        %swap3A_555 = arith.constant 64 : index
        %swap3A_556 = tpu.vector_load %arg11[%swap3A_553, %swap3A_554, %swap3A_555] {strides = array<i32>} : memref<2x64x128xf32, #tpu.memory_space<vmem>>, vector<1x1x16xf32>,
        %swap3A_557 = vector.shape_cast %swap3A_556 : vector<1x1x16xf32> to vector<16xf32>
        %swap3A_558 = vector.shape_cast %add3A_551 : vector<16xf32> to vector<1x1x16xf32>
        tpu.vector_store %arg11[%swap3A_553, %swap3A_554, %swap3A_555], %swap3A_558 {strides = array<i32>} : memref<2x64x128xf32, #tpu.memory_space<vmem>>, vector<1x1x16xf32>,
        %mul3A_559 = arith.constant 2 : i32
        %mul3A_560 = arith.muli %mul3A_559, %scan3A_508 : i32
        %get3A_561 = arith.constant 0 : i32
        %get3A_562 = arith.index_cast %get3A_561 : i32 to index
        %get3A_563 = arith.index_cast %mul3A_560 : i32 to index
        %get3A_564 = arith.constant 16 : index
        %get3A_565 = tpu.vector_load %arg9[%get3A_562, %get3A_563, %get3A_564] {strides = array<i32>} : memref<2x128x64xf32, #tpu.memory_space<vmem>>, vector<1x1x16xf32>,
        %get3A_566 = vector.shape_cast %get3A_565 : vector<1x1x16xf32> to vector<16xf32>
        %mul3A_567 = arith.constant 2 : i32
        %mul3A_568 = arith.muli %mul3A_567, %scan3A_508 : i32
        %get3A_569 = arith.constant 0 : i32
        %get3A_570 = arith.index_cast %get3A_569 : i32 to index
        %get3A_571 = arith.index_cast %mul3A_568 : i32 to index
        %get3A_572 = arith.constant 16 : index
        %get3A_573 = tpu.vector_load %arg10[%get3A_570, %get3A_571, %get3A_572] {strides = array<i32>} : memref<2x128x64xf32, #tpu.memory_space<vmem>>, vector<1x1x16xf32>,
        %get3A_574 = vector.shape_cast %get3A_573 : vector<1x1x16xf32> to vector<16xf32>
        %add3A_575 = arith.addf %get3A_566, %get3A_574 : vector<16xf32>
        %swap3A_576 = arith.constant 0 : i32
        %swap3A_577 = arith.index_cast %swap3A_576 : i32 to index
        %swap3A_578 = arith.index_cast %scan3A_508 : i32 to index
        %swap3A_579 = arith.constant 16 : index
        %swap3A_580 = tpu.vector_load %arg11[%swap3A_577, %swap3A_578, %swap3A_579] {strides = array<i32>} : memref<2x64x128xf32, #tpu.memory_space<vmem>>, vector<1x1x16xf32>,
        %swap3A_581 = vector.shape_cast %swap3A_580 : vector<1x1x16xf32> to vector<16xf32>
        %swap3A_582 = vector.shape_cast %add3A_575 : vector<16xf32> to vector<1x1x16xf32>
        tpu.vector_store %arg11[%swap3A_577, %swap3A_578, %swap3A_579], %swap3A_582 {strides = array<i32>} : memref<2x64x128xf32, #tpu.memory_space<vmem>>, vector<1x1x16xf32>,
        %mul3A_583 = arith.constant 2 : i32
        %mul3A_584 = arith.muli %mul3A_583, %scan3A_508 : i32
        %add3A_585 = arith.constant 1 : i32
        %add3A_586 = arith.addi %mul3A_584, %add3A_585 : i32
        %get3A_587 = arith.constant 0 : i32
        %get3A_588 = arith.index_cast %get3A_587 : i32 to index
        %get3A_589 = arith.index_cast %add3A_586 : i32 to index
        %get3A_590 = arith.constant 16 : index
        %get3A_591 = tpu.vector_load %arg9[%get3A_588, %get3A_589, %get3A_590] {strides = array<i32>} : memref<2x128x64xf32, #tpu.memory_space<vmem>>, vector<1x1x16xf32>,
        %get3A_592 = vector.shape_cast %get3A_591 : vector<1x1x16xf32> to vector<16xf32>
        %mul3A_593 = arith.constant 2 : i32
        %mul3A_594 = arith.muli %mul3A_593, %scan3A_508 : i32
        %add3A_595 = arith.constant 1 : i32
        %add3A_596 = arith.addi %mul3A_594, %add3A_595 : i32
        %get3A_597 = arith.constant 0 : i32
        %get3A_598 = arith.index_cast %get3A_597 : i32 to index
        %get3A_599 = arith.index_cast %add3A_596 : i32 to index
        %get3A_600 = arith.constant 16 : index
        %get3A_601 = tpu.vector_load %arg10[%get3A_598, %get3A_599, %get3A_600] {strides = array<i32>} : memref<2x128x64xf32, #tpu.memory_space<vmem>>, vector<1x1x16xf32>,
        %get3A_602 = vector.shape_cast %get3A_601 : vector<1x1x16xf32> to vector<16xf32>
        %add3A_603 = arith.addf %get3A_592, %get3A_602 : vector<16xf32>
        %swap3A_604 = arith.constant 0 : i32
        %swap3A_605 = arith.index_cast %swap3A_604 : i32 to index
        %swap3A_606 = arith.index_cast %scan3A_508 : i32 to index
        %swap3A_607 = arith.constant 80 : index
        %swap3A_608 = tpu.vector_load %arg11[%swap3A_605, %swap3A_606, %swap3A_607] {strides = array<i32>} : memref<2x64x128xf32, #tpu.memory_space<vmem>>, vector<1x1x16xf32>,
        %swap3A_609 = vector.shape_cast %swap3A_608 : vector<1x1x16xf32> to vector<16xf32>
        %swap3A_610 = vector.shape_cast %add3A_603 : vector<16xf32> to vector<1x1x16xf32>
        tpu.vector_store %arg11[%swap3A_605, %swap3A_606, %swap3A_607], %swap3A_610 {strides = array<i32>} : memref<2x64x128xf32, #tpu.memory_space<vmem>>, vector<1x1x16xf32>,
        %mul3A_611 = arith.constant 2 : i32
        %mul3A_612 = arith.muli %mul3A_611, %scan3A_508 : i32
        %get3A_613 = arith.constant 0 : i32
        %get3A_614 = arith.index_cast %get3A_613 : i32 to index
        %get3A_615 = arith.index_cast %mul3A_612 : i32 to index
        %get3A_616 = arith.constant 32 : index
        %get3A_617 = tpu.vector_load %arg9[%get3A_614, %get3A_615, %get3A_616] {strides = array<i32>} : memref<2x128x64xf32, #tpu.memory_space<vmem>>, vector<1x1x16xf32>,
        %get3A_618 = vector.shape_cast %get3A_617 : vector<1x1x16xf32> to vector<16xf32>
        %mul3A_619 = arith.constant 2 : i32
        %mul3A_620 = arith.muli %mul3A_619, %scan3A_508 : i32
        %get3A_621 = arith.constant 0 : i32
        %get3A_622 = arith.index_cast %get3A_621 : i32 to index
        %get3A_623 = arith.index_cast %mul3A_620 : i32 to index
        %get3A_624 = arith.constant 32 : index
        %get3A_625 = tpu.vector_load %arg10[%get3A_622, %get3A_623, %get3A_624] {strides = array<i32>} : memref<2x128x64xf32, #tpu.memory_space<vmem>>, vector<1x1x16xf32>,
        %get3A_626 = vector.shape_cast %get3A_625 : vector<1x1x16xf32> to vector<16xf32>
        %add3A_627 = arith.addf %get3A_618, %get3A_626 : vector<16xf32>
        %swap3A_628 = arith.constant 0 : i32
        %swap3A_629 = arith.index_cast %swap3A_628 : i32 to index
        %swap3A_630 = arith.index_cast %scan3A_508 : i32 to index
        %swap3A_631 = arith.constant 32 : index
        %swap3A_632 = tpu.vector_load %arg11[%swap3A_629, %swap3A_630, %swap3A_631] {strides = array<i32>} : memref<2x64x128xf32, #tpu.memory_space<vmem>>, vector<1x1x16xf32>,
        %swap3A_633 = vector.shape_cast %swap3A_632 : vector<1x1x16xf32> to vector<16xf32>
        %swap3A_634 = vector.shape_cast %add3A_627 : vector<16xf32> to vector<1x1x16xf32>
        tpu.vector_store %arg11[%swap3A_629, %swap3A_630, %swap3A_631], %swap3A_634 {strides = array<i32>} : memref<2x64x128xf32, #tpu.memory_space<vmem>>, vector<1x1x16xf32>,
        %mul3A_635 = arith.constant 2 : i32
        %mul3A_636 = arith.muli %mul3A_635, %scan3A_508 : i32
        %add3A_637 = arith.constant 1 : i32
        %add3A_638 = arith.addi %mul3A_636, %add3A_637 : i32
        %get3A_639 = arith.constant 0 : i32
        %get3A_640 = arith.index_cast %get3A_639 : i32 to index
        %get3A_641 = arith.index_cast %add3A_638 : i32 to index
        %get3A_642 = arith.constant 32 : index
        %get3A_643 = tpu.vector_load %arg9[%get3A_640, %get3A_641, %get3A_642] {strides = array<i32>} : memref<2x128x64xf32, #tpu.memory_space<vmem>>, vector<1x1x16xf32>,
        %get3A_644 = vector.shape_cast %get3A_643 : vector<1x1x16xf32> to vector<16xf32>
        %mul3A_645 = arith.constant 2 : i32
        %mul3A_646 = arith.muli %mul3A_645, %scan3A_508 : i32
        %add3A_647 = arith.constant 1 : i32
        %add3A_648 = arith.addi %mul3A_646, %add3A_647 : i32
        %get3A_649 = arith.constant 0 : i32
        %get3A_650 = arith.index_cast %get3A_649 : i32 to index
        %get3A_651 = arith.index_cast %add3A_648 : i32 to index
        %get3A_652 = arith.constant 32 : index
        %get3A_653 = tpu.vector_load %arg10[%get3A_650, %get3A_651, %get3A_652] {strides = array<i32>} : memref<2x128x64xf32, #tpu.memory_space<vmem>>, vector<1x1x16xf32>,
        %get3A_654 = vector.shape_cast %get3A_653 : vector<1x1x16xf32> to vector<16xf32>
        %add3A_655 = arith.addf %get3A_644, %get3A_654 : vector<16xf32>
        %swap3A_656 = arith.constant 0 : i32
        %swap3A_657 = arith.index_cast %swap3A_656 : i32 to index
        %swap3A_658 = arith.index_cast %scan3A_508 : i32 to index
        %swap3A_659 = arith.constant 96 : index
        %swap3A_660 = tpu.vector_load %arg11[%swap3A_657, %swap3A_658, %swap3A_659] {strides = array<i32>} : memref<2x64x128xf32, #tpu.memory_space<vmem>>, vector<1x1x16xf32>,
        %swap3A_661 = vector.shape_cast %swap3A_660 : vector<1x1x16xf32> to vector<16xf32>
        %swap3A_662 = vector.shape_cast %add3A_655 : vector<16xf32> to vector<1x1x16xf32>
        tpu.vector_store %arg11[%swap3A_657, %swap3A_658, %swap3A_659], %swap3A_662 {strides = array<i32>} : memref<2x64x128xf32, #tpu.memory_space<vmem>>, vector<1x1x16xf32>,
        %mul3A_663 = arith.constant 2 : i32
        %mul3A_664 = arith.muli %mul3A_663, %scan3A_508 : i32
        %get3A_665 = arith.constant 0 : i32
        %get3A_666 = arith.index_cast %get3A_665 : i32 to index
        %get3A_667 = arith.index_cast %mul3A_664 : i32 to index
        %get3A_668 = arith.constant 48 : index
        %get3A_669 = tpu.vector_load %arg9[%get3A_666, %get3A_667, %get3A_668] {strides = array<i32>} : memref<2x128x64xf32, #tpu.memory_space<vmem>>, vector<1x1x16xf32>,
        %get3A_670 = vector.shape_cast %get3A_669 : vector<1x1x16xf32> to vector<16xf32>
        %mul3A_671 = arith.constant 2 : i32
        %mul3A_672 = arith.muli %mul3A_671, %scan3A_508 : i32
        %get3A_673 = arith.constant 0 : i32
        %get3A_674 = arith.index_cast %get3A_673 : i32 to index
        %get3A_675 = arith.index_cast %mul3A_672 : i32 to index
        %get3A_676 = arith.constant 48 : index
        %get3A_677 = tpu.vector_load %arg10[%get3A_674, %get3A_675, %get3A_676] {strides = array<i32>} : memref<2x128x64xf32, #tpu.memory_space<vmem>>, vector<1x1x16xf32>,
        %get3A_678 = vector.shape_cast %get3A_677 : vector<1x1x16xf32> to vector<16xf32>
        %add3A_679 = arith.addf %get3A_670, %get3A_678 : vector<16xf32>
        %swap3A_680 = arith.constant 0 : i32
        %swap3A_681 = arith.index_cast %swap3A_680 : i32 to index
        %swap3A_682 = arith.index_cast %scan3A_508 : i32 to index
        %swap3A_683 = arith.constant 48 : index
        %swap3A_684 = tpu.vector_load %arg11[%swap3A_681, %swap3A_682, %swap3A_683] {strides = array<i32>} : memref<2x64x128xf32, #tpu.memory_space<vmem>>, vector<1x1x16xf32>,
        %swap3A_685 = vector.shape_cast %swap3A_684 : vector<1x1x16xf32> to vector<16xf32>
        %swap3A_686 = vector.shape_cast %add3A_679 : vector<16xf32> to vector<1x1x16xf32>
        tpu.vector_store %arg11[%swap3A_681, %swap3A_682, %swap3A_683], %swap3A_686 {strides = array<i32>} : memref<2x64x128xf32, #tpu.memory_space<vmem>>, vector<1x1x16xf32>,
        %mul3A_687 = arith.constant 2 : i32
        %mul3A_688 = arith.muli %mul3A_687, %scan3A_508 : i32
        %add3A_689 = arith.constant 1 : i32
        %add3A_690 = arith.addi %mul3A_688, %add3A_689 : i32
        %get3A_691 = arith.constant 0 : i32
        %get3A_692 = arith.index_cast %get3A_691 : i32 to index
        %get3A_693 = arith.index_cast %add3A_690 : i32 to index
        %get3A_694 = arith.constant 48 : index
        %get3A_695 = tpu.vector_load %arg9[%get3A_692, %get3A_693, %get3A_694] {strides = array<i32>} : memref<2x128x64xf32, #tpu.memory_space<vmem>>, vector<1x1x16xf32>,
        %get3A_696 = vector.shape_cast %get3A_695 : vector<1x1x16xf32> to vector<16xf32>
        %mul3A_697 = arith.constant 2 : i32
        %mul3A_698 = arith.muli %mul3A_697, %scan3A_508 : i32
        %add3A_699 = arith.constant 1 : i32
        %add3A_700 = arith.addi %mul3A_698, %add3A_699 : i32
        %get3A_701 = arith.constant 0 : i32
        %get3A_702 = arith.index_cast %get3A_701 : i32 to index
        %get3A_703 = arith.index_cast %add3A_700 : i32 to index
        %get3A_704 = arith.constant 48 : index
        %get3A_705 = tpu.vector_load %arg10[%get3A_702, %get3A_703, %get3A_704] {strides = array<i32>} : memref<2x128x64xf32, #tpu.memory_space<vmem>>, vector<1x1x16xf32>,
        %get3A_706 = vector.shape_cast %get3A_705 : vector<1x1x16xf32> to vector<16xf32>
        %add3A_707 = arith.addf %get3A_696, %get3A_706 : vector<16xf32>
        %swap3A_708 = arith.constant 0 : i32
        %swap3A_709 = arith.index_cast %swap3A_708 : i32 to index
        %swap3A_710 = arith.index_cast %scan3A_508 : i32 to index
        %swap3A_711 = arith.constant 112 : index
        %swap3A_712 = tpu.vector_load %arg11[%swap3A_709, %swap3A_710, %swap3A_711] {strides = array<i32>} : memref<2x64x128xf32, #tpu.memory_space<vmem>>, vector<1x1x16xf32>,
        %swap3A_713 = vector.shape_cast %swap3A_712 : vector<1x1x16xf32> to vector<16xf32>
        %swap3A_714 = vector.shape_cast %add3A_707 : vector<16xf32> to vector<1x1x16xf32>
        tpu.vector_store %arg11[%swap3A_709, %swap3A_710, %swap3A_711], %swap3A_714 {strides = array<i32>} : memref<2x64x128xf32, #tpu.memory_space<vmem>>, vector<1x1x16xf32>,
      }
      %scan3A_363 = arith.constant 64 : i32
      %add3A_364 = arith.constant 2 : i32
      %add3A_365 = arith.addi %add3A_310, %add3A_364 : i32
      %min3A = arith.constant 25 : i32
      %min3A_366 = arith.minsi %add3A_365, %min3A : i32
      %dma_start3A_367 = arith.constant 0 : i32
      %dma_start3A_368 = arith.constant 0 : i32
      %dma_start3A_369 = arith.constant 0 : i32
      %dma_start3A_370 = tpu.memref_slice %arg9[%dma_start3A_367, %dma_start3A_368, %dma_start3A_369] : memref<2x128x64xf32, #tpu.memory_space<vmem>> -> memref<1x128x64xf32, #tpu.memory_space<vmem>>
      %dma_start3A_371 = tpu.memref_squeeze %dma_start3A_370 : memref<1x128x64xf32, #tpu.memory_space<vmem>> -> memref<128x64xf32, #tpu.memory_space<vmem>>
      %dma_start3A_372 = arith.constant 0 : i32
      %dma_start3A_373 = tpu.memref_slice %arg7[%min3A_366, %dma_start3A_372] : memref<26x128xi32, #tpu.memory_space<vmem>> -> memref<1x128xi32, #tpu.memory_space<vmem>>
      %dma_start3A_374 = tpu.memref_squeeze %dma_start3A_373 : memref<1x128xi32, #tpu.memory_space<vmem>> -> memref<128xi32, #tpu.memory_space<vmem>>
      %dma_start3A_375 = arith.constant 0 : i32
      %dma_start3A_376 = arith.constant 0 : i32
      %dma_start3A_377 = tpu.memref_slice %arg2[%dma_start3A_375, %dma_start3A_376] : memref<10240x64xf32, #tpu.memory_space<hbm>> -> memref<10240x64xf32, #tpu.memory_space<hbm>>
      tpu.enqueue_indirect_dma source(%dma_start3A_377 : memref<10240x64xf32, #tpu.memory_space<hbm>>) target(%dma_start3A_371 : memref<128x64xf32, #tpu.memory_space<vmem>>) offsets(%dma_start3A_374 : memref<128xi32, #tpu.memory_space<vmem>>) semaphore(%arg12 : memref<!tpu.dma_semaphore, #tpu.memory_space<semaphore_mem>>)
      %dma_start3A_378 = arith.constant 0 : i32
      %dma_start3A_379 = arith.constant 0 : i32
      %dma_start3A_380 = arith.constant 0 : i32
      %dma_start3A_381 = tpu.memref_slice %arg10[%dma_start3A_378, %dma_start3A_379, %dma_start3A_380] : memref<2x128x64xf32, #tpu.memory_space<vmem>> -> memref<1x128x64xf32, #tpu.memory_space<vmem>>
      %dma_start3A_382 = tpu.memref_squeeze %dma_start3A_381 : memref<1x128x64xf32, #tpu.memory_space<vmem>> -> memref<128x64xf32, #tpu.memory_space<vmem>>
      %dma_start3A_383 = arith.constant 0 : i32
      %dma_start3A_384 = tpu.memref_slice %arg8[%min3A_366, %dma_start3A_383] : memref<26x128xi32, #tpu.memory_space<vmem>> -> memref<1x128xi32, #tpu.memory_space<vmem>>
      %dma_start3A_385 = tpu.memref_squeeze %dma_start3A_384 : memref<1x128xi32, #tpu.memory_space<vmem>> -> memref<128xi32, #tpu.memory_space<vmem>>
      %dma_start3A_386 = arith.constant 0 : i32
      %dma_start3A_387 = arith.constant 0 : i32
      %dma_start3A_388 = tpu.memref_slice %arg3[%dma_start3A_386, %dma_start3A_387] : memref<10240x64xf32, #tpu.memory_space<hbm>> -> memref<10240x64xf32, #tpu.memory_space<hbm>>
      tpu.enqueue_indirect_dma source(%dma_start3A_388 : memref<10240x64xf32, #tpu.memory_space<hbm>>) target(%dma_start3A_382 : memref<128x64xf32, #tpu.memory_space<vmem>>) offsets(%dma_start3A_385 : memref<128xi32, #tpu.memory_space<vmem>>) semaphore(%arg14 : memref<!tpu.dma_semaphore, #tpu.memory_space<semaphore_mem>>)
      %add3A_389 = arith.addi %mul3A_2, %add3A_310 : i32
      %dma_start3A_390 = arith.constant 0 : i32
      %dma_start3A_391 = arith.constant 0 : i32
      %dma_start3A_392 = arith.constant 0 : i32
      %dma_start3A_393 = tpu.memref_slice %arg11[%dma_start3A_390, %dma_start3A_391, %dma_start3A_392] : memref<2x64x128xf32, #tpu.memory_space<vmem>> -> memref<1x64x128xf32, #tpu.memory_space<vmem>>
      %dma_start3A_394 = tpu.memref_squeeze %dma_start3A_393 : memref<1x64x128xf32, #tpu.memory_space<vmem>> -> memref<64x128xf32, #tpu.memory_space<vmem>>
      %dma_start3A_395 = arith.constant 0 : i32
      %dma_start3A_396 = arith.constant 0 : i32
      %dma_start3A_397 = tpu.memref_slice %arg6[%add3A_389, %dma_start3A_395, %dma_start3A_396] : memref<832x64x128xf32, #tpu.memory_space<hbm>> -> memref<1x64x128xf32, #tpu.memory_space<hbm>>
      %dma_start3A_398 = tpu.memref_squeeze %dma_start3A_397 : memref<1x64x128xf32, #tpu.memory_space<hbm>> -> memref<64x128xf32, #tpu.memory_space<hbm>>
      %dma_start3A_399 = arith.constant 0 : i32
      %dma_start3A_400 = arith.constant 0 : i32
      %dma_start3A_401 = tpu.memref_slice %arg6[%add3A_389, %dma_start3A_399, %dma_start3A_400] : memref<832x64x128xf32, #tpu.memory_space<hbm>> -> memref<1x64x128xf32, #tpu.memory_space<hbm>>
      %dma_start3A_402 = tpu.memref_squeeze %dma_start3A_401 : memref<1x64x128xf32, #tpu.memory_space<hbm>> -> memref<64x128xf32, #tpu.memory_space<hbm>>
      %dma_start3A_403 = arith.constant 0 : i32
      %dma_start3A_404 = arith.constant 0 : i32
      %dma_start3A_405 = tpu.memref_slice %arg11[%dma_start3A_390, %dma_start3A_403, %dma_start3A_404] : memref<2x64x128xf32, #tpu.memory_space<vmem>> -> memref<1x64x128xf32, #tpu.memory_space<vmem>>
      %dma_start3A_406 = tpu.memref_squeeze %dma_start3A_405 : memref<1x64x128xf32, #tpu.memory_space<vmem>> -> memref<64x128xf32, #tpu.memory_space<vmem>>
      tpu.enqueue_dma source(%dma_start3A_406 : memref<64x128xf32, #tpu.memory_space<vmem>>) target(%dma_start3A_402 : memref<64x128xf32, #tpu.memory_space<hbm>>) target_semaphore(%arg16 : memref<!tpu.dma_semaphore, #tpu.memory_space<semaphore_mem>>)
      %mul3A_407 = arith.constant 2 : i32
      %mul3A_408 = arith.muli %mul3A_407, %scan3A_306 : i32
      %add3A_409 = arith.constant 1 : i32
      %add3A_410 = arith.addi %mul3A_408, %add3A_409 : i32
      %dma_wait3A_411 = arith.constant 1 : i32
      %dma_wait3A_412 = arith.constant 0 : i32
      %dma_wait3A_413 = arith.constant 0 : i32
      %dma_wait3A_414 = tpu.memref_slice %arg9[%dma_wait3A_411, %dma_wait3A_412, %dma_wait3A_413] : memref<2x128x64xf32, #tpu.memory_space<vmem>> -> memref<1x128x64xf32, #tpu.memory_space<vmem>>
      %dma_wait3A_415 = tpu.memref_squeeze %dma_wait3A_414 : memref<1x128x64xf32, #tpu.memory_space<vmem>> -> memref<128x64xf32, #tpu.memory_space<vmem>>
      %dma_wait3A_416 = arith.constant 0 : i32
      %dma_wait3A_417 = arith.constant 0 : i32
      %dma_wait3A_418 = tpu.memref_slice %arg2[%dma_wait3A_416, %dma_wait3A_417] : memref<10240x64xf32, #tpu.memory_space<hbm>> -> memref<128x64xf32, #tpu.memory_space<hbm>>
      %dma_wait3A_419 = arith.constant 0 : i32
      %dma_wait3A_420 = arith.constant 0 : i32
      %dma_wait3A_421 = tpu.memref_slice %arg9[%dma_wait3A_411, %dma_wait3A_419, %dma_wait3A_420] : memref<2x128x64xf32, #tpu.memory_space<vmem>> -> memref<1x128x64xf32, #tpu.memory_space<vmem>>
      %dma_wait3A_422 = tpu.memref_squeeze %dma_wait3A_421 : memref<1x128x64xf32, #tpu.memory_space<vmem>> -> memref<128x64xf32, #tpu.memory_space<vmem>>
      %dma_wait3A_423 = arith.constant 0 : i32
      %dma_wait3A_424 = arith.constant 0 : i32
      %dma_wait3A_425 = tpu.memref_slice %arg2[%dma_wait3A_423, %dma_wait3A_424] : memref<10240x64xf32, #tpu.memory_space<hbm>> -> memref<128x64xf32, #tpu.memory_space<hbm>>
      tpu.wait_dma2 semaphore(%arg13 : memref<!tpu.dma_semaphore, #tpu.memory_space<semaphore_mem>>) src(%dma_wait3A_425 : memref<128x64xf32, #tpu.memory_space<hbm>>) dst(%dma_wait3A_422 : memref<128x64xf32, #tpu.memory_space<vmem>>)
      %dma_wait3A_426 = arith.constant 1 : i32
      %dma_wait3A_427 = arith.constant 0 : i32
      %dma_wait3A_428 = arith.constant 0 : i32
      %dma_wait3A_429 = tpu.memref_slice %arg10[%dma_wait3A_426, %dma_wait3A_427, %dma_wait3A_428] : memref<2x128x64xf32, #tpu.memory_space<vmem>> -> memref<1x128x64xf32, #tpu.memory_space<vmem>>
      %dma_wait3A_430 = tpu.memref_squeeze %dma_wait3A_429 : memref<1x128x64xf32, #tpu.memory_space<vmem>> -> memref<128x64xf32, #tpu.memory_space<vmem>>
      %dma_wait3A_431 = arith.constant 0 : i32
      %dma_wait3A_432 = arith.constant 0 : i32
      %dma_wait3A_433 = tpu.memref_slice %arg3[%dma_wait3A_431, %dma_wait3A_432] : memref<10240x64xf32, #tpu.memory_space<hbm>> -> memref<128x64xf32, #tpu.memory_space<hbm>>
      %dma_wait3A_434 = arith.constant 0 : i32
      %dma_wait3A_435 = arith.constant 0 : i32
      %dma_wait3A_436 = tpu.memref_slice %arg10[%dma_wait3A_426, %dma_wait3A_434, %dma_wait3A_435] : memref<2x128x64xf32, #tpu.memory_space<vmem>> -> memref<1x128x64xf32, #tpu.memory_space<vmem>>
      %dma_wait3A_437 = tpu.memref_squeeze %dma_wait3A_436 : memref<1x128x64xf32, #tpu.memory_space<vmem>> -> memref<128x64xf32, #tpu.memory_space<vmem>>
      %dma_wait3A_438 = arith.constant 0 : i32
      %dma_wait3A_439 = arith.constant 0 : i32
      %dma_wait3A_440 = tpu.memref_slice %arg3[%dma_wait3A_438, %dma_wait3A_439] : memref<10240x64xf32, #tpu.memory_space<hbm>> -> memref<128x64xf32, #tpu.memory_space<hbm>>
      tpu.wait_dma2 semaphore(%arg15 : memref<!tpu.dma_semaphore, #tpu.memory_space<semaphore_mem>>) src(%dma_wait3A_440 : memref<128x64xf32, #tpu.memory_space<hbm>>) dst(%dma_wait3A_437 : memref<128x64xf32, #tpu.memory_space<vmem>>)
      %dma_wait3A_441 = arith.constant 1 : i32
      %dma_wait3A_442 = arith.constant 0 : i32
      %dma_wait3A_443 = arith.constant 0 : i32
      %dma_wait3A_444 = tpu.memref_slice %arg11[%dma_wait3A_441, %dma_wait3A_442, %dma_wait3A_443] : memref<2x64x128xf32, #tpu.memory_space<vmem>> -> memref<1x64x128xf32, #tpu.memory_space<vmem>>
      %dma_wait3A_445 = tpu.memref_squeeze %dma_wait3A_444 : memref<1x64x128xf32, #tpu.memory_space<vmem>> -> memref<64x128xf32, #tpu.memory_space<vmem>>
      %dma_wait3A_446 = arith.constant 0 : i32
      %dma_wait3A_447 = arith.constant 0 : i32
      %dma_wait3A_448 = tpu.memref_slice %arg6[%mul3A_2, %dma_wait3A_446, %dma_wait3A_447] : memref<832x64x128xf32, #tpu.memory_space<hbm>> -> memref<1x64x128xf32, #tpu.memory_space<hbm>>
      %dma_wait3A_449 = tpu.memref_squeeze %dma_wait3A_448 : memref<1x64x128xf32, #tpu.memory_space<hbm>> -> memref<64x128xf32, #tpu.memory_space<hbm>>
      %dma_wait3A_450 = arith.constant 0 : i32
      %dma_wait3A_451 = arith.constant 0 : i32
      %dma_wait3A_452 = tpu.memref_slice %arg6[%mul3A_2, %dma_wait3A_450, %dma_wait3A_451] : memref<832x64x128xf32, #tpu.memory_space<hbm>> -> memref<1x64x128xf32, #tpu.memory_space<hbm>>
      %dma_wait3A_453 = tpu.memref_squeeze %dma_wait3A_452 : memref<1x64x128xf32, #tpu.memory_space<hbm>> -> memref<64x128xf32, #tpu.memory_space<hbm>>
      %dma_wait3A_454 = arith.constant 0 : i32
      %dma_wait3A_455 = arith.constant 0 : i32
      %dma_wait3A_456 = tpu.memref_slice %arg11[%dma_wait3A_441, %dma_wait3A_454, %dma_wait3A_455] : memref<2x64x128xf32, #tpu.memory_space<vmem>> -> memref<1x64x128xf32, #tpu.memory_space<vmem>>
      %dma_wait3A_457 = tpu.memref_squeeze %dma_wait3A_456 : memref<1x64x128xf32, #tpu.memory_space<vmem>> -> memref<64x128xf32, #tpu.memory_space<vmem>>
      tpu.wait_dma2 semaphore(%arg17 : memref<!tpu.dma_semaphore, #tpu.memory_space<semaphore_mem>>) src(%dma_wait3A_457 : memref<64x128xf32, #tpu.memory_space<vmem>>) dst(%dma_wait3A_453 : memref<64x128xf32, #tpu.memory_space<hbm>>)
      %scan3A_458 = arith.constant 0 : i32
      %scan3A_459 = arith.constant 0 : i32
      %scan3A_460 = arith.constant 64 : i32
      %scan3A_461 = arith.addi %scan3A_459, %scan3A_460 : i32
      %scan3A_462 = arith.constant 1 : i32
      scf.for %scan3A_508 = %scan3A_459 to %scan3A_461 step %scan3A_462  : i32 {
        %mul3A_509 = arith.constant 2 : i32
        %mul3A_510 = arith.muli %mul3A_509, %scan3A_508 : i32
        %get3A = arith.constant 1 : i32
        %get3A_511 = arith.index_cast %get3A : i32 to index
        %get3A_512 = arith.index_cast %mul3A_510 : i32 to index
        %get3A_513 = arith.constant 0 : index
        %get3A_514 = tpu.vector_load %arg9[%get3A_511, %get3A_512, %get3A_513] {strides = array<i32>} : memref<2x128x64xf32, #tpu.memory_space<vmem>>, vector<1x1x16xf32>,
        %get3A_515 = vector.shape_cast %get3A_514 : vector<1x1x16xf32> to vector<16xf32>
        %mul3A_516 = arith.constant 2 : i32
        %mul3A_517 = arith.muli %mul3A_516, %scan3A_508 : i32
        %get3A_518 = arith.constant 1 : i32
        %get3A_519 = arith.index_cast %get3A_518 : i32 to index
        %get3A_520 = arith.index_cast %mul3A_517 : i32 to index
        %get3A_521 = arith.constant 0 : index
        %get3A_522 = tpu.vector_load %arg10[%get3A_519, %get3A_520, %get3A_521] {strides = array<i32>} : memref<2x128x64xf32, #tpu.memory_space<vmem>>, vector<1x1x16xf32>,
        %get3A_523 = vector.shape_cast %get3A_522 : vector<1x1x16xf32> to vector<16xf32>
        %add3A_524 = arith.addf %get3A_515, %get3A_523 : vector<16xf32>
        %swap3A = arith.constant 1 : i32
        %swap3A_525 = arith.index_cast %swap3A : i32 to index
        %swap3A_526 = arith.index_cast %scan3A_508 : i32 to index
        %swap3A_527 = arith.constant 0 : index
        %swap3A_528 = tpu.vector_load %arg11[%swap3A_525, %swap3A_526, %swap3A_527] {strides = array<i32>} : memref<2x64x128xf32, #tpu.memory_space<vmem>>, vector<1x1x16xf32>,
        %swap3A_529 = vector.shape_cast %swap3A_528 : vector<1x1x16xf32> to vector<16xf32>
        %swap3A_530 = vector.shape_cast %add3A_524 : vector<16xf32> to vector<1x1x16xf32>
        tpu.vector_store %arg11[%swap3A_525, %swap3A_526, %swap3A_527], %swap3A_530 {strides = array<i32>} : memref<2x64x128xf32, #tpu.memory_space<vmem>>, vector<1x1x16xf32>,
        %mul3A_531 = arith.constant 2 : i32
        %mul3A_532 = arith.muli %mul3A_531, %scan3A_508 : i32
        %add3A_533 = arith.constant 1 : i32
        %add3A_534 = arith.addi %mul3A_532, %add3A_533 : i32
        %get3A_535 = arith.constant 1 : i32
        %get3A_536 = arith.index_cast %get3A_535 : i32 to index
        %get3A_537 = arith.index_cast %add3A_534 : i32 to index
        %get3A_538 = arith.constant 0 : index
        %get3A_539 = tpu.vector_load %arg9[%get3A_536, %get3A_537, %get3A_538] {strides = array<i32>} : memref<2x128x64xf32, #tpu.memory_space<vmem>>, vector<1x1x16xf32>,
        %get3A_540 = vector.shape_cast %get3A_539 : vector<1x1x16xf32> to vector<16xf32>
        %mul3A_541 = arith.constant 2 : i32
        %mul3A_542 = arith.muli %mul3A_541, %scan3A_508 : i32
        %add3A_543 = arith.constant 1 : i32
        %add3A_544 = arith.addi %mul3A_542, %add3A_543 : i32
        %get3A_545 = arith.constant 1 : i32
        %get3A_546 = arith.index_cast %get3A_545 : i32 to index
        %get3A_547 = arith.index_cast %add3A_544 : i32 to index
        %get3A_548 = arith.constant 0 : index
        %get3A_549 = tpu.vector_load %arg10[%get3A_546, %get3A_547, %get3A_548] {strides = array<i32>} : memref<2x128x64xf32, #tpu.memory_space<vmem>>, vector<1x1x16xf32>,
        %get3A_550 = vector.shape_cast %get3A_549 : vector<1x1x16xf32> to vector<16xf32>
        %add3A_551 = arith.addf %get3A_540, %get3A_550 : vector<16xf32>
        %swap3A_552 = arith.constant 1 : i32
        %swap3A_553 = arith.index_cast %swap3A_552 : i32 to index
        %swap3A_554 = arith.index_cast %scan3A_508 : i32 to index
        %swap3A_555 = arith.constant 64 : index
        %swap3A_556 = tpu.vector_load %arg11[%swap3A_553, %swap3A_554, %swap3A_555] {strides = array<i32>} : memref<2x64x128xf32, #tpu.memory_space<vmem>>, vector<1x1x16xf32>,
        %swap3A_557 = vector.shape_cast %swap3A_556 : vector<1x1x16xf32> to vector<16xf32>
        %swap3A_558 = vector.shape_cast %add3A_551 : vector<16xf32> to vector<1x1x16xf32>
        tpu.vector_store %arg11[%swap3A_553, %swap3A_554, %swap3A_555], %swap3A_558 {strides = array<i32>} : memref<2x64x128xf32, #tpu.memory_space<vmem>>, vector<1x1x16xf32>,
        %mul3A_559 = arith.constant 2 : i32
        %mul3A_560 = arith.muli %mul3A_559, %scan3A_508 : i32
        %get3A_561 = arith.constant 1 : i32
        %get3A_562 = arith.index_cast %get3A_561 : i32 to index
        %get3A_563 = arith.index_cast %mul3A_560 : i32 to index
        %get3A_564 = arith.constant 16 : index
        %get3A_565 = tpu.vector_load %arg9[%get3A_562, %get3A_563, %get3A_564] {strides = array<i32>} : memref<2x128x64xf32, #tpu.memory_space<vmem>>, vector<1x1x16xf32>,
        %get3A_566 = vector.shape_cast %get3A_565 : vector<1x1x16xf32> to vector<16xf32>
        %mul3A_567 = arith.constant 2 : i32
        %mul3A_568 = arith.muli %mul3A_567, %scan3A_508 : i32
        %get3A_569 = arith.constant 1 : i32
        %get3A_570 = arith.index_cast %get3A_569 : i32 to index
        %get3A_571 = arith.index_cast %mul3A_568 : i32 to index
        %get3A_572 = arith.constant 16 : index
        %get3A_573 = tpu.vector_load %arg10[%get3A_570, %get3A_571, %get3A_572] {strides = array<i32>} : memref<2x128x64xf32, #tpu.memory_space<vmem>>, vector<1x1x16xf32>,
        %get3A_574 = vector.shape_cast %get3A_573 : vector<1x1x16xf32> to vector<16xf32>
        %add3A_575 = arith.addf %get3A_566, %get3A_574 : vector<16xf32>
        %swap3A_576 = arith.constant 1 : i32
        %swap3A_577 = arith.index_cast %swap3A_576 : i32 to index
        %swap3A_578 = arith.index_cast %scan3A_508 : i32 to index
        %swap3A_579 = arith.constant 16 : index
        %swap3A_580 = tpu.vector_load %arg11[%swap3A_577, %swap3A_578, %swap3A_579] {strides = array<i32>} : memref<2x64x128xf32, #tpu.memory_space<vmem>>, vector<1x1x16xf32>,
        %swap3A_581 = vector.shape_cast %swap3A_580 : vector<1x1x16xf32> to vector<16xf32>
        %swap3A_582 = vector.shape_cast %add3A_575 : vector<16xf32> to vector<1x1x16xf32>
        tpu.vector_store %arg11[%swap3A_577, %swap3A_578, %swap3A_579], %swap3A_582 {strides = array<i32>} : memref<2x64x128xf32, #tpu.memory_space<vmem>>, vector<1x1x16xf32>,
        %mul3A_583 = arith.constant 2 : i32
        %mul3A_584 = arith.muli %mul3A_583, %scan3A_508 : i32
        %add3A_585 = arith.constant 1 : i32
        %add3A_586 = arith.addi %mul3A_584, %add3A_585 : i32
        %get3A_587 = arith.constant 1 : i32
        %get3A_588 = arith.index_cast %get3A_587 : i32 to index
        %get3A_589 = arith.index_cast %add3A_586 : i32 to index
        %get3A_590 = arith.constant 16 : index
        %get3A_591 = tpu.vector_load %arg9[%get3A_588, %get3A_589, %get3A_590] {strides = array<i32>} : memref<2x128x64xf32, #tpu.memory_space<vmem>>, vector<1x1x16xf32>,
        %get3A_592 = vector.shape_cast %get3A_591 : vector<1x1x16xf32> to vector<16xf32>
        %mul3A_593 = arith.constant 2 : i32
        %mul3A_594 = arith.muli %mul3A_593, %scan3A_508 : i32
        %add3A_595 = arith.constant 1 : i32
        %add3A_596 = arith.addi %mul3A_594, %add3A_595 : i32
        %get3A_597 = arith.constant 1 : i32
        %get3A_598 = arith.index_cast %get3A_597 : i32 to index
        %get3A_599 = arith.index_cast %add3A_596 : i32 to index
        %get3A_600 = arith.constant 16 : index
        %get3A_601 = tpu.vector_load %arg10[%get3A_598, %get3A_599, %get3A_600] {strides = array<i32>} : memref<2x128x64xf32, #tpu.memory_space<vmem>>, vector<1x1x16xf32>,
        %get3A_602 = vector.shape_cast %get3A_601 : vector<1x1x16xf32> to vector<16xf32>
        %add3A_603 = arith.addf %get3A_592, %get3A_602 : vector<16xf32>
        %swap3A_604 = arith.constant 1 : i32
        %swap3A_605 = arith.index_cast %swap3A_604 : i32 to index
        %swap3A_606 = arith.index_cast %scan3A_508 : i32 to index
        %swap3A_607 = arith.constant 80 : index
        %swap3A_608 = tpu.vector_load %arg11[%swap3A_605, %swap3A_606, %swap3A_607] {strides = array<i32>} : memref<2x64x128xf32, #tpu.memory_space<vmem>>, vector<1x1x16xf32>,
        %swap3A_609 = vector.shape_cast %swap3A_608 : vector<1x1x16xf32> to vector<16xf32>
        %swap3A_610 = vector.shape_cast %add3A_603 : vector<16xf32> to vector<1x1x16xf32>
        tpu.vector_store %arg11[%swap3A_605, %swap3A_606, %swap3A_607], %swap3A_610 {strides = array<i32>} : memref<2x64x128xf32, #tpu.memory_space<vmem>>, vector<1x1x16xf32>,
        %mul3A_611 = arith.constant 2 : i32
        %mul3A_612 = arith.muli %mul3A_611, %scan3A_508 : i32
        %get3A_613 = arith.constant 1 : i32
        %get3A_614 = arith.index_cast %get3A_613 : i32 to index
        %get3A_615 = arith.index_cast %mul3A_612 : i32 to index
        %get3A_616 = arith.constant 32 : index
        %get3A_617 = tpu.vector_load %arg9[%get3A_614, %get3A_615, %get3A_616] {strides = array<i32>} : memref<2x128x64xf32, #tpu.memory_space<vmem>>, vector<1x1x16xf32>,
        %get3A_618 = vector.shape_cast %get3A_617 : vector<1x1x16xf32> to vector<16xf32>
        %mul3A_619 = arith.constant 2 : i32
        %mul3A_620 = arith.muli %mul3A_619, %scan3A_508 : i32
        %get3A_621 = arith.constant 1 : i32
        %get3A_622 = arith.index_cast %get3A_621 : i32 to index
        %get3A_623 = arith.index_cast %mul3A_620 : i32 to index
        %get3A_624 = arith.constant 32 : index
        %get3A_625 = tpu.vector_load %arg10[%get3A_622, %get3A_623, %get3A_624] {strides = array<i32>} : memref<2x128x64xf32, #tpu.memory_space<vmem>>, vector<1x1x16xf32>,
        %get3A_626 = vector.shape_cast %get3A_625 : vector<1x1x16xf32> to vector<16xf32>
        %add3A_627 = arith.addf %get3A_618, %get3A_626 : vector<16xf32>
        %swap3A_628 = arith.constant 1 : i32
        %swap3A_629 = arith.index_cast %swap3A_628 : i32 to index
        %swap3A_630 = arith.index_cast %scan3A_508 : i32 to index
        %swap3A_631 = arith.constant 32 : index
        %swap3A_632 = tpu.vector_load %arg11[%swap3A_629, %swap3A_630, %swap3A_631] {strides = array<i32>} : memref<2x64x128xf32, #tpu.memory_space<vmem>>, vector<1x1x16xf32>,
        %swap3A_633 = vector.shape_cast %swap3A_632 : vector<1x1x16xf32> to vector<16xf32>
        %swap3A_634 = vector.shape_cast %add3A_627 : vector<16xf32> to vector<1x1x16xf32>
        tpu.vector_store %arg11[%swap3A_629, %swap3A_630, %swap3A_631], %swap3A_634 {strides = array<i32>} : memref<2x64x128xf32, #tpu.memory_space<vmem>>, vector<1x1x16xf32>,
        %mul3A_635 = arith.constant 2 : i32
        %mul3A_636 = arith.muli %mul3A_635, %scan3A_508 : i32
        %add3A_637 = arith.constant 1 : i32
        %add3A_638 = arith.addi %mul3A_636, %add3A_637 : i32
        %get3A_639 = arith.constant 1 : i32
        %get3A_640 = arith.index_cast %get3A_639 : i32 to index
        %get3A_641 = arith.index_cast %add3A_638 : i32 to index
        %get3A_642 = arith.constant 32 : index
        %get3A_643 = tpu.vector_load %arg9[%get3A_640, %get3A_641, %get3A_642] {strides = array<i32>} : memref<2x128x64xf32, #tpu.memory_space<vmem>>, vector<1x1x16xf32>,
        %get3A_644 = vector.shape_cast %get3A_643 : vector<1x1x16xf32> to vector<16xf32>
        %mul3A_645 = arith.constant 2 : i32
        %mul3A_646 = arith.muli %mul3A_645, %scan3A_508 : i32
        %add3A_647 = arith.constant 1 : i32
        %add3A_648 = arith.addi %mul3A_646, %add3A_647 : i32
        %get3A_649 = arith.constant 1 : i32
        %get3A_650 = arith.index_cast %get3A_649 : i32 to index
        %get3A_651 = arith.index_cast %add3A_648 : i32 to index
        %get3A_652 = arith.constant 32 : index
        %get3A_653 = tpu.vector_load %arg10[%get3A_650, %get3A_651, %get3A_652] {strides = array<i32>} : memref<2x128x64xf32, #tpu.memory_space<vmem>>, vector<1x1x16xf32>,
        %get3A_654 = vector.shape_cast %get3A_653 : vector<1x1x16xf32> to vector<16xf32>
        %add3A_655 = arith.addf %get3A_644, %get3A_654 : vector<16xf32>
        %swap3A_656 = arith.constant 1 : i32
        %swap3A_657 = arith.index_cast %swap3A_656 : i32 to index
        %swap3A_658 = arith.index_cast %scan3A_508 : i32 to index
        %swap3A_659 = arith.constant 96 : index
        %swap3A_660 = tpu.vector_load %arg11[%swap3A_657, %swap3A_658, %swap3A_659] {strides = array<i32>} : memref<2x64x128xf32, #tpu.memory_space<vmem>>, vector<1x1x16xf32>,
        %swap3A_661 = vector.shape_cast %swap3A_660 : vector<1x1x16xf32> to vector<16xf32>
        %swap3A_662 = vector.shape_cast %add3A_655 : vector<16xf32> to vector<1x1x16xf32>
        tpu.vector_store %arg11[%swap3A_657, %swap3A_658, %swap3A_659], %swap3A_662 {strides = array<i32>} : memref<2x64x128xf32, #tpu.memory_space<vmem>>, vector<1x1x16xf32>,
        %mul3A_663 = arith.constant 2 : i32
        %mul3A_664 = arith.muli %mul3A_663, %scan3A_508 : i32
        %get3A_665 = arith.constant 1 : i32
        %get3A_666 = arith.index_cast %get3A_665 : i32 to index
        %get3A_667 = arith.index_cast %mul3A_664 : i32 to index
        %get3A_668 = arith.constant 48 : index
        %get3A_669 = tpu.vector_load %arg9[%get3A_666, %get3A_667, %get3A_668] {strides = array<i32>} : memref<2x128x64xf32, #tpu.memory_space<vmem>>, vector<1x1x16xf32>,
        %get3A_670 = vector.shape_cast %get3A_669 : vector<1x1x16xf32> to vector<16xf32>
        %mul3A_671 = arith.constant 2 : i32
        %mul3A_672 = arith.muli %mul3A_671, %scan3A_508 : i32
        %get3A_673 = arith.constant 1 : i32
        %get3A_674 = arith.index_cast %get3A_673 : i32 to index
        %get3A_675 = arith.index_cast %mul3A_672 : i32 to index
        %get3A_676 = arith.constant 48 : index
        %get3A_677 = tpu.vector_load %arg10[%get3A_674, %get3A_675, %get3A_676] {strides = array<i32>} : memref<2x128x64xf32, #tpu.memory_space<vmem>>, vector<1x1x16xf32>,
        %get3A_678 = vector.shape_cast %get3A_677 : vector<1x1x16xf32> to vector<16xf32>
        %add3A_679 = arith.addf %get3A_670, %get3A_678 : vector<16xf32>
        %swap3A_680 = arith.constant 1 : i32
        %swap3A_681 = arith.index_cast %swap3A_680 : i32 to index
        %swap3A_682 = arith.index_cast %scan3A_508 : i32 to index
        %swap3A_683 = arith.constant 48 : index
        %swap3A_684 = tpu.vector_load %arg11[%swap3A_681, %swap3A_682, %swap3A_683] {strides = array<i32>} : memref<2x64x128xf32, #tpu.memory_space<vmem>>, vector<1x1x16xf32>,
        %swap3A_685 = vector.shape_cast %swap3A_684 : vector<1x1x16xf32> to vector<16xf32>
        %swap3A_686 = vector.shape_cast %add3A_679 : vector<16xf32> to vector<1x1x16xf32>
        tpu.vector_store %arg11[%swap3A_681, %swap3A_682, %swap3A_683], %swap3A_686 {strides = array<i32>} : memref<2x64x128xf32, #tpu.memory_space<vmem>>, vector<1x1x16xf32>,
        %mul3A_687 = arith.constant 2 : i32
        %mul3A_688 = arith.muli %mul3A_687, %scan3A_508 : i32
        %add3A_689 = arith.constant 1 : i32
        %add3A_690 = arith.addi %mul3A_688, %add3A_689 : i32
        %get3A_691 = arith.constant 1 : i32
        %get3A_692 = arith.index_cast %get3A_691 : i32 to index
        %get3A_693 = arith.index_cast %add3A_690 : i32 to index
        %get3A_694 = arith.constant 48 : index
        %get3A_695 = tpu.vector_load %arg9[%get3A_692, %get3A_693, %get3A_694] {strides = array<i32>} : memref<2x128x64xf32, #tpu.memory_space<vmem>>, vector<1x1x16xf32>,
        %get3A_696 = vector.shape_cast %get3A_695 : vector<1x1x16xf32> to vector<16xf32>
        %mul3A_697 = arith.constant 2 : i32
        %mul3A_698 = arith.muli %mul3A_697, %scan3A_508 : i32
        %add3A_699 = arith.constant 1 : i32
        %add3A_700 = arith.addi %mul3A_698, %add3A_699 : i32
        %get3A_701 = arith.constant 1 : i32
        %get3A_702 = arith.index_cast %get3A_701 : i32 to index
        %get3A_703 = arith.index_cast %add3A_700 : i32 to index
        %get3A_704 = arith.constant 48 : index
        %get3A_705 = tpu.vector_load %arg10[%get3A_702, %get3A_703, %get3A_704] {strides = array<i32>} : memref<2x128x64xf32, #tpu.memory_space<vmem>>, vector<1x1x16xf32>,
        %get3A_706 = vector.shape_cast %get3A_705 : vector<1x1x16xf32> to vector<16xf32>
        %add3A_707 = arith.addf %get3A_696, %get3A_706 : vector<16xf32>
        %swap3A_708 = arith.constant 1 : i32
        %swap3A_709 = arith.index_cast %swap3A_708 : i32 to index
        %swap3A_710 = arith.index_cast %scan3A_508 : i32 to index
        %swap3A_711 = arith.constant 112 : index
        %swap3A_712 = tpu.vector_load %arg11[%swap3A_709, %swap3A_710, %swap3A_711] {strides = array<i32>} : memref<2x64x128xf32, #tpu.memory_space<vmem>>, vector<1x1x16xf32>,
        %swap3A_713 = vector.shape_cast %swap3A_712 : vector<1x1x16xf32> to vector<16xf32>
        %swap3A_714 = vector.shape_cast %add3A_707 : vector<16xf32> to vector<1x1x16xf32>
        tpu.vector_store %arg11[%swap3A_709, %swap3A_710, %swap3A_711], %swap3A_714 {strides = array<i32>} : memref<2x64x128xf32, #tpu.memory_space<vmem>>, vector<1x1x16xf32>,
      }
      %scan3A_463 = arith.constant 64 : i32
      %add3A_464 = arith.constant 2 : i32
      %add3A_465 = arith.addi %add3A_410, %add3A_464 : i32
      %min3A_466 = arith.constant 25 : i32
      %min3A_467 = arith.minsi %add3A_465, %min3A_466 : i32
      %dma_start3A_468 = arith.constant 1 : i32
      %dma_start3A_469 = arith.constant 0 : i32
      %dma_start3A_470 = arith.constant 0 : i32
      %dma_start3A_471 = tpu.memref_slice %arg9[%dma_start3A_468, %dma_start3A_469, %dma_start3A_470] : memref<2x128x64xf32, #tpu.memory_space<vmem>> -> memref<1x128x64xf32, #tpu.memory_space<vmem>>
      %dma_start3A_472 = tpu.memref_squeeze %dma_start3A_471 : memref<1x128x64xf32, #tpu.memory_space<vmem>> -> memref<128x64xf32, #tpu.memory_space<vmem>>
      %dma_start3A_473 = arith.constant 0 : i32
      %dma_start3A_474 = tpu.memref_slice %arg7[%min3A_467, %dma_start3A_473] : memref<26x128xi32, #tpu.memory_space<vmem>> -> memref<1x128xi32, #tpu.memory_space<vmem>>
      %dma_start3A_475 = tpu.memref_squeeze %dma_start3A_474 : memref<1x128xi32, #tpu.memory_space<vmem>> -> memref<128xi32, #tpu.memory_space<vmem>>
      %dma_start3A_476 = arith.constant 0 : i32
      %dma_start3A_477 = arith.constant 0 : i32
      %dma_start3A_478 = tpu.memref_slice %arg2[%dma_start3A_476, %dma_start3A_477] : memref<10240x64xf32, #tpu.memory_space<hbm>> -> memref<10240x64xf32, #tpu.memory_space<hbm>>
      tpu.enqueue_indirect_dma source(%dma_start3A_478 : memref<10240x64xf32, #tpu.memory_space<hbm>>) target(%dma_start3A_472 : memref<128x64xf32, #tpu.memory_space<vmem>>) offsets(%dma_start3A_475 : memref<128xi32, #tpu.memory_space<vmem>>) semaphore(%arg13 : memref<!tpu.dma_semaphore, #tpu.memory_space<semaphore_mem>>)
      %dma_start3A_479 = arith.constant 1 : i32
      %dma_start3A_480 = arith.constant 0 : i32
      %dma_start3A_481 = arith.constant 0 : i32
      %dma_start3A_482 = tpu.memref_slice %arg10[%dma_start3A_479, %dma_start3A_480, %dma_start3A_481] : memref<2x128x64xf32, #tpu.memory_space<vmem>> -> memref<1x128x64xf32, #tpu.memory_space<vmem>>
      %dma_start3A_483 = tpu.memref_squeeze %dma_start3A_482 : memref<1x128x64xf32, #tpu.memory_space<vmem>> -> memref<128x64xf32, #tpu.memory_space<vmem>>
      %dma_start3A_484 = arith.constant 0 : i32
      %dma_start3A_485 = tpu.memref_slice %arg8[%min3A_467, %dma_start3A_484] : memref<26x128xi32, #tpu.memory_space<vmem>> -> memref<1x128xi32, #tpu.memory_space<vmem>>
      %dma_start3A_486 = tpu.memref_squeeze %dma_start3A_485 : memref<1x128xi32, #tpu.memory_space<vmem>> -> memref<128xi32, #tpu.memory_space<vmem>>
      %dma_start3A_487 = arith.constant 0 : i32
      %dma_start3A_488 = arith.constant 0 : i32
      %dma_start3A_489 = tpu.memref_slice %arg3[%dma_start3A_487, %dma_start3A_488] : memref<10240x64xf32, #tpu.memory_space<hbm>> -> memref<10240x64xf32, #tpu.memory_space<hbm>>
      tpu.enqueue_indirect_dma source(%dma_start3A_489 : memref<10240x64xf32, #tpu.memory_space<hbm>>) target(%dma_start3A_483 : memref<128x64xf32, #tpu.memory_space<vmem>>) offsets(%dma_start3A_486 : memref<128xi32, #tpu.memory_space<vmem>>) semaphore(%arg15 : memref<!tpu.dma_semaphore, #tpu.memory_space<semaphore_mem>>)
      %add3A_490 = arith.addi %mul3A_2, %add3A_410 : i32
      %dma_start3A_491 = arith.constant 1 : i32
      %dma_start3A_492 = arith.constant 0 : i32
      %dma_start3A_493 = arith.constant 0 : i32
      %dma_start3A_494 = tpu.memref_slice %arg11[%dma_start3A_491, %dma_start3A_492, %dma_start3A_493] : memref<2x64x128xf32, #tpu.memory_space<vmem>> -> memref<1x64x128xf32, #tpu.memory_space<vmem>>
      %dma_start3A_495 = tpu.memref_squeeze %dma_start3A_494 : memref<1x64x128xf32, #tpu.memory_space<vmem>> -> memref<64x128xf32, #tpu.memory_space<vmem>>
      %dma_start3A_496 = arith.constant 0 : i32
      %dma_start3A_497 = arith.constant 0 : i32
      %dma_start3A_498 = tpu.memref_slice %arg6[%add3A_490, %dma_start3A_496, %dma_start3A_497] : memref<832x64x128xf32, #tpu.memory_space<hbm>> -> memref<1x64x128xf32, #tpu.memory_space<hbm>>
      %dma_start3A_499 = tpu.memref_squeeze %dma_start3A_498 : memref<1x64x128xf32, #tpu.memory_space<hbm>> -> memref<64x128xf32, #tpu.memory_space<hbm>>
      %dma_start3A_500 = arith.constant 0 : i32
      %dma_start3A_501 = arith.constant 0 : i32
      %dma_start3A_502 = tpu.memref_slice %arg6[%add3A_490, %dma_start3A_500, %dma_start3A_501] : memref<832x64x128xf32, #tpu.memory_space<hbm>> -> memref<1x64x128xf32, #tpu.memory_space<hbm>>
      %dma_start3A_503 = tpu.memref_squeeze %dma_start3A_502 : memref<1x64x128xf32, #tpu.memory_space<hbm>> -> memref<64x128xf32, #tpu.memory_space<hbm>>
      %dma_start3A_504 = arith.constant 0 : i32
      %dma_start3A_505 = arith.constant 0 : i32
      %dma_start3A_506 = tpu.memref_slice %arg11[%dma_start3A_491, %dma_start3A_504, %dma_start3A_505] : memref<2x64x128xf32, #tpu.memory_space<vmem>> -> memref<1x64x128xf32, #tpu.memory_space<vmem>>
      %dma_start3A_507 = tpu.memref_squeeze %dma_start3A_506 : memref<1x64x128xf32, #tpu.memory_space<vmem>> -> memref<64x128xf32, #tpu.memory_space<vmem>>
      tpu.enqueue_dma source(%dma_start3A_507 : memref<64x128xf32, #tpu.memory_space<vmem>>) target(%dma_start3A_503 : memref<64x128xf32, #tpu.memory_space<hbm>>) target_semaphore(%arg17 : memref<!tpu.dma_semaphore, #tpu.memory_space<semaphore_mem>>)
    }
    %scan3A_211 = arith.constant 12 : i32
    %dma_wait3A_212 = arith.constant 0 : i32
    %dma_wait3A_213 = arith.constant 0 : i32
    %dma_wait3A_214 = arith.constant 0 : i32
    %dma_wait3A_215 = tpu.memref_slice %arg9[%dma_wait3A_212, %dma_wait3A_213, %dma_wait3A_214] : memref<2x128x64xf32, #tpu.memory_space<vmem>> -> memref<1x128x64xf32, #tpu.memory_space<vmem>>
    %dma_wait3A_216 = tpu.memref_squeeze %dma_wait3A_215 : memref<1x128x64xf32, #tpu.memory_space<vmem>> -> memref<128x64xf32, #tpu.memory_space<vmem>>
    %dma_wait3A_217 = arith.constant 0 : i32
    %dma_wait3A_218 = arith.constant 0 : i32
    %dma_wait3A_219 = tpu.memref_slice %arg2[%dma_wait3A_217, %dma_wait3A_218] : memref<10240x64xf32, #tpu.memory_space<hbm>> -> memref<128x64xf32, #tpu.memory_space<hbm>>
    %dma_wait3A_220 = arith.constant 0 : i32
    %dma_wait3A_221 = arith.constant 0 : i32
    %dma_wait3A_222 = tpu.memref_slice %arg9[%dma_wait3A_212, %dma_wait3A_220, %dma_wait3A_221] : memref<2x128x64xf32, #tpu.memory_space<vmem>> -> memref<1x128x64xf32, #tpu.memory_space<vmem>>
    %dma_wait3A_223 = tpu.memref_squeeze %dma_wait3A_222 : memref<1x128x64xf32, #tpu.memory_space<vmem>> -> memref<128x64xf32, #tpu.memory_space<vmem>>
    %dma_wait3A_224 = arith.constant 0 : i32
    %dma_wait3A_225 = arith.constant 0 : i32
    %dma_wait3A_226 = tpu.memref_slice %arg2[%dma_wait3A_224, %dma_wait3A_225] : memref<10240x64xf32, #tpu.memory_space<hbm>> -> memref<128x64xf32, #tpu.memory_space<hbm>>
    tpu.wait_dma2 semaphore(%arg12 : memref<!tpu.dma_semaphore, #tpu.memory_space<semaphore_mem>>) src(%dma_wait3A_226 : memref<128x64xf32, #tpu.memory_space<hbm>>) dst(%dma_wait3A_223 : memref<128x64xf32, #tpu.memory_space<vmem>>)
    %dma_wait3A_227 = arith.constant 0 : i32
    %dma_wait3A_228 = arith.constant 0 : i32
    %dma_wait3A_229 = arith.constant 0 : i32
    %dma_wait3A_230 = tpu.memref_slice %arg10[%dma_wait3A_227, %dma_wait3A_228, %dma_wait3A_229] : memref<2x128x64xf32, #tpu.memory_space<vmem>> -> memref<1x128x64xf32, #tpu.memory_space<vmem>>
    %dma_wait3A_231 = tpu.memref_squeeze %dma_wait3A_230 : memref<1x128x64xf32, #tpu.memory_space<vmem>> -> memref<128x64xf32, #tpu.memory_space<vmem>>
    %dma_wait3A_232 = arith.constant 0 : i32
    %dma_wait3A_233 = arith.constant 0 : i32
    %dma_wait3A_234 = tpu.memref_slice %arg3[%dma_wait3A_232, %dma_wait3A_233] : memref<10240x64xf32, #tpu.memory_space<hbm>> -> memref<128x64xf32, #tpu.memory_space<hbm>>
    %dma_wait3A_235 = arith.constant 0 : i32
    %dma_wait3A_236 = arith.constant 0 : i32
    %dma_wait3A_237 = tpu.memref_slice %arg10[%dma_wait3A_227, %dma_wait3A_235, %dma_wait3A_236] : memref<2x128x64xf32, #tpu.memory_space<vmem>> -> memref<1x128x64xf32, #tpu.memory_space<vmem>>
    %dma_wait3A_238 = tpu.memref_squeeze %dma_wait3A_237 : memref<1x128x64xf32, #tpu.memory_space<vmem>> -> memref<128x64xf32, #tpu.memory_space<vmem>>
    %dma_wait3A_239 = arith.constant 0 : i32
    %dma_wait3A_240 = arith.constant 0 : i32
    %dma_wait3A_241 = tpu.memref_slice %arg3[%dma_wait3A_239, %dma_wait3A_240] : memref<10240x64xf32, #tpu.memory_space<hbm>> -> memref<128x64xf32, #tpu.memory_space<hbm>>
    tpu.wait_dma2 semaphore(%arg14 : memref<!tpu.dma_semaphore, #tpu.memory_space<semaphore_mem>>) src(%dma_wait3A_241 : memref<128x64xf32, #tpu.memory_space<hbm>>) dst(%dma_wait3A_238 : memref<128x64xf32, #tpu.memory_space<vmem>>)
    %dma_wait3A_242 = arith.constant 0 : i32
    %dma_wait3A_243 = arith.constant 0 : i32
    %dma_wait3A_244 = arith.constant 0 : i32
    %dma_wait3A_245 = tpu.memref_slice %arg11[%dma_wait3A_242, %dma_wait3A_243, %dma_wait3A_244] : memref<2x64x128xf32, #tpu.memory_space<vmem>> -> memref<1x64x128xf32, #tpu.memory_space<vmem>>
    %dma_wait3A_246 = tpu.memref_squeeze %dma_wait3A_245 : memref<1x64x128xf32, #tpu.memory_space<vmem>> -> memref<64x128xf32, #tpu.memory_space<vmem>>
    %dma_wait3A_247 = arith.constant 0 : i32
    %dma_wait3A_248 = arith.constant 0 : i32
    %dma_wait3A_249 = tpu.memref_slice %arg6[%mul3A_2, %dma_wait3A_247, %dma_wait3A_248] : memref<832x64x128xf32, #tpu.memory_space<hbm>> -> memref<1x64x128xf32, #tpu.memory_space<hbm>>
    %dma_wait3A_250 = tpu.memref_squeeze %dma_wait3A_249 : memref<1x64x128xf32, #tpu.memory_space<hbm>> -> memref<64x128xf32, #tpu.memory_space<hbm>>
    %dma_wait3A_251 = arith.constant 0 : i32
    %dma_wait3A_252 = arith.constant 0 : i32
    %dma_wait3A_253 = tpu.memref_slice %arg6[%mul3A_2, %dma_wait3A_251, %dma_wait3A_252] : memref<832x64x128xf32, #tpu.memory_space<hbm>> -> memref<1x64x128xf32, #tpu.memory_space<hbm>>
    %dma_wait3A_254 = tpu.memref_squeeze %dma_wait3A_253 : memref<1x64x128xf32, #tpu.memory_space<hbm>> -> memref<64x128xf32, #tpu.memory_space<hbm>>
    %dma_wait3A_255 = arith.constant 0 : i32
    %dma_wait3A_256 = arith.constant 0 : i32
    %dma_wait3A_257 = tpu.memref_slice %arg11[%dma_wait3A_242, %dma_wait3A_255, %dma_wait3A_256] : memref<2x64x128xf32, #tpu.memory_space<vmem>> -> memref<1x64x128xf32, #tpu.memory_space<vmem>>
    %dma_wait3A_258 = tpu.memref_squeeze %dma_wait3A_257 : memref<1x64x128xf32, #tpu.memory_space<vmem>> -> memref<64x128xf32, #tpu.memory_space<vmem>>
    tpu.wait_dma2 semaphore(%arg16 : memref<!tpu.dma_semaphore, #tpu.memory_space<semaphore_mem>>) src(%dma_wait3A_258 : memref<64x128xf32, #tpu.memory_space<vmem>>) dst(%dma_wait3A_254 : memref<64x128xf32, #tpu.memory_space<hbm>>)
    %dma_wait3A_259 = arith.constant 1 : i32
    %dma_wait3A_260 = arith.constant 0 : i32
    %dma_wait3A_261 = arith.constant 0 : i32
    %dma_wait3A_262 = tpu.memref_slice %arg9[%dma_wait3A_259, %dma_wait3A_260, %dma_wait3A_261] : memref<2x128x64xf32, #tpu.memory_space<vmem>> -> memref<1x128x64xf32, #tpu.memory_space<vmem>>
    %dma_wait3A_263 = tpu.memref_squeeze %dma_wait3A_262 : memref<1x128x64xf32, #tpu.memory_space<vmem>> -> memref<128x64xf32, #tpu.memory_space<vmem>>
    %dma_wait3A_264 = arith.constant 0 : i32
    %dma_wait3A_265 = arith.constant 0 : i32
    %dma_wait3A_266 = tpu.memref_slice %arg2[%dma_wait3A_264, %dma_wait3A_265] : memref<10240x64xf32, #tpu.memory_space<hbm>> -> memref<128x64xf32, #tpu.memory_space<hbm>>
    %dma_wait3A_267 = arith.constant 0 : i32
    %dma_wait3A_268 = arith.constant 0 : i32
    %dma_wait3A_269 = tpu.memref_slice %arg9[%dma_wait3A_259, %dma_wait3A_267, %dma_wait3A_268] : memref<2x128x64xf32, #tpu.memory_space<vmem>> -> memref<1x128x64xf32, #tpu.memory_space<vmem>>
    %dma_wait3A_270 = tpu.memref_squeeze %dma_wait3A_269 : memref<1x128x64xf32, #tpu.memory_space<vmem>> -> memref<128x64xf32, #tpu.memory_space<vmem>>
    %dma_wait3A_271 = arith.constant 0 : i32
    %dma_wait3A_272 = arith.constant 0 : i32
    %dma_wait3A_273 = tpu.memref_slice %arg2[%dma_wait3A_271, %dma_wait3A_272] : memref<10240x64xf32, #tpu.memory_space<hbm>> -> memref<128x64xf32, #tpu.memory_space<hbm>>
    tpu.wait_dma2 semaphore(%arg13 : memref<!tpu.dma_semaphore, #tpu.memory_space<semaphore_mem>>) src(%dma_wait3A_273 : memref<128x64xf32, #tpu.memory_space<hbm>>) dst(%dma_wait3A_270 : memref<128x64xf32, #tpu.memory_space<vmem>>)
    %dma_wait3A_274 = arith.constant 1 : i32
    %dma_wait3A_275 = arith.constant 0 : i32
    %dma_wait3A_276 = arith.constant 0 : i32
    %dma_wait3A_277 = tpu.memref_slice %arg10[%dma_wait3A_274, %dma_wait3A_275, %dma_wait3A_276] : memref<2x128x64xf32, #tpu.memory_space<vmem>> -> memref<1x128x64xf32, #tpu.memory_space<vmem>>
    %dma_wait3A_278 = tpu.memref_squeeze %dma_wait3A_277 : memref<1x128x64xf32, #tpu.memory_space<vmem>> -> memref<128x64xf32, #tpu.memory_space<vmem>>
    %dma_wait3A_279 = arith.constant 0 : i32
    %dma_wait3A_280 = arith.constant 0 : i32
    %dma_wait3A_281 = tpu.memref_slice %arg3[%dma_wait3A_279, %dma_wait3A_280] : memref<10240x64xf32, #tpu.memory_space<hbm>> -> memref<128x64xf32, #tpu.memory_space<hbm>>
    %dma_wait3A_282 = arith.constant 0 : i32
    %dma_wait3A_283 = arith.constant 0 : i32
    %dma_wait3A_284 = tpu.memref_slice %arg10[%dma_wait3A_274, %dma_wait3A_282, %dma_wait3A_283] : memref<2x128x64xf32, #tpu.memory_space<vmem>> -> memref<1x128x64xf32, #tpu.memory_space<vmem>>
    %dma_wait3A_285 = tpu.memref_squeeze %dma_wait3A_284 : memref<1x128x64xf32, #tpu.memory_space<vmem>> -> memref<128x64xf32, #tpu.memory_space<vmem>>
    %dma_wait3A_286 = arith.constant 0 : i32
    %dma_wait3A_287 = arith.constant 0 : i32
    %dma_wait3A_288 = tpu.memref_slice %arg3[%dma_wait3A_286, %dma_wait3A_287] : memref<10240x64xf32, #tpu.memory_space<hbm>> -> memref<128x64xf32, #tpu.memory_space<hbm>>
    tpu.wait_dma2 semaphore(%arg15 : memref<!tpu.dma_semaphore, #tpu.memory_space<semaphore_mem>>) src(%dma_wait3A_288 : memref<128x64xf32, #tpu.memory_space<hbm>>) dst(%dma_wait3A_285 : memref<128x64xf32, #tpu.memory_space<vmem>>)
    %dma_wait3A_289 = arith.constant 1 : i32
    %dma_wait3A_290 = arith.constant 0 : i32
    %dma_wait3A_291 = arith.constant 0 : i32
    %dma_wait3A_292 = tpu.memref_slice %arg11[%dma_wait3A_289, %dma_wait3A_290, %dma_wait3A_291] : memref<2x64x128xf32, #tpu.memory_space<vmem>> -> memref<1x64x128xf32, #tpu.memory_space<vmem>>
    %dma_wait3A_293 = tpu.memref_squeeze %dma_wait3A_292 : memref<1x64x128xf32, #tpu.memory_space<vmem>> -> memref<64x128xf32, #tpu.memory_space<vmem>>
    %dma_wait3A_294 = arith.constant 0 : i32
    %dma_wait3A_295 = arith.constant 0 : i32
    %dma_wait3A_296 = tpu.memref_slice %arg6[%mul3A_2, %dma_wait3A_294, %dma_wait3A_295] : memref<832x64x128xf32, #tpu.memory_space<hbm>> -> memref<1x64x128xf32, #tpu.memory_space<hbm>>
    %dma_wait3A_297 = tpu.memref_squeeze %dma_wait3A_296 : memref<1x64x128xf32, #tpu.memory_space<hbm>> -> memref<64x128xf32, #tpu.memory_space<hbm>>
    %dma_wait3A_298 = arith.constant 0 : i32
    %dma_wait3A_299 = arith.constant 0 : i32
    %dma_wait3A_300 = tpu.memref_slice %arg6[%mul3A_2, %dma_wait3A_298, %dma_wait3A_299] : memref<832x64x128xf32, #tpu.memory_space<hbm>> -> memref<1x64x128xf32, #tpu.memory_space<hbm>>
    %dma_wait3A_301 = tpu.memref_squeeze %dma_wait3A_300 : memref<1x64x128xf32, #tpu.memory_space<hbm>> -> memref<64x128xf32, #tpu.memory_space<hbm>>
    %dma_wait3A_302 = arith.constant 0 : i32
    %dma_wait3A_303 = arith.constant 0 : i32
    %dma_wait3A_304 = tpu.memref_slice %arg11[%dma_wait3A_289, %dma_wait3A_302, %dma_wait3A_303] : memref<2x64x128xf32, #tpu.memory_space<vmem>> -> memref<1x64x128xf32, #tpu.memory_space<vmem>>
    %dma_wait3A_305 = tpu.memref_squeeze %dma_wait3A_304 : memref<1x64x128xf32, #tpu.memory_space<vmem>> -> memref<64x128xf32, #tpu.memory_space<vmem>>
    tpu.wait_dma2 semaphore(%arg17 : memref<!tpu.dma_semaphore, #tpu.memory_space<semaphore_mem>>) src(%dma_wait3A_305 : memref<64x128xf32, #tpu.memory_space<vmem>>) dst(%dma_wait3A_301 : memref<64x128xf32, #tpu.memory_space<hbm>>)
    return
  }
}

module attributes {stable_mosaic.version = 14 : i64} {
  func.func @_proj_body(%arg0: memref<10240x128xf32, #tpu.memory_space<vmem>>, %arg1: memref<128x64xf32, #tpu.memory_space<vmem>>, %arg2: memref<128x64xf32, #tpu.memory_space<vmem>>, %arg3: memref<10240x64xf32, #tpu.memory_space<vmem>>, %arg4: memref<10240x64xf32, #tpu.memory_space<vmem>>) attributes {dimension_semantics = [], scalar_prefetch = 0 : i64, scratch_operands = 0 : i64, tpu.core_type = #tpu.core_type<tc>} {
    %get3A = arith.constant 0 : index
    %get3A_0 = arith.constant 0 : index
    %get3A_1 = vector.load %arg0[%get3A, %get3A_0] : memref<10240x128xf32, #tpu.memory_space<vmem>>, vector<10240x128xf32>
    %get3A_2 = arith.constant 0 : index
    %get3A_3 = arith.constant 0 : index
    %get3A_4 = vector.load %arg1[%get3A_2, %get3A_3] : memref<128x64xf32, #tpu.memory_space<vmem>>, vector<128x64xf32>
    %dot_general3A = arith.constant dense<0.000000e+00> : vector<10240x64xf32>
    %dot_general3A_5 = tpu.matmul %get3A_1, %get3A_4, %dot_general3A {dimension_numbers = #tpu.dot_dimension_numbers<[1], [0], [0], [1], [0, 0, 1, 1], [], []>, transpose_lhs_hint = false} : vector<10240x128xf32>, vector<128x64xf32>, vector<10240x64xf32> -> vector<10240x64xf32>
    %swap3A = arith.constant 0 : index
    %swap3A_6 = arith.constant 0 : index
    %swap3A_7 = vector.load %arg3[%swap3A, %swap3A_6] : memref<10240x64xf32, #tpu.memory_space<vmem>>, vector<10240x64xf32>
    tpu.vector_store %arg3[%swap3A, %swap3A_6], %dot_general3A_5 {strides = array<i32>} : memref<10240x64xf32, #tpu.memory_space<vmem>>, vector<10240x64xf32>,
    %get3A_8 = arith.constant 0 : index
    %get3A_9 = arith.constant 0 : index
    %get3A_10 = vector.load %arg2[%get3A_8, %get3A_9] : memref<128x64xf32, #tpu.memory_space<vmem>>, vector<128x64xf32>
    %dot_general3A_11 = arith.constant dense<0.000000e+00> : vector<10240x64xf32>
    %dot_general3A_12 = tpu.matmul %get3A_1, %get3A_10, %dot_general3A_11 {dimension_numbers = #tpu.dot_dimension_numbers<[1], [0], [0], [1], [0, 0, 1, 1], [], []>, transpose_lhs_hint = false} : vector<10240x128xf32>, vector<128x64xf32>, vector<10240x64xf32> -> vector<10240x64xf32>
    %swap3A_13 = arith.constant 0 : index
    %swap3A_14 = arith.constant 0 : index
    %swap3A_15 = vector.load %arg4[%swap3A_13, %swap3A_14] : memref<10240x64xf32, #tpu.memory_space<vmem>>, vector<10240x64xf32>
    tpu.vector_store %arg4[%swap3A_13, %swap3A_14], %dot_general3A_12 {strides = array<i32>} : memref<10240x64xf32, #tpu.memory_space<vmem>>, vector<10240x64xf32>,
    return
  }
}

module attributes {stable_mosaic.version = 14 : i64} {
  func.func @_comb_body(%arg0: memref<2x10240x64xf32, #tpu.memory_space<vmem>>, %arg1: memref<2x10240x1xf32, #tpu.memory_space<vmem>>, %arg2: memref<10240x64xf32, #tpu.memory_space<vmem>>, %arg3: memref<1x64xf32, #tpu.memory_space<vmem>>, %arg4: memref<64x64xf32, #tpu.memory_space<vmem>>, %arg5: memref<64x64xf32, #tpu.memory_space<vmem>>, %arg6: memref<1x64xf32, #tpu.memory_space<vmem>>, %arg7: memref<10240x64xf32, #tpu.memory_space<vmem>>, %arg8: memref<10240x64xf32, #tpu.memory_space<vmem>>) attributes {dimension_semantics = [], scalar_prefetch = 0 : i64, scratch_operands = 0 : i64, tpu.core_type = #tpu.core_type<tc>} {
    %get3A = arith.constant 0 : index
    %get3A_0 = arith.constant 0 : index
    %get3A_1 = arith.constant 0 : index
    %get3A_2 = vector.load %arg0[%get3A, %get3A_0, %get3A_1] : memref<2x10240x64xf32, #tpu.memory_space<vmem>>, vector<1x10240x64xf32>
    %get3A_3 = vector.shape_cast %get3A_2 : vector<1x10240x64xf32> to vector<10240x64xf32>
    %get3A_4 = arith.constant 1 : index
    %get3A_5 = arith.constant 0 : index
    %get3A_6 = arith.constant 0 : index
    %get3A_7 = vector.load %arg0[%get3A_4, %get3A_5, %get3A_6] : memref<2x10240x64xf32, #tpu.memory_space<vmem>>, vector<1x10240x64xf32>
    %get3A_8 = vector.shape_cast %get3A_7 : vector<1x10240x64xf32> to vector<10240x64xf32>
    %add3A = arith.addf %get3A_3, %get3A_8 : vector<10240x64xf32>
    %get3A_9 = arith.constant 0 : index
    %get3A_10 = arith.constant 0 : index
    %get3A_11 = arith.constant 0 : index
    %get3A_12 = vector.load %arg1[%get3A_9, %get3A_10, %get3A_11] : memref<2x10240x1xf32, #tpu.memory_space<vmem>>, vector<1x10240x1xf32>
    %get3A_13 = vector.shape_cast %get3A_12 : vector<1x10240x1xf32> to vector<10240x1xf32>
    %get3A_14 = arith.constant 1 : index
    %get3A_15 = arith.constant 0 : index
    %get3A_16 = arith.constant 0 : index
    %get3A_17 = vector.load %arg1[%get3A_14, %get3A_15, %get3A_16] : memref<2x10240x1xf32, #tpu.memory_space<vmem>>, vector<1x10240x1xf32>
    %get3A_18 = vector.shape_cast %get3A_17 : vector<1x10240x1xf32> to vector<10240x1xf32>
    %add3A_19 = arith.addf %get3A_13, %get3A_18 : vector<10240x1xf32>
    %max3A = arith.constant 1.000000e+00 : f32
    %max3A_20 = vector.broadcast %max3A : f32 to vector<10240x1xf32>
    %max3A_21 = arith.maximumf %add3A_19, %max3A_20 : vector<10240x1xf32>
    %div3A = vector.broadcast %max3A_21 : vector<10240x1xf32> to vector<10240x64xf32>
    %div3A_22 = arith.divf %add3A, %div3A : vector<10240x64xf32>
    %get3A_23 = arith.constant 0 : index
    %get3A_24 = arith.constant 0 : index
    %get3A_25 = vector.load %arg2[%get3A_23, %get3A_24] : memref<10240x64xf32, #tpu.memory_space<vmem>>, vector<10240x64xf32>
    %add3A_26 = arith.addf %div3A_22, %get3A_25 : vector<10240x64xf32>
    %get3A_27 = arith.constant 0 : index
    %get3A_28 = arith.constant 0 : index
    %get3A_29 = vector.load %arg3[%get3A_27, %get3A_28] : memref<1x64xf32, #tpu.memory_space<vmem>>, vector<1x64xf32>
    %add3A_30 = vector.broadcast %get3A_29 : vector<1x64xf32> to vector<10240x64xf32>
    %add3A_31 = arith.addf %add3A_26, %add3A_30 : vector<10240x64xf32>
    %max3A_32 = arith.constant 0.000000e+00 : f32
    %max3A_33 = vector.broadcast %max3A_32 : f32 to vector<10240x64xf32>
    %max3A_34 = arith.maximumf %add3A_31, %max3A_33 : vector<10240x64xf32>
    %get3A_35 = arith.constant 0 : index
    %get3A_36 = arith.constant 0 : index
    %get3A_37 = vector.load %arg6[%get3A_35, %get3A_36] : memref<1x64xf32, #tpu.memory_space<vmem>>, vector<1x64xf32>
    %get3A_38 = arith.constant 0 : index
    %get3A_39 = arith.constant 0 : index
    %get3A_40 = vector.load %arg4[%get3A_38, %get3A_39] : memref<64x64xf32, #tpu.memory_space<vmem>>, vector<64x64xf32>
    %dot_general3A = arith.constant dense<0.000000e+00> : vector<10240x64xf32>
    %dot_general3A_41 = tpu.matmul %max3A_34, %get3A_40, %dot_general3A {dimension_numbers = #tpu.dot_dimension_numbers<[1], [0], [0], [1], [0, 0, 1, 1], [], []>, transpose_lhs_hint = false} : vector<10240x64xf32>, vector<64x64xf32>, vector<10240x64xf32> -> vector<10240x64xf32>
    %add3A_42 = vector.broadcast %get3A_37 : vector<1x64xf32> to vector<10240x64xf32>
    %add3A_43 = arith.addf %dot_general3A_41, %add3A_42 : vector<10240x64xf32>
    %swap3A = arith.constant 0 : index
    %swap3A_44 = arith.constant 0 : index
    %swap3A_45 = vector.load %arg7[%swap3A, %swap3A_44] : memref<10240x64xf32, #tpu.memory_space<vmem>>, vector<10240x64xf32>
    tpu.vector_store %arg7[%swap3A, %swap3A_44], %add3A_43 {strides = array<i32>} : memref<10240x64xf32, #tpu.memory_space<vmem>>, vector<10240x64xf32>,
    %get3A_46 = arith.constant 0 : index
    %get3A_47 = arith.constant 0 : index
    %get3A_48 = vector.load %arg5[%get3A_46, %get3A_47] : memref<64x64xf32, #tpu.memory_space<vmem>>, vector<64x64xf32>
    %dot_general3A_49 = arith.constant dense<0.000000e+00> : vector<10240x64xf32>
    %dot_general3A_50 = tpu.matmul %max3A_34, %get3A_48, %dot_general3A_49 {dimension_numbers = #tpu.dot_dimension_numbers<[1], [0], [0], [1], [0, 0, 1, 1], [], []>, transpose_lhs_hint = false} : vector<10240x64xf32>, vector<64x64xf32>, vector<10240x64xf32> -> vector<10240x64xf32>
    %add3A_51 = vector.broadcast %get3A_37 : vector<1x64xf32> to vector<10240x64xf32>
    %add3A_52 = arith.addf %dot_general3A_50, %add3A_51 : vector<10240x64xf32>
    %swap3A_53 = arith.constant 0 : index
    %swap3A_54 = arith.constant 0 : index
    %swap3A_55 = vector.load %arg8[%swap3A_53, %swap3A_54] : memref<10240x64xf32, #tpu.memory_space<vmem>>, vector<10240x64xf32>
    tpu.vector_store %arg8[%swap3A_53, %swap3A_54], %add3A_52 {strides = array<i32>} : memref<10240x64xf32, #tpu.memory_space<vmem>>, vector<10240x64xf32>,
    return
  }
}

module attributes {stable_mosaic.version = 14 : i64} {
  func.func @_comb_body(%arg0: memref<2x10240x64xf32, #tpu.memory_space<vmem>>, %arg1: memref<2x10240x1xf32, #tpu.memory_space<vmem>>, %arg2: memref<10240x64xf32, #tpu.memory_space<vmem>>, %arg3: memref<1x64xf32, #tpu.memory_space<vmem>>, %arg4: memref<64x64xf32, #tpu.memory_space<vmem>>, %arg5: memref<64x64xf32, #tpu.memory_space<vmem>>, %arg6: memref<1x64xf32, #tpu.memory_space<vmem>>, %arg7: memref<10240x64xf32, #tpu.memory_space<vmem>>, %arg8: memref<10240x64xf32, #tpu.memory_space<vmem>>) attributes {dimension_semantics = [], scalar_prefetch = 0 : i64, scratch_operands = 0 : i64, tpu.core_type = #tpu.core_type<tc>} {
    %get3A = arith.constant 0 : index
    %get3A_0 = arith.constant 0 : index
    %get3A_1 = arith.constant 0 : index
    %get3A_2 = vector.load %arg0[%get3A, %get3A_0, %get3A_1] : memref<2x10240x64xf32, #tpu.memory_space<vmem>>, vector<1x10240x64xf32>
    %get3A_3 = vector.shape_cast %get3A_2 : vector<1x10240x64xf32> to vector<10240x64xf32>
    %get3A_4 = arith.constant 1 : index
    %get3A_5 = arith.constant 0 : index
    %get3A_6 = arith.constant 0 : index
    %get3A_7 = vector.load %arg0[%get3A_4, %get3A_5, %get3A_6] : memref<2x10240x64xf32, #tpu.memory_space<vmem>>, vector<1x10240x64xf32>
    %get3A_8 = vector.shape_cast %get3A_7 : vector<1x10240x64xf32> to vector<10240x64xf32>
    %add3A = arith.addf %get3A_3, %get3A_8 : vector<10240x64xf32>
    %get3A_9 = arith.constant 0 : index
    %get3A_10 = arith.constant 0 : index
    %get3A_11 = arith.constant 0 : index
    %get3A_12 = vector.load %arg1[%get3A_9, %get3A_10, %get3A_11] : memref<2x10240x1xf32, #tpu.memory_space<vmem>>, vector<1x10240x1xf32>
    %get3A_13 = vector.shape_cast %get3A_12 : vector<1x10240x1xf32> to vector<10240x1xf32>
    %get3A_14 = arith.constant 1 : index
    %get3A_15 = arith.constant 0 : index
    %get3A_16 = arith.constant 0 : index
    %get3A_17 = vector.load %arg1[%get3A_14, %get3A_15, %get3A_16] : memref<2x10240x1xf32, #tpu.memory_space<vmem>>, vector<1x10240x1xf32>
    %get3A_18 = vector.shape_cast %get3A_17 : vector<1x10240x1xf32> to vector<10240x1xf32>
    %add3A_19 = arith.addf %get3A_13, %get3A_18 : vector<10240x1xf32>
    %max3A = arith.constant 1.000000e+00 : f32
    %max3A_20 = vector.broadcast %max3A : f32 to vector<10240x1xf32>
    %max3A_21 = arith.maximumf %add3A_19, %max3A_20 : vector<10240x1xf32>
    %div3A = vector.broadcast %max3A_21 : vector<10240x1xf32> to vector<10240x64xf32>
    %div3A_22 = arith.divf %add3A, %div3A : vector<10240x64xf32>
    %get3A_23 = arith.constant 0 : index
    %get3A_24 = arith.constant 0 : index
    %get3A_25 = vector.load %arg2[%get3A_23, %get3A_24] : memref<10240x64xf32, #tpu.memory_space<vmem>>, vector<10240x64xf32>
    %add3A_26 = arith.addf %div3A_22, %get3A_25 : vector<10240x64xf32>
    %get3A_27 = arith.constant 0 : index
    %get3A_28 = arith.constant 0 : index
    %get3A_29 = vector.load %arg3[%get3A_27, %get3A_28] : memref<1x64xf32, #tpu.memory_space<vmem>>, vector<1x64xf32>
    %add3A_30 = vector.broadcast %get3A_29 : vector<1x64xf32> to vector<10240x64xf32>
    %add3A_31 = arith.addf %add3A_26, %add3A_30 : vector<10240x64xf32>
    %get3A_32 = arith.constant 0 : index
    %get3A_33 = arith.constant 0 : index
    %get3A_34 = vector.load %arg6[%get3A_32, %get3A_33] : memref<1x64xf32, #tpu.memory_space<vmem>>, vector<1x64xf32>
    %get3A_35 = arith.constant 0 : index
    %get3A_36 = arith.constant 0 : index
    %get3A_37 = vector.load %arg4[%get3A_35, %get3A_36] : memref<64x64xf32, #tpu.memory_space<vmem>>, vector<64x64xf32>
    %dot_general3A = arith.constant dense<0.000000e+00> : vector<10240x64xf32>
    %dot_general3A_38 = tpu.matmul %add3A_31, %get3A_37, %dot_general3A {dimension_numbers = #tpu.dot_dimension_numbers<[1], [0], [0], [1], [0, 0, 1, 1], [], []>, transpose_lhs_hint = false} : vector<10240x64xf32>, vector<64x64xf32>, vector<10240x64xf32> -> vector<10240x64xf32>
    %add3A_39 = vector.broadcast %get3A_34 : vector<1x64xf32> to vector<10240x64xf32>
    %add3A_40 = arith.addf %dot_general3A_38, %add3A_39 : vector<10240x64xf32>
    %swap3A = arith.constant 0 : index
    %swap3A_41 = arith.constant 0 : index
    %swap3A_42 = vector.load %arg7[%swap3A, %swap3A_41] : memref<10240x64xf32, #tpu.memory_space<vmem>>, vector<10240x64xf32>
    tpu.vector_store %arg7[%swap3A, %swap3A_41], %add3A_40 {strides = array<i32>} : memref<10240x64xf32, #tpu.memory_space<vmem>>, vector<10240x64xf32>,
    %get3A_43 = arith.constant 0 : index
    %get3A_44 = arith.constant 0 : index
    %get3A_45 = vector.load %arg5[%get3A_43, %get3A_44] : memref<64x64xf32, #tpu.memory_space<vmem>>, vector<64x64xf32>
    %dot_general3A_46 = arith.constant dense<0.000000e+00> : vector<10240x64xf32>
    %dot_general3A_47 = tpu.matmul %add3A_31, %get3A_45, %dot_general3A_46 {dimension_numbers = #tpu.dot_dimension_numbers<[1], [0], [0], [1], [0, 0, 1, 1], [], []>, transpose_lhs_hint = false} : vector<10240x64xf32>, vector<64x64xf32>, vector<10240x64xf32> -> vector<10240x64xf32>
    %add3A_48 = vector.broadcast %get3A_34 : vector<1x64xf32> to vector<10240x64xf32>
    %add3A_49 = arith.addf %dot_general3A_47, %add3A_48 : vector<10240x64xf32>
    %swap3A_50 = arith.constant 0 : index
    %swap3A_51 = arith.constant 0 : index
    %swap3A_52 = vector.load %arg8[%swap3A_50, %swap3A_51] : memref<10240x64xf32, #tpu.memory_space<vmem>>, vector<10240x64xf32>
    tpu.vector_store %arg8[%swap3A_50, %swap3A_51], %add3A_49 {strides = array<i32>} : memref<10240x64xf32, #tpu.memory_space<vmem>>, vector<10240x64xf32>,
    return
  }
}

module attributes {stable_mosaic.version = 14 : i64} {
  func.func @_head_fin_body(%arg0: i32, %arg1: memref<6656x128xf32, #tpu.memory_space<vmem>>, %arg2: memref<128x2xf32, #tpu.memory_space<vmem>>, %arg3: memref<1x2xf32, #tpu.memory_space<vmem>>, %arg4: memref<6656x2xf32, #tpu.memory_space<vmem>>) attributes {dimension_semantics = [#tpu.dimension_semantics<arbitrary>], iteration_bounds = array<i64: 8>, scalar_prefetch = 0 : i64, scratch_operands = 0 : i64, tpu.core_type = #tpu.core_type<tc>, window_params = [{transform_indices = @transform_0, window_bounds = array<i64: 6656, 128>}, {pipeline_mode = #tpu.pipeline_mode<synchronous>, transform_indices = @transform_1, window_bounds = array<i64: 128, 2>}, {pipeline_mode = #tpu.pipeline_mode<synchronous>, transform_indices = @transform_2, window_bounds = array<i64: 1, 2>}, {transform_indices = @transform_3, window_bounds = array<i64: 6656, 2>}]} {
    %get3A = arith.constant 0 : index
    %get3A_0 = arith.constant 0 : index
    %get3A_1 = vector.load %arg1[%get3A, %get3A_0] : memref<6656x128xf32, #tpu.memory_space<vmem>>, vector<6656x128xf32>
    %max3A = arith.constant 0.000000e+00 : f32
    %max3A_2 = vector.broadcast %max3A : f32 to vector<6656x128xf32>
    %max3A_3 = arith.maximumf %get3A_1, %max3A_2 : vector<6656x128xf32>
    %get3A_4 = arith.constant 0 : index
    %get3A_5 = arith.constant 0 : index
    %get3A_6 = vector.load %arg2[%get3A_4, %get3A_5] : memref<128x2xf32, #tpu.memory_space<vmem>>, vector<128x2xf32>
    %dot_general3A = arith.constant dense<0.000000e+00> : vector<6656x2xf32>
    %dot_general3A_7 = tpu.matmul %max3A_3, %get3A_6, %dot_general3A {dimension_numbers = #tpu.dot_dimension_numbers<[1], [0], [0], [1], [0, 0, 1, 1], [], []>, transpose_lhs_hint = false} : vector<6656x128xf32>, vector<128x2xf32>, vector<6656x2xf32> -> vector<6656x2xf32>
    %get3A_8 = arith.constant 0 : index
    %get3A_9 = arith.constant 0 : index
    %get3A_10 = vector.load %arg3[%get3A_8, %get3A_9] : memref<1x2xf32, #tpu.memory_space<vmem>>, vector<1x2xf32>
    %add3A = vector.broadcast %get3A_10 : vector<1x2xf32> to vector<6656x2xf32>
    %add3A_11 = arith.addf %dot_general3A_7, %add3A : vector<6656x2xf32>
    %neg3A = arith.constant 0.000000e+00 : f32
    %neg3A_12 = vector.broadcast %neg3A : f32 to vector<6656x2xf32>
    %neg3A_13 = arith.subf %neg3A_12, %add3A_11 : vector<6656x2xf32>
    %exp3A = math.exp %neg3A_13 : vector<6656x2xf32>
    %add3A_14 = arith.constant 1.000000e+00 : f32
    %add3A_15 = vector.broadcast %add3A_14 : f32 to vector<6656x2xf32>
    %add3A_16 = arith.addf %add3A_15, %exp3A : vector<6656x2xf32>
    %div3A = arith.constant 1.000000e+00 : f32
    %div3A_17 = vector.broadcast %div3A : f32 to vector<6656x2xf32>
    %div3A_18 = arith.divf %div3A_17, %add3A_16 : vector<6656x2xf32>
    %swap3A = arith.constant 0 : index
    %swap3A_19 = arith.constant 0 : index
    %swap3A_20 = vector.load %arg4[%swap3A, %swap3A_19] : memref<6656x2xf32, #tpu.memory_space<vmem>>, vector<6656x2xf32>
    tpu.vector_store %arg4[%swap3A, %swap3A_19], %div3A_18 {strides = array<i32>} : memref<6656x2xf32, #tpu.memory_space<vmem>>, vector<6656x2xf32>,
    return
  }
  func.func @transform_0(%arg0: i32) -> (i32, i32) {
    %c0_i32 = arith.constant 0 : i32
    %c0_i32_0 = arith.constant 0 : i32
    return %arg0, %c0_i32 : i32, i32
  }
  func.func @transform_1(%arg0: i32) -> (i32, i32) {
    %c0_i32 = arith.constant 0 : i32
    %c0_i32_0 = arith.constant 0 : i32
    %c0_i32_1 = arith.constant 0 : i32
    return %c0_i32, %c0_i32_0 : i32, i32
  }
  func.func @transform_2(%arg0: i32) -> (i32, i32) {
    %c0_i32 = arith.constant 0 : i32
    %c0_i32_0 = arith.constant 0 : i32
    %c0_i32_1 = arith.constant 0 : i32
    return %c0_i32, %c0_i32_0 : i32, i32
  }
  func.func @transform_3(%arg0: i32) -> (i32, i32) {
    %c0_i32 = arith.constant 0 : i32
    %c0_i32_0 = arith.constant 0 : i32
    return %arg0, %c0_i32 : i32, i32
  }
}

</mosaic_0001>

<sc_bundles>
// kernel: kernel.12.cloned.1.call-start
scs
__scs_entry_jumppad:
0x0: {  	(pc) =	sbr.rel $0x88, $3  }
0x1: {  	(tag) =	ssettag $0x0;
	lr =	simm.s32 $0x1  }
0x2: {  	[smem:$0x3F94] =	sst lr;
	_ =	strace $0xD0000000  }
0x3: {  	_ = 	snop  }
0x4: {  	_ = 	snop  }
0x5: {  	_ = 	snop  }
0x6: {  	_ = 	snop  }
0x7: {  	_ = 	snop  }
__scs_overlays_trampoline_lowered:
0x8: {  	[smem:$0x3FA3] =	sst s0  }
0x9: {  	[smem:$0x3FA4] =	sst s1  }
0xa: {  	[smem:$0x3FA5] =	sst s2  }
0xb: {  	[smem:$0x3FA6] =	sst s3  }
0xc: {  	[smem:$0x3FA7] =	sst s4  }
0xd: {  	[smem:$0x3FA8] =	sst s5  }
0xe: {  	[smem:$0x3FA9] =	sst s6  }
0xf: {  	[smem:$0x3FAA] =	sst s7  }
0x10: {  	[smem:$0x3FAB] =	sst s8  }
0x11: {  	[smem:$0x3FAC] =	sst s9;
	s0 =	simm.s32 @!p0 $0x0  }
0x12: {  	s1 =	sld [smem:$0x3F92];
	s0 =	simm.s32 @p0 $0x1  }
0x13: {  	[smem:$0x3FAD] =	sst s0;
	s0 =	simm.s32 @!p1 $0x0  }
0x14: {  	s2 =	sld [smem:$0x3F91];
	s0 =	simm.s32 @p1 $0x1  }
0x15: {  	[smem:$0x3FAE] =	sst s0;
	s0 =	simm.s32 @!p2 $0x0  }
0x16: {  	s3 =	sld [smem:$0x3FDB];
	s0 =	simm.s32 @p2 $0x1  }
0x17: {  	s4 =	simm.s32 $0x1BF5;
	[smem:$0x3FB0] =	sst s0  }
0x18: {  	s0 =	sld [smem:$0x3F93];
	_ =	swait.ge [sflag:s4], $0x0  }
0x19: {  	s7 =	sld [smem:$0x3F94]  }
0x1a: {  	s8 =	sadd.s32 $0xFFFFE003, lr  }
0x1b: {  	s9 =	sadd.s32 $0xFFFFFEF7, lr;
	s5 =	simm.s32 $0xFFFFFFFF;
	p2 =	slt.u32 s8, $0xFFFFF086  }
0x1c: {  	p1 =	slt.u32 s9, $0xF7A;
	s5 =	simm.s32 @!p2 $0x0  }
0x1d: {  	s5 =	simm.s32 @p1 $0x1;
	p0 =	seq.s32 s7, s2  }
0x1e: {  	s7 =	smul.u32 @!p0 $0xF7A, s2;
	p2 =	seq.s32 @!p0 s5, $0x0  }
0x1f: {  	s9 =	smul.u32 $0xF7A, s1;
	s8 =	simm.s32 @!p0 $0x1BF5;
	p2 =	por !p2, p0  }
0x20: {  	[sflag:s8] =	ssyncset.s32 @!p0 $0xFFFFF086;
	s6 =	sadd.s32 @!p0 s3, s7;
	s7 =	simm.s32 @!p0 $0x108  }
0x21: {  	s3 =	sadd.s32 s3, s9;
	s6 =	sadd.s32 @!p0 $0x88, s6;
	s7 =	simm.s32 @p2 $0x1082  }
0x22: {  	[simem:s7], [sflag:s8] =	dma.local @!p0 [hbm:s6], $0xF7A  }
0x23: {  	s9 =	sor.u32 $0xD0000000, s2;
	s6 =	simm.s32 $0x108;
	_ =	swait.ge @!p0 [sflag:s8], $0x0  }
0x24: {  	s3 =	sadd.s32 $0x88, s3;
	s6 =	simm.s32 @!p1 $0x1082;
	[sflag:s4] =	ssyncset.s32 $0xFFFFF086  }
0x25: {  	[simem:s6], [sflag:s4] =	dma.local [hbm:s3], $0xF7A  }
0x26: {  	[smem:$0x3F94] =	sst s1;
	(tag) =	ssettag s2;
	_ =	strace s9  }
0x27: {  	s1 =	sld [smem:$0x3FA4]  }
0x28: {  	s2 =	sld [smem:$0x3FA5]  }
0x29: {  	s4 =	sld [smem:$0x3FA7]  }
0x2a: {  	p0 =	seq.s32 s5, $0x0;
	s5 =	sld [smem:$0x3FA8]  }
0x2b: {  	s6 =	sld [smem:$0x3FA9]  }
0x2c: {  	s7 =	sld [smem:$0x3FAA]  }
0x2d: {  	s3 =	simm.s32 $0x108;
	s8 =	sld [smem:$0x3FAB]  }
0x2e: {  	s3 =	simm.s32 @!p0 $0x1082;
	s9 =	sld [smem:$0x3FAC]  }
0x2f: {  	lr =	sadd.s32 s0, s3;
	s0 =	sld [smem:$0x3FA3]  }
0x30: {  	s3 =	sld [smem:$0x3FA6]  }
0x31: {  	[smem:$0x3FAF] =	sst s10  }
0x32: {  	s10 =	sld [smem:$0x3FAD];
	_ =	sdelay $0x3  }
0x33: {  	p0 =	seq.s32 s10, $0x1;
	s10 =	sld [smem:$0x3FAF];
	_ =	sdelay $0x3  }
0x34: {  	[smem:$0x3FAF] =	sst s10  }
0x35: {  	s10 =	sld [smem:$0x3FAE];
	_ =	sdelay $0x3  }
0x36: {  	p1 =	seq.s32 s10, $0x1;
	s10 =	sld [smem:$0x3FAF];
	_ =	sdelay $0x3  }
0x37: {  	[smem:$0x3FAF] =	sst s10  }
0x38: {  	s10 =	sld [smem:$0x3FB0]  }
0x39: {  	_ = 	snop;
	(pc) =	sbr.ind lr, $3  }
0x3a: {  	_ = 	snop  }
0x3b: {  	_ = 	snop  }
0x3c: {  	p2 =	seq.s32 s10, $0x1;
	s10 =	sld [smem:$0x3FAF]  }
0x3d: {  	_ =	shalt  }
0x3e: {  	_ =	shalt  }
0x3f: {  	_ =	shalt  }
0x40: {  	_ =	shalt  }
0x41: {  	_ =	shalt  }
0x42: {  	_ =	shalt  }
0x43: {  	_ =	shalt  }
0x44: {  	_ =	shalt  }
0x45: {  	_ =	shalt  }
0x46: {  	_ =	shalt  }
0x47: {  	_ =	shalt  }
0x48: {  	_ =	shalt  }
0x49: {  	_ =	shalt  }
0x4a: {  	_ =	shalt  }
0x4b: {  	_ =	shalt  }
0x4c: {  	_ =	shalt  }
0x4d: {  	_ =	shalt  }
0x4e: {  	_ =	shalt  }
0x4f: {  	_ =	shalt  }
0x50: {  	_ =	shalt  }
0x51: {  	_ =	shalt  }
0x52: {  	_ =	shalt  }
0x53: {  	_ =	shalt  }
0x54: {  	_ =	shalt  }
0x55: {  	_ =	shalt  }
0x56: {  	_ =	shalt  }
0x57: {  	_ =	shalt  }
0x58: {  	_ =	shalt  }
0x59: {  	_ =	shalt  }
0x5a: {  	_ =	shalt  }
0x5b: {  	_ =	shalt  }
0x5c: {  	_ =	shalt  }
0x5d: {  	_ =	shalt  }
0x5e: {  	_ =	shalt  }
0x5f: {  	_ =	shalt  }
0x60: {  	_ =	shalt  }
0x61: {  	_ =	shalt  }
0x62: {  	_ =	shalt  }
0x63: {  	_ =	shalt  }
0x64: {  	_ =	shalt  }
0x65: {  	_ =	shalt  }
0x66: {  	_ =	shalt  }
0x67: {  	_ =	shalt  }
0x68: {  	_ =	shalt  }
0x69: {  	_ =	shalt  }
0x6a: {  	_ =	shalt  }
0x6b: {  	_ =	shalt  }
0x6c: {  	_ =	shalt  }
0x6d: {  	_ =	shalt  }
0x6e: {  	_ =	shalt  }
0x6f: {  	_ =	shalt  }
0x70: {  	_ =	shalt  }
0x71: {  	_ =	shalt  }
0x72: {  	_ =	shalt  }
0x73: {  	_ =	shalt  }
0x74: {  	_ =	shalt  }
0x75: {  	_ =	shalt  }
0x76: {  	_ =	shalt  }
0x77: {  	_ =	shalt  }
0x78: {  	_ =	shalt  }
0x79: {  	_ =	shalt  }
0x7a: {  	_ =	shalt  }
0x7b: {  	_ =	shalt  }
0x7c: {  	_ =	shalt  }
0x7d: {  	_ =	shalt  }
0x7e: {  	_ =	shalt  }
0x7f: {  	_ =	shalt  }
0x80: {  	_ =	shalt  }
0x81: {  	_ =	shalt  }
0x82: {  	_ =	shalt  }
0x83: {  	_ =	shalt  }
0x84: {  	_ =	shalt  }
0x85: {  	_ =	shalt  }
0x86: {  	_ =	shalt  }
0x87: {  	_ =	shalt  }
.Lfunc_end0:
.L_simem_size_0:
called_computation.1_lowered:
.L_overlay_start_0:
0x88: {  	s2 =	sld [smem:$0x3FD9]  }
0x89: {  	s3 =	sld [smem:$0x3FFE];
	_ =	sdelay $0x1  }
0x8a: {  	s1 =	srdreg.scid  }
0x8b: {  	s0 =	sand.u32 $0x1, s1  }
0x8c: {  	s16 =	sshll.u32 s0, $0xA;
	s2 =	sadd.s32 s3, s2  }
0x8d: {  	s2 =	sadd.s32 s2, s16  }
0x8e: {  	[smem:$0x3FBB] =	sst s2  }
0x8f: {  	_ = 	snop  }
0x90: {  	(tm) =	ssettm $0x1  }
0x91: {  	s17 =	sld [smem:$0x3FFB];
	_ =	sdelay $0x3  }
0x92: {  	_ =	strace s17  }
0x93: {  	s2 =	sld [smem:$0x3FFC];
	_ =	sdelay $0x3  }
0x94: {  	_ =	strace s2  }
0x95: {  	s2 =	sld [smem:$0x3FFD];
	_ =	sdelay $0x3  }
0x96: {  	_ =	strace s2  }
0x97: {  	_ =	strace $0x8FFFFFFF  }
0x98: {  	s18 =	sld [smem:$0x3FDB];
	_ =	sdelay $0x1  }
0x99: {  	s19 =	simm.s32 $_scs_section_size  }
0x9a: {  	s4 =	simm.s32 $_size__tile_overlayer_lowered;
	s5 =	simm.s32 $_tile_overlayer_lowered  }
0x9b: {  	s22 =	simm.s32 $0x1BFF;
	s21 =	sshll.u32 s5, $0x1;
	s2 =	sadd.s32 s19, s18  }
0x9c: {  	s6 =	simm.s32 $0x0;
	s20 =	sshll.u32 s4, $0x1;
	s4 =	sadd.s32 s21, s2  }
0x9d: {  	[timem:s6], [sflag:s22] =	dma.local [hbm:s4], s20  }
0x9e: {  	_ =	swait.ge [sflag:s22], s20  }
0x9f: {  	s3 =	ssub.s32 $0x0, s20;
	[sflag:s22] =	ssyncset.done $0x0  }
0xa0: {  	[sflag:s22] =	ssyncadd.s32 s3;
	_ =	sdelay $0x1  }
0xa1: {  	s23 =	simm.s32 $0x1B8B  }
0xa2: {  	_ =	swait.ge [sflag:s23], $0x1  }
0xa3: {  	[sflag:s23] =	ssyncset.done $0x0  }
0xa4: {  	s25 =	simm.s32 $0x1B8E;
	s24 =	sld [smem:$0x3FFE];
	[sflag:s23] =	ssyncadd.s32 $0xFFFFFFFF  }
0xa5: {  	s26 =	simm.s32 $execute0_lowered;
	[smem:$0x3FD2] =	sst s25  }
0xa6: {  	s4 =	sshll.u32 s26, $0x1;
	_ =	strace $0x80000049;
	[dreg:$0x1] =	wrdreg $0xFFFFFFFF  }
0xa7: {  	s28 =	simm.s32 $_size_execute0_lowered;
	s2 =	sadd.s32 s2, s4;
	[dreg:$0x0] =	wrdreg $0x0  }
0xa8: {  	s4 =	sshll.u32 s28, $0x1;
	[dreg:$0x2] =	wrdreg s2  }
0xa9: {  	[dreg:$0x3] =	wrdreg s4  }
0xaa: {  	[dreg:$0x4] =	wrdreg $0xC0  }
0xab: {  	_ =	task [dreg:s6], $0x5FFFF  }
0xac: {  	[dreg:$0x1] =	wrdreg $0xFFFFFFFF  }
0xad: {  	[dreg:$0x0] =	wrdreg $0x60  }
0xae: {  	[dreg:$0x2] =	wrdreg s24  }
0xaf: {  	[dreg:$0x3] =	wrdreg $0xD0000  }
0xb0: {  	[dreg:$0x4] =	wrdreg $0x9  }
0xb1: {  	_ =	task.clear_ibuf [dreg:s6], $0x5FFFF;
	_ =	strace $0x90000049  }
0xb2: {  	s29 =	simm.s32 $0x9;
	_ =	strace $0x8000004B  }
0xb3: {  	_ =	swait.ge [sflag:s29], $0x1  }
0xb4: {  	[sflag:s29] =	ssyncadd.s32 $0xFFFFFFFF  }
0xb5: {  	_ =	strace $0x9000004B  }
0xb6: {  	_ =	sfence  }
0xb7: {  	s30 =	sld [smem:$0x0];
	_ =	sdelay $0x2  }
0xb8: {  	s31 =	sshll.u32 s1, $0xD;
	s1 =	sshrl.u32 s1, $0x2  }
0xb9: {  	s3 =	sand.u32 $0x4000, s31;
	s1 =	sadd.s32 s1, s30  }
0xba: {  	s0 =	sor.u32 s3, s0;
	s1 =	sshll.u32 s1, $0x11  }
0xbb: {  	s0 =	sor.u32 s1, s0  }
0xbc: {  	s0 =	sadd.s32 $0x8F2B, s0  }
0xbd: {  	[sflag:s0] =	ssyncadd.remote.s32 $0x1  }
0xbe: {  	_ =	sfence.sel $0xFFFF  }
0xbf: {  	[dreg:$0x0] =	wrdreg $0xFFFFFFFF;
	(pc) =	sbr.abs _section_cstart, $3  }
0xc0: {  	[dreg:$0x1] =	wrdreg $0xFFFFFFFF  }
0xc1: {  	_ =	task.clear_ibuf [dreg:s6], $0x2FFFF;
	_ =	strace $0x9FFFFFFF  }
0xc2: {  	(tm) =	ssettm $0x7FFFFFFF  }
0xc3: {  	_ =	shalt  }
tec
execute0_lowered:
.L_overlay_start_1:
0x0: {  	(tag) =	ssettag $0x1  }
0x1: {  	s0 =	srdreg.scid;
	s5 =	rddreg [dreg:$0x0]  }
0x2: {  	s10 =	stileid.u32;
	s2 =	rddreg [dreg:$0x1];
	s3 =	simm.s32 $0x0  }
0x3: {  	s12 =	simm.s32 $0x9;
	s13 =	simm.s32 $0x2800;
	s14 =	simm.s32 $0x80  }
0x4: {  	s15 =	simm.s32 $0x5000;
	s16 =	simm.s32 $0x7000;
	s17 =	simm.s32 $0x1  }
0x5: {  	s19 =	simm.s32 $0x9000;
	s20 =	simm.s32 $0x2;
	s23 =	simm.s32 $0xB000  }
0x6: {  	s24 =	simm.s32 $0x3;
	s29 =	simm.s32 $0x4;
	s31 =	simm.s32 $0x6  }
0x7: {  	s18 =	simm.s32 $0x8;
	s28 =	simm.s32 $0x2780;
	s21 =	simm.s32 $0x0  }
0x8: {  	s0 =	sand.u32 $0x1, s0;
	s6 =	smul.u32 $0xA000, s10;
	[smem:$0x7FF] =	sst s3  }
0x9: {  	s4 =	sadd.s32 $0x2200, s5;
	s30 =	sshll.u32 s10, $0x6;
	s1 =	sshll.u32 s0, $0x4  }
0xa: {  	s7 =	smul.u32 $0xA0000, s0;
	_ =	strace $0x8000004A;
	s0 =	ssub.s32 $0x2, s0  }
0xb: {  	s1 =	sor.u32 s10, s1;
	s8 =	sshrl.u32 s6, $0x3;
	s26 =	sshrl.u32 s0, $0x1  }
0xc: {  	s11 =	sadd.s32 s6, s2;
	s1 =	smul.u32 $0x500, s1;
	s7 =	sadd.s32 s6, s7  }
0xd: {  	s8 =	sadd.s32 s8, s5;
	s0 =	ssub.s32 s0, s26;
	s6 =	sor.u32 $0x1C09, s30  }
0xe: {  	s11 =	sshrl.u32 s11, $0x3;
	s26 =	simm.s32 $0x5;
	s7 =	sshrl.u32 s7, $0x3  }
0xf: {  	s10 =	smax.u32 s0, $0x1;
	s0 =	simm.s32 $0x7;
	s1 =	sadd.s32 s1, s5  }
0x10: {  	s9 =	sadd.s32 s7, s5;
	s5 =	sadd.s32 $0x2A800, s8;
	s7 =	sadd.s32 $0x20200, s1  }
0x11: {  	s8 =	sadd.s32 $0x16200, s1;
	s9 =	sadd.s32 $0x3E800, s9;
	s1 =	simm.s32 $0x4F80  }
.LBB2_1:
0x12: {  	[spmem:s11], [sflag:s6] =	dma.local [hbm:s5], $0x1400  }
0x13: {  	_ =	swait.ge [sflag:s12], $0x1400  }
0x14: {  	[sflag:s12] =	ssyncset.done $0x0  }
0x15: {  	[sflag:s12] =	ssyncadd.s32 $0xFFFFEC00  }
0x16: {  	[tilespmem:s3], [sflag:$0x9] =	stream.linear.gather [hbm4b:s7+s3], $0x2800, $0x38;
	[tilespmem:$0x17000] =	vst v63  }
0x17: {  	_ =	swait.ge [sflag:s12], $0x2800  }
0x18: {  	[sflag:s12] =	ssyncset.done $0x0  }
0x19: {  	[sflag:s12] =	ssyncadd.s32 $0xFFFFD800  }
0x1a: {  	[tilespmem:s13], [sflag:$0x9] =	stream.linear.gather [hbm4b:s8+s3], $0x2800, $0x38;
	[tilespmem:$0x17000] =	vst v63  }
0x1b: {  	_ =	swait.ge [sflag:s12], $0x2800  }
0x1c: {  	[sflag:s12] =	ssyncset.done $0x0  }
0x1d: {  	[sflag:s12] =	ssyncadd.s32 $0xFFFFD800  }
0x1e: {  	[bflag:$0x0] =	sbarrier.arrive $0xFFFF  }
0x1f: {  	[tilespmem:s15], [sflag:$0x1] =	stream.indirect.gather [hbm4b:s4+s14], $0x40, s3, s14, $0xb8;
	[tilespmem:$0x17000] =	vst v63  }
0x20: {  	_ = 	snop  }
0x21: {  	[tilespmem:s16], [sflag:$0x2] =	stream.indirect.gather [hbm4b:s4+s14], $0x40, s14, s14, $0xb8;
	[tilespmem:$0x17000] =	vst v63  }
0x22: {  	_ =	swait.ge [sflag:s17], $0x2000  }
0x23: {  	[sflag:s17] =	ssyncset.done $0x0  }
0x24: {  	[sflag:s17] =	ssyncadd.s32 $0xFFFFE000  }
0x25: {  	[spmem:s2] =	stream.indirect.scatter.add.f32 [tilespmem:s15], [sflag:$0x5], $0x40, s13, s14, $0xb8;
	[tilespmem:$0x17000] =	vst v63  }
0x26: {  	s22 =	simm.s32 $0x100  }
0x27: {  	[tilespmem:s19], [sflag:$0x3] =	stream.indirect.gather [hbm4b:s4+s14], $0x40, s22, s14, $0xb8;
	[tilespmem:$0x17000] =	vst v63  }
0x28: {  	_ =	swait.ge [sflag:s20], $0x2000  }
0x29: {  	[sflag:s20] =	ssyncset.done $0x0  }
0x2a: {  	s30 =	simm.s32 $0x2880;
	[sflag:s20] =	ssyncadd.s32 $0xFFFFE000  }
0x2b: {  	[spmem:s2] =	stream.indirect.scatter.add.f32 [tilespmem:s16], [sflag:$0x6], $0x40, s30, s14, $0xb8;
	[tilespmem:$0x17000] =	vst v63  }
0x2c: {  	s25 =	simm.s32 $0x180  }
0x2d: {  	[tilespmem:s23], [sflag:$0x4] =	stream.indirect.gather [hbm4b:s4+s14], $0x40, s25, s14, $0xb8;
	[tilespmem:$0x17000] =	vst v63  }
0x2e: {  	_ =	swait.ge [sflag:s24], $0x2000  }
0x2f: {  	[sflag:s24] =	ssyncset.done $0x0  }
0x30: {  	s30 =	simm.s32 $0x2900;
	[sflag:s24] =	ssyncadd.s32 $0xFFFFE000  }
0x31: {  	[spmem:s2] =	stream.indirect.scatter.add.f32 [tilespmem:s19], [sflag:$0x7], $0x40, s30, s14, $0xb8;
	[tilespmem:$0x17000] =	vst v63  }
0x32: {  	_ =	swait.ge [sflag:s26], $0x2000  }
0x33: {  	[sflag:s26] =	ssyncset.done $0x0  }
0x34: {  	s25 =	simm.s32 $0x200;
	[sflag:s26] =	ssyncadd.s32 $0xFFFFE000  }
0x35: {  	[tilespmem:s15], [sflag:$0x1] =	stream.indirect.gather [hbm4b:s4+s14], $0x40, s25, s14, $0xb8;
	[tilespmem:$0x17000] =	vst v63  }
0x36: {  	_ =	swait.ge [sflag:s29], $0x2000  }
0x37: {  	[sflag:s29] =	ssyncset.done $0x0  }
0x38: {  	s30 =	simm.s32 $0x2980;
	[sflag:s29] =	ssyncadd.s32 $0xFFFFE000  }
0x39: {  	[spmem:s2] =	stream.indirect.scatter.add.f32 [tilespmem:s23], [sflag:$0x8], $0x40, s30, s14, $0xb8;
	[tilespmem:$0x17000] =	vst v63  }
0x3a: {  	_ =	swait.ge [sflag:s31], $0x2000  }
0x3b: {  	[sflag:s31] =	ssyncset.done $0x0  }
0x3c: {  	s25 =	simm.s32 $0x280;
	[sflag:s31] =	ssyncadd.s32 $0xFFFFE000  }
0x3d: {  	[tilespmem:s16], [sflag:$0x2] =	stream.indirect.gather [hbm4b:s4+s14], $0x40, s25, s14, $0xb8;
	[tilespmem:$0x17000] =	vst v63  }
0x3e: {  	_ =	swait.ge [sflag:s17], $0x2000  }
0x3f: {  	[sflag:s17] =	ssyncset.done $0x0  }
0x40: {  	s30 =	simm.s32 $0x2A00;
	[sflag:s17] =	ssyncadd.s32 $0xFFFFE000  }
0x41: {  	[spmem:s2] =	stream.indirect.scatter.add.f32 [tilespmem:s15], [sflag:$0x5], $0x40, s30, s14, $0xb8;
	[tilespmem:$0x17000] =	vst v63  }
0x42: {  	_ =	swait.ge [sflag:s0], $0x2000  }
0x43: {  	[sflag:s0] =	ssyncset.done $0x0  }
0x44: {  	s25 =	simm.s32 $0x300;
	[sflag:s0] =	ssyncadd.s32 $0xFFFFE000  }
0x45: {  	[tilespmem:s19], [sflag:$0x3] =	stream.indirect.gather [hbm4b:s4+s14], $0x40, s25, s14, $0xb8;
	[tilespmem:$0x17000] =	vst v63  }
0x46: {  	_ =	swait.ge [sflag:s20], $0x2000  }
0x47: {  	[sflag:s20] =	ssyncset.done $0x0  }
0x48: {  	s30 =	simm.s32 $0x2A80;
	[sflag:s20] =	ssyncadd.s32 $0xFFFFE000  }
0x49: {  	[spmem:s2] =	stream.indirect.scatter.add.f32 [tilespmem:s16], [sflag:$0x6], $0x40, s30, s14, $0xb8;
	[tilespmem:$0x17000] =	vst v63  }
0x4a: {  	_ =	swait.ge [sflag:s18], $0x2000  }
0x4b: {  	[sflag:s18] =	ssyncset.done $0x0  }
0x4c: {  	s25 =	simm.s32 $0x380;
	[sflag:s18] =	ssyncadd.s32 $0xFFFFE000  }
0x4d: {  	[tilespmem:s23], [sflag:$0x4] =	stream.indirect.gather [hbm4b:s4+s14], $0x40, s25, s14, $0xb8;
	[tilespmem:$0x17000] =	vst v63  }
0x4e: {  	_ =	swait.ge [sflag:s24], $0x2000  }
0x4f: {  	[sflag:s24] =	ssyncset.done $0x0  }
0x50: {  	s30 =	simm.s32 $0x2B00;
	[sflag:s24] =	ssyncadd.s32 $0xFFFFE000  }
0x51: {  	[spmem:s2] =	stream.indirect.scatter.add.f32 [tilespmem:s19], [sflag:$0x7], $0x40, s30, s14, $0xb8;
	[tilespmem:$0x17000] =	vst v63  }
0x52: {  	_ =	swait.ge [sflag:s26], $0x2000  }
0x53: {  	[sflag:s26] =	ssyncset.done $0x0  }
0x54: {  	s25 =	simm.s32 $0x400;
	[sflag:s26] =	ssyncadd.s32 $0xFFFFE000  }
0x55: {  	[tilespmem:s15], [sflag:$0x1] =	stream.indirect.gather [hbm4b:s4+s14], $0x40, s25, s14, $0xb8;
	[tilespmem:$0x17000] =	vst v63  }
0x56: {  	_ =	swait.ge [sflag:s29], $0x2000  }
0x57: {  	[sflag:s29] =	ssyncset.done $0x0  }
0x58: {  	s30 =	simm.s32 $0x2B80;
	[sflag:s29] =	ssyncadd.s32 $0xFFFFE000  }
0x59: {  	[spmem:s2] =	stream.indirect.scatter.add.f32 [tilespmem:s23], [sflag:$0x8], $0x40, s30, s14, $0xb8;
	[tilespmem:$0x17000] =	vst v63  }
0x5a: {  	_ =	swait.ge [sflag:s31], $0x2000  }
0x5b: {  	[sflag:s31] =	ssyncset.done $0x0  }
0x5c: {  	s22 =	simm.s32 $0x800;
	s25 =	simm.s32 $0x480;
	[sflag:s31] =	ssyncadd.s32 $0xFFFFE000  }
.LBB2_2:
0x5d: {  	[tilespmem:s16], [sflag:$0x2] =	stream.indirect.gather [hbm4b:s4+s14], $0x40, s25, s14, $0xb8;
	[tilespmem:$0x17000] =	vst v63  }
0x5e: {  	s25 =	smov.u32 s22  }
0x5f: {  	p0 =	sne.s32 s22, $0x8800;
	s22 =	sadd.s32 $0x800, s22;
	_ =	swait.ge [sflag:s17], $0x2000  }
0x60: {  	s25 =	sshra.s32 s25, $0x2;
	[sflag:s17] =	ssyncset.done $0x0  }
0x61: {  	s30 =	sadd.s32 $0x2A00, s25;
	[sflag:s17] =	ssyncadd.s32 $0xFFFFE000  }
0x62: {  	[spmem:s2] =	stream.indirect.scatter.add.f32 [tilespmem:s15], [sflag:$0x5], $0x40, s30, s14, $0xb8;
	[tilespmem:$0x17000] =	vst v63  }
0x63: {  	_ =	swait.ge [sflag:s0], $0x2000  }
0x64: {  	[sflag:s0] =	ssyncset.done $0x0  }
0x65: {  	s30 =	sadd.s32 $0x300, s25;
	[sflag:s0] =	ssyncadd.s32 $0xFFFFE000  }
0x66: {  	[tilespmem:s19], [sflag:$0x3] =	stream.indirect.gather [hbm4b:s4+s14], $0x40, s30, s14, $0xb8;
	[tilespmem:$0x17000] =	vst v63  }
0x67: {  	_ =	swait.ge [sflag:s20], $0x2000  }
0x68: {  	[sflag:s20] =	ssyncset.done $0x0  }
0x69: {  	s30 =	sadd.s32 $0x2A80, s25;
	[sflag:s20] =	ssyncadd.s32 $0xFFFFE000  }
0x6a: {  	[spmem:s2] =	stream.indirect.scatter.add.f32 [tilespmem:s16], [sflag:$0x6], $0x40, s30, s14, $0xb8;
	[tilespmem:$0x17000] =	vst v63  }
0x6b: {  	_ =	swait.ge [sflag:s18], $0x2000  }
0x6c: {  	[sflag:s18] =	ssyncset.done $0x0  }
0x6d: {  	s30 =	sadd.s32 $0x380, s25;
	[sflag:s18] =	ssyncadd.s32 $0xFFFFE000  }
0x6e: {  	[tilespmem:s23], [sflag:$0x4] =	stream.indirect.gather [hbm4b:s4+s14], $0x40, s30, s14, $0xb8;
	[tilespmem:$0x17000] =	vst v63  }
0x6f: {  	_ =	swait.ge [sflag:s24], $0x2000  }
0x70: {  	[sflag:s24] =	ssyncset.done $0x0  }
0x71: {  	s30 =	sadd.s32 $0x2B00, s25;
	[sflag:s24] =	ssyncadd.s32 $0xFFFFE000  }
0x72: {  	[spmem:s2] =	stream.indirect.scatter.add.f32 [tilespmem:s19], [sflag:$0x7], $0x40, s30, s14, $0xb8;
	[tilespmem:$0x17000] =	vst v63  }
0x73: {  	_ =	swait.ge [sflag:s26], $0x2000  }
0x74: {  	[sflag:s26] =	ssyncset.done $0x0  }
0x75: {  	s30 =	sadd.s32 $0x400, s25;
	[sflag:s26] =	ssyncadd.s32 $0xFFFFE000  }
0x76: {  	[tilespmem:s15], [sflag:$0x1] =	stream.indirect.gather [hbm4b:s4+s14], $0x40, s30, s14, $0xb8;
	[tilespmem:$0x17000] =	vst v63  }
0x77: {  	_ =	swait.ge [sflag:s29], $0x2000  }
0x78: {  	[sflag:s29] =	ssyncset.done $0x0  }
.Ltmp0:
0x79: {  	s30 =	sadd.s32 $0x2B80, s25;
	[sflag:s29] =	ssyncadd.s32 $0xFFFFE000;
	(pc) =	sbr.rel @p0 .LBB2_2-.Ltmp0, $4  }
0x7a: {  	[spmem:s2] =	stream.indirect.scatter.add.f32 [tilespmem:s23], [sflag:$0x8], $0x40, s30, s14, $0xb8;
	[tilespmem:$0x17000] =	vst v63  }
0x7b: {  	_ =	swait.ge [sflag:s31], $0x2000  }
0x7c: {  	[sflag:s31] =	ssyncset.done $0x0  }
0x7d: {  	s25 =	sadd.s32 $0x480, s25;
	[sflag:s31] =	ssyncadd.s32 $0xFFFFE000  }
0x7e: {  	[tilespmem:s16], [sflag:$0x2] =	stream.indirect.gather [hbm4b:s4+s14], $0x40, s25, s14, $0xb8;
	[tilespmem:$0x17000] =	vst v63  }
0x7f: {  	_ =	swait.ge [sflag:s17], $0x2000  }
0x80: {  	[sflag:s17] =	ssyncset.done $0x0  }
0x81: {  	s22 =	simm.s32 $0x4E00;
	[sflag:s17] =	ssyncadd.s32 $0xFFFFE000  }
0x82: {  	[spmem:s2] =	stream.indirect.scatter.add.f32 [tilespmem:s15], [sflag:$0x5], $0x40, s22, s14, $0xb8;
	[tilespmem:$0x17000] =	vst v63  }
0x83: {  	_ =	swait.ge [sflag:s0], $0x2000  }
0x84: {  	[sflag:s0] =	ssyncset.done $0x0  }
0x85: {  	s30 =	simm.s32 $0x2700;
	[sflag:s0] =	ssyncadd.s32 $0xFFFFE000  }
0x86: {  	[tilespmem:s19], [sflag:$0x3] =	stream.indirect.gather [hbm4b:s4+s14], $0x40, s30, s14, $0xb8;
	[tilespmem:$0x17000] =	vst v63  }
0x87: {  	_ =	swait.ge [sflag:s20], $0x2000  }
0x88: {  	[sflag:s20] =	ssyncset.done $0x0  }
0x89: {  	s25 =	simm.s32 $0x4E80;
	[sflag:s20] =	ssyncadd.s32 $0xFFFFE000  }
0x8a: {  	[spmem:s2] =	stream.indirect.scatter.add.f32 [tilespmem:s16], [sflag:$0x6], $0x40, s25, s14, $0xb8;
	[tilespmem:$0x17000] =	vst v63  }
0x8b: {  	_ =	swait.ge [sflag:s18], $0x2000  }
0x8c: {  	[sflag:s18] =	ssyncset.done $0x0  }
0x8d: {  	[sflag:s18] =	ssyncadd.s32 $0xFFFFE000  }
0x8e: {  	[tilespmem:s23], [sflag:$0x4] =	stream.indirect.gather [hbm4b:s4+s14], $0x40, s28, s14, $0xb8;
	[tilespmem:$0x17000] =	vst v63  }
0x8f: {  	_ =	swait.ge [sflag:s24], $0x2000  }
0x90: {  	[sflag:s24] =	ssyncset.done $0x0  }
0x91: {  	s30 =	simm.s32 $0x4F00;
	[sflag:s24] =	ssyncadd.s32 $0xFFFFE000  }
0x92: {  	[spmem:s2] =	stream.indirect.scatter.add.f32 [tilespmem:s19], [sflag:$0x7], $0x40, s30, s14, $0xb8;
	[tilespmem:$0x17000] =	vst v63  }
0x93: {  	_ =	swait.ge [sflag:s26], $0x2000  }
0x94: {  	[sflag:s26] =	ssyncset.done $0x0  }
0x95: {  	[sflag:s26] =	ssyncadd.s32 $0xFFFFE000  }
0x96: {  	[tilespmem:s15], [sflag:$0x1] =	stream.indirect.gather [hbm4b:s4+s14], $0x40, s28, s14, $0xb8;
	[tilespmem:$0x17000] =	vst v63  }
0x97: {  	_ =	swait.ge [sflag:s29], $0x2000  }
0x98: {  	[sflag:s29] =	ssyncset.done $0x0  }
0x99: {  	[sflag:s29] =	ssyncadd.s32 $0xFFFFE000  }
0x9a: {  	[spmem:s2] =	stream.indirect.scatter.add.f32 [tilespmem:s23], [sflag:$0x8], $0x40, s1, s14, $0xb8;
	[tilespmem:$0x17000] =	vst v63  }
0x9b: {  	_ =	swait.ge [sflag:s31], $0x2000  }
0x9c: {  	[sflag:s31] =	ssyncset.done $0x0  }
0x9d: {  	[sflag:s31] =	ssyncadd.s32 $0xFFFFE000  }
0x9e: {  	[tilespmem:s16], [sflag:$0x2] =	stream.indirect.gather [hbm4b:s4+s14], $0x40, s28, s14, $0xb8;
	[tilespmem:$0x17000] =	vst v63  }
0x9f: {  	_ =	swait.ge [sflag:s17], $0x2000  }
0xa0: {  	[sflag:s17] =	ssyncset.done $0x0  }
0xa1: {  	[sflag:s17] =	ssyncadd.s32 $0xFFFFE000  }
0xa2: {  	_ =	swait.ge [sflag:s20], $0x2000  }
0xa3: {  	[sflag:s20] =	ssyncset.done $0x0  }
0xa4: {  	[sflag:s20] =	ssyncadd.s32 $0xFFFFE000  }
0xa5: {  	_ =	swait.ge [sflag:s0], $0x2000  }
0xa6: {  	[sflag:s0] =	ssyncset.done $0x0  }
0xa7: {  	[sflag:s0] =	ssyncadd.s32 $0xFFFFE000  }
0xa8: {  	_ =	swait.ge [sflag:s18], $0x2000  }
0xa9: {  	s21 =	sadd.s32 $0x1, s21;
	[sflag:s18] =	ssyncset.done $0x0  }
0xaa: {  	p0 =	sne.s32 s21, s10;
	[sflag:s18] =	ssyncadd.s32 $0xFFFFE000  }
.Ltmp1:
0xab: {  	[bflag:$0x0] =	sbarrier.arrive $0xFFFF;
	(pc) =	sbr.rel @p0 .LBB2_1-.Ltmp1, $4  }
0xac: {  	[hbm:s9], [sflag:s6] =	dma.local [spmem:s11], $0x1400  }
0xad: {  	_ =	swait.ge [sflag:s12], $0x1400  }
0xae: {  	[sflag:s12] =	ssyncset.done $0x0  }
0xaf: {  	[sflag:s12] =	ssyncadd.s32 $0xFFFFEC00  }
0xb0: {  	_ =	sfence.sel $0x180000  }
0xb1: {  	[bflag:$0x0] =	sbarrier.arrive $0xFFFF  }
0xb2: {  	_ =	strace $0x9000004A  }
0xb3: {  	s0 =	stileid.u32;
	[bflag:$0x2] =	sbarrier.arrive $0xFFFF  }
0xb4: {  	p0 =	sne.s32 s0, $0x0;
	s0 =	rddreg [dreg:$0x2]  }
0xb5: {  	s0 =	sadd.s32 @!p0 $0x100000, s0  }
0xb6: {  	[sflag:s0] =	ssyncadd.tile.s32 @!p0 $0x1;
	_ =	shalt  }
.Lfunc_end2:
_tile_overlayer_lowered:
.L_overlay_start_2:
0xb7: {  	(tag) =	ssettag $0x2  }
0xb8: {  	s0 =	rddreg [dreg:$0x0];
	s2 =	stileid.u32  }
0xb9: {  	s1 =	rddreg [dreg:$0x1];
	p0 =	sne.s32 s2, $0x0  }
0xba: {  	s3 =	rddreg [dreg:$0x2];
	[bflag:$0x3] =	sbarrier.arrive $0xFFFF;
	s2 =	simm.s32 @!p0 $0x1C09  }
0xbb: {  	[timem:s3], [sflag:s2] =	dma.local @!p0 [hbm:s0], s1  }
0xbc: {  	s0 =	simm.s32 @!p0 $0x9  }
0xbd: {  	_ =	swait.ge @!p0 [sflag:s0], s1  }
0xbe: {  	s1 =	ssub.s32 @!p0 $0x0, s1;
	[sflag:s0] =	ssyncset.done @!p0 $0x0  }
0xbf: {  	[sflag:s0] =	ssyncadd.s32 @!p0 s1  }
0xc0: {  	[bflag:$0x3] =	sbarrier.arrive $0xFFFF  }
0xc1: {  	_ =	shalt  }

// kernel: kernel.15.cloned.1.call-start
scs
__scs_entry_jumppad:
0x0: {  	(pc) =	sbr.rel $0x88, $3  }
0x1: {  	(tag) =	ssettag $0x0;
	lr =	simm.s32 $0x1  }
0x2: {  	[smem:$0x3F94] =	sst lr;
	_ =	strace $0xD0000000  }
0x3: {  	_ = 	snop  }
0x4: {  	_ = 	snop  }
0x5: {  	_ = 	snop  }
0x6: {  	_ = 	snop  }
0x7: {  	_ = 	snop  }
__scs_overlays_trampoline_lowered:
0x8: {  	[smem:$0x3FA3] =	sst s0  }
0x9: {  	[smem:$0x3FA4] =	sst s1  }
0xa: {  	[smem:$0x3FA5] =	sst s2  }
0xb: {  	[smem:$0x3FA6] =	sst s3  }
0xc: {  	[smem:$0x3FA7] =	sst s4  }
0xd: {  	[smem:$0x3FA8] =	sst s5  }
0xe: {  	[smem:$0x3FA9] =	sst s6  }
0xf: {  	[smem:$0x3FAA] =	sst s7  }
0x10: {  	[smem:$0x3FAB] =	sst s8  }
0x11: {  	[smem:$0x3FAC] =	sst s9;
	s0 =	simm.s32 @!p0 $0x0  }
0x12: {  	s1 =	sld [smem:$0x3F92];
	s0 =	simm.s32 @p0 $0x1  }
0x13: {  	[smem:$0x3FAD] =	sst s0;
	s0 =	simm.s32 @!p1 $0x0  }
0x14: {  	s2 =	sld [smem:$0x3F91];
	s0 =	simm.s32 @p1 $0x1  }
0x15: {  	[smem:$0x3FAE] =	sst s0;
	s0 =	simm.s32 @!p2 $0x0  }
0x16: {  	s3 =	sld [smem:$0x3FDB];
	s0 =	simm.s32 @p2 $0x1  }
0x17: {  	s4 =	simm.s32 $0x1BF5;
	[smem:$0x3FB0] =	sst s0  }
0x18: {  	s0 =	sld [smem:$0x3F93];
	_ =	swait.ge [sflag:s4], $0x0  }
0x19: {  	s7 =	sld [smem:$0x3F94]  }
0x1a: {  	s8 =	sadd.s32 $0xFFFFE003, lr  }
0x1b: {  	s9 =	sadd.s32 $0xFFFFFEF7, lr;
	s5 =	simm.s32 $0xFFFFFFFF;
	p2 =	slt.u32 s8, $0xFFFFF086  }
0x1c: {  	p1 =	slt.u32 s9, $0xF7A;
	s5 =	simm.s32 @!p2 $0x0  }
0x1d: {  	s5 =	simm.s32 @p1 $0x1;
	p0 =	seq.s32 s7, s2  }
0x1e: {  	s7 =	smul.u32 @!p0 $0xF7A, s2;
	p2 =	seq.s32 @!p0 s5, $0x0  }
0x1f: {  	s9 =	smul.u32 $0xF7A, s1;
	s8 =	simm.s32 @!p0 $0x1BF5;
	p2 =	por !p2, p0  }
0x20: {  	[sflag:s8] =	ssyncset.s32 @!p0 $0xFFFFF086;
	s6 =	sadd.s32 @!p0 s3, s7;
	s7 =	simm.s32 @!p0 $0x108  }
0x21: {  	s3 =	sadd.s32 s3, s9;
	s6 =	sadd.s32 @!p0 $0x88, s6;
	s7 =	simm.s32 @p2 $0x1082  }
0x22: {  	[simem:s7], [sflag:s8] =	dma.local @!p0 [hbm:s6], $0xF7A  }
0x23: {  	s9 =	sor.u32 $0xD0000000, s2;
	s6 =	simm.s32 $0x108;
	_ =	swait.ge @!p0 [sflag:s8], $0x0  }
0x24: {  	s3 =	sadd.s32 $0x88, s3;
	s6 =	simm.s32 @!p1 $0x1082;
	[sflag:s4] =	ssyncset.s32 $0xFFFFF086  }
0x25: {  	[simem:s6], [sflag:s4] =	dma.local [hbm:s3], $0xF7A  }
0x26: {  	[smem:$0x3F94] =	sst s1;
	(tag) =	ssettag s2;
	_ =	strace s9  }
0x27: {  	s1 =	sld [smem:$0x3FA4]  }
0x28: {  	s2 =	sld [smem:$0x3FA5]  }
0x29: {  	s4 =	sld [smem:$0x3FA7]  }
0x2a: {  	p0 =	seq.s32 s5, $0x0;
	s5 =	sld [smem:$0x3FA8]  }
0x2b: {  	s6 =	sld [smem:$0x3FA9]  }
0x2c: {  	s7 =	sld [smem:$0x3FAA]  }
0x2d: {  	s3 =	simm.s32 $0x108;
	s8 =	sld [smem:$0x3FAB]  }
0x2e: {  	s3 =	simm.s32 @!p0 $0x1082;
	s9 =	sld [smem:$0x3FAC]  }
0x2f: {  	lr =	sadd.s32 s0, s3;
	s0 =	sld [smem:$0x3FA3]  }
0x30: {  	s3 =	sld [smem:$0x3FA6]  }
0x31: {  	[smem:$0x3FAF] =	sst s10  }
0x32: {  	s10 =	sld [smem:$0x3FAD];
	_ =	sdelay $0x3  }
0x33: {  	p0 =	seq.s32 s10, $0x1;
	s10 =	sld [smem:$0x3FAF];
	_ =	sdelay $0x3  }
0x34: {  	[smem:$0x3FAF] =	sst s10  }
0x35: {  	s10 =	sld [smem:$0x3FAE];
	_ =	sdelay $0x3  }
0x36: {  	p1 =	seq.s32 s10, $0x1;
	s10 =	sld [smem:$0x3FAF];
	_ =	sdelay $0x3  }
0x37: {  	[smem:$0x3FAF] =	sst s10  }
0x38: {  	s10 =	sld [smem:$0x3FB0]  }
0x39: {  	_ = 	snop;
	(pc) =	sbr.ind lr, $3  }
0x3a: {  	_ = 	snop  }
0x3b: {  	_ = 	snop  }
0x3c: {  	p2 =	seq.s32 s10, $0x1;
	s10 =	sld [smem:$0x3FAF]  }
0x3d: {  	_ =	shalt  }
0x3e: {  	_ =	shalt  }
0x3f: {  	_ =	shalt  }
0x40: {  	_ =	shalt  }
0x41: {  	_ =	shalt  }
0x42: {  	_ =	shalt  }
0x43: {  	_ =	shalt  }
0x44: {  	_ =	shalt  }
0x45: {  	_ =	shalt  }
0x46: {  	_ =	shalt  }
0x47: {  	_ =	shalt  }
0x48: {  	_ =	shalt  }
0x49: {  	_ =	shalt  }
0x4a: {  	_ =	shalt  }
0x4b: {  	_ =	shalt  }
0x4c: {  	_ =	shalt  }
0x4d: {  	_ =	shalt  }
0x4e: {  	_ =	shalt  }
0x4f: {  	_ =	shalt  }
0x50: {  	_ =	shalt  }
0x51: {  	_ =	shalt  }
0x52: {  	_ =	shalt  }
0x53: {  	_ =	shalt  }
0x54: {  	_ =	shalt  }
0x55: {  	_ =	shalt  }
0x56: {  	_ =	shalt  }
0x57: {  	_ =	shalt  }
0x58: {  	_ =	shalt  }
0x59: {  	_ =	shalt  }
0x5a: {  	_ =	shalt  }
0x5b: {  	_ =	shalt  }
0x5c: {  	_ =	shalt  }
0x5d: {  	_ =	shalt  }
0x5e: {  	_ =	shalt  }
0x5f: {  	_ =	shalt  }
0x60: {  	_ =	shalt  }
0x61: {  	_ =	shalt  }
0x62: {  	_ =	shalt  }
0x63: {  	_ =	shalt  }
0x64: {  	_ =	shalt  }
0x65: {  	_ =	shalt  }
0x66: {  	_ =	shalt  }
0x67: {  	_ =	shalt  }
0x68: {  	_ =	shalt  }
0x69: {  	_ =	shalt  }
0x6a: {  	_ =	shalt  }
0x6b: {  	_ =	shalt  }
0x6c: {  	_ =	shalt  }
0x6d: {  	_ =	shalt  }
0x6e: {  	_ =	shalt  }
0x6f: {  	_ =	shalt  }
0x70: {  	_ =	shalt  }
0x71: {  	_ =	shalt  }
0x72: {  	_ =	shalt  }
0x73: {  	_ =	shalt  }
0x74: {  	_ =	shalt  }
0x75: {  	_ =	shalt  }
0x76: {  	_ =	shalt  }
0x77: {  	_ =	shalt  }
0x78: {  	_ =	shalt  }
0x79: {  	_ =	shalt  }
0x7a: {  	_ =	shalt  }
0x7b: {  	_ =	shalt  }
0x7c: {  	_ =	shalt  }
0x7d: {  	_ =	shalt  }
0x7e: {  	_ =	shalt  }
0x7f: {  	_ =	shalt  }
0x80: {  	_ =	shalt  }
0x81: {  	_ =	shalt  }
0x82: {  	_ =	shalt  }
0x83: {  	_ =	shalt  }
0x84: {  	_ =	shalt  }
0x85: {  	_ =	shalt  }
0x86: {  	_ =	shalt  }
0x87: {  	_ =	shalt  }
.Lfunc_end0:
.L_simem_size_0:
called_computation.2_lowered:
.L_overlay_start_0:
0x88: {  	s2 =	sld [smem:$0x3FD9]  }
0x89: {  	s3 =	sld [smem:$0x3FFE];
	_ =	sdelay $0x1  }
0x8a: {  	s1 =	srdreg.scid  }
0x8b: {  	s0 =	sand.u32 $0x1, s1  }
0x8c: {  	s16 =	sshll.u32 s0, $0xA;
	s2 =	sadd.s32 s3, s2  }
0x8d: {  	s2 =	sadd.s32 s2, s16  }
0x8e: {  	[smem:$0x3FBB] =	sst s2  }
0x8f: {  	_ = 	snop  }
0x90: {  	(tm) =	ssettm $0x1  }
0x91: {  	s17 =	sld [smem:$0x3FFB];
	_ =	sdelay $0x3  }
0x92: {  	_ =	strace s17  }
0x93: {  	s2 =	sld [smem:$0x3FFC];
	_ =	sdelay $0x3  }
0x94: {  	_ =	strace s2  }
0x95: {  	s2 =	sld [smem:$0x3FFD];
	_ =	sdelay $0x3  }
0x96: {  	_ =	strace s2  }
0x97: {  	_ =	strace $0x8FFFFFFF  }
0x98: {  	s18 =	sld [smem:$0x3FDB];
	_ =	sdelay $0x1  }
0x99: {  	s19 =	simm.s32 $_scs_section_size  }
0x9a: {  	s4 =	simm.s32 $_size__tile_overlayer_lowered;
	s5 =	simm.s32 $_tile_overlayer_lowered  }
0x9b: {  	s22 =	simm.s32 $0x1BFF;
	s21 =	sshll.u32 s5, $0x1;
	s2 =	sadd.s32 s19, s18  }
0x9c: {  	s6 =	simm.s32 $0x0;
	s20 =	sshll.u32 s4, $0x1;
	s4 =	sadd.s32 s21, s2  }
0x9d: {  	[timem:s6], [sflag:s22] =	dma.local [hbm:s4], s20  }
0x9e: {  	_ =	swait.ge [sflag:s22], s20  }
0x9f: {  	s3 =	ssub.s32 $0x0, s20;
	[sflag:s22] =	ssyncset.done $0x0  }
0xa0: {  	[sflag:s22] =	ssyncadd.s32 s3;
	_ =	sdelay $0x1  }
0xa1: {  	s23 =	simm.s32 $0x1B8B  }
0xa2: {  	_ =	swait.ge [sflag:s23], $0x1  }
0xa3: {  	[sflag:s23] =	ssyncset.done $0x0  }
0xa4: {  	s25 =	simm.s32 $0x1B8E;
	s24 =	sld [smem:$0x3FFE];
	[sflag:s23] =	ssyncadd.s32 $0xFFFFFFFF  }
0xa5: {  	s26 =	simm.s32 $execute0_lowered;
	[smem:$0x3FD2] =	sst s25  }
0xa6: {  	s4 =	sshll.u32 s26, $0x1;
	_ =	strace $0x8000004C;
	[dreg:$0x1] =	wrdreg $0xFFFFFFFF  }
0xa7: {  	s28 =	simm.s32 $_size_execute0_lowered;
	s2 =	sadd.s32 s2, s4;
	[dreg:$0x0] =	wrdreg $0x0  }
0xa8: {  	s4 =	sshll.u32 s28, $0x1;
	[dreg:$0x2] =	wrdreg s2  }
0xa9: {  	[dreg:$0x3] =	wrdreg s4  }
0xaa: {  	[dreg:$0x4] =	wrdreg $0xC0  }
0xab: {  	_ =	task [dreg:s6], $0x5FFFF  }
0xac: {  	[dreg:$0x1] =	wrdreg $0xFFFFFFFF  }
0xad: {  	[dreg:$0x0] =	wrdreg $0x60  }
0xae: {  	[dreg:$0x2] =	wrdreg s24  }
0xaf: {  	[dreg:$0x3] =	wrdreg $0x9  }
0xb0: {  	_ =	task.clear_ibuf [dreg:s6], $0x4FFFF;
	_ =	strace $0x9000004C  }
0xb1: {  	s29 =	simm.s32 $0x9;
	_ =	strace $0x8000004E  }
0xb2: {  	_ =	swait.ge [sflag:s29], $0x1  }
0xb3: {  	[sflag:s29] =	ssyncadd.s32 $0xFFFFFFFF  }
0xb4: {  	_ =	strace $0x9000004E  }
0xb5: {  	_ =	sfence  }
0xb6: {  	s30 =	sld [smem:$0x0];
	_ =	sdelay $0x2  }
0xb7: {  	s31 =	sshll.u32 s1, $0xD;
	s1 =	sshrl.u32 s1, $0x2  }
0xb8: {  	s3 =	sand.u32 $0x4000, s31;
	s1 =	sadd.s32 s1, s30  }
0xb9: {  	s0 =	sor.u32 s3, s0;
	s1 =	sshll.u32 s1, $0x11  }
0xba: {  	s0 =	sor.u32 s1, s0  }
0xbb: {  	s0 =	sadd.s32 $0x8F2B, s0  }
0xbc: {  	[sflag:s0] =	ssyncadd.remote.s32 $0x1  }
0xbd: {  	_ =	sfence.sel $0xFFFF  }
0xbe: {  	[dreg:$0x0] =	wrdreg $0xFFFFFFFF;
	(pc) =	sbr.abs _section_cstart, $3  }
0xbf: {  	[dreg:$0x1] =	wrdreg $0xFFFFFFFF  }
0xc0: {  	_ =	task.clear_ibuf [dreg:s6], $0x2FFFF;
	_ =	strace $0x9FFFFFFF  }
0xc1: {  	(tm) =	ssettm $0x7FFFFFFF  }
tec
execute0_lowered:
.L_overlay_start_1:
0x0: {  	(tag) =	ssettag $0x1  }
0x1: {  	s0 =	rddreg [dreg:$0x0]  }
0x2: {  	s1 =	srdreg.scid;
	s2 =	simm.s32 $0x0;
	s4 =	stileid.u32  }
0x3: {  	s13 =	simm.s32 $0x7;
	s15 =	simm.s32 $0x80;
	s16 =	simm.s32 $0x1A00  }
0x4: {  	s17 =	simm.s32 $0x5A00;
	s18 =	simm.s32 $0x3A00;
	s20 =	simm.s32 $0x7A00  }
0x5: {  	s21 =	simm.s32 $0x1;
	s22 =	simm.s32 $0x3;
	s25 =	simm.s32 $0x9A00  }
0x6: {  	s26 =	simm.s32 $0x2;
	s28 =	simm.s32 $0x4;
	s1 =	sand.u32 $0x1, s1  }
0x7: {  	s31 =	simm.s32 $0xBA00;
	[smem:$0x7FF] =	sst s2;
	s3 =	sshll.u32 s1, $0x4  }
0x8: {  	s19 =	simm.s32 $0x0;
	_ =	strace $0x8000004D;
	s6 =	sor.u32 s4, s3  }
0x9: {  	s1 =	ssub.s32 $0x2, s1;
	s3 =	sadd.s32 $0x2200, s0;
	s5 =	smul.u32 $0x1A0, s6  }
0xa: {  	s4 =	sadd.s32 $0x16200, s0;
	s7 =	sshrl.u32 s1, $0x1;
	s9 =	smul.u32 $0x6800, s6  }
0xb: {  	s30 =	ssub.s32 s1, s7;
	s6 =	smul.u32 $0x1A, s6;
	s1 =	simm.s32 $0x6  }
0xc: {  	s12 =	smax.u32 s30, $0x1;
	s8 =	sadd.s32 s5, s0;
	s5 =	sadd.s32 $0x6D000, s0  }
0xd: {  	s11 =	sor.u32 $0x1, s6;
	s0 =	simm.s32 $0x5;
	s9 =	sadd.s32 s5, s9  }
0xe: {  	s7 =	sadd.s32 $0x69C00, s8;
	s8 =	sadd.s32 $0x66800, s8;
	s10 =	sadd.s32 $0x400, s9  }
.LBB2_1:
0xf: {  	[tilespmem:s2], [sflag:$0x7] =	stream.linear.gather [hbm4b:s7+s2], $0xD00, $0x38;
	[tilespmem:$0xDA00] =	vst v63  }
0x10: {  	_ =	swait.ge [sflag:s13], $0xD00  }
0x11: {  	[sflag:s13] =	ssyncset.done $0x0  }
0x12: {  	s14 =	simm.s32 $0xD00;
	[sflag:s13] =	ssyncadd.s32 $0xFFFFF300  }
0x13: {  	[tilespmem:s14], [sflag:$0x7] =	stream.linear.gather [hbm4b:s8+s2], $0xD00, $0x38;
	[tilespmem:$0xDA00] =	vst v63  }
0x14: {  	_ =	swait.ge [sflag:s13], $0xD00  }
0x15: {  	[sflag:s13] =	ssyncset.done $0x0  }
0x16: {  	[sflag:s13] =	ssyncadd.s32 $0xFFFFF300  }
0x17: {  	[tilespmem:s16], [sflag:$0x1] =	stream.indirect.gather [hbm4b:s3+s15], $0x40, s2, s15, $0xb8;
	[tilespmem:$0xDA00] =	vst v63  }
0x18: {  	_ = 	snop  }
0x19: {  	[tilespmem:s17], [sflag:$0x3] =	stream.indirect.gather [hbm4b:s4+s15], $0x40, s14, s15, $0xb8;
	[tilespmem:$0xDA00] =	vst v63  }
0x1a: {  	_ = 	snop  }
0x1b: {  	[tilespmem:s18], [sflag:$0x2] =	stream.indirect.gather [hbm4b:s3+s15], $0x40, s15, s15, $0xb8;
	[tilespmem:$0xDA00] =	vst v63  }
0x1c: {  	s30 =	simm.s32 $0xD80  }
0x1d: {  	[tilespmem:s20], [sflag:$0x4] =	stream.indirect.gather [hbm4b:s4+s15], $0x40, s30, s15, $0xb8;
	[tilespmem:$0xDA00] =	vst v63  }
0x1e: {  	_ =	swait.ge [sflag:s21], $0x2000  }
0x1f: {  	[sflag:s21] =	ssyncset.done $0x0  }
0x20: {  	[sflag:s21] =	ssyncadd.s32 $0xFFFFE000  }
0x21: {  	_ =	swait.ge [sflag:s22], $0x2000  }
0x22: {  	[sflag:s22] =	ssyncset.done $0x0  }
0x23: {  	s23 =	simm.s32 $0x0;
	[sflag:s22] =	ssyncadd.s32 $0xFFFFE000  }
0x24: {  	v0 =	vld [tilespmem:s23+$0x1A70]  }
0x25: {  	v1 =	vld [tilespmem:s23+$0x5A70]  }
0x26: {  	v2 =	vld [tilespmem:s23+$0x1A00]  }
0x27: {  	v3 =	vld [tilespmem:s23+$0x5A00]  }
0x28: {  	v4 =	vld [tilespmem:s23+$0x1A40]  }
0x29: {  	v5 =	vld [tilespmem:s23+$0x5A40]  }
0x2a: {  	v6 =	vld [tilespmem:s23+$0x1A10]  }
0x2b: {  	v7 =	vld [tilespmem:s23+$0x1A50]  }
0x2c: {  	v0 =	vadd.f32 v1, v0;
	v1 =	vld [tilespmem:s23+$0x5A10]  }
0x2d: {  	v8 =	vld [tilespmem:s23+$0x5A50]  }
0x2e: {  	v9 =	vld [tilespmem:s23+$0x5A20];
	v2 =	vadd.f32 v3, v2  }
0x2f: {  	[tilespmem:s23+$0x9A70] =	vst v0;
	v0 =	vadd.f32 v5, v4;
	v5 =	vld [tilespmem:s23+$0x1A20]  }
0x30: {  	v3 =	vld [tilespmem:s23+$0x5A60];
	[tilespmem:s23+$0x9A00] =	vst v2  }
0x31: {  	v2 =	vld [tilespmem:s23+$0x1A60];
	[tilespmem:s23+$0x9A40] =	vst v0;
	v0 =	vadd.f32 v1, v6  }
0x32: {  	v4 =	vld [tilespmem:s23+$0x5A30];
	v6 =	vadd.f32 v8, v7  }
0x33: {  	s24 =	simm.s32 $0x80;
	[tilespmem:s23+$0x9A10] =	vst v0;
	v0 =	vld [tilespmem:s23+$0x1A30]  }
0x34: {  	s29 =	simm.s32 $0x400;
	v5 =	vadd.f32 v9, v5;
	v1 =	vld [tilespmem:s24+$0x1A70];
	[tilespmem:s23+$0x9A50] =	vst v6  }
.LBB2_2:
0x35: {  	p0 =	sne.s32 s29, $0x7E00;
	v6 =	vld [tilespmem:s24+$0x5A70]  }
0x36: {  	v7 =	vld [tilespmem:s24+$0x1A00];
	[tilespmem:s23+$0x9A20] =	vst v5;
	v2 =	vadd.f32 v3, v2  }
0x37: {  	v3 =	vld [tilespmem:s24+$0x5A00]  }
0x38: {  	v5 =	vld [tilespmem:s24+$0x1A40];
	[tilespmem:s23+$0x9A60] =	vst v2;
	v0 =	vadd.f32 v4, v0  }
0x39: {  	v2 =	vld [tilespmem:s24+$0x5A40]  }
0x3a: {  	v4 =	vld [tilespmem:s24+$0x1A10];
	v1 =	vadd.f32 v6, v1;
	[tilespmem:s23+$0x9A30] =	vst v0;
	s23 =	smov.u32 s24  }
0x3b: {  	v0 =	vld [tilespmem:s23+$0x5A10]  }
0x3c: {  	v3 =	vadd.f32 v3, v7;
	v6 =	vld [tilespmem:s23+$0x1A50];
	[tilespmem:s23+$0x9A70] =	vst v1  }
0x3d: {  	v1 =	vld [tilespmem:s23+$0x5A50]  }
0x3e: {  	[tilespmem:s23+$0x9A00] =	vst v3;
	v2 =	vadd.f32 v2, v5;
	v5 =	vld [tilespmem:s23+$0x1A20]  }
0x3f: {  	v7 =	vld [tilespmem:s23+$0x5A20]  }
.Ltmp0:
0x40: {  	[tilespmem:s23+$0x9A40] =	vst v2;
	v0 =	vadd.f32 v0, v4;
	v2 =	vld [tilespmem:s23+$0x1A60];
	(pc) =	sbr.rel @p0 .LBB2_2-.Ltmp0, $4  }
0x41: {  	v3 =	vld [tilespmem:s23+$0x5A60]  }
0x42: {  	[tilespmem:s23+$0x9A10] =	vst v0;
	v6 =	vadd.f32 v1, v6;
	v0 =	vld [tilespmem:s23+$0x1A30]  }
0x43: {  	s24 =	sshra.s32 s29, $0x2;
	v4 =	vld [tilespmem:s23+$0x5A30]  }
0x44: {  	s29 =	sadd.s32 $0x200, s29;
	v1 =	vld [tilespmem:s24+$0x1A70];
	[tilespmem:s23+$0x9A50] =	vst v6;
	v5 =	vadd.f32 v7, v5  }
0x45: {  	v6 =	vld [tilespmem:s24+$0x5A70]  }
0x46: {  	v7 =	vld [tilespmem:s24+$0x1A00];
	[tilespmem:s23+$0x9A20] =	vst v5;
	v2 =	vadd.f32 v3, v2  }
0x47: {  	v3 =	vld [tilespmem:s24+$0x5A00]  }
0x48: {  	v5 =	vld [tilespmem:s24+$0x1A40];
	[tilespmem:s23+$0x9A60] =	vst v2;
	v0 =	vadd.f32 v4, v0  }
0x49: {  	v2 =	vld [tilespmem:s24+$0x5A40]  }
0x4a: {  	v4 =	vld [tilespmem:s24+$0x1A10];
	[tilespmem:s23+$0x9A30] =	vst v0  }
0x4b: {  	v0 =	vadd.f32 v6, v1;
	v1 =	vld [tilespmem:s24+$0x5A10]  }
0x4c: {  	v6 =	vld [tilespmem:s24+$0x1A50]  }
0x4d: {  	v3 =	vadd.f32 v3, v7;
	[tilespmem:s24+$0x9A70] =	vst v0;
	v0 =	vld [tilespmem:s24+$0x5A50]  }
0x4e: {  	v7 =	vld [tilespmem:s24+$0x5A30]  }
0x4f: {  	[tilespmem:s24+$0x9A00] =	vst v3;
	v2 =	vadd.f32 v2, v5;
	v3 =	vld [tilespmem:s24+$0x1A20]  }
0x50: {  	v5 =	vld [tilespmem:s24+$0x5A20]  }
0x51: {  	[tilespmem:s24+$0x9A40] =	vst v2;
	v1 =	vadd.f32 v1, v4;
	v2 =	vld [tilespmem:s24+$0x1A60]  }
0x52: {  	v4 =	vld [tilespmem:s24+$0x5A60]  }
0x53: {  	[tilespmem:s24+$0x9A10] =	vst v1;
	v1 =	vld [tilespmem:s24+$0x1A30];
	_ =	sdelay $0x1  }
0x54: {  	v0 =	vadd.f32 v0, v6  }
0x55: {  	v3 =	vadd.f32 v5, v3  }
0x56: {  	[tilespmem:s24+$0x9A50] =	vst v0;
	v0 =	vadd.f32 v4, v2  }
0x57: {  	[tilespmem:s24+$0x9A20] =	vst v3;
	v1 =	vadd.f32 v7, v1  }
0x58: {  	[tilespmem:s24+$0x9A60] =	vst v0  }
0x59: {  	s14 =	simm.s32 $0x100;
	[tilespmem:s24+$0x9A30] =	vst v1  }
0x5a: {  	[tilespmem:s16], [sflag:$0x1] =	stream.indirect.gather [hbm4b:s3+s15], $0x40, s14, s15, $0xb8;
	[tilespmem:$0xDA00] =	vst v63  }
0x5b: {  	s24 =	simm.s32 $0xE00  }
0x5c: {  	[tilespmem:s17], [sflag:$0x3] =	stream.indirect.gather [hbm4b:s4+s15], $0x40, s24, s15, $0xb8;
	[tilespmem:$0xDA00] =	vst v63  }
0x5d: {  	s30 =	simm.s32 $0x0  }
0x5e: {  	[hbm4b:s9+s30] =	stream.linear.scatter [tilespmem:s25], [sflag:$0x5], $0x2000, $0x38;
	[tilespmem:$0xDA00] =	vst v63  }
0x5f: {  	_ =	swait.ge [sflag:s26], $0x2000  }
0x60: {  	[sflag:s26] =	ssyncset.done $0x0  }
0x61: {  	[sflag:s26] =	ssyncadd.s32 $0xFFFFE000  }
0x62: {  	_ =	swait.ge [sflag:s28], $0x2000  }
0x63: {  	[sflag:s28] =	ssyncset.done $0x0  }
0x64: {  	s23 =	simm.s32 $0x0;
	[sflag:s28] =	ssyncadd.s32 $0xFFFFE000  }
0x65: {  	v0 =	vld [tilespmem:s23+$0x3A70]  }
0x66: {  	v1 =	vld [tilespmem:s23+$0x7A70]  }
0x67: {  	v2 =	vld [tilespmem:s23+$0x3A00]  }
0x68: {  	v3 =	vld [tilespmem:s23+$0x7A00]  }
0x69: {  	v4 =	vld [tilespmem:s23+$0x3A40]  }
0x6a: {  	v5 =	vld [tilespmem:s23+$0x7A40]  }
0x6b: {  	v6 =	vld [tilespmem:s23+$0x3A10]  }
0x6c: {  	v7 =	vld [tilespmem:s23+$0x3A50]  }
0x6d: {  	v0 =	vadd.f32 v1, v0;
	v1 =	vld [tilespmem:s23+$0x7A10]  }
0x6e: {  	v8 =	vld [tilespmem:s23+$0x7A50]  }
0x6f: {  	v9 =	vld [tilespmem:s23+$0x7A20];
	v2 =	vadd.f32 v3, v2  }
0x70: {  	[tilespmem:s23+$0xBA70] =	vst v0;
	v0 =	vadd.f32 v5, v4;
	v5 =	vld [tilespmem:s23+$0x3A20]  }
0x71: {  	v3 =	vld [tilespmem:s23+$0x7A60];
	[tilespmem:s23+$0xBA00] =	vst v2  }
0x72: {  	v2 =	vld [tilespmem:s23+$0x3A60];
	[tilespmem:s23+$0xBA40] =	vst v0;
	v0 =	vadd.f32 v1, v6  }
0x73: {  	v4 =	vld [tilespmem:s23+$0x7A30];
	v6 =	vadd.f32 v8, v7  }
0x74: {  	s24 =	simm.s32 $0x80;
	[tilespmem:s23+$0xBA10] =	vst v0;
	v0 =	vld [tilespmem:s23+$0x3A30]  }
0x75: {  	s29 =	simm.s32 $0x400;
	v5 =	vadd.f32 v9, v5;
	v1 =	vld [tilespmem:s24+$0x3A70];
	[tilespmem:s23+$0xBA50] =	vst v6  }
.LBB2_4:
0x76: {  	p0 =	sne.s32 s29, $0x7E00;
	v6 =	vld [tilespmem:s24+$0x7A70]  }
0x77: {  	v7 =	vld [tilespmem:s24+$0x3A00];
	[tilespmem:s23+$0xBA20] =	vst v5;
	v2 =	vadd.f32 v3, v2  }
0x78: {  	v3 =	vld [tilespmem:s24+$0x7A00]  }
0x79: {  	v5 =	vld [tilespmem:s24+$0x3A40];
	[tilespmem:s23+$0xBA60] =	vst v2;
	v0 =	vadd.f32 v4, v0  }
0x7a: {  	v2 =	vld [tilespmem:s24+$0x7A40]  }
0x7b: {  	v4 =	vld [tilespmem:s24+$0x3A10];
	v1 =	vadd.f32 v6, v1;
	[tilespmem:s23+$0xBA30] =	vst v0;
	s23 =	smov.u32 s24  }
0x7c: {  	v0 =	vld [tilespmem:s23+$0x7A10]  }
0x7d: {  	v3 =	vadd.f32 v3, v7;
	v6 =	vld [tilespmem:s23+$0x3A50];
	[tilespmem:s23+$0xBA70] =	vst v1  }
0x7e: {  	v1 =	vld [tilespmem:s23+$0x7A50]  }
0x7f: {  	[tilespmem:s23+$0xBA00] =	vst v3;
	v2 =	vadd.f32 v2, v5;
	v5 =	vld [tilespmem:s23+$0x3A20]  }
0x80: {  	v7 =	vld [tilespmem:s23+$0x7A20]  }
.Ltmp1:
0x81: {  	[tilespmem:s23+$0xBA40] =	vst v2;
	v0 =	vadd.f32 v0, v4;
	v2 =	vld [tilespmem:s23+$0x3A60];
	(pc) =	sbr.rel @p0 .LBB2_4-.Ltmp1, $4  }
0x82: {  	v3 =	vld [tilespmem:s23+$0x7A60]  }
0x83: {  	[tilespmem:s23+$0xBA10] =	vst v0;
	v6 =	vadd.f32 v1, v6;
	v0 =	vld [tilespmem:s23+$0x3A30]  }
0x84: {  	s24 =	sshra.s32 s29, $0x2;
	v4 =	vld [tilespmem:s23+$0x7A30]  }
0x85: {  	s29 =	sadd.s32 $0x200, s29;
	v1 =	vld [tilespmem:s24+$0x3A70];
	[tilespmem:s23+$0xBA50] =	vst v6;
	v5 =	vadd.f32 v7, v5  }
0x86: {  	v6 =	vld [tilespmem:s24+$0x7A70]  }
0x87: {  	v7 =	vld [tilespmem:s24+$0x3A00];
	[tilespmem:s23+$0xBA20] =	vst v5;
	v2 =	vadd.f32 v3, v2  }
0x88: {  	v51 =	vld [tilespmem:s24+$0x7A00]  }
0x89: {  	v5 =	vld [tilespmem:s24+$0x3A40];
	[tilespmem:s23+$0xBA60] =	vst v2;
	v0 =	vadd.f32 v4, v0  }
0x8a: {  	v2 =	vld [tilespmem:s24+$0x7A40]  }
0x8b: {  	v52 =	vld [tilespmem:s24+$0x3A10];
	[tilespmem:s23+$0xBA30] =	vst v0  }
0x8c: {  	v54 =	vld [tilespmem:s24+$0x7A10]  }
0x8d: {  	v55 =	vld [tilespmem:s24+$0x3A50]  }
0x8e: {  	v56 =	vld [tilespmem:s24+$0x7A50]  }
0x8f: {  	v57 =	vld [tilespmem:s24+$0x3A20]  }
0x90: {  	v58 =	vld [tilespmem:s24+$0x7A20]  }
0x91: {  	v59 =	vld [tilespmem:s24+$0x3A60]  }
0x92: {  	v53 =	vadd.f32 v6, v1;
	v60 =	vld [tilespmem:s24+$0x7A60]  }
0x93: {  	v61 =	vld [tilespmem:s24+$0x3A30];
	v3 =	vadd.f32 v51, v7  }
0x94: {  	v62 =	vld [tilespmem:s24+$0x7A30];
	[tilespmem:s24+$0xBA70] =	vst v53;
	v2 =	vadd.f32 v2, v5  }
0x95: {  	[tilespmem:s24+$0xBA00] =	vst v3;
	v1 =	vadd.f32 v54, v52  }
0x96: {  	[tilespmem:s24+$0xBA40] =	vst v2;
	v0 =	vadd.f32 v56, v55  }
0x97: {  	v3 =	vadd.f32 v58, v57;
	[tilespmem:s24+$0xBA10] =	vst v1  }
0x98: {  	v63 =	vadd.f32 v60, v59;
	[tilespmem:s24+$0xBA50] =	vst v0  }
0x99: {  	[tilespmem:s24+$0xBA20] =	vst v3;
	v1 =	vadd.f32 v62, v61  }
0x9a: {  	[tilespmem:s24+$0xBA60] =	vst v63  }
0x9b: {  	s14 =	simm.s32 $0x180;
	[tilespmem:s24+$0xBA30] =	vst v1  }
0x9c: {  	[tilespmem:s18], [sflag:$0x2] =	stream.indirect.gather [hbm4b:s3+s15], $0x40, s14, s15, $0xb8;
	[tilespmem:$0xDA00] =	vst v63  }
0x9d: {  	s30 =	simm.s32 $0xE80  }
0x9e: {  	[tilespmem:s20], [sflag:$0x4] =	stream.indirect.gather [hbm4b:s4+s15], $0x40, s30, s15, $0xb8;
	[tilespmem:$0xDA00] =	vst v63  }
0x9f: {  	s23 =	simm.s32 $0x1  }
0xa0: {  	[hbm4b:s10+s2] =	stream.linear.scatter [tilespmem:s31], [sflag:$0x6], $0x2000, $0x38;
	[tilespmem:$0xDA00] =	vst v63  }
.LBB2_6:
0xa1: {  	_ =	swait.ge [sflag:s21], $0x2000  }
0xa2: {  	[sflag:s21] =	ssyncset.done $0x0  }
0xa3: {  	[sflag:s21] =	ssyncadd.s32 $0xFFFFE000  }
0xa4: {  	_ =	swait.ge [sflag:s22], $0x2000  }
0xa5: {  	[sflag:s22] =	ssyncset.done $0x0  }
0xa6: {  	[sflag:s22] =	ssyncadd.s32 $0xFFFFE000  }
0xa7: {  	_ =	swait.ge [sflag:s0], $0x2000  }
0xa8: {  	[sflag:s0] =	ssyncset.done $0x0  }
0xa9: {  	s24 =	simm.s32 $0x0;
	[sflag:s0] =	ssyncadd.s32 $0xFFFFE000  }
0xaa: {  	v0 =	vld [tilespmem:s24+$0x1A70]  }
0xab: {  	v1 =	vld [tilespmem:s24+$0x5A70]  }
0xac: {  	v2 =	vld [tilespmem:s24+$0x1A00]  }
0xad: {  	v3 =	vld [tilespmem:s24+$0x5A00]  }
0xae: {  	v4 =	vld [tilespmem:s24+$0x1A40]  }
0xaf: {  	v5 =	vld [tilespmem:s24+$0x5A40]  }
0xb0: {  	v6 =	vld [tilespmem:s24+$0x1A10]  }
0xb1: {  	v7 =	vld [tilespmem:s24+$0x1A50]  }
0xb2: {  	v0 =	vadd.f32 v1, v0;
	v1 =	vld [tilespmem:s24+$0x5A10]  }
0xb3: {  	v8 =	vld [tilespmem:s24+$0x5A50]  }
0xb4: {  	v9 =	vld [tilespmem:s24+$0x5A20];
	v2 =	vadd.f32 v3, v2  }
0xb5: {  	[tilespmem:s24+$0x9A70] =	vst v0;
	v0 =	vadd.f32 v5, v4;
	v5 =	vld [tilespmem:s24+$0x1A20]  }
0xb6: {  	v3 =	vld [tilespmem:s24+$0x5A60];
	[tilespmem:s24+$0x9A00] =	vst v2  }
0xb7: {  	v2 =	vld [tilespmem:s24+$0x1A60];
	[tilespmem:s24+$0x9A40] =	vst v0;
	v0 =	vadd.f32 v1, v6  }
0xb8: {  	v4 =	vld [tilespmem:s24+$0x5A30];
	v6 =	vadd.f32 v8, v7  }
0xb9: {  	s29 =	simm.s32 $0x80;
	[tilespmem:s24+$0x9A10] =	vst v0;
	v0 =	vld [tilespmem:s24+$0x1A30]  }
0xba: {  	s30 =	simm.s32 $0x400;
	v5 =	vadd.f32 v9, v5;
	v1 =	vld [tilespmem:s29+$0x1A70];
	[tilespmem:s24+$0x9A50] =	vst v6  }
.LBB2_7:
0xbb: {  	p0 =	sne.s32 s30, $0x7E00;
	v6 =	vld [tilespmem:s29+$0x5A70]  }
0xbc: {  	v7 =	vld [tilespmem:s29+$0x1A00];
	[tilespmem:s24+$0x9A20] =	vst v5;
	v2 =	vadd.f32 v3, v2  }
0xbd: {  	v3 =	vld [tilespmem:s29+$0x5A00]  }
0xbe: {  	v5 =	vld [tilespmem:s29+$0x1A40];
	[tilespmem:s24+$0x9A60] =	vst v2;
	v0 =	vadd.f32 v4, v0  }
0xbf: {  	v2 =	vld [tilespmem:s29+$0x5A40]  }
0xc0: {  	v4 =	vld [tilespmem:s29+$0x1A10];
	v1 =	vadd.f32 v6, v1;
	[tilespmem:s24+$0x9A30] =	vst v0;
	s24 =	smov.u32 s29  }
0xc1: {  	v0 =	vld [tilespmem:s24+$0x5A10]  }
0xc2: {  	v3 =	vadd.f32 v3, v7;
	v6 =	vld [tilespmem:s24+$0x1A50];
	[tilespmem:s24+$0x9A70] =	vst v1  }
0xc3: {  	v1 =	vld [tilespmem:s24+$0x5A50]  }
0xc4: {  	[tilespmem:s24+$0x9A00] =	vst v3;
	v2 =	vadd.f32 v2, v5;
	v5 =	vld [tilespmem:s24+$0x1A20]  }
0xc5: {  	v7 =	vld [tilespmem:s24+$0x5A20]  }
.Ltmp2:
0xc6: {  	[tilespmem:s24+$0x9A40] =	vst v2;
	v0 =	vadd.f32 v0, v4;
	v2 =	vld [tilespmem:s24+$0x1A60];
	(pc) =	sbr.rel @p0 .LBB2_7-.Ltmp2, $4  }
0xc7: {  	v3 =	vld [tilespmem:s24+$0x5A60]  }
0xc8: {  	[tilespmem:s24+$0x9A10] =	vst v0;
	v6 =	vadd.f32 v1, v6;
	v0 =	vld [tilespmem:s24+$0x1A30]  }
0xc9: {  	s29 =	sshra.s32 s30, $0x2;
	v4 =	vld [tilespmem:s24+$0x5A30]  }
0xca: {  	s30 =	sadd.s32 $0x200, s30;
	v1 =	vld [tilespmem:s29+$0x1A70];
	[tilespmem:s24+$0x9A50] =	vst v6;
	v5 =	vadd.f32 v7, v5  }
0xcb: {  	v6 =	vld [tilespmem:s29+$0x5A70]  }
0xcc: {  	v7 =	vld [tilespmem:s29+$0x1A00];
	[tilespmem:s24+$0x9A20] =	vst v5;
	v2 =	vadd.f32 v3, v2  }
0xcd: {  	v3 =	vld [tilespmem:s29+$0x5A00]  }
0xce: {  	v5 =	vld [tilespmem:s29+$0x1A40];
	[tilespmem:s24+$0x9A60] =	vst v2;
	v0 =	vadd.f32 v4, v0  }
0xcf: {  	v2 =	vld [tilespmem:s29+$0x5A40]  }
0xd0: {  	v4 =	vld [tilespmem:s29+$0x1A10];
	[tilespmem:s24+$0x9A30] =	vst v0  }
0xd1: {  	v0 =	vadd.f32 v6, v1;
	v1 =	vld [tilespmem:s29+$0x5A10]  }
0xd2: {  	v6 =	vld [tilespmem:s29+$0x1A50]  }
0xd3: {  	v3 =	vadd.f32 v3, v7;
	[tilespmem:s29+$0x9A70] =	vst v0;
	v0 =	vld [tilespmem:s29+$0x5A50]  }
0xd4: {  	v7 =	vld [tilespmem:s29+$0x5A30]  }
0xd5: {  	[tilespmem:s29+$0x9A00] =	vst v3;
	v2 =	vadd.f32 v2, v5;
	v3 =	vld [tilespmem:s29+$0x1A20]  }
0xd6: {  	v5 =	vld [tilespmem:s29+$0x5A20]  }
0xd7: {  	[tilespmem:s29+$0x9A40] =	vst v2;
	v1 =	vadd.f32 v1, v4;
	v2 =	vld [tilespmem:s29+$0x1A60]  }
0xd8: {  	v4 =	vld [tilespmem:s29+$0x5A60]  }
0xd9: {  	[tilespmem:s29+$0x9A10] =	vst v1;
	v1 =	vld [tilespmem:s29+$0x1A30];
	_ =	sdelay $0x1  }
0xda: {  	v0 =	vadd.f32 v0, v6  }
0xdb: {  	v3 =	vadd.f32 v5, v3  }
0xdc: {  	s24 =	sshll.u32 s23, $0x1;
	[tilespmem:s29+$0x9A50] =	vst v0;
	v0 =	vadd.f32 v4, v2  }
0xdd: {  	s14 =	smin.u32 s24, $0x17;
	[tilespmem:s29+$0x9A20] =	vst v3;
	v1 =	vadd.f32 v7, v1  }
0xde: {  	s14 =	sshll.u32 s14, $0x7;
	[tilespmem:s29+$0x9A60] =	vst v0  }
0xdf: {  	[tilespmem:s29+$0x9A30] =	vst v1;
	s29 =	sadd.s32 $0x100, s14  }
0xe0: {  	[tilespmem:s16], [sflag:$0x1] =	stream.indirect.gather [hbm4b:s3+s15], $0x40, s29, s15, $0xb8;
	[tilespmem:$0xDA00] =	vst v63  }
0xe1: {  	s14 =	sadd.s32 $0xE00, s14  }
0xe2: {  	[tilespmem:s17], [sflag:$0x3] =	stream.indirect.gather [hbm4b:s4+s15], $0x40, s14, s15, $0xb8;
	[tilespmem:$0xDA00] =	vst v63  }
0xe3: {  	s14 =	sadd.s32 s6, s24  }
0xe4: {  	s14 =	sshll.u32 s14, $0xA  }
0xe5: {  	s14 =	sand.u32 $0x1FFFF800, s14  }
0xe6: {  	s29 =	simm.s32 $0x0;
	s14 =	sadd.s32 s5, s14  }
0xe7: {  	[hbm4b:s14+s29] =	stream.linear.scatter [tilespmem:s25], [sflag:$0x5], $0x2000, $0x38;
	[tilespmem:$0xDA00] =	vst v63  }
0xe8: {  	_ =	swait.ge [sflag:s26], $0x2000  }
0xe9: {  	[sflag:s26] =	ssyncset.done $0x0  }
0xea: {  	[sflag:s26] =	ssyncadd.s32 $0xFFFFE000  }
0xeb: {  	_ =	swait.ge [sflag:s28], $0x2000  }
0xec: {  	[sflag:s28] =	ssyncset.done $0x0  }
0xed: {  	[sflag:s28] =	ssyncadd.s32 $0xFFFFE000  }
0xee: {  	_ =	swait.ge [sflag:s1], $0x2000  }
0xef: {  	[sflag:s1] =	ssyncset.done $0x0  }
0xf0: {  	s29 =	simm.s32 $0x0;
	[sflag:s1] =	ssyncadd.s32 $0xFFFFE000  }
0xf1: {  	v0 =	vld [tilespmem:s29+$0x3A70]  }
0xf2: {  	v1 =	vld [tilespmem:s29+$0x7A70]  }
0xf3: {  	v2 =	vld [tilespmem:s29+$0x3A00]  }
0xf4: {  	v3 =	vld [tilespmem:s29+$0x7A00]  }
0xf5: {  	v4 =	vld [tilespmem:s29+$0x3A40]  }
0xf6: {  	v5 =	vld [tilespmem:s29+$0x7A40]  }
0xf7: {  	v6 =	vld [tilespmem:s29+$0x3A10]  }
0xf8: {  	v7 =	vld [tilespmem:s29+$0x3A50]  }
0xf9: {  	v0 =	vadd.f32 v1, v0;
	v1 =	vld [tilespmem:s29+$0x7A10]  }
0xfa: {  	v8 =	vld [tilespmem:s29+$0x7A50]  }
0xfb: {  	v9 =	vld [tilespmem:s29+$0x7A20];
	v2 =	vadd.f32 v3, v2  }
0xfc: {  	[tilespmem:s29+$0xBA70] =	vst v0;
	v0 =	vadd.f32 v5, v4;
	v5 =	vld [tilespmem:s29+$0x3A20]  }
0xfd: {  	v3 =	vld [tilespmem:s29+$0x7A60];
	[tilespmem:s29+$0xBA00] =	vst v2  }
0xfe: {  	v2 =	vld [tilespmem:s29+$0x3A60];
	[tilespmem:s29+$0xBA40] =	vst v0;
	v0 =	vadd.f32 v1, v6  }
0xff: {  	v4 =	vld [tilespmem:s29+$0x7A30];
	v6 =	vadd.f32 v8, v7  }
0x100: {  	s30 =	simm.s32 $0x80;
	[tilespmem:s29+$0xBA10] =	vst v0;
	v0 =	vld [tilespmem:s29+$0x3A30]  }
0x101: {  	s14 =	simm.s32 $0x400;
	v5 =	vadd.f32 v9, v5;
	v1 =	vld [tilespmem:s30+$0x3A70];
	[tilespmem:s29+$0xBA50] =	vst v6  }
.LBB2_9:
0x102: {  	p0 =	sne.s32 s14, $0x7E00;
	v6 =	vld [tilespmem:s30+$0x7A70]  }
0x103: {  	v7 =	vld [tilespmem:s30+$0x3A00];
	[tilespmem:s29+$0xBA20] =	vst v5;
	v2 =	vadd.f32 v3, v2  }
0x104: {  	v3 =	vld [tilespmem:s30+$0x7A00]  }
0x105: {  	v5 =	vld [tilespmem:s30+$0x3A40];
	[tilespmem:s29+$0xBA60] =	vst v2;
	v0 =	vadd.f32 v4, v0  }
0x106: {  	v2 =	vld [tilespmem:s30+$0x7A40]  }
0x107: {  	v4 =	vld [tilespmem:s30+$0x3A10];
	v1 =	vadd.f32 v6, v1;
	[tilespmem:s29+$0xBA30] =	vst v0;
	s29 =	smov.u32 s30  }
0x108: {  	v0 =	vld [tilespmem:s29+$0x7A10]  }
0x109: {  	v3 =	vadd.f32 v3, v7;
	v6 =	vld [tilespmem:s29+$0x3A50];
	[tilespmem:s29+$0xBA70] =	vst v1  }
0x10a: {  	v1 =	vld [tilespmem:s29+$0x7A50]  }
0x10b: {  	[tilespmem:s29+$0xBA00] =	vst v3;
	v2 =	vadd.f32 v2, v5;
	v5 =	vld [tilespmem:s29+$0x3A20]  }
0x10c: {  	v7 =	vld [tilespmem:s29+$0x7A20]  }
.Ltmp3:
0x10d: {  	[tilespmem:s29+$0xBA40] =	vst v2;
	v0 =	vadd.f32 v0, v4;
	v2 =	vld [tilespmem:s29+$0x3A60];
	(pc) =	sbr.rel @p0 .LBB2_9-.Ltmp3, $4  }
0x10e: {  	v3 =	vld [tilespmem:s29+$0x7A60]  }
0x10f: {  	[tilespmem:s29+$0xBA10] =	vst v0;
	v6 =	vadd.f32 v1, v6;
	v0 =	vld [tilespmem:s29+$0x3A30]  }
0x110: {  	s30 =	sshra.s32 s14, $0x2;
	v4 =	vld [tilespmem:s29+$0x7A30]  }
0x111: {  	s14 =	sadd.s32 $0x200, s14;
	v1 =	vld [tilespmem:s30+$0x3A70];
	[tilespmem:s29+$0xBA50] =	vst v6;
	v5 =	vadd.f32 v7, v5  }
0x112: {  	v6 =	vld [tilespmem:s30+$0x7A70]  }
0x113: {  	v7 =	vld [tilespmem:s30+$0x3A00];
	[tilespmem:s29+$0xBA20] =	vst v5;
	v2 =	vadd.f32 v3, v2  }
0x114: {  	v51 =	vld [tilespmem:s30+$0x7A00]  }
0x115: {  	v5 =	vld [tilespmem:s30+$0x3A40];
	[tilespmem:s29+$0xBA60] =	vst v2;
	v0 =	vadd.f32 v4, v0  }
0x116: {  	v2 =	vld [tilespmem:s30+$0x7A40]  }
0x117: {  	v52 =	vld [tilespmem:s30+$0x3A10];
	[tilespmem:s29+$0xBA30] =	vst v0  }
0x118: {  	v54 =	vld [tilespmem:s30+$0x7A10]  }
0x119: {  	v55 =	vld [tilespmem:s30+$0x3A50]  }
0x11a: {  	v56 =	vld [tilespmem:s30+$0x7A50]  }
0x11b: {  	v57 =	vld [tilespmem:s30+$0x3A20]  }
0x11c: {  	v58 =	vld [tilespmem:s30+$0x7A20]  }
0x11d: {  	v59 =	vld [tilespmem:s30+$0x3A60]  }
0x11e: {  	v53 =	vadd.f32 v6, v1;
	v60 =	vld [tilespmem:s30+$0x7A60]  }
0x11f: {  	v61 =	vld [tilespmem:s30+$0x3A30];
	v3 =	vadd.f32 v51, v7  }
0x120: {  	v62 =	vld [tilespmem:s30+$0x7A30];
	[tilespmem:s30+$0xBA70] =	vst v53;
	v2 =	vadd.f32 v2, v5  }
0x121: {  	[tilespmem:s30+$0xBA00] =	vst v3;
	v1 =	vadd.f32 v54, v52  }
0x122: {  	[tilespmem:s30+$0xBA40] =	vst v2;
	v0 =	vadd.f32 v56, v55  }
0x123: {  	v3 =	vadd.f32 v58, v57;
	[tilespmem:s30+$0xBA10] =	vst v1  }
0x124: {  	v63 =	vadd.f32 v60, v59;
	[tilespmem:s30+$0xBA50] =	vst v0  }
0x125: {  	s14 =	smin.u32 s24, $0x16;
	[tilespmem:s30+$0xBA20] =	vst v3;
	v1 =	vadd.f32 v62, v61  }
0x126: {  	s14 =	sshll.u32 s14, $0x7;
	[tilespmem:s30+$0xBA60] =	vst v63  }
0x127: {  	s23 =	sadd.s32 $0x1, s23;
	[tilespmem:s30+$0xBA30] =	vst v1;
	s30 =	sadd.s32 $0x180, s14  }
0x128: {  	[tilespmem:s18], [sflag:$0x2] =	stream.indirect.gather [hbm4b:s3+s15], $0x40, s30, s15, $0xb8;
	[tilespmem:$0xDA00] =	vst v63  }
0x129: {  	p0 =	sne.s32 s23, $0xD;
	s14 =	sadd.s32 $0xE80, s14  }
0x12a: {  	[tilespmem:s20], [sflag:$0x4] =	stream.indirect.gather [hbm4b:s4+s15], $0x40, s14, s15, $0xb8;
	[tilespmem:$0xDA00] =	vst v63  }
.Ltmp4:
0x12b: {  	s30 =	sadd.s32 s24, s11;
	(pc) =	sbr.rel @p0 .LBB2_6-.Ltmp4, $4  }
0x12c: {  	s14 =	sshll.u32 s30, $0xA  }
0x12d: {  	s14 =	sand.u32 $0x1FFFFC00, s14  }
0x12e: {  	s14 =	sadd.s32 s5, s14  }
0x12f: {  	[hbm4b:s14+s2] =	stream.linear.scatter [tilespmem:s31], [sflag:$0x6], $0x2000, $0x38;
	[tilespmem:$0xDA00] =	vst v63  }
0x130: {  	_ =	swait.ge [sflag:s21], $0x2000  }
0x131: {  	[sflag:s21] =	ssyncset.done $0x0  }
0x132: {  	[sflag:s21] =	ssyncadd.s32 $0xFFFFE000  }
0x133: {  	_ =	swait.ge [sflag:s22], $0x2000  }
0x134: {  	[sflag:s22] =	ssyncset.done $0x0  }
0x135: {  	[sflag:s22] =	ssyncadd.s32 $0xFFFFE000  }
0x136: {  	_ =	swait.ge [sflag:s0], $0x2000  }
0x137: {  	[sflag:s0] =	ssyncset.done $0x0  }
0x138: {  	[sflag:s0] =	ssyncadd.s32 $0xFFFFE000  }
0x139: {  	_ =	swait.ge [sflag:s26], $0x2000  }
0x13a: {  	[sflag:s26] =	ssyncset.done $0x0  }
0x13b: {  	s19 =	sadd.s32 $0x1, s19;
	[sflag:s26] =	ssyncadd.s32 $0xFFFFE000  }
0x13c: {  	p0 =	sne.s32 s19, s12;
	_ =	swait.ge [sflag:s28], $0x2000  }
.Ltmp5:
0x13d: {  	[sflag:s28] =	ssyncset.done $0x0;
	(pc) =	sbr.rel @p0 .LBB2_1-.Ltmp5, $4  }
0x13e: {  	[sflag:s28] =	ssyncadd.s32 $0xFFFFE000  }
0x13f: {  	_ =	swait.ge [sflag:s1], $0x2000  }
0x140: {  	[sflag:s1] =	ssyncset.done $0x0  }
0x141: {  	[sflag:s1] =	ssyncadd.s32 $0xFFFFE000  }
0x142: {  	_ =	sfence.sel $0x180000  }
0x143: {  	[bflag:$0x0] =	sbarrier.arrive $0xFFFF  }
0x144: {  	_ =	strace $0x9000004D  }
0x145: {  	s0 =	stileid.u32;
	[bflag:$0x2] =	sbarrier.arrive $0xFFFF  }
0x146: {  	p0 =	sne.s32 s0, $0x0;
	s0 =	rddreg [dreg:$0x1]  }
0x147: {  	s0 =	sadd.s32 @!p0 $0x100000, s0  }
0x148: {  	[sflag:s0] =	ssyncadd.tile.s32 @!p0 $0x1;
	_ =	shalt  }
.Lfunc_end2:
_tile_overlayer_lowered:
.L_overlay_start_2:
0x149: {  	(tag) =	ssettag $0x2  }
0x14a: {  	s0 =	rddreg [dreg:$0x0];
	s2 =	stileid.u32  }
0x14b: {  	s1 =	rddreg [dreg:$0x1];
	p0 =	sne.s32 s2, $0x0  }
0x14c: {  	s3 =	rddreg [dreg:$0x2];
	[bflag:$0x3] =	sbarrier.arrive $0xFFFF;
	s2 =	simm.s32 @!p0 $0x1C07  }
0x14d: {  	[timem:s3], [sflag:s2] =	dma.local @!p0 [hbm:s0], s1  }
0x14e: {  	s0 =	simm.s32 @!p0 $0x7  }
0x14f: {  	_ =	swait.ge @!p0 [sflag:s0], s1  }
0x150: {  	s1 =	ssub.s32 @!p0 $0x0, s1;
	[sflag:s0] =	ssyncset.done @!p0 $0x0  }
0x151: {  	[sflag:s0] =	ssyncadd.s32 @!p0 s1  }
0x152: {  	[bflag:$0x3] =	sbarrier.arrive $0xFFFF  }
0x153: {  	_ =	shalt  }

// kernel: kernel.9.cloned.1.call-start
scs
__scs_entry_jumppad:
0x0: {  	(pc) =	sbr.rel $0x88, $3  }
0x1: {  	(tag) =	ssettag $0x0;
	lr =	simm.s32 $0x1  }
0x2: {  	[smem:$0x3F94] =	sst lr;
	_ =	strace $0xD0000000  }
0x3: {  	_ = 	snop  }
0x4: {  	_ = 	snop  }
0x5: {  	_ = 	snop  }
0x6: {  	_ = 	snop  }
0x7: {  	_ = 	snop  }
__scs_overlays_trampoline_lowered:
0x8: {  	[smem:$0x3FA3] =	sst s0  }
0x9: {  	[smem:$0x3FA4] =	sst s1  }
0xa: {  	[smem:$0x3FA5] =	sst s2  }
0xb: {  	[smem:$0x3FA6] =	sst s3  }
0xc: {  	[smem:$0x3FA7] =	sst s4  }
0xd: {  	[smem:$0x3FA8] =	sst s5  }
0xe: {  	[smem:$0x3FA9] =	sst s6  }
0xf: {  	[smem:$0x3FAA] =	sst s7  }
0x10: {  	[smem:$0x3FAB] =	sst s8  }
0x11: {  	[smem:$0x3FAC] =	sst s9;
	s0 =	simm.s32 @!p0 $0x0  }
0x12: {  	s1 =	sld [smem:$0x3F92];
	s0 =	simm.s32 @p0 $0x1  }
0x13: {  	[smem:$0x3FAD] =	sst s0;
	s0 =	simm.s32 @!p1 $0x0  }
0x14: {  	s2 =	sld [smem:$0x3F91];
	s0 =	simm.s32 @p1 $0x1  }
0x15: {  	[smem:$0x3FAE] =	sst s0;
	s0 =	simm.s32 @!p2 $0x0  }
0x16: {  	s3 =	sld [smem:$0x3FDB];
	s0 =	simm.s32 @p2 $0x1  }
0x17: {  	s4 =	simm.s32 $0x1BF5;
	[smem:$0x3FB0] =	sst s0  }
0x18: {  	s0 =	sld [smem:$0x3F93];
	_ =	swait.ge [sflag:s4], $0x0  }
0x19: {  	s7 =	sld [smem:$0x3F94]  }
0x1a: {  	s8 =	sadd.s32 $0xFFFFE003, lr  }
0x1b: {  	s9 =	sadd.s32 $0xFFFFFEF7, lr;
	s5 =	simm.s32 $0xFFFFFFFF;
	p2 =	slt.u32 s8, $0xFFFFF086  }
0x1c: {  	p1 =	slt.u32 s9, $0xF7A;
	s5 =	simm.s32 @!p2 $0x0  }
0x1d: {  	s5 =	simm.s32 @p1 $0x1;
	p0 =	seq.s32 s7, s2  }
0x1e: {  	s7 =	smul.u32 @!p0 $0xF7A, s2;
	p2 =	seq.s32 @!p0 s5, $0x0  }
0x1f: {  	s9 =	smul.u32 $0xF7A, s1;
	s8 =	simm.s32 @!p0 $0x1BF5;
	p2 =	por !p2, p0  }
0x20: {  	[sflag:s8] =	ssyncset.s32 @!p0 $0xFFFFF086;
	s6 =	sadd.s32 @!p0 s3, s7;
	s7 =	simm.s32 @!p0 $0x108  }
0x21: {  	s3 =	sadd.s32 s3, s9;
	s6 =	sadd.s32 @!p0 $0x88, s6;
	s7 =	simm.s32 @p2 $0x1082  }
0x22: {  	[simem:s7], [sflag:s8] =	dma.local @!p0 [hbm:s6], $0xF7A  }
0x23: {  	s9 =	sor.u32 $0xD0000000, s2;
	s6 =	simm.s32 $0x108;
	_ =	swait.ge @!p0 [sflag:s8], $0x0  }
0x24: {  	s3 =	sadd.s32 $0x88, s3;
	s6 =	simm.s32 @!p1 $0x1082;
	[sflag:s4] =	ssyncset.s32 $0xFFFFF086  }
0x25: {  	[simem:s6], [sflag:s4] =	dma.local [hbm:s3], $0xF7A  }
0x26: {  	[smem:$0x3F94] =	sst s1;
	(tag) =	ssettag s2;
	_ =	strace s9  }
0x27: {  	s1 =	sld [smem:$0x3FA4]  }
0x28: {  	s2 =	sld [smem:$0x3FA5]  }
0x29: {  	s4 =	sld [smem:$0x3FA7]  }
0x2a: {  	p0 =	seq.s32 s5, $0x0;
	s5 =	sld [smem:$0x3FA8]  }
0x2b: {  	s6 =	sld [smem:$0x3FA9]  }
0x2c: {  	s7 =	sld [smem:$0x3FAA]  }
0x2d: {  	s3 =	simm.s32 $0x108;
	s8 =	sld [smem:$0x3FAB]  }
0x2e: {  	s3 =	simm.s32 @!p0 $0x1082;
	s9 =	sld [smem:$0x3FAC]  }
0x2f: {  	lr =	sadd.s32 s0, s3;
	s0 =	sld [smem:$0x3FA3]  }
0x30: {  	s3 =	sld [smem:$0x3FA6]  }
0x31: {  	[smem:$0x3FAF] =	sst s10  }
0x32: {  	s10 =	sld [smem:$0x3FAD];
	_ =	sdelay $0x3  }
0x33: {  	p0 =	seq.s32 s10, $0x1;
	s10 =	sld [smem:$0x3FAF];
	_ =	sdelay $0x3  }
0x34: {  	[smem:$0x3FAF] =	sst s10  }
0x35: {  	s10 =	sld [smem:$0x3FAE];
	_ =	sdelay $0x3  }
0x36: {  	p1 =	seq.s32 s10, $0x1;
	s10 =	sld [smem:$0x3FAF];
	_ =	sdelay $0x3  }
0x37: {  	[smem:$0x3FAF] =	sst s10  }
0x38: {  	s10 =	sld [smem:$0x3FB0]  }
0x39: {  	_ = 	snop;
	(pc) =	sbr.ind lr, $3  }
0x3a: {  	_ = 	snop  }
0x3b: {  	_ = 	snop  }
0x3c: {  	p2 =	seq.s32 s10, $0x1;
	s10 =	sld [smem:$0x3FAF]  }
0x3d: {  	_ =	shalt  }
0x3e: {  	_ =	shalt  }
0x3f: {  	_ =	shalt  }
0x40: {  	_ =	shalt  }
0x41: {  	_ =	shalt  }
0x42: {  	_ =	shalt  }
0x43: {  	_ =	shalt  }
0x44: {  	_ =	shalt  }
0x45: {  	_ =	shalt  }
0x46: {  	_ =	shalt  }
0x47: {  	_ =	shalt  }
0x48: {  	_ =	shalt  }
0x49: {  	_ =	shalt  }
0x4a: {  	_ =	shalt  }
0x4b: {  	_ =	shalt  }
0x4c: {  	_ =	shalt  }
0x4d: {  	_ =	shalt  }
0x4e: {  	_ =	shalt  }
0x4f: {  	_ =	shalt  }
0x50: {  	_ =	shalt  }
0x51: {  	_ =	shalt  }
0x52: {  	_ =	shalt  }
0x53: {  	_ =	shalt  }
0x54: {  	_ =	shalt  }
0x55: {  	_ =	shalt  }
0x56: {  	_ =	shalt  }
0x57: {  	_ =	shalt  }
0x58: {  	_ =	shalt  }
0x59: {  	_ =	shalt  }
0x5a: {  	_ =	shalt  }
0x5b: {  	_ =	shalt  }
0x5c: {  	_ =	shalt  }
0x5d: {  	_ =	shalt  }
0x5e: {  	_ =	shalt  }
0x5f: {  	_ =	shalt  }
0x60: {  	_ =	shalt  }
0x61: {  	_ =	shalt  }
0x62: {  	_ =	shalt  }
0x63: {  	_ =	shalt  }
0x64: {  	_ =	shalt  }
0x65: {  	_ =	shalt  }
0x66: {  	_ =	shalt  }
0x67: {  	_ =	shalt  }
0x68: {  	_ =	shalt  }
0x69: {  	_ =	shalt  }
0x6a: {  	_ =	shalt  }
0x6b: {  	_ =	shalt  }
0x6c: {  	_ =	shalt  }
0x6d: {  	_ =	shalt  }
0x6e: {  	_ =	shalt  }
0x6f: {  	_ =	shalt  }
0x70: {  	_ =	shalt  }
0x71: {  	_ =	shalt  }
0x72: {  	_ =	shalt  }
0x73: {  	_ =	shalt  }
0x74: {  	_ =	shalt  }
0x75: {  	_ =	shalt  }
0x76: {  	_ =	shalt  }
0x77: {  	_ =	shalt  }
0x78: {  	_ =	shalt  }
0x79: {  	_ =	shalt  }
0x7a: {  	_ =	shalt  }
0x7b: {  	_ =	shalt  }
0x7c: {  	_ =	shalt  }
0x7d: {  	_ =	shalt  }
0x7e: {  	_ =	shalt  }
0x7f: {  	_ =	shalt  }
0x80: {  	_ =	shalt  }
0x81: {  	_ =	shalt  }
0x82: {  	_ =	shalt  }
0x83: {  	_ =	shalt  }
0x84: {  	_ =	shalt  }
0x85: {  	_ =	shalt  }
0x86: {  	_ =	shalt  }
0x87: {  	_ =	shalt  }
.Lfunc_end0:
.L_simem_size_0:
called_computation_lowered:
.L_overlay_start_0:
0x88: {  	s2 =	sld [smem:$0x3FD9]  }
0x89: {  	s3 =	sld [smem:$0x3FFE];
	_ =	sdelay $0x1  }
0x8a: {  	s1 =	srdreg.scid  }
0x8b: {  	s0 =	sand.u32 $0x1, s1  }
0x8c: {  	s17 =	sshll.u32 s0, $0xA;
	s2 =	sadd.s32 s3, s2  }
0x8d: {  	s2 =	sadd.s32 s2, s17  }
0x8e: {  	[smem:$0x3FBB] =	sst s2  }
0x8f: {  	_ = 	snop  }
0x90: {  	s2 =	sld [smem:$0x3FD0];
	(tm) =	ssettm $0x1  }
0x91: {  	s18 =	sld [smem:$0x3FFB];
	_ =	sdelay $0x3  }
0x92: {  	_ =	strace s18  }
0x93: {  	s3 =	sld [smem:$0x3FFC];
	_ =	sdelay $0x3  }
0x94: {  	_ =	strace s3  }
0x95: {  	s3 =	sld [smem:$0x3FFD];
	_ =	sdelay $0x3  }
0x96: {  	_ =	strace s3  }
0x97: {  	_ =	strace $0x8FFFFFFF  }
0x98: {  	s19 =	sld [smem:$0x3FDB];
	_ =	sdelay $0x1  }
0x99: {  	s4 =	simm.s32 $_scs_section_size  }
0x9a: {  	s5 =	simm.s32 $_size__tile_overlayer_lowered;
	s6 =	simm.s32 $_tile_overlayer_lowered  }
0x9b: {  	s22 =	simm.s32 $0x1BFF;
	s21 =	sshll.u32 s6, $0x1;
	s3 =	sadd.s32 s4, s19  }
0x9c: {  	s7 =	simm.s32 $0x0;
	s20 =	sshll.u32 s5, $0x1;
	s5 =	sadd.s32 s21, s3  }
0x9d: {  	[timem:s7], [sflag:s22] =	dma.local [hbm:s5], s20  }
0x9e: {  	_ =	swait.ge [sflag:s22], s20  }
0x9f: {  	s4 =	ssub.s32 $0x0, s20;
	[sflag:s22] =	ssyncset.done $0x0  }
0xa0: {  	[sflag:s22] =	ssyncadd.s32 s4;
	_ =	sdelay $0x1  }
0xa1: {  	s23 =	simm.s32 $0x1B8B  }
0xa2: {  	_ =	swait.ge [sflag:s23], $0x1  }
0xa3: {  	[sflag:s23] =	ssyncset.done $0x0  }
0xa4: {  	s25 =	simm.s32 $0x1B8E;
	s24 =	sld [smem:$0x3FFE];
	[sflag:s23] =	ssyncadd.s32 $0xFFFFFFFF  }
0xa5: {  	s26 =	simm.s32 $execute0_lowered;
	[smem:$0x3FD2] =	sst s25  }
0xa6: {  	s5 =	sshll.u32 s26, $0x1;
	_ =	strace $0x80000046;
	[dreg:$0x1] =	wrdreg $0xFFFFFFFF  }
0xa7: {  	s28 =	simm.s32 $_size_execute0_lowered;
	s3 =	sadd.s32 s3, s5;
	[dreg:$0x0] =	wrdreg $0x0  }
0xa8: {  	s5 =	sshll.u32 s28, $0x1;
	[dreg:$0x2] =	wrdreg s3  }
0xa9: {  	[dreg:$0x3] =	wrdreg s5  }
0xaa: {  	[dreg:$0x4] =	wrdreg $0xC0  }
0xab: {  	_ =	task [dreg:s7], $0x5FFFF  }
0xac: {  	[dreg:$0x1] =	wrdreg $0xFFFFFFFF  }
0xad: {  	[dreg:$0x0] =	wrdreg $0x60  }
0xae: {  	[dreg:$0x2] =	wrdreg s24  }
0xaf: {  	[dreg:$0x3] =	wrdreg s2  }
0xb0: {  	[dreg:$0x4] =	wrdreg $0xD0800  }
0xb1: {  	[dreg:$0x5] =	wrdreg $0x170800  }
0xb2: {  	[dreg:$0x6] =	wrdreg $0x9  }
0xb3: {  	_ =	task.clear_ibuf [dreg:s7], $0x7FFFF;
	_ =	strace $0x90000046  }
0xb4: {  	s29 =	simm.s32 $0x9;
	_ =	strace $0x80000048  }
0xb5: {  	_ =	swait.ge [sflag:s29], $0x1  }
0xb6: {  	[sflag:s29] =	ssyncadd.s32 $0xFFFFFFFF  }
0xb7: {  	_ =	strace $0x90000048  }
0xb8: {  	_ =	sfence  }
0xb9: {  	s30 =	sld [smem:$0x0];
	_ =	sdelay $0x2  }
0xba: {  	s31 =	sshll.u32 s1, $0xD;
	s1 =	sshrl.u32 s1, $0x2  }
0xbb: {  	s3 =	sand.u32 $0x4000, s31;
	s1 =	sadd.s32 s1, s30  }
0xbc: {  	s0 =	sor.u32 s3, s0;
	s1 =	sshll.u32 s1, $0x11  }
0xbd: {  	s0 =	sor.u32 s1, s0  }
0xbe: {  	s0 =	sadd.s32 $0x8F2B, s0  }
0xbf: {  	[sflag:s0] =	ssyncadd.remote.s32 $0x1  }
0xc0: {  	_ =	sfence.sel $0xFFFF  }
0xc1: {  	[dreg:$0x0] =	wrdreg $0xFFFFFFFF;
	(pc) =	sbr.abs _section_cstart, $3  }
0xc2: {  	[dreg:$0x1] =	wrdreg $0xFFFFFFFF  }
0xc3: {  	_ =	task.clear_ibuf [dreg:s7], $0x2FFFF;
	_ =	strace $0x9FFFFFFF  }
0xc4: {  	(tm) =	ssettm $0x7FFFFFFF  }
0xc5: {  	_ =	shalt  }
tec
execute0_lowered:
.L_overlay_start_1:
0x0: {  	(tag) =	ssettag $0x1  }
0x1: {  	s0 =	rddreg [dreg:$0x0]  }
0x2: {  	s6 =	rddreg [dreg:$0x1]  }
0x3: {  	s1 =	srdreg.scid;
	s2 =	rddreg [dreg:$0x2]  }
0x4: {  	s14 =	stileid.u32;
	s3 =	rddreg [dreg:$0x3]  }
0x5: {  	s15 =	simm.s32 $0xA;
	s16 =	simm.s32 $0x2800;
	s18 =	simm.s32 $0x80  }
0x6: {  	s19 =	simm.s32 $0x5000;
	s20 =	simm.s32 $0x7000;
	s29 =	simm.s32 $0xB000  }
0x7: {  	s30 =	simm.s32 $0x3;
	s31 =	simm.s32 $0x0;
	s8 =	smul.u32 $0xA000, s14  }
0x8: {  	s1 =	sand.u32 $0x1, s1;
	s11 =	smul.u32 $0x280, s14;
	s24 =	sshll.u32 s14, $0x6  }
0x9: {  	s4 =	sshll.u32 s1, $0x4;
	s9 =	smul.u32 $0xA0000, s1;
	s13 =	ssub.s32 $0x2, s1  }
0xa: {  	s1 =	smul.u32 $0x2800, s1;
	s5 =	sor.u32 s14, s4;
	s4 =	simm.s32 $0x0  }
0xb: {  	s10 =	sshrl.u32 s8, $0x3;
	s22 =	sshrl.u32 s11, $0x3;
	s23 =	sshrl.u32 s13, $0x1  }
0xc: {  	s7 =	smul.u32 $0x500, s5;
	[smem:$0x7FF] =	sst s4;
	s5 =	sadd.s32 $0x2200, s0  }
0xd: {  	s21 =	sadd.s32 s10, s0;
	s9 =	sadd.s32 s8, s9;
	s10 =	sadd.s32 s22, s0  }
0xe: {  	s8 =	sadd.s32 s8, s2;
	s1 =	sadd.s32 s11, s1;
	s11 =	sadd.s32 s11, s3  }
0xf: {  	s22 =	simm.s32 $0xD000;
	_ =	strace $0x80000047;
	s9 =	sshrl.u32 s9, $0x3  }
0x10: {  	s10 =	sadd.s32 $0x2A200, s10;
	s1 =	sshrl.u32 s1, $0x3;
	s14 =	sshrl.u32 s8, $0x3  }
0x11: {  	s17 =	sshrl.u32 s11, $0x3;
	s8 =	simm.s32 $0x9;
	s12 =	sadd.s32 s7, s0  }
0x12: {  	s0 =	sadd.s32 s9, s0;
	s9 =	ssub.s32 s13, s23;
	s7 =	sadd.s32 $0x2A800, s21  }
0x13: {  	[dreg:$0x8] =	wrdreg s10;
	s26 =	sadd.s32 s6, s1;
	s21 =	simm.s32 $0x1  }
0x14: {  	s1 =	simm.s32 $0x5;
	s23 =	simm.s32 $0x4;
	[dreg:$0x5] =	wrdreg s7  }
0x15: {  	s6 =	simm.s32 $0x7;
	s25 =	sadd.s32 $0x20200, s12;
	[dreg:$0xa] =	wrdreg s26  }
0x16: {  	s13 =	simm.s32 $0x4F00;
	s12 =	sadd.s32 $0x16200, s12;
	[dreg:$0x6] =	wrdreg s25  }
0x17: {  	s7 =	sor.u32 $0x1C0A, s24;
	s0 =	sadd.s32 $0x3E800, s0;
	[dreg:$0x7] =	wrdreg s12  }
0x18: {  	s28 =	smax.u32 s9, $0x1;
	s24 =	simm.s32 $0x9000;
	[dreg:$0x9] =	wrdreg s0  }
0x19: {  	s9 =	simm.s32 $0x8;
	s26 =	simm.s32 $0x4F80;
	[dreg:$0xb] =	wrdreg s28  }
0x1a: {  	v0 =	vimm.f32 $1.000000000e+00;
	s25 =	simm.s32 $0x2;
	s0 =	simm.s32 $0x6;
	s12 =	simm.s32 $0x2780  }
.LBB2_1:
0x1b: {  	s10 =	rddreg [dreg:$0x5]  }
0x1c: {  	[spmem:s14], [sflag:s7] =	dma.local [hbm:s10], $0x1400  }
0x1d: {  	_ =	swait.ge [sflag:s15], $0x1400  }
0x1e: {  	[sflag:s15] =	ssyncset.done $0x0  }
0x1f: {  	s11 =	rddreg [dreg:$0x6];
	[sflag:s15] =	ssyncadd.s32 $0xFFFFEC00  }
0x20: {  	[tilespmem:s4], [sflag:$0xA] =	stream.linear.gather [hbm4b:s11+s4], $0x2800, $0x38;
	[tilespmem:$0x17300] =	vst v63  }
0x21: {  	_ =	swait.ge [sflag:s15], $0x2800  }
0x22: {  	[sflag:s15] =	ssyncset.done $0x0  }
0x23: {  	s11 =	rddreg [dreg:$0x7];
	[sflag:s15] =	ssyncadd.s32 $0xFFFFD800  }
0x24: {  	[tilespmem:s16], [sflag:$0xA] =	stream.linear.gather [hbm4b:s11+s4], $0x2800, $0x38;
	[tilespmem:$0x17300] =	vst v63  }
0x25: {  	_ =	swait.ge [sflag:s15], $0x2800  }
0x26: {  	[sflag:s15] =	ssyncset.done $0x0  }
0x27: {  	s11 =	rddreg [dreg:$0x8];
	[sflag:s15] =	ssyncadd.s32 $0xFFFFD800  }
0x28: {  	[spmem:s17], [sflag:s7] =	dma.local [hbm:s11], $0x50  }
0x29: {  	_ =	swait.ge [sflag:s15], $0x50  }
0x2a: {  	[sflag:s15] =	ssyncset.done $0x0  }
0x2b: {  	[sflag:s15] =	ssyncadd.s32 $0xFFFFFFB0  }
0x2c: {  	[tilespmem:$0xD000] =	vst v0  }
0x2d: {  	[tilespmem:$0xD010] =	vst v0  }
0x2e: {  	[tilespmem:$0xD020] =	vst v0  }
0x2f: {  	[tilespmem:$0xD030] =	vst v0  }
0x30: {  	[tilespmem:$0xD040] =	vst v0  }
0x31: {  	[tilespmem:$0xD050] =	vst v0  }
0x32: {  	[tilespmem:$0xD060] =	vst v0  }
0x33: {  	[tilespmem:$0xD070] =	vst v0  }
0x34: {  	[bflag:$0x0] =	sbarrier.arrive $0xFFFF  }
0x35: {  	[tilespmem:s19], [sflag:$0x1] =	stream.indirect.gather [hbm4b:s5+s18], $0x40, s4, s18, $0xb8;
	[tilespmem:$0x17300] =	vst v63  }
0x36: {  	_ = 	snop  }
0x37: {  	[tilespmem:s20], [sflag:$0x2] =	stream.indirect.gather [hbm4b:s5+s18], $0x40, s18, s18, $0xb8;
	[tilespmem:$0x17300] =	vst v63  }
0x38: {  	_ =	swait.ge [sflag:s21], $0x2000  }
0x39: {  	[sflag:s21] =	ssyncset.done $0x0  }
0x3a: {  	[sflag:s21] =	ssyncadd.s32 $0xFFFFE000  }
0x3b: {  	[spmem:s2] =	stream.indirect.scatter.add.f32 [tilespmem:s19], [sflag:$0x5], $0x40, s16, s18, $0xb8;
	[tilespmem:$0x17300] =	vst v63  }
0x3c: {  	_ = 	snop  }
0x3d: {  	[spmem:s3] =	stream.indirect.scatter.add.f32 [tilespmem:s22], [sflag:$0x9], $0x1, s16, s18, $0xb8;
	[tilespmem:$0x17300] =	vst v63  }
0x3e: {  	s11 =	simm.s32 $0x100  }
0x3f: {  	[tilespmem:s24], [sflag:$0x3] =	stream.indirect.gather [hbm4b:s5+s18], $0x40, s11, s18, $0xb8;
	[tilespmem:$0x17300] =	vst v63  }
0x40: {  	_ =	swait.ge [sflag:s25], $0x2000  }
0x41: {  	[sflag:s25] =	ssyncset.done $0x0  }
0x42: {  	s11 =	simm.s32 $0x2880;
	[sflag:s25] =	ssyncadd.s32 $0xFFFFE000  }
0x43: {  	[spmem:s2] =	stream.indirect.scatter.add.f32 [tilespmem:s20], [sflag:$0x6], $0x40, s11, s18, $0xb8;
	[tilespmem:$0x17300] =	vst v63  }
0x44: {  	_ = 	snop  }
0x45: {  	[spmem:s3] =	stream.indirect.scatter.add.f32 [tilespmem:s22], [sflag:$0x9], $0x1, s11, s18, $0xb8;
	[tilespmem:$0x17300] =	vst v63  }
0x46: {  	s11 =	simm.s32 $0x180  }
0x47: {  	[tilespmem:s29], [sflag:$0x4] =	stream.indirect.gather [hbm4b:s5+s18], $0x40, s11, s18, $0xb8;
	[tilespmem:$0x17300] =	vst v63  }
0x48: {  	_ =	swait.ge [sflag:s30], $0x2000  }
0x49: {  	[sflag:s30] =	ssyncset.done $0x0  }
0x4a: {  	s11 =	simm.s32 $0x2900;
	[sflag:s30] =	ssyncadd.s32 $0xFFFFE000  }
0x4b: {  	[spmem:s2] =	stream.indirect.scatter.add.f32 [tilespmem:s24], [sflag:$0x7], $0x40, s11, s18, $0xb8;
	[tilespmem:$0x17300] =	vst v63  }
0x4c: {  	_ = 	snop  }
0x4d: {  	[spmem:s3] =	stream.indirect.scatter.add.f32 [tilespmem:s22], [sflag:$0x9], $0x1, s11, s18, $0xb8;
	[tilespmem:$0x17300] =	vst v63  }
0x4e: {  	_ =	swait.ge [sflag:s1], $0x2000  }
0x4f: {  	[sflag:s1] =	ssyncset.done $0x0  }
0x50: {  	s11 =	simm.s32 $0x200;
	[sflag:s1] =	ssyncadd.s32 $0xFFFFE000  }
0x51: {  	[tilespmem:s19], [sflag:$0x1] =	stream.indirect.gather [hbm4b:s5+s18], $0x40, s11, s18, $0xb8;
	[tilespmem:$0x17300] =	vst v63  }
0x52: {  	_ =	swait.ge [sflag:s23], $0x2000  }
0x53: {  	[sflag:s23] =	ssyncset.done $0x0  }
0x54: {  	s11 =	simm.s32 $0x2980;
	[sflag:s23] =	ssyncadd.s32 $0xFFFFE000  }
0x55: {  	[spmem:s2] =	stream.indirect.scatter.add.f32 [tilespmem:s29], [sflag:$0x8], $0x40, s11, s18, $0xb8;
	[tilespmem:$0x17300] =	vst v63  }
0x56: {  	_ = 	snop  }
0x57: {  	[spmem:s3] =	stream.indirect.scatter.add.f32 [tilespmem:s22], [sflag:$0x9], $0x1, s11, s18, $0xb8;
	[tilespmem:$0x17300] =	vst v63  }
0x58: {  	_ =	swait.ge [sflag:s0], $0x2000  }
0x59: {  	[sflag:s0] =	ssyncset.done $0x0  }
0x5a: {  	s11 =	simm.s32 $0x280;
	[sflag:s0] =	ssyncadd.s32 $0xFFFFE000  }
0x5b: {  	[tilespmem:s20], [sflag:$0x2] =	stream.indirect.gather [hbm4b:s5+s18], $0x40, s11, s18, $0xb8;
	[tilespmem:$0x17300] =	vst v63  }
0x5c: {  	_ =	swait.ge [sflag:s21], $0x2000  }
0x5d: {  	[sflag:s21] =	ssyncset.done $0x0  }
0x5e: {  	s11 =	simm.s32 $0x2A00;
	[sflag:s21] =	ssyncadd.s32 $0xFFFFE000  }
0x5f: {  	[spmem:s2] =	stream.indirect.scatter.add.f32 [tilespmem:s19], [sflag:$0x5], $0x40, s11, s18, $0xb8;
	[tilespmem:$0x17300] =	vst v63  }
0x60: {  	_ = 	snop  }
0x61: {  	[spmem:s3] =	stream.indirect.scatter.add.f32 [tilespmem:s22], [sflag:$0x9], $0x1, s11, s18, $0xb8;
	[tilespmem:$0x17300] =	vst v63  }
0x62: {  	_ =	swait.ge [sflag:s6], $0x2000  }
0x63: {  	[sflag:s6] =	ssyncset.done $0x0  }
0x64: {  	[sflag:s6] =	ssyncadd.s32 $0xFFFFE000  }
0x65: {  	_ =	swait.ge [sflag:s8], $0x80  }
0x66: {  	[sflag:s8] =	ssyncset.done $0x0  }
0x67: {  	s11 =	simm.s32 $0x300;
	[sflag:s8] =	ssyncadd.s32 $0xFFFFFF80  }
0x68: {  	[tilespmem:s24], [sflag:$0x3] =	stream.indirect.gather [hbm4b:s5+s18], $0x40, s11, s18, $0xb8;
	[tilespmem:$0x17300] =	vst v63  }
0x69: {  	_ =	swait.ge [sflag:s25], $0x2000  }
0x6a: {  	[sflag:s25] =	ssyncset.done $0x0  }
0x6b: {  	s11 =	simm.s32 $0x2A80;
	[sflag:s25] =	ssyncadd.s32 $0xFFFFE000  }
0x6c: {  	[spmem:s2] =	stream.indirect.scatter.add.f32 [tilespmem:s20], [sflag:$0x6], $0x40, s11, s18, $0xb8;
	[tilespmem:$0x17300] =	vst v63  }
0x6d: {  	_ = 	snop  }
0x6e: {  	[spmem:s3] =	stream.indirect.scatter.add.f32 [tilespmem:s22], [sflag:$0x9], $0x1, s11, s18, $0xb8;
	[tilespmem:$0x17300] =	vst v63  }
0x6f: {  	_ =	swait.ge [sflag:s9], $0x2000  }
0x70: {  	[sflag:s9] =	ssyncset.done $0x0  }
0x71: {  	[sflag:s9] =	ssyncadd.s32 $0xFFFFE000  }
0x72: {  	_ =	swait.ge [sflag:s8], $0x80  }
0x73: {  	[sflag:s8] =	ssyncset.done $0x0  }
0x74: {  	s11 =	simm.s32 $0x380;
	[sflag:s8] =	ssyncadd.s32 $0xFFFFFF80  }
0x75: {  	[tilespmem:s29], [sflag:$0x4] =	stream.indirect.gather [hbm4b:s5+s18], $0x40, s11, s18, $0xb8;
	[tilespmem:$0x17300] =	vst v63  }
0x76: {  	_ =	swait.ge [sflag:s30], $0x2000  }
0x77: {  	[sflag:s30] =	ssyncset.done $0x0  }
0x78: {  	s11 =	simm.s32 $0x2B00;
	[sflag:s30] =	ssyncadd.s32 $0xFFFFE000  }
0x79: {  	[spmem:s2] =	stream.indirect.scatter.add.f32 [tilespmem:s24], [sflag:$0x7], $0x40, s11, s18, $0xb8;
	[tilespmem:$0x17300] =	vst v63  }
0x7a: {  	_ = 	snop  }
0x7b: {  	[spmem:s3] =	stream.indirect.scatter.add.f32 [tilespmem:s22], [sflag:$0x9], $0x1, s11, s18, $0xb8;
	[tilespmem:$0x17300] =	vst v63  }
0x7c: {  	_ =	swait.ge [sflag:s1], $0x2000  }
0x7d: {  	[sflag:s1] =	ssyncset.done $0x0  }
0x7e: {  	[sflag:s1] =	ssyncadd.s32 $0xFFFFE000  }
0x7f: {  	_ =	swait.ge [sflag:s8], $0x80  }
0x80: {  	[sflag:s8] =	ssyncset.done $0x0  }
0x81: {  	s11 =	simm.s32 $0x400;
	[sflag:s8] =	ssyncadd.s32 $0xFFFFFF80  }
0x82: {  	[tilespmem:s19], [sflag:$0x1] =	stream.indirect.gather [hbm4b:s5+s18], $0x40, s11, s18, $0xb8;
	[tilespmem:$0x17300] =	vst v63  }
0x83: {  	_ =	swait.ge [sflag:s23], $0x2000  }
0x84: {  	[sflag:s23] =	ssyncset.done $0x0  }
0x85: {  	s11 =	simm.s32 $0x2B80;
	[sflag:s23] =	ssyncadd.s32 $0xFFFFE000  }
0x86: {  	[spmem:s2] =	stream.indirect.scatter.add.f32 [tilespmem:s29], [sflag:$0x8], $0x40, s11, s18, $0xb8;
	[tilespmem:$0x17300] =	vst v63  }
0x87: {  	_ = 	snop  }
0x88: {  	[spmem:s3] =	stream.indirect.scatter.add.f32 [tilespmem:s22], [sflag:$0x9], $0x1, s11, s18, $0xb8;
	[tilespmem:$0x17300] =	vst v63  }
0x89: {  	_ =	swait.ge [sflag:s0], $0x2000  }
0x8a: {  	[sflag:s0] =	ssyncset.done $0x0  }
0x8b: {  	[sflag:s0] =	ssyncadd.s32 $0xFFFFE000  }
0x8c: {  	_ =	swait.ge [sflag:s8], $0x80  }
0x8d: {  	[sflag:s8] =	ssyncset.done $0x0  }
0x8e: {  	s28 =	simm.s32 $0x800;
	s10 =	simm.s32 $0x480;
	[sflag:s8] =	ssyncadd.s32 $0xFFFFFF80  }
.LBB2_2:
0x8f: {  	[tilespmem:s20], [sflag:$0x2] =	stream.indirect.gather [hbm4b:s5+s18], $0x40, s10, s18, $0xb8;
	[tilespmem:$0x17300] =	vst v63  }
0x90: {  	s10 =	smov.u32 s28  }
0x91: {  	p0 =	sne.s32 s28, $0x8800;
	s28 =	sadd.s32 $0x800, s28;
	_ =	swait.ge [sflag:s21], $0x2000  }
0x92: {  	s10 =	sshra.s32 s10, $0x2;
	[sflag:s21] =	ssyncset.done $0x0  }
0x93: {  	s11 =	sadd.s32 $0x2A00, s10;
	[sflag:s21] =	ssyncadd.s32 $0xFFFFE000  }
0x94: {  	[spmem:s2] =	stream.indirect.scatter.add.f32 [tilespmem:s19], [sflag:$0x5], $0x40, s11, s18, $0xb8;
	[tilespmem:$0x17300] =	vst v63  }
0x95: {  	_ = 	snop  }
0x96: {  	[spmem:s3] =	stream.indirect.scatter.add.f32 [tilespmem:s22], [sflag:$0x9], $0x1, s11, s18, $0xb8;
	[tilespmem:$0x17300] =	vst v63  }
0x97: {  	_ =	swait.ge [sflag:s6], $0x2000  }
0x98: {  	[sflag:s6] =	ssyncset.done $0x0  }
0x99: {  	[sflag:s6] =	ssyncadd.s32 $0xFFFFE000  }
0x9a: {  	_ =	swait.ge [sflag:s8], $0x80  }
0x9b: {  	[sflag:s8] =	ssyncset.done $0x0  }
0x9c: {  	s11 =	sadd.s32 $0x300, s10;
	[sflag:s8] =	ssyncadd.s32 $0xFFFFFF80  }
0x9d: {  	[tilespmem:s24], [sflag:$0x3] =	stream.indirect.gather [hbm4b:s5+s18], $0x40, s11, s18, $0xb8;
	[tilespmem:$0x17300] =	vst v63  }
0x9e: {  	_ =	swait.ge [sflag:s25], $0x2000  }
0x9f: {  	[sflag:s25] =	ssyncset.done $0x0  }
0xa0: {  	s11 =	sadd.s32 $0x2A80, s10;
	[sflag:s25] =	ssyncadd.s32 $0xFFFFE000  }
0xa1: {  	[spmem:s2] =	stream.indirect.scatter.add.f32 [tilespmem:s20], [sflag:$0x6], $0x40, s11, s18, $0xb8;
	[tilespmem:$0x17300] =	vst v63  }
0xa2: {  	_ = 	snop  }
0xa3: {  	[spmem:s3] =	stream.indirect.scatter.add.f32 [tilespmem:s22], [sflag:$0x9], $0x1, s11, s18, $0xb8;
	[tilespmem:$0x17300] =	vst v63  }
0xa4: {  	_ =	swait.ge [sflag:s9], $0x2000  }
0xa5: {  	[sflag:s9] =	ssyncset.done $0x0  }
0xa6: {  	[sflag:s9] =	ssyncadd.s32 $0xFFFFE000  }
0xa7: {  	_ =	swait.ge [sflag:s8], $0x80  }
0xa8: {  	[sflag:s8] =	ssyncset.done $0x0  }
0xa9: {  	s11 =	sadd.s32 $0x380, s10;
	[sflag:s8] =	ssyncadd.s32 $0xFFFFFF80  }
0xaa: {  	[tilespmem:s29], [sflag:$0x4] =	stream.indirect.gather [hbm4b:s5+s18], $0x40, s11, s18, $0xb8;
	[tilespmem:$0x17300] =	vst v63  }
0xab: {  	_ =	swait.ge [sflag:s30], $0x2000  }
0xac: {  	[sflag:s30] =	ssyncset.done $0x0  }
0xad: {  	s11 =	sadd.s32 $0x2B00, s10;
	[sflag:s30] =	ssyncadd.s32 $0xFFFFE000  }
0xae: {  	[spmem:s2] =	stream.indirect.scatter.add.f32 [tilespmem:s24], [sflag:$0x7], $0x40, s11, s18, $0xb8;
	[tilespmem:$0x17300] =	vst v63  }
0xaf: {  	_ = 	snop  }
0xb0: {  	[spmem:s3] =	stream.indirect.scatter.add.f32 [tilespmem:s22], [sflag:$0x9], $0x1, s11, s18, $0xb8;
	[tilespmem:$0x17300] =	vst v63  }
0xb1: {  	_ =	swait.ge [sflag:s1], $0x2000  }
0xb2: {  	[sflag:s1] =	ssyncset.done $0x0  }
0xb3: {  	[sflag:s1] =	ssyncadd.s32 $0xFFFFE000  }
0xb4: {  	_ =	swait.ge [sflag:s8], $0x80  }
0xb5: {  	[sflag:s8] =	ssyncset.done $0x0  }
0xb6: {  	s11 =	sadd.s32 $0x400, s10;
	[sflag:s8] =	ssyncadd.s32 $0xFFFFFF80  }
0xb7: {  	[tilespmem:s19], [sflag:$0x1] =	stream.indirect.gather [hbm4b:s5+s18], $0x40, s11, s18, $0xb8;
	[tilespmem:$0x17300] =	vst v63  }
0xb8: {  	_ =	swait.ge [sflag:s23], $0x2000  }
0xb9: {  	[sflag:s23] =	ssyncset.done $0x0  }
0xba: {  	s11 =	sadd.s32 $0x2B80, s10;
	[sflag:s23] =	ssyncadd.s32 $0xFFFFE000  }
0xbb: {  	[spmem:s2] =	stream.indirect.scatter.add.f32 [tilespmem:s29], [sflag:$0x8], $0x40, s11, s18, $0xb8;
	[tilespmem:$0x17300] =	vst v63  }
0xbc: {  	_ = 	snop  }
0xbd: {  	[spmem:s3] =	stream.indirect.scatter.add.f32 [tilespmem:s22], [sflag:$0x9], $0x1, s11, s18, $0xb8;
	[tilespmem:$0x17300] =	vst v63  }
0xbe: {  	_ =	swait.ge [sflag:s0], $0x2000  }
.Ltmp0:
0xbf: {  	[sflag:s0] =	ssyncset.done $0x0;
	(pc) =	sbr.rel @p0 .LBB2_2-.Ltmp0, $4  }
0xc0: {  	[sflag:s0] =	ssyncadd.s32 $0xFFFFE000  }
0xc1: {  	_ =	swait.ge [sflag:s8], $0x80  }
0xc2: {  	[sflag:s8] =	ssyncset.done $0x0  }
0xc3: {  	s10 =	sadd.s32 $0x480, s10;
	[sflag:s8] =	ssyncadd.s32 $0xFFFFFF80  }
0xc4: {  	[tilespmem:s20], [sflag:$0x2] =	stream.indirect.gather [hbm4b:s5+s18], $0x40, s10, s18, $0xb8;
	[tilespmem:$0x17300] =	vst v63  }
0xc5: {  	_ =	swait.ge [sflag:s21], $0x2000  }
0xc6: {  	[sflag:s21] =	ssyncset.done $0x0  }
0xc7: {  	s11 =	simm.s32 $0x4E00;
	[sflag:s21] =	ssyncadd.s32 $0xFFFFE000  }
0xc8: {  	[spmem:s2] =	stream.indirect.scatter.add.f32 [tilespmem:s19], [sflag:$0x5], $0x40, s11, s18, $0xb8;
	[tilespmem:$0x17300] =	vst v63  }
0xc9: {  	_ = 	snop  }
0xca: {  	[spmem:s3] =	stream.indirect.scatter.add.f32 [tilespmem:s22], [sflag:$0x9], $0x1, s11, s18, $0xb8;
	[tilespmem:$0x17300] =	vst v63  }
0xcb: {  	_ =	swait.ge [sflag:s6], $0x2000  }
0xcc: {  	[sflag:s6] =	ssyncset.done $0x0  }
0xcd: {  	[sflag:s6] =	ssyncadd.s32 $0xFFFFE000  }
0xce: {  	_ =	swait.ge [sflag:s8], $0x80  }
0xcf: {  	[sflag:s8] =	ssyncset.done $0x0  }
0xd0: {  	s28 =	simm.s32 $0x2700;
	[sflag:s8] =	ssyncadd.s32 $0xFFFFFF80  }
0xd1: {  	[tilespmem:s24], [sflag:$0x3] =	stream.indirect.gather [hbm4b:s5+s18], $0x40, s28, s18, $0xb8;
	[tilespmem:$0x17300] =	vst v63  }
0xd2: {  	_ =	swait.ge [sflag:s25], $0x2000  }
0xd3: {  	[sflag:s25] =	ssyncset.done $0x0  }
0xd4: {  	s11 =	simm.s32 $0x4E80;
	[sflag:s25] =	ssyncadd.s32 $0xFFFFE000  }
0xd5: {  	[spmem:s2] =	stream.indirect.scatter.add.f32 [tilespmem:s20], [sflag:$0x6], $0x40, s11, s18, $0xb8;
	[tilespmem:$0x17300] =	vst v63  }
0xd6: {  	_ = 	snop  }
0xd7: {  	[spmem:s3] =	stream.indirect.scatter.add.f32 [tilespmem:s22], [sflag:$0x9], $0x1, s11, s18, $0xb8;
	[tilespmem:$0x17300] =	vst v63  }
0xd8: {  	_ =	swait.ge [sflag:s9], $0x2000  }
0xd9: {  	[sflag:s9] =	ssyncset.done $0x0  }
0xda: {  	[sflag:s9] =	ssyncadd.s32 $0xFFFFE000  }
0xdb: {  	_ =	swait.ge [sflag:s8], $0x80  }
0xdc: {  	[sflag:s8] =	ssyncset.done $0x0  }
0xdd: {  	[sflag:s8] =	ssyncadd.s32 $0xFFFFFF80  }
0xde: {  	[tilespmem:s29], [sflag:$0x4] =	stream.indirect.gather [hbm4b:s5+s18], $0x40, s12, s18, $0xb8;
	[tilespmem:$0x17300] =	vst v63  }
0xdf: {  	_ =	swait.ge [sflag:s30], $0x2000  }
0xe0: {  	[sflag:s30] =	ssyncset.done $0x0  }
0xe1: {  	[sflag:s30] =	ssyncadd.s32 $0xFFFFE000  }
0xe2: {  	[spmem:s2] =	stream.indirect.scatter.add.f32 [tilespmem:s24], [sflag:$0x7], $0x40, s13, s18, $0xb8;
	[tilespmem:$0x17300] =	vst v63  }
0xe3: {  	_ = 	snop  }
0xe4: {  	[spmem:s3] =	stream.indirect.scatter.add.f32 [tilespmem:s22], [sflag:$0x9], $0x1, s13, s18, $0xb8;
	[tilespmem:$0x17300] =	vst v63  }
0xe5: {  	_ =	swait.ge [sflag:s1], $0x2000  }
0xe6: {  	[sflag:s1] =	ssyncset.done $0x0  }
0xe7: {  	[sflag:s1] =	ssyncadd.s32 $0xFFFFE000  }
0xe8: {  	_ =	swait.ge [sflag:s8], $0x80  }
0xe9: {  	[sflag:s8] =	ssyncset.done $0x0  }
0xea: {  	[sflag:s8] =	ssyncadd.s32 $0xFFFFFF80  }
0xeb: {  	[tilespmem:s19], [sflag:$0x1] =	stream.indirect.gather [hbm4b:s5+s18], $0x40, s12, s18, $0xb8;
	[tilespmem:$0x17300] =	vst v63  }
0xec: {  	_ =	swait.ge [sflag:s23], $0x2000  }
0xed: {  	[sflag:s23] =	ssyncset.done $0x0  }
0xee: {  	[sflag:s23] =	ssyncadd.s32 $0xFFFFE000  }
0xef: {  	[spmem:s2] =	stream.indirect.scatter.add.f32 [tilespmem:s29], [sflag:$0x8], $0x40, s26, s18, $0xb8;
	[tilespmem:$0x17300] =	vst v63  }
0xf0: {  	_ = 	snop  }
0xf1: {  	[spmem:s3] =	stream.indirect.scatter.add.f32 [tilespmem:s22], [sflag:$0x9], $0x1, s26, s18, $0xb8;
	[tilespmem:$0x17300] =	vst v63  }
0xf2: {  	_ =	swait.ge [sflag:s0], $0x2000  }
0xf3: {  	[sflag:s0] =	ssyncset.done $0x0  }
0xf4: {  	[sflag:s0] =	ssyncadd.s32 $0xFFFFE000  }
0xf5: {  	_ =	swait.ge [sflag:s8], $0x80  }
0xf6: {  	[sflag:s8] =	ssyncset.done $0x0  }
0xf7: {  	[sflag:s8] =	ssyncadd.s32 $0xFFFFFF80  }
0xf8: {  	[tilespmem:s20], [sflag:$0x2] =	stream.indirect.gather [hbm4b:s5+s18], $0x40, s12, s18, $0xb8;
	[tilespmem:$0x17300] =	vst v63  }
0xf9: {  	_ =	swait.ge [sflag:s21], $0x2000  }
0xfa: {  	[sflag:s21] =	ssyncset.done $0x0  }
0xfb: {  	[sflag:s21] =	ssyncadd.s32 $0xFFFFE000  }
0xfc: {  	_ =	swait.ge [sflag:s25], $0x2000  }
0xfd: {  	[sflag:s25] =	ssyncset.done $0x0  }
0xfe: {  	[sflag:s25] =	ssyncadd.s32 $0xFFFFE000  }
0xff: {  	_ =	swait.ge [sflag:s6], $0x2000  }
0x100: {  	[sflag:s6] =	ssyncset.done $0x0  }
0x101: {  	[sflag:s6] =	ssyncadd.s32 $0xFFFFE000  }
0x102: {  	_ =	swait.ge [sflag:s9], $0x2000  }
0x103: {  	[sflag:s9] =	ssyncset.done $0x0  }
0x104: {  	[sflag:s9] =	ssyncadd.s32 $0xFFFFE000  }
0x105: {  	_ =	swait.ge [sflag:s8], $0x80  }
0x106: {  	[sflag:s8] =	ssyncset.done $0x0  }
0x107: {  	[sflag:s8] =	ssyncadd.s32 $0xFFFFFF80  }
0x108: {  	_ =	swait.ge [sflag:s8], $0x80  }
0x109: {  	[sflag:s8] =	ssyncset.done $0x0  }
0x10a: {  	[sflag:s8] =	ssyncadd.s32 $0xFFFFFF80  }
0x10b: {  	_ =	swait.ge [sflag:s8], $0x80  }
0x10c: {  	[sflag:s8] =	ssyncset.done $0x0  }
0x10d: {  	[sflag:s8] =	ssyncadd.s32 $0xFFFFFF80  }
0x10e: {  	_ =	swait.ge [sflag:s8], $0x80  }
0x10f: {  	[sflag:s8] =	ssyncset.done $0x0  }
0x110: {  	[sflag:s8] =	ssyncadd.s32 $0xFFFFFF80  }
0x111: {  	[bflag:$0x0] =	sbarrier.arrive $0xFFFF  }
0x112: {  	s28 =	rddreg [dreg:$0x9]  }
0x113: {  	[hbm:s28], [sflag:s7] =	dma.local [spmem:s14], $0x1400  }
0x114: {  	_ =	swait.ge [sflag:s15], $0x1400  }
0x115: {  	[sflag:s15] =	ssyncset.done $0x0  }
0x116: {  	s11 =	rddreg [dreg:$0xa];
	[sflag:s15] =	ssyncadd.s32 $0xFFFFEC00  }
0x117: {  	[hbm:s11], [sflag:s7] =	dma.local [spmem:s17], $0x50  }
0x118: {  	_ =	swait.ge [sflag:s15], $0x50  }
0x119: {  	s31 =	sadd.s32 $0x1, s31;
	s28 =	rddreg [dreg:$0xb]  }
0x11a: {  	p0 =	sne.s32 s31, s28  }
.Ltmp1:
0x11b: {  	_ = 	snop;
	(pc) =	sbr.rel @p0 .LBB2_1-.Ltmp1, $3  }
0x11c: {  	_ =	sdelay $0x1  }
0x11d: {  	[sflag:s15] =	ssyncset.done $0x0  }
0x11e: {  	[sflag:s15] =	ssyncadd.s32 $0xFFFFFFB0  }
0x11f: {  	_ =	sfence.sel $0x180000  }
0x120: {  	[bflag:$0x0] =	sbarrier.arrive $0xFFFF  }
0x121: {  	_ =	strace $0x90000047  }
0x122: {  	s0 =	stileid.u32;
	[bflag:$0x2] =	sbarrier.arrive $0xFFFF  }
0x123: {  	p0 =	sne.s32 s0, $0x0;
	s0 =	rddreg [dreg:$0x4]  }
0x124: {  	s0 =	sadd.s32 @!p0 $0x100000, s0  }
0x125: {  	[sflag:s0] =	ssyncadd.tile.s32 @!p0 $0x1;
	_ =	shalt  }
.Lfunc_end2:
_tile_overlayer_lowered:
.L_overlay_start_2:
0x126: {  	(tag) =	ssettag $0x2  }
0x127: {  	s0 =	rddreg [dreg:$0x0];
	s2 =	stileid.u32  }
0x128: {  	s1 =	rddreg [dreg:$0x1];
	p0 =	sne.s32 s2, $0x0  }
0x129: {  	s3 =	rddreg [dreg:$0x2];
	[bflag:$0x3] =	sbarrier.arrive $0xFFFF;
	s2 =	simm.s32 @!p0 $0x1C0A  }
0x12a: {  	[timem:s3], [sflag:s2] =	dma.local @!p0 [hbm:s0], s1  }
0x12b: {  	s0 =	simm.s32 @!p0 $0xA  }
0x12c: {  	_ =	swait.ge @!p0 [sflag:s0], s1  }
0x12d: {  	s1 =	ssub.s32 @!p0 $0x0, s1;
	[sflag:s0] =	ssyncset.done @!p0 $0x0  }
0x12e: {  	[sflag:s0] =	ssyncadd.s32 @!p0 s1  }
0x12f: {  	[bflag:$0x3] =	sbarrier.arrive $0xFFFF  }
0x130: {  	_ =	shalt  }

</sc_bundles>
